<compile_context>
chip_gen: v7x
topology: tpu7x:2x2x1
jax: 0.10.2.dev20260603
libtpu: 0.0.44.dev20260713+nightly
codegen_flags: <defaults>
</compile_context>

<pallas_src>
import functools

import jax
import jax.numpy as jnp
from jax import lax
from jax.experimental import pallas as pl
from jax.experimental.pallas import tpu as pltpu
from jax.experimental.pallas import tpu_sc as plsc

N = 10000
E = 320000
D = 128
H = 4
DH = D // H
HP = 16

NC = 2
NS = 16
NW = NC * NS
L = 16

EPW = E // NW
SB = 25
SUB = 4
CB = SUB * SB
NCH = EPW // CB
NPAIR = NCH // 2
RPW = EPW // SB
NWB = 10
NPS = N // NWB
INV = 1.0 / float(DH) ** 0.5

_mesh = plsc.VectorSubcoreMesh(core_axis_name="c", subcore_axis_name="s")
_sc_params = pltpu.CompilerParams(needs_layout_passes=False,
                                  use_tc_tiling_on_sc=False)


SUB_B = 1
CB_B = SUB_B * SB
NCH_B = EPW // CB_B
NPAIR_B = NCH_B // 2


def _drain(sem, dummy_hbm_src, dst):
    pltpu.make_async_copy(dummy_hbm_src, dst, sem).wait()


@functools.partial(
    pl.kernel,
    out_type=(
        jax.ShapeDtypeStruct((E, HP), jnp.float32),
        jax.ShapeDtypeStruct((NC * N, HP), jnp.float32),
    ),
    mesh=_mesh,
    compiler_params=_sc_params,
    scratch_types=[
        pltpu.VMEM((RPW, SB), jnp.int32),
        pltpu.VMEM((RPW, SB), jnp.int32),
        pltpu.VMEM((2, CB, D), jnp.float32),
        pltpu.VMEM((2, CB, D), jnp.float32),
        pltpu.VMEM((2 * CB, HP), jnp.float32),
        pltpu.VMEM_SHARED((N, HP), jnp.float32),
        pltpu.SemaphoreType.DMA,
        pltpu.SemaphoreType.DMA,
        pltpu.SemaphoreType.DMA,
        pltpu.SemaphoreType.DMA,
        pltpu.SemaphoreType.DMA,
    ],
)
def _edge_scores(q_hbm, k_hbm, dsts_hbm, srcs_hbm, zero4_hbm,
                 ex_hbm, den_hbm,
                 dsti, srci, qbuf, kbuf, exbuf, den_sp,
                 semg0, semg1, sems0, sems1, seme):
    cid = lax.axis_index("c")
    sid = lax.axis_index("s")
    wid = sid * NC + cid
    semg = (semg0, semg1)
    sems = (sems0, sems1)

    @pl.when(sid < NWB)
    def _init():
        pltpu.sync_copy(zero4_hbm, den_sp.at[pl.ds(sid * NPS, NPS)])

    lane = lax.iota(jnp.int32, L)
    pltpu.sync_copy(dsts_hbm.at[pl.ds(wid * RPW, RPW)], dsti)
    pltpu.sync_copy(srcs_hbm.at[pl.ds(wid * RPW, RPW)], srci)
    plsc.subcore_barrier()

    def fire_gathers(i, b):
        for j in range(SUB):
            row = i * SUB + j
            pltpu.async_copy(q_hbm.at[dsti.at[row]],
                             qbuf.at[b, pl.ds(j * SB, SB)], semg[b])
            pltpu.async_copy(k_hbm.at[srci.at[row]],
                             kbuf.at[b, pl.ds(j * SB, SB)], semg[b])

    def compute(i, b):
        @plsc.parallel_loop(0, CB, step=1, unroll=4)
        def edge(e):
            p = [qbuf[b, e, pl.ds(16 * t, L)] * kbuf[b, e, pl.ds(16 * t, L)]
                 for t in range(D // L)]
            sv = jnp.zeros((L,), jnp.float32)
            for h in range(H):
                sv = jnp.where(lane == h,
                               jnp.full((L,), jnp.sum(p[2 * h] + p[2 * h + 1])),
                               sv)
            exbuf[b * CB + e] = jnp.where(lane < H, jnp.exp(sv), 0.0)

    def fire_adds(i, b):
        for j in range(SUB):
            pltpu.async_copy(exbuf.at[pl.ds(b * CB + j * SB, SB)],
                             den_sp.at[dsti.at[i * SUB + j]], sems[b],
                             add=True)

    def drain_gathers(b):
        for j in range(SUB):
            _drain(semg[b], q_hbm.at[pl.ds(0, SB)],
                   qbuf.at[b, pl.ds(j * SB, SB)])
            _drain(semg[b], q_hbm.at[pl.ds(0, SB)],
                   kbuf.at[b, pl.ds(j * SB, SB)])

    def drain_adds(b):
        for j in range(SUB):
            _drain(sems[b], ex_hbm.at[pl.ds(0, SB)],
                   exbuf.at[pl.ds(b * CB + j * SB, SB)])

    fire_gathers(0, 0)

    def pair(jp, carry):
        i0 = jp * 2
        fire_gathers(i0 + 1, 1)

        @pl.when(jp >= 1)
        def _d0():
            drain_adds(0)
            _drain(seme, ex_hbm.at[pl.ds(0, 2 * CB)], exbuf)

        drain_gathers(0)
        compute(i0, 0)
        fire_adds(i0, 0)
        @pl.when(jp <= NPAIR - 2)
        def _g1():
            fire_gathers(i0 + 2, 0)

        @pl.when(jp >= 1)
        def _d1():
            drain_adds(1)

        drain_gathers(1)
        compute(i0 + 1, 1)
        fire_adds(i0 + 1, 1)
        pltpu.async_copy(exbuf, ex_hbm.at[pl.ds(wid * EPW + i0 * CB, 2 * CB)],
                         seme)
        return carry

    lax.fori_loop(0, NPAIR, pair, 0)
    drain_adds(0)
    drain_adds(1)
    _drain(seme, ex_hbm.at[pl.ds(0, 2 * CB)], exbuf)
    plsc.subcore_barrier()

    @pl.when(sid < NWB)
    def _writeback():
        pltpu.sync_copy(den_sp.at[pl.ds(sid * NPS, NPS)],
                        den_hbm.at[pl.ds(cid * N + sid * NPS, NPS)])


@functools.partial(
    pl.kernel,
    out_type=jax.ShapeDtypeStruct((NC * N, D), jnp.float32),
    mesh=_mesh,
    compiler_params=_sc_params,
    scratch_types=[
        pltpu.VMEM((RPW, SB), jnp.int32),
        pltpu.VMEM((RPW, SB), jnp.int32),
        pltpu.VMEM((2, CB_B, D), jnp.float32),
        pltpu.VMEM((2, CB_B, D), jnp.float32),
        pltpu.VMEM((2 * CB_B * HP,), jnp.float32),
        pltpu.VMEM_SHARED((N, D), jnp.float32),
        pltpu.SemaphoreType.DMA,
        pltpu.SemaphoreType.DMA,
        pltpu.SemaphoreType.DMA,
        pltpu.SemaphoreType.DMA,
    ],
)
def _aggregate(v_hbm, dsts_hbm, srcs_hbm, exflat_hbm, zero128_hbm,
               agg_hbm,
               dsti, srci, vbuf, msgbuf, exbuf, agg_sp,
               semg0, semg1, sems0, sems1):
    cid = lax.axis_index("c")
    sid = lax.axis_index("s")
    wid = sid * NC + cid
    semg = (semg0, semg1)
    sems = (sems0, sems1)

    @pl.when(sid < NWB)
    def _init():
        pltpu.sync_copy(zero128_hbm, agg_sp.at[pl.ds(sid * NPS, NPS)])

    pltpu.sync_copy(dsts_hbm.at[pl.ds(wid * RPW, RPW)], dsti)
    pltpu.sync_copy(srcs_hbm.at[pl.ds(wid * RPW, RPW)], srci)
    plsc.subcore_barrier()

    def fire_gathers(i, b):
        for j in range(SUB_B):
            pltpu.async_copy(v_hbm.at[srci.at[i * SUB_B + j]],
                             vbuf.at[b, pl.ds(j * SB, SB)], semg[b])
        pltpu.async_copy(
            exflat_hbm.at[pl.ds((wid * EPW + i * CB_B) * HP, CB_B * HP)],
            exbuf.at[pl.ds(b * CB_B * HP, CB_B * HP)], semg[b])

    def compute(i, b):
        @plsc.parallel_loop(0, CB_B, step=1, unroll=4)
        def edge(e):
            ev = exbuf[pl.ds((b * CB_B + e) * HP, L)]
            for h in range(H):
                a = jnp.full((L,), ev[h])
                for t2 in range(2):
                    c0 = h * DH + t2 * L
                    msgbuf[b, e, pl.ds(c0, L)] = vbuf[b, e, pl.ds(c0, L)] * a

    def fire_adds(i, b):
        for j in range(SUB_B):
            pltpu.async_copy(msgbuf.at[b, pl.ds(j * SB, SB)],
                             agg_sp.at[dsti.at[i * SUB_B + j]], sems[b],
                             add=True)

    def drain_gathers(b):
        for j in range(SUB_B):
            _drain(semg[b], v_hbm.at[pl.ds(0, SB)],
                   vbuf.at[b, pl.ds(j * SB, SB)])
        _drain(semg[b], exflat_hbm.at[pl.ds(0, CB_B * HP)],
               exbuf.at[pl.ds(b * CB_B * HP, CB_B * HP)])

    def drain_adds(b):
        for j in range(SUB_B):
            _drain(sems[b], v_hbm.at[pl.ds(0, SB)],
                   msgbuf.at[b, pl.ds(j * SB, SB)])

    fire_gathers(0, 0)

    def pair(jp, carry):
        i0 = jp * 2
        fire_gathers(i0 + 1, 1)

        @pl.when(jp >= 1)
        def _d0():
            drain_adds(0)

        drain_gathers(0)
        compute(i0, 0)
        fire_adds(i0, 0)

        @pl.when(jp <= NPAIR_B - 2)
        def _g1():
            fire_gathers(i0 + 2, 0)

        @pl.when(jp >= 1)
        def _d1():
            drain_adds(1)

        drain_gathers(1)
        compute(i0 + 1, 1)
        fire_adds(i0 + 1, 1)
        return carry

    lax.fori_loop(0, NPAIR_B, pair, 0)
    drain_adds(0)
    drain_adds(1)
    plsc.subcore_barrier()

    @pl.when(sid < NWB)
    def _writeback():
        pltpu.sync_copy(agg_sp.at[pl.ds(sid * NPS, NPS)],
                        agg_hbm.at[pl.ds(cid * N + sid * NPS, NPS)])


BR = 1000


def _qkv_body(x_ref, wq_ref, wk_ref, wv_ref, q_ref, k_ref, v_ref):
    xb = x_ref[...]
    q_ref[...] = jnp.dot(xb, wq_ref[...],
                         preferred_element_type=jnp.float32) * INV
    k_ref[...] = jnp.dot(xb, wk_ref[...], preferred_element_type=jnp.float32)
    v_ref[...] = jnp.dot(xb, wv_ref[...], preferred_element_type=jnp.float32)


_qkv_call = pl.pallas_call(
    _qkv_body,
    grid=(N // BR,),
    in_specs=[pl.BlockSpec((BR, D), lambda i: (i, 0))]
    + [pl.BlockSpec((D, D), lambda i: (0, 0))] * 3,
    out_specs=[pl.BlockSpec((BR, D), lambda i: (i, 0))] * 3,
    out_shape=[jax.ShapeDtypeStruct((N, D), jnp.float32)] * 3,
)


def _densum_body(d_ref, o_ref):
    o_ref[...] = d_ref[0] + d_ref[1]


_densum_call = pl.pallas_call(
    _densum_body,
    in_specs=[pl.BlockSpec((NC, N * HP // D, D), lambda: (0, 0, 0))],
    out_specs=pl.BlockSpec((N * HP // D, D), lambda: (0, 0)),
    out_shape=jax.ShapeDtypeStruct((N * HP // D, D), jnp.float32),
)


def _out_body(x_ref, a0_ref, a1_ref, d_ref, wo_ref, o_ref):
    row_h = lax.broadcasted_iota(jnp.int32, (HP, D), 0)
    col_h = lax.broadcasted_iota(jnp.int32, (HP, D), 1) // DH
    bmat = jnp.where(row_h == col_h, 1.0, 0.0).astype(jnp.float32)
    r = 1.0 / (d_ref[...] + 1e-9)
    dens = jnp.dot(r, bmat, preferred_element_type=jnp.float32)
    agg = (a0_ref[...] + a1_ref[...]) * dens
    o_ref[...] = x_ref[...] + jnp.dot(agg, wo_ref[...],
                                      preferred_element_type=jnp.float32)


_out_call = pl.pallas_call(
    _out_body,
    grid=(N // BR,),
    in_specs=[
        pl.BlockSpec((BR, D), lambda i: (i, 0)),
        pl.BlockSpec((BR, D), lambda i: (i, 0)),
        pl.BlockSpec((BR, D), lambda i: (i + N // BR, 0)),
        pl.BlockSpec((BR, HP), lambda i: (i, 0)),
        pl.BlockSpec((D, D), lambda i: (0, 0)),
    ],
    out_specs=pl.BlockSpec((BR, D), lambda i: (i, 0)),
    out_shape=jax.ShapeDtypeStruct((N, D), jnp.float32),
)


def kernel(x, Wq, Wk, Wv, Wo, edge_index):
    q, k, v = _qkv_call(x, Wq, Wk, Wv)
    srcs = edge_index[0].reshape(E // SB, SB)
    dsts = edge_index[1].reshape(E // SB, SB)
    zero4 = jnp.zeros((NPS, HP), jnp.float32)
    zero128 = jnp.zeros((NPS, D), jnp.float32)
    ex, den = _edge_scores(q, k, dsts, srcs, zero4)
    densum = _densum_call(den.reshape(NC, N * HP // D, D)).reshape(N, HP)
    agg = _aggregate(v, dsts, srcs, ex.reshape(-1), zero128)
    return _out_call(x, agg, agg, densum, Wo)

# --- scband reference (transcript-rebuilt; emitter-appended) ---
"""Pipeline reference for scband-hybrid-policy-9715216023865 (READ-ONLY COPY).

The authoritative reference and input builder live on the scoring server;
editing this copy changes nothing except your own understanding.
"""

import jax, jax.numpy as jnp
import numpy as np

N = 10000
E = 320000
D = 128
H = 4
DH = D // H


def setup_inputs(seed: int = 0) -> dict:
    key = jax.random.key(seed)
    ks = jax.random.split(key, 6)
    x = jax.random.normal(ks[0], (N, D), dtype=jnp.float32)
    edge_index = jax.random.randint(ks[1], (2, E), 0, N, dtype=jnp.int32)
    scale = 1.0 / np.sqrt(D)
    Wq = jax.random.normal(ks[2], (D, D), dtype=jnp.float32) * scale
    Wk = jax.random.normal(ks[3], (D, D), dtype=jnp.float32) * scale
    Wv = jax.random.normal(ks[4], (D, D), dtype=jnp.float32) * scale
    Wo = jax.random.normal(ks[5], (D, D), dtype=jnp.float32) * scale
    return {"x": x, "Wq": Wq, "Wk": Wk, "Wv": Wv, "Wo": Wo, "edge_index": edge_index}


def reference(x, Wq, Wk, Wv, Wo, edge_index):
    # One graph-transformer (GAT-style multi-head attention) message-passing layer,
    # the core of the HybridPolicy's self.gats stack (4 heads, residual connection).
    src = edge_index[0]
    dst = edge_index[1]
    q = (x @ Wq).reshape(N, H, DH)
    k = (x @ Wk).reshape(N, H, DH)
    v = (x @ Wv).reshape(N, H, DH)
    # per-edge attention scores (gather on both endpoints)
    scores = jnp.sum(q[dst] * k[src], axis=-1) / jnp.sqrt(DH)  # [E, H]
    # segment softmax over incoming edges of each dst node
    smax = jax.ops.segment_max(scores, dst, num_segments=N)  # [N, H]
    smax = jnp.where(jnp.isfinite(smax), smax, 0.0)
    ex = jnp.exp(scores - smax[dst])  # [E, H]
    denom = jax.ops.segment_sum(ex, dst, num_segments=N) + 1e-9  # [N, H]
    alpha = ex / denom[dst]  # [E, H]
    msg = alpha[..., None] * v[src]  # [E, H, DH]
    agg = jax.ops.segment_sum(msg, dst, num_segments=N).reshape(N, D)
    out = x + agg @ Wo  # residual output projection
    return out

if __name__ == "__main__":
    import jax
    _d = setup_inputs()
    print(jax.jit(kernel)(*tuple(_d.values())))

</pallas_src>

<mosaic_0001>
#map = affine_map<(d0, d1) -> (0, 0)>
module attributes {stable_mosaic.version = 14 : i64} {
  func.func @_edge_scores(%arg0: i32, %arg1: i32, %arg2: memref<10000x128xf32, #tpu.memory_space<hbm>>, %arg3: memref<10000x128xf32, #tpu.memory_space<hbm>>, %arg4: memref<12800x25xi32, #tpu.memory_space<hbm>>, %arg5: memref<12800x25xi32, #tpu.memory_space<hbm>>, %arg6: memref<1000x16xf32, #tpu.memory_space<hbm>>, %arg7: memref<320000x16xf32, #tpu.memory_space<hbm>>, %arg8: memref<20000x16xf32, #tpu.memory_space<hbm>>, %arg9: memref<400x25xi32, #tpu.memory_space<vmem>>, %arg10: memref<400x25xi32, #tpu.memory_space<vmem>>, %arg11: memref<2x100x128xf32, #tpu.memory_space<vmem>>, %arg12: memref<2x100x128xf32, #tpu.memory_space<vmem>>, %arg13: memref<200x16xf32, #tpu.memory_space<vmem>>, %arg14: memref<10000x16xf32, #tpu.memory_space<vmem_shared>>, %arg15: memref<!tpu.dma_semaphore, #tpu.memory_space<semaphore_mem>>, %arg16: memref<!tpu.dma_semaphore, #tpu.memory_space<semaphore_mem>>, %arg17: memref<!tpu.dma_semaphore, #tpu.memory_space<semaphore_mem>>, %arg18: memref<!tpu.dma_semaphore, #tpu.memory_space<semaphore_mem>>, %arg19: memref<!tpu.dma_semaphore, #tpu.memory_space<semaphore_mem>>) attributes {dimension_semantics = [#tpu.dimension_semantics<core_parallel>, #tpu.dimension_semantics<subcore_parallel>], iteration_bounds = array<i64: 2, 16>, scalar_prefetch = 0 : i64, scratch_operands = 11 : i64, tpu.core_type = #tpu.core_type<sc_vector_subcore>, window_params = [{transform_indices = #map}, {transform_indices = #map}, {transform_indices = #map}, {transform_indices = #map}, {transform_indices = #map}, {transform_indices = #map}, {transform_indices = #map}]} {
    %mul3A = arith.constant 2 : i32
    %mul3A_0 = arith.muli %arg1, %mul3A : i32
    %add3A = arith.addi %mul3A_0, %arg0 : i32
    %lt3A = arith.constant 10 : i32
    %lt3A_1 = arith.cmpi slt, %arg1, %lt3A : i32
    %convert_element_type3A = arith.extui %lt3A_1 : i1 to i32
    %cond3A = arith.constant 0 : i32
    %cond3A_2 = arith.cmpi ne, %convert_element_type3A, %cond3A : i32
    scf.if %cond3A_2 {
      %mul3A_214 = arith.constant 1000 : i32
      %mul3A_215 = arith.muli %arg1, %mul3A_214 : i32
      "tpu.region"() ({
        %run_scoped3A = tpu.sem_alloc : memref<!tpu.dma_semaphore, #tpu.memory_space<semaphore_mem>>
        %dma_start3A_216 = arith.constant 0 : i32
        %dma_start3A_217 = tpu.memref_slice %arg14[%mul3A_215, %dma_start3A_216] : memref<10000x16xf32, #tpu.memory_space<vmem_shared>> -> memref<1000x16xf32, #tpu.memory_space<vmem_shared>>
        tpu.enqueue_dma source(%arg6 : memref<1000x16xf32, #tpu.memory_space<hbm>>) target(%dma_start3A_217 : memref<1000x16xf32, #tpu.memory_space<vmem_shared>>) target_semaphore(%run_scoped3A : memref<!tpu.dma_semaphore, #tpu.memory_space<semaphore_mem>>)
        %dma_wait3A_218 = arith.constant 0 : i32
        %dma_wait3A_219 = tpu.memref_slice %arg14[%mul3A_215, %dma_wait3A_218] : memref<10000x16xf32, #tpu.memory_space<vmem_shared>> -> memref<1000x16xf32, #tpu.memory_space<vmem_shared>>
        tpu.wait_dma2 semaphore(%run_scoped3A : memref<!tpu.dma_semaphore, #tpu.memory_space<semaphore_mem>>) src(%arg6 : memref<1000x16xf32, #tpu.memory_space<hbm>>) dst(%dma_wait3A_219 : memref<1000x16xf32, #tpu.memory_space<vmem_shared>>)
        tpu.yield
      }) : () -> ()
    } else {
    }
    %iota3A = tpu.iota {dimensions = array<i32: 0>} : vector<16xi32>
    %mul3A_3 = arith.constant 400 : i32
    %mul3A_4 = arith.muli %add3A, %mul3A_3 : i32
    "tpu.region"() ({
      %run_scoped3A = tpu.sem_alloc : memref<!tpu.dma_semaphore, #tpu.memory_space<semaphore_mem>>
      %dma_start3A_214 = arith.constant 0 : i32
      %dma_start3A_215 = tpu.memref_slice %arg4[%mul3A_4, %dma_start3A_214] : memref<12800x25xi32, #tpu.memory_space<hbm>> -> memref<400x25xi32, #tpu.memory_space<hbm>>
      %dma_start3A_216 = arith.constant 0 : i32
      %dma_start3A_217 = tpu.memref_slice %arg4[%mul3A_4, %dma_start3A_216] : memref<12800x25xi32, #tpu.memory_space<hbm>> -> memref<400x25xi32, #tpu.memory_space<hbm>>
      tpu.enqueue_dma source(%dma_start3A_217 : memref<400x25xi32, #tpu.memory_space<hbm>>) target(%arg9 : memref<400x25xi32, #tpu.memory_space<vmem>>) target_semaphore(%run_scoped3A : memref<!tpu.dma_semaphore, #tpu.memory_space<semaphore_mem>>)
      %dma_wait3A_218 = arith.constant 0 : i32
      %dma_wait3A_219 = tpu.memref_slice %arg4[%mul3A_4, %dma_wait3A_218] : memref<12800x25xi32, #tpu.memory_space<hbm>> -> memref<400x25xi32, #tpu.memory_space<hbm>>
      %dma_wait3A_220 = arith.constant 0 : i32
      %dma_wait3A_221 = tpu.memref_slice %arg4[%mul3A_4, %dma_wait3A_220] : memref<12800x25xi32, #tpu.memory_space<hbm>> -> memref<400x25xi32, #tpu.memory_space<hbm>>
      tpu.wait_dma2 semaphore(%run_scoped3A : memref<!tpu.dma_semaphore, #tpu.memory_space<semaphore_mem>>) src(%dma_wait3A_221 : memref<400x25xi32, #tpu.memory_space<hbm>>) dst(%arg9 : memref<400x25xi32, #tpu.memory_space<vmem>>)
      tpu.yield
    }) : () -> ()
    %mul3A_5 = arith.constant 400 : i32
    %mul3A_6 = arith.muli %add3A, %mul3A_5 : i32
    "tpu.region"() ({
      %run_scoped3A = tpu.sem_alloc : memref<!tpu.dma_semaphore, #tpu.memory_space<semaphore_mem>>
      %dma_start3A_214 = arith.constant 0 : i32
      %dma_start3A_215 = tpu.memref_slice %arg5[%mul3A_6, %dma_start3A_214] : memref<12800x25xi32, #tpu.memory_space<hbm>> -> memref<400x25xi32, #tpu.memory_space<hbm>>
      %dma_start3A_216 = arith.constant 0 : i32
      %dma_start3A_217 = tpu.memref_slice %arg5[%mul3A_6, %dma_start3A_216] : memref<12800x25xi32, #tpu.memory_space<hbm>> -> memref<400x25xi32, #tpu.memory_space<hbm>>
      tpu.enqueue_dma source(%dma_start3A_217 : memref<400x25xi32, #tpu.memory_space<hbm>>) target(%arg10 : memref<400x25xi32, #tpu.memory_space<vmem>>) target_semaphore(%run_scoped3A : memref<!tpu.dma_semaphore, #tpu.memory_space<semaphore_mem>>)
      %dma_wait3A_218 = arith.constant 0 : i32
      %dma_wait3A_219 = tpu.memref_slice %arg5[%mul3A_6, %dma_wait3A_218] : memref<12800x25xi32, #tpu.memory_space<hbm>> -> memref<400x25xi32, #tpu.memory_space<hbm>>
      %dma_wait3A_220 = arith.constant 0 : i32
      %dma_wait3A_221 = tpu.memref_slice %arg5[%mul3A_6, %dma_wait3A_220] : memref<12800x25xi32, #tpu.memory_space<hbm>> -> memref<400x25xi32, #tpu.memory_space<hbm>>
      tpu.wait_dma2 semaphore(%run_scoped3A : memref<!tpu.dma_semaphore, #tpu.memory_space<semaphore_mem>>) src(%dma_wait3A_221 : memref<400x25xi32, #tpu.memory_space<hbm>>) dst(%arg10 : memref<400x25xi32, #tpu.memory_space<vmem>>)
      tpu.yield
    }) : () -> ()
    %barrier3A = arith.constant 0 : index
    tpu.barrier barrier_id(%barrier3A)
    %dma_start3A = arith.constant 0 : i32
    %dma_start3A_7 = arith.constant 0 : i32
    %dma_start3A_8 = arith.constant 0 : i32
    %dma_start3A_9 = arith.constant 0 : i32
    %dma_start3A_10 = tpu.memref_slice %arg11[%dma_start3A_7, %dma_start3A_8, %dma_start3A_9] : memref<2x100x128xf32, #tpu.memory_space<vmem>> -> memref<1x25x128xf32, #tpu.memory_space<vmem>>
    %dma_start3A_11 = tpu.memref_squeeze %dma_start3A_10 : memref<1x25x128xf32, #tpu.memory_space<vmem>> -> memref<25x128xf32, #tpu.memory_space<vmem>>
    %dma_start3A_12 = arith.constant 0 : i32
    %dma_start3A_13 = tpu.memref_slice %arg9[%dma_start3A, %dma_start3A_12] : memref<400x25xi32, #tpu.memory_space<vmem>> -> memref<1x25xi32, #tpu.memory_space<vmem>>
    %dma_start3A_14 = tpu.memref_squeeze %dma_start3A_13 : memref<1x25xi32, #tpu.memory_space<vmem>> -> memref<25xi32, #tpu.memory_space<vmem>>
    %dma_start3A_15 = arith.constant 0 : i32
    %dma_start3A_16 = arith.constant 0 : i32
    %dma_start3A_17 = tpu.memref_slice %arg2[%dma_start3A_15, %dma_start3A_16] : memref<10000x128xf32, #tpu.memory_space<hbm>> -> memref<10000x128xf32, #tpu.memory_space<hbm>>
    tpu.enqueue_indirect_dma source(%dma_start3A_17 : memref<10000x128xf32, #tpu.memory_space<hbm>>) target(%dma_start3A_11 : memref<25x128xf32, #tpu.memory_space<vmem>>) offsets(%dma_start3A_14 : memref<25xi32, #tpu.memory_space<vmem>>) semaphore(%arg15 : memref<!tpu.dma_semaphore, #tpu.memory_space<semaphore_mem>>)
    %dma_start3A_18 = arith.constant 0 : i32
    %dma_start3A_19 = arith.constant 0 : i32
    %dma_start3A_20 = arith.constant 0 : i32
    %dma_start3A_21 = arith.constant 0 : i32
    %dma_start3A_22 = tpu.memref_slice %arg12[%dma_start3A_19, %dma_start3A_20, %dma_start3A_21] : memref<2x100x128xf32, #tpu.memory_space<vmem>> -> memref<1x25x128xf32, #tpu.memory_space<vmem>>
    %dma_start3A_23 = tpu.memref_squeeze %dma_start3A_22 : memref<1x25x128xf32, #tpu.memory_space<vmem>> -> memref<25x128xf32, #tpu.memory_space<vmem>>
    %dma_start3A_24 = arith.constant 0 : i32
    %dma_start3A_25 = tpu.memref_slice %arg10[%dma_start3A_18, %dma_start3A_24] : memref<400x25xi32, #tpu.memory_space<vmem>> -> memref<1x25xi32, #tpu.memory_space<vmem>>
    %dma_start3A_26 = tpu.memref_squeeze %dma_start3A_25 : memref<1x25xi32, #tpu.memory_space<vmem>> -> memref<25xi32, #tpu.memory_space<vmem>>
    %dma_start3A_27 = arith.constant 0 : i32
    %dma_start3A_28 = arith.constant 0 : i32
    %dma_start3A_29 = tpu.memref_slice %arg3[%dma_start3A_27, %dma_start3A_28] : memref<10000x128xf32, #tpu.memory_space<hbm>> -> memref<10000x128xf32, #tpu.memory_space<hbm>>
    tpu.enqueue_indirect_dma source(%dma_start3A_29 : memref<10000x128xf32, #tpu.memory_space<hbm>>) target(%dma_start3A_23 : memref<25x128xf32, #tpu.memory_space<vmem>>) offsets(%dma_start3A_26 : memref<25xi32, #tpu.memory_space<vmem>>) semaphore(%arg15 : memref<!tpu.dma_semaphore, #tpu.memory_space<semaphore_mem>>)
    %dma_start3A_30 = arith.constant 1 : i32
    %dma_start3A_31 = arith.constant 0 : i32
    %dma_start3A_32 = arith.constant 25 : i32
    %dma_start3A_33 = arith.constant 0 : i32
    %dma_start3A_34 = tpu.memref_slice %arg11[%dma_start3A_31, %dma_start3A_32, %dma_start3A_33] : memref<2x100x128xf32, #tpu.memory_space<vmem>> -> memref<1x25x128xf32, #tpu.memory_space<vmem>>
    %dma_start3A_35 = tpu.memref_squeeze %dma_start3A_34 : memref<1x25x128xf32, #tpu.memory_space<vmem>> -> memref<25x128xf32, #tpu.memory_space<vmem>>
    %dma_start3A_36 = arith.constant 0 : i32
    %dma_start3A_37 = tpu.memref_slice %arg9[%dma_start3A_30, %dma_start3A_36] : memref<400x25xi32, #tpu.memory_space<vmem>> -> memref<1x25xi32, #tpu.memory_space<vmem>>
    %dma_start3A_38 = tpu.memref_squeeze %dma_start3A_37 : memref<1x25xi32, #tpu.memory_space<vmem>> -> memref<25xi32, #tpu.memory_space<vmem>>
    %dma_start3A_39 = arith.constant 0 : i32
    %dma_start3A_40 = arith.constant 0 : i32
    %dma_start3A_41 = tpu.memref_slice %arg2[%dma_start3A_39, %dma_start3A_40] : memref<10000x128xf32, #tpu.memory_space<hbm>> -> memref<10000x128xf32, #tpu.memory_space<hbm>>
    tpu.enqueue_indirect_dma source(%dma_start3A_41 : memref<10000x128xf32, #tpu.memory_space<hbm>>) target(%dma_start3A_35 : memref<25x128xf32, #tpu.memory_space<vmem>>) offsets(%dma_start3A_38 : memref<25xi32, #tpu.memory_space<vmem>>) semaphore(%arg15 : memref<!tpu.dma_semaphore, #tpu.memory_space<semaphore_mem>>)
    %dma_start3A_42 = arith.constant 1 : i32
    %dma_start3A_43 = arith.constant 0 : i32
    %dma_start3A_44 = arith.constant 25 : i32
    %dma_start3A_45 = arith.constant 0 : i32
    %dma_start3A_46 = tpu.memref_slice %arg12[%dma_start3A_43, %dma_start3A_44, %dma_start3A_45] : memref<2x100x128xf32, #tpu.memory_space<vmem>> -> memref<1x25x128xf32, #tpu.memory_space<vmem>>
    %dma_start3A_47 = tpu.memref_squeeze %dma_start3A_46 : memref<1x25x128xf32, #tpu.memory_space<vmem>> -> memref<25x128xf32, #tpu.memory_space<vmem>>
    %dma_start3A_48 = arith.constant 0 : i32
    %dma_start3A_49 = tpu.memref_slice %arg10[%dma_start3A_42, %dma_start3A_48] : memref<400x25xi32, #tpu.memory_space<vmem>> -> memref<1x25xi32, #tpu.memory_space<vmem>>
    %dma_start3A_50 = tpu.memref_squeeze %dma_start3A_49 : memref<1x25xi32, #tpu.memory_space<vmem>> -> memref<25xi32, #tpu.memory_space<vmem>>
    %dma_start3A_51 = arith.constant 0 : i32
    %dma_start3A_52 = arith.constant 0 : i32
    %dma_start3A_53 = tpu.memref_slice %arg3[%dma_start3A_51, %dma_start3A_52] : memref<10000x128xf32, #tpu.memory_space<hbm>> -> memref<10000x128xf32, #tpu.memory_space<hbm>>
    tpu.enqueue_indirect_dma source(%dma_start3A_53 : memref<10000x128xf32, #tpu.memory_space<hbm>>) target(%dma_start3A_47 : memref<25x128xf32, #tpu.memory_space<vmem>>) offsets(%dma_start3A_50 : memref<25xi32, #tpu.memory_space<vmem>>) semaphore(%arg15 : memref<!tpu.dma_semaphore, #tpu.memory_space<semaphore_mem>>)
    %dma_start3A_54 = arith.constant 2 : i32
    %dma_start3A_55 = arith.constant 0 : i32
    %dma_start3A_56 = arith.constant 50 : i32
    %dma_start3A_57 = arith.constant 0 : i32
    %dma_start3A_58 = tpu.memref_slice %arg11[%dma_start3A_55, %dma_start3A_56, %dma_start3A_57] : memref<2x100x128xf32, #tpu.memory_space<vmem>> -> memref<1x25x128xf32, #tpu.memory_space<vmem>>
    %dma_start3A_59 = tpu.memref_squeeze %dma_start3A_58 : memref<1x25x128xf32, #tpu.memory_space<vmem>> -> memref<25x128xf32, #tpu.memory_space<vmem>>
    %dma_start3A_60 = arith.constant 0 : i32
    %dma_start3A_61 = tpu.memref_slice %arg9[%dma_start3A_54, %dma_start3A_60] : memref<400x25xi32, #tpu.memory_space<vmem>> -> memref<1x25xi32, #tpu.memory_space<vmem>>
    %dma_start3A_62 = tpu.memref_squeeze %dma_start3A_61 : memref<1x25xi32, #tpu.memory_space<vmem>> -> memref<25xi32, #tpu.memory_space<vmem>>
    %dma_start3A_63 = arith.constant 0 : i32
    %dma_start3A_64 = arith.constant 0 : i32
    %dma_start3A_65 = tpu.memref_slice %arg2[%dma_start3A_63, %dma_start3A_64] : memref<10000x128xf32, #tpu.memory_space<hbm>> -> memref<10000x128xf32, #tpu.memory_space<hbm>>
    tpu.enqueue_indirect_dma source(%dma_start3A_65 : memref<10000x128xf32, #tpu.memory_space<hbm>>) target(%dma_start3A_59 : memref<25x128xf32, #tpu.memory_space<vmem>>) offsets(%dma_start3A_62 : memref<25xi32, #tpu.memory_space<vmem>>) semaphore(%arg15 : memref<!tpu.dma_semaphore, #tpu.memory_space<semaphore_mem>>)
    %dma_start3A_66 = arith.constant 2 : i32
    %dma_start3A_67 = arith.constant 0 : i32
    %dma_start3A_68 = arith.constant 50 : i32
    %dma_start3A_69 = arith.constant 0 : i32
    %dma_start3A_70 = tpu.memref_slice %arg12[%dma_start3A_67, %dma_start3A_68, %dma_start3A_69] : memref<2x100x128xf32, #tpu.memory_space<vmem>> -> memref<1x25x128xf32, #tpu.memory_space<vmem>>
    %dma_start3A_71 = tpu.memref_squeeze %dma_start3A_70 : memref<1x25x128xf32, #tpu.memory_space<vmem>> -> memref<25x128xf32, #tpu.memory_space<vmem>>
    %dma_start3A_72 = arith.constant 0 : i32
    %dma_start3A_73 = tpu.memref_slice %arg10[%dma_start3A_66, %dma_start3A_72] : memref<400x25xi32, #tpu.memory_space<vmem>> -> memref<1x25xi32, #tpu.memory_space<vmem>>
    %dma_start3A_74 = tpu.memref_squeeze %dma_start3A_73 : memref<1x25xi32, #tpu.memory_space<vmem>> -> memref<25xi32, #tpu.memory_space<vmem>>
    %dma_start3A_75 = arith.constant 0 : i32
    %dma_start3A_76 = arith.constant 0 : i32
    %dma_start3A_77 = tpu.memref_slice %arg3[%dma_start3A_75, %dma_start3A_76] : memref<10000x128xf32, #tpu.memory_space<hbm>> -> memref<10000x128xf32, #tpu.memory_space<hbm>>
    tpu.enqueue_indirect_dma source(%dma_start3A_77 : memref<10000x128xf32, #tpu.memory_space<hbm>>) target(%dma_start3A_71 : memref<25x128xf32, #tpu.memory_space<vmem>>) offsets(%dma_start3A_74 : memref<25xi32, #tpu.memory_space<vmem>>) semaphore(%arg15 : memref<!tpu.dma_semaphore, #tpu.memory_space<semaphore_mem>>)
    %dma_start3A_78 = arith.constant 3 : i32
    %dma_start3A_79 = arith.constant 0 : i32
    %dma_start3A_80 = arith.constant 75 : i32
    %dma_start3A_81 = arith.constant 0 : i32
    %dma_start3A_82 = tpu.memref_slice %arg11[%dma_start3A_79, %dma_start3A_80, %dma_start3A_81] : memref<2x100x128xf32, #tpu.memory_space<vmem>> -> memref<1x25x128xf32, #tpu.memory_space<vmem>>
    %dma_start3A_83 = tpu.memref_squeeze %dma_start3A_82 : memref<1x25x128xf32, #tpu.memory_space<vmem>> -> memref<25x128xf32, #tpu.memory_space<vmem>>
    %dma_start3A_84 = arith.constant 0 : i32
    %dma_start3A_85 = tpu.memref_slice %arg9[%dma_start3A_78, %dma_start3A_84] : memref<400x25xi32, #tpu.memory_space<vmem>> -> memref<1x25xi32, #tpu.memory_space<vmem>>
    %dma_start3A_86 = tpu.memref_squeeze %dma_start3A_85 : memref<1x25xi32, #tpu.memory_space<vmem>> -> memref<25xi32, #tpu.memory_space<vmem>>
    %dma_start3A_87 = arith.constant 0 : i32
    %dma_start3A_88 = arith.constant 0 : i32
    %dma_start3A_89 = tpu.memref_slice %arg2[%dma_start3A_87, %dma_start3A_88] : memref<10000x128xf32, #tpu.memory_space<hbm>> -> memref<10000x128xf32, #tpu.memory_space<hbm>>
    tpu.enqueue_indirect_dma source(%dma_start3A_89 : memref<10000x128xf32, #tpu.memory_space<hbm>>) target(%dma_start3A_83 : memref<25x128xf32, #tpu.memory_space<vmem>>) offsets(%dma_start3A_86 : memref<25xi32, #tpu.memory_space<vmem>>) semaphore(%arg15 : memref<!tpu.dma_semaphore, #tpu.memory_space<semaphore_mem>>)
    %dma_start3A_90 = arith.constant 3 : i32
    %dma_start3A_91 = arith.constant 0 : i32
    %dma_start3A_92 = arith.constant 75 : i32
    %dma_start3A_93 = arith.constant 0 : i32
    %dma_start3A_94 = tpu.memref_slice %arg12[%dma_start3A_91, %dma_start3A_92, %dma_start3A_93] : memref<2x100x128xf32, #tpu.memory_space<vmem>> -> memref<1x25x128xf32, #tpu.memory_space<vmem>>
    %dma_start3A_95 = tpu.memref_squeeze %dma_start3A_94 : memref<1x25x128xf32, #tpu.memory_space<vmem>> -> memref<25x128xf32, #tpu.memory_space<vmem>>
    %dma_start3A_96 = arith.constant 0 : i32
    %dma_start3A_97 = tpu.memref_slice %arg10[%dma_start3A_90, %dma_start3A_96] : memref<400x25xi32, #tpu.memory_space<vmem>> -> memref<1x25xi32, #tpu.memory_space<vmem>>
    %dma_start3A_98 = tpu.memref_squeeze %dma_start3A_97 : memref<1x25xi32, #tpu.memory_space<vmem>> -> memref<25xi32, #tpu.memory_space<vmem>>
    %dma_start3A_99 = arith.constant 0 : i32
    %dma_start3A_100 = arith.constant 0 : i32
    %dma_start3A_101 = tpu.memref_slice %arg3[%dma_start3A_99, %dma_start3A_100] : memref<10000x128xf32, #tpu.memory_space<hbm>> -> memref<10000x128xf32, #tpu.memory_space<hbm>>
    tpu.enqueue_indirect_dma source(%dma_start3A_101 : memref<10000x128xf32, #tpu.memory_space<hbm>>) target(%dma_start3A_95 : memref<25x128xf32, #tpu.memory_space<vmem>>) offsets(%dma_start3A_98 : memref<25xi32, #tpu.memory_space<vmem>>) semaphore(%arg15 : memref<!tpu.dma_semaphore, #tpu.memory_space<semaphore_mem>>)
    %scan3A = arith.constant 0 : i32
    %scan3A_102 = arith.constant 0 : i32
    %scan3A_103 = arith.constant 50 : i32
    %scan3A_104 = arith.addi %scan3A_102, %scan3A_103 : i32
    %scan3A_105 = arith.constant 1 : i32
    scf.for %scan3A_214 = %scan3A_102 to %scan3A_104 step %scan3A_105  : i32 {
      %mul3A_215 = arith.constant 2 : i32
      %mul3A_216 = arith.muli %scan3A_214, %mul3A_215 : i32
      %add3A_217 = arith.constant 1 : i32
      %add3A_218 = arith.addi %mul3A_216, %add3A_217 : i32
      %mul3A_219 = arith.constant 4 : i32
      %mul3A_220 = arith.muli %add3A_218, %mul3A_219 : i32
      %add3A_221 = arith.constant 0 : i32
      %add3A_222 = arith.addi %mul3A_220, %add3A_221 : i32
      %dma_start3A_223 = arith.constant 1 : i32
      %dma_start3A_224 = arith.constant 0 : i32
      %dma_start3A_225 = arith.constant 0 : i32
      %dma_start3A_226 = tpu.memref_slice %arg11[%dma_start3A_223, %dma_start3A_224, %dma_start3A_225] : memref<2x100x128xf32, #tpu.memory_space<vmem>> -> memref<1x25x128xf32, #tpu.memory_space<vmem>>
      %dma_start3A_227 = tpu.memref_squeeze %dma_start3A_226 : memref<1x25x128xf32, #tpu.memory_space<vmem>> -> memref<25x128xf32, #tpu.memory_space<vmem>>
      %dma_start3A_228 = arith.constant 0 : i32
      %dma_start3A_229 = tpu.memref_slice %arg9[%add3A_222, %dma_start3A_228] : memref<400x25xi32, #tpu.memory_space<vmem>> -> memref<1x25xi32, #tpu.memory_space<vmem>>
      %dma_start3A_230 = tpu.memref_squeeze %dma_start3A_229 : memref<1x25xi32, #tpu.memory_space<vmem>> -> memref<25xi32, #tpu.memory_space<vmem>>
      %dma_start3A_231 = arith.constant 0 : i32
      %dma_start3A_232 = arith.constant 0 : i32
      %dma_start3A_233 = tpu.memref_slice %arg2[%dma_start3A_231, %dma_start3A_232] : memref<10000x128xf32, #tpu.memory_space<hbm>> -> memref<10000x128xf32, #tpu.memory_space<hbm>>
      tpu.enqueue_indirect_dma source(%dma_start3A_233 : memref<10000x128xf32, #tpu.memory_space<hbm>>) target(%dma_start3A_227 : memref<25x128xf32, #tpu.memory_space<vmem>>) offsets(%dma_start3A_230 : memref<25xi32, #tpu.memory_space<vmem>>) semaphore(%arg16 : memref<!tpu.dma_semaphore, #tpu.memory_space<semaphore_mem>>)
      %dma_start3A_234 = arith.constant 1 : i32
      %dma_start3A_235 = arith.constant 0 : i32
      %dma_start3A_236 = arith.constant 0 : i32
      %dma_start3A_237 = tpu.memref_slice %arg12[%dma_start3A_234, %dma_start3A_235, %dma_start3A_236] : memref<2x100x128xf32, #tpu.memory_space<vmem>> -> memref<1x25x128xf32, #tpu.memory_space<vmem>>
      %dma_start3A_238 = tpu.memref_squeeze %dma_start3A_237 : memref<1x25x128xf32, #tpu.memory_space<vmem>> -> memref<25x128xf32, #tpu.memory_space<vmem>>
      %dma_start3A_239 = arith.constant 0 : i32
      %dma_start3A_240 = tpu.memref_slice %arg10[%add3A_222, %dma_start3A_239] : memref<400x25xi32, #tpu.memory_space<vmem>> -> memref<1x25xi32, #tpu.memory_space<vmem>>
      %dma_start3A_241 = tpu.memref_squeeze %dma_start3A_240 : memref<1x25xi32, #tpu.memory_space<vmem>> -> memref<25xi32, #tpu.memory_space<vmem>>
      %dma_start3A_242 = arith.constant 0 : i32
      %dma_start3A_243 = arith.constant 0 : i32
      %dma_start3A_244 = tpu.memref_slice %arg3[%dma_start3A_242, %dma_start3A_243] : memref<10000x128xf32, #tpu.memory_space<hbm>> -> memref<10000x128xf32, #tpu.memory_space<hbm>>
      tpu.enqueue_indirect_dma source(%dma_start3A_244 : memref<10000x128xf32, #tpu.memory_space<hbm>>) target(%dma_start3A_238 : memref<25x128xf32, #tpu.memory_space<vmem>>) offsets(%dma_start3A_241 : memref<25xi32, #tpu.memory_space<vmem>>) semaphore(%arg16 : memref<!tpu.dma_semaphore, #tpu.memory_space<semaphore_mem>>)
      %mul3A_245 = arith.constant 4 : i32
      %mul3A_246 = arith.muli %add3A_218, %mul3A_245 : i32
      %add3A_247 = arith.constant 1 : i32
      %add3A_248 = arith.addi %mul3A_246, %add3A_247 : i32
      %dma_start3A_249 = arith.constant 1 : i32
      %dma_start3A_250 = arith.constant 25 : i32
      %dma_start3A_251 = arith.constant 0 : i32
      %dma_start3A_252 = tpu.memref_slice %arg11[%dma_start3A_249, %dma_start3A_250, %dma_start3A_251] : memref<2x100x128xf32, #tpu.memory_space<vmem>> -> memref<1x25x128xf32, #tpu.memory_space<vmem>>
      %dma_start3A_253 = tpu.memref_squeeze %dma_start3A_252 : memref<1x25x128xf32, #tpu.memory_space<vmem>> -> memref<25x128xf32, #tpu.memory_space<vmem>>
      %dma_start3A_254 = arith.constant 0 : i32
      %dma_start3A_255 = tpu.memref_slice %arg9[%add3A_248, %dma_start3A_254] : memref<400x25xi32, #tpu.memory_space<vmem>> -> memref<1x25xi32, #tpu.memory_space<vmem>>
      %dma_start3A_256 = tpu.memref_squeeze %dma_start3A_255 : memref<1x25xi32, #tpu.memory_space<vmem>> -> memref<25xi32, #tpu.memory_space<vmem>>
      %dma_start3A_257 = arith.constant 0 : i32
      %dma_start3A_258 = arith.constant 0 : i32
      %dma_start3A_259 = tpu.memref_slice %arg2[%dma_start3A_257, %dma_start3A_258] : memref<10000x128xf32, #tpu.memory_space<hbm>> -> memref<10000x128xf32, #tpu.memory_space<hbm>>
      tpu.enqueue_indirect_dma source(%dma_start3A_259 : memref<10000x128xf32, #tpu.memory_space<hbm>>) target(%dma_start3A_253 : memref<25x128xf32, #tpu.memory_space<vmem>>) offsets(%dma_start3A_256 : memref<25xi32, #tpu.memory_space<vmem>>) semaphore(%arg16 : memref<!tpu.dma_semaphore, #tpu.memory_space<semaphore_mem>>)
      %dma_start3A_260 = arith.constant 1 : i32
      %dma_start3A_261 = arith.constant 25 : i32
      %dma_start3A_262 = arith.constant 0 : i32
      %dma_start3A_263 = tpu.memref_slice %arg12[%dma_start3A_260, %dma_start3A_261, %dma_start3A_262] : memref<2x100x128xf32, #tpu.memory_space<vmem>> -> memref<1x25x128xf32, #tpu.memory_space<vmem>>
      %dma_start3A_264 = tpu.memref_squeeze %dma_start3A_263 : memref<1x25x128xf32, #tpu.memory_space<vmem>> -> memref<25x128xf32, #tpu.memory_space<vmem>>
      %dma_start3A_265 = arith.constant 0 : i32
      %dma_start3A_266 = tpu.memref_slice %arg10[%add3A_248, %dma_start3A_265] : memref<400x25xi32, #tpu.memory_space<vmem>> -> memref<1x25xi32, #tpu.memory_space<vmem>>
      %dma_start3A_267 = tpu.memref_squeeze %dma_start3A_266 : memref<1x25xi32, #tpu.memory_space<vmem>> -> memref<25xi32, #tpu.memory_space<vmem>>
      %dma_start3A_268 = arith.constant 0 : i32
      %dma_start3A_269 = arith.constant 0 : i32
      %dma_start3A_270 = tpu.memref_slice %arg3[%dma_start3A_268, %dma_start3A_269] : memref<10000x128xf32, #tpu.memory_space<hbm>> -> memref<10000x128xf32, #tpu.memory_space<hbm>>
      tpu.enqueue_indirect_dma source(%dma_start3A_270 : memref<10000x128xf32, #tpu.memory_space<hbm>>) target(%dma_start3A_264 : memref<25x128xf32, #tpu.memory_space<vmem>>) offsets(%dma_start3A_267 : memref<25xi32, #tpu.memory_space<vmem>>) semaphore(%arg16 : memref<!tpu.dma_semaphore, #tpu.memory_space<semaphore_mem>>)
      %mul3A_271 = arith.constant 4 : i32
      %mul3A_272 = arith.muli %add3A_218, %mul3A_271 : i32
      %add3A_273 = arith.constant 2 : i32
      %add3A_274 = arith.addi %mul3A_272, %add3A_273 : i32
      %dma_start3A_275 = arith.constant 1 : i32
      %dma_start3A_276 = arith.constant 50 : i32
      %dma_start3A_277 = arith.constant 0 : i32
      %dma_start3A_278 = tpu.memref_slice %arg11[%dma_start3A_275, %dma_start3A_276, %dma_start3A_277] : memref<2x100x128xf32, #tpu.memory_space<vmem>> -> memref<1x25x128xf32, #tpu.memory_space<vmem>>
      %dma_start3A_279 = tpu.memref_squeeze %dma_start3A_278 : memref<1x25x128xf32, #tpu.memory_space<vmem>> -> memref<25x128xf32, #tpu.memory_space<vmem>>
      %dma_start3A_280 = arith.constant 0 : i32
      %dma_start3A_281 = tpu.memref_slice %arg9[%add3A_274, %dma_start3A_280] : memref<400x25xi32, #tpu.memory_space<vmem>> -> memref<1x25xi32, #tpu.memory_space<vmem>>
      %dma_start3A_282 = tpu.memref_squeeze %dma_start3A_281 : memref<1x25xi32, #tpu.memory_space<vmem>> -> memref<25xi32, #tpu.memory_space<vmem>>
      %dma_start3A_283 = arith.constant 0 : i32
      %dma_start3A_284 = arith.constant 0 : i32
      %dma_start3A_285 = tpu.memref_slice %arg2[%dma_start3A_283, %dma_start3A_284] : memref<10000x128xf32, #tpu.memory_space<hbm>> -> memref<10000x128xf32, #tpu.memory_space<hbm>>
      tpu.enqueue_indirect_dma source(%dma_start3A_285 : memref<10000x128xf32, #tpu.memory_space<hbm>>) target(%dma_start3A_279 : memref<25x128xf32, #tpu.memory_space<vmem>>) offsets(%dma_start3A_282 : memref<25xi32, #tpu.memory_space<vmem>>) semaphore(%arg16 : memref<!tpu.dma_semaphore, #tpu.memory_space<semaphore_mem>>)
      %dma_start3A_286 = arith.constant 1 : i32
      %dma_start3A_287 = arith.constant 50 : i32
      %dma_start3A_288 = arith.constant 0 : i32
      %dma_start3A_289 = tpu.memref_slice %arg12[%dma_start3A_286, %dma_start3A_287, %dma_start3A_288] : memref<2x100x128xf32, #tpu.memory_space<vmem>> -> memref<1x25x128xf32, #tpu.memory_space<vmem>>
      %dma_start3A_290 = tpu.memref_squeeze %dma_start3A_289 : memref<1x25x128xf32, #tpu.memory_space<vmem>> -> memref<25x128xf32, #tpu.memory_space<vmem>>
      %dma_start3A_291 = arith.constant 0 : i32
      %dma_start3A_292 = tpu.memref_slice %arg10[%add3A_274, %dma_start3A_291] : memref<400x25xi32, #tpu.memory_space<vmem>> -> memref<1x25xi32, #tpu.memory_space<vmem>>
      %dma_start3A_293 = tpu.memref_squeeze %dma_start3A_292 : memref<1x25xi32, #tpu.memory_space<vmem>> -> memref<25xi32, #tpu.memory_space<vmem>>
      %dma_start3A_294 = arith.constant 0 : i32
      %dma_start3A_295 = arith.constant 0 : i32
      %dma_start3A_296 = tpu.memref_slice %arg3[%dma_start3A_294, %dma_start3A_295] : memref<10000x128xf32, #tpu.memory_space<hbm>> -> memref<10000x128xf32, #tpu.memory_space<hbm>>
      tpu.enqueue_indirect_dma source(%dma_start3A_296 : memref<10000x128xf32, #tpu.memory_space<hbm>>) target(%dma_start3A_290 : memref<25x128xf32, #tpu.memory_space<vmem>>) offsets(%dma_start3A_293 : memref<25xi32, #tpu.memory_space<vmem>>) semaphore(%arg16 : memref<!tpu.dma_semaphore, #tpu.memory_space<semaphore_mem>>)
      %mul3A_297 = arith.constant 4 : i32
      %mul3A_298 = arith.muli %add3A_218, %mul3A_297 : i32
      %add3A_299 = arith.constant 3 : i32
      %add3A_300 = arith.addi %mul3A_298, %add3A_299 : i32
      %dma_start3A_301 = arith.constant 1 : i32
      %dma_start3A_302 = arith.constant 75 : i32
      %dma_start3A_303 = arith.constant 0 : i32
      %dma_start3A_304 = tpu.memref_slice %arg11[%dma_start3A_301, %dma_start3A_302, %dma_start3A_303] : memref<2x100x128xf32, #tpu.memory_space<vmem>> -> memref<1x25x128xf32, #tpu.memory_space<vmem>>
      %dma_start3A_305 = tpu.memref_squeeze %dma_start3A_304 : memref<1x25x128xf32, #tpu.memory_space<vmem>> -> memref<25x128xf32, #tpu.memory_space<vmem>>
      %dma_start3A_306 = arith.constant 0 : i32
      %dma_start3A_307 = tpu.memref_slice %arg9[%add3A_300, %dma_start3A_306] : memref<400x25xi32, #tpu.memory_space<vmem>> -> memref<1x25xi32, #tpu.memory_space<vmem>>
      %dma_start3A_308 = tpu.memref_squeeze %dma_start3A_307 : memref<1x25xi32, #tpu.memory_space<vmem>> -> memref<25xi32, #tpu.memory_space<vmem>>
      %dma_start3A_309 = arith.constant 0 : i32
      %dma_start3A_310 = arith.constant 0 : i32
      %dma_start3A_311 = tpu.memref_slice %arg2[%dma_start3A_309, %dma_start3A_310] : memref<10000x128xf32, #tpu.memory_space<hbm>> -> memref<10000x128xf32, #tpu.memory_space<hbm>>
      tpu.enqueue_indirect_dma source(%dma_start3A_311 : memref<10000x128xf32, #tpu.memory_space<hbm>>) target(%dma_start3A_305 : memref<25x128xf32, #tpu.memory_space<vmem>>) offsets(%dma_start3A_308 : memref<25xi32, #tpu.memory_space<vmem>>) semaphore(%arg16 : memref<!tpu.dma_semaphore, #tpu.memory_space<semaphore_mem>>)
      %dma_start3A_312 = arith.constant 1 : i32
      %dma_start3A_313 = arith.constant 75 : i32
      %dma_start3A_314 = arith.constant 0 : i32
      %dma_start3A_315 = tpu.memref_slice %arg12[%dma_start3A_312, %dma_start3A_313, %dma_start3A_314] : memref<2x100x128xf32, #tpu.memory_space<vmem>> -> memref<1x25x128xf32, #tpu.memory_space<vmem>>
      %dma_start3A_316 = tpu.memref_squeeze %dma_start3A_315 : memref<1x25x128xf32, #tpu.memory_space<vmem>> -> memref<25x128xf32, #tpu.memory_space<vmem>>
      %dma_start3A_317 = arith.constant 0 : i32
      %dma_start3A_318 = tpu.memref_slice %arg10[%add3A_300, %dma_start3A_317] : memref<400x25xi32, #tpu.memory_space<vmem>> -> memref<1x25xi32, #tpu.memory_space<vmem>>
      %dma_start3A_319 = tpu.memref_squeeze %dma_start3A_318 : memref<1x25xi32, #tpu.memory_space<vmem>> -> memref<25xi32, #tpu.memory_space<vmem>>
      %dma_start3A_320 = arith.constant 0 : i32
      %dma_start3A_321 = arith.constant 0 : i32
      %dma_start3A_322 = tpu.memref_slice %arg3[%dma_start3A_320, %dma_start3A_321] : memref<10000x128xf32, #tpu.memory_space<hbm>> -> memref<10000x128xf32, #tpu.memory_space<hbm>>
      tpu.enqueue_indirect_dma source(%dma_start3A_322 : memref<10000x128xf32, #tpu.memory_space<hbm>>) target(%dma_start3A_316 : memref<25x128xf32, #tpu.memory_space<vmem>>) offsets(%dma_start3A_319 : memref<25xi32, #tpu.memory_space<vmem>>) semaphore(%arg16 : memref<!tpu.dma_semaphore, #tpu.memory_space<semaphore_mem>>)
      %ge3A = arith.constant 1 : i32
      %ge3A_323 = arith.cmpi sge, %scan3A_214, %ge3A : i32
      %convert_element_type3A_324 = arith.extui %ge3A_323 : i1 to i32
      %cond3A_325 = arith.constant 0 : i32
      %cond3A_326 = arith.cmpi ne, %convert_element_type3A_324, %cond3A_325 : i32
      scf.if %cond3A_326 {
        %dma_wait3A_698 = arith.constant 0 : i32
        %dma_wait3A_699 = arith.constant 0 : i32
        %dma_wait3A_700 = tpu.memref_slice %arg13[%dma_wait3A_698, %dma_wait3A_699] : memref<200x16xf32, #tpu.memory_space<vmem>> -> memref<25x16xf32, #tpu.memory_space<vmem>>
        %dma_wait3A_701 = arith.constant 0 : i32
        %dma_wait3A_702 = arith.constant 0 : i32
        %dma_wait3A_703 = tpu.memref_slice %arg7[%dma_wait3A_701, %dma_wait3A_702] : memref<320000x16xf32, #tpu.memory_space<hbm>> -> memref<25x16xf32, #tpu.memory_space<hbm>>
        %dma_wait3A_704 = arith.constant 0 : i32
        %dma_wait3A_705 = arith.constant 0 : i32
        %dma_wait3A_706 = tpu.memref_slice %arg13[%dma_wait3A_704, %dma_wait3A_705] : memref<200x16xf32, #tpu.memory_space<vmem>> -> memref<25x16xf32, #tpu.memory_space<vmem>>
        %dma_wait3A_707 = arith.constant 0 : i32
        %dma_wait3A_708 = arith.constant 0 : i32
        %dma_wait3A_709 = tpu.memref_slice %arg7[%dma_wait3A_707, %dma_wait3A_708] : memref<320000x16xf32, #tpu.memory_space<hbm>> -> memref<25x16xf32, #tpu.memory_space<hbm>>
        tpu.wait_dma2 semaphore(%arg17 : memref<!tpu.dma_semaphore, #tpu.memory_space<semaphore_mem>>) src(%dma_wait3A_709 : memref<25x16xf32, #tpu.memory_space<hbm>>) dst(%dma_wait3A_706 : memref<25x16xf32, #tpu.memory_space<vmem>>)
        %dma_wait3A_710 = arith.constant 25 : i32
        %dma_wait3A_711 = arith.constant 0 : i32
        %dma_wait3A_712 = tpu.memref_slice %arg13[%dma_wait3A_710, %dma_wait3A_711] : memref<200x16xf32, #tpu.memory_space<vmem>> -> memref<25x16xf32, #tpu.memory_space<vmem>>
        %dma_wait3A_713 = arith.constant 0 : i32
        %dma_wait3A_714 = arith.constant 0 : i32
        %dma_wait3A_715 = tpu.memref_slice %arg7[%dma_wait3A_713, %dma_wait3A_714] : memref<320000x16xf32, #tpu.memory_space<hbm>> -> memref<25x16xf32, #tpu.memory_space<hbm>>
        %dma_wait3A_716 = arith.constant 25 : i32
        %dma_wait3A_717 = arith.constant 0 : i32
        %dma_wait3A_718 = tpu.memref_slice %arg13[%dma_wait3A_716, %dma_wait3A_717] : memref<200x16xf32, #tpu.memory_space<vmem>> -> memref<25x16xf32, #tpu.memory_space<vmem>>
        %dma_wait3A_719 = arith.constant 0 : i32
        %dma_wait3A_720 = arith.constant 0 : i32
        %dma_wait3A_721 = tpu.memref_slice %arg7[%dma_wait3A_719, %dma_wait3A_720] : memref<320000x16xf32, #tpu.memory_space<hbm>> -> memref<25x16xf32, #tpu.memory_space<hbm>>
        tpu.wait_dma2 semaphore(%arg17 : memref<!tpu.dma_semaphore, #tpu.memory_space<semaphore_mem>>) src(%dma_wait3A_721 : memref<25x16xf32, #tpu.memory_space<hbm>>) dst(%dma_wait3A_718 : memref<25x16xf32, #tpu.memory_space<vmem>>)
        %dma_wait3A_722 = arith.constant 50 : i32
        %dma_wait3A_723 = arith.constant 0 : i32
        %dma_wait3A_724 = tpu.memref_slice %arg13[%dma_wait3A_722, %dma_wait3A_723] : memref<200x16xf32, #tpu.memory_space<vmem>> -> memref<25x16xf32, #tpu.memory_space<vmem>>
        %dma_wait3A_725 = arith.constant 0 : i32
        %dma_wait3A_726 = arith.constant 0 : i32
        %dma_wait3A_727 = tpu.memref_slice %arg7[%dma_wait3A_725, %dma_wait3A_726] : memref<320000x16xf32, #tpu.memory_space<hbm>> -> memref<25x16xf32, #tpu.memory_space<hbm>>
        %dma_wait3A_728 = arith.constant 50 : i32
        %dma_wait3A_729 = arith.constant 0 : i32
        %dma_wait3A_730 = tpu.memref_slice %arg13[%dma_wait3A_728, %dma_wait3A_729] : memref<200x16xf32, #tpu.memory_space<vmem>> -> memref<25x16xf32, #tpu.memory_space<vmem>>
        %dma_wait3A_731 = arith.constant 0 : i32
        %dma_wait3A_732 = arith.constant 0 : i32
        %dma_wait3A_733 = tpu.memref_slice %arg7[%dma_wait3A_731, %dma_wait3A_732] : memref<320000x16xf32, #tpu.memory_space<hbm>> -> memref<25x16xf32, #tpu.memory_space<hbm>>
        tpu.wait_dma2 semaphore(%arg17 : memref<!tpu.dma_semaphore, #tpu.memory_space<semaphore_mem>>) src(%dma_wait3A_733 : memref<25x16xf32, #tpu.memory_space<hbm>>) dst(%dma_wait3A_730 : memref<25x16xf32, #tpu.memory_space<vmem>>)
        %dma_wait3A_734 = arith.constant 75 : i32
        %dma_wait3A_735 = arith.constant 0 : i32
        %dma_wait3A_736 = tpu.memref_slice %arg13[%dma_wait3A_734, %dma_wait3A_735] : memref<200x16xf32, #tpu.memory_space<vmem>> -> memref<25x16xf32, #tpu.memory_space<vmem>>
        %dma_wait3A_737 = arith.constant 0 : i32
        %dma_wait3A_738 = arith.constant 0 : i32
        %dma_wait3A_739 = tpu.memref_slice %arg7[%dma_wait3A_737, %dma_wait3A_738] : memref<320000x16xf32, #tpu.memory_space<hbm>> -> memref<25x16xf32, #tpu.memory_space<hbm>>
        %dma_wait3A_740 = arith.constant 75 : i32
        %dma_wait3A_741 = arith.constant 0 : i32
        %dma_wait3A_742 = tpu.memref_slice %arg13[%dma_wait3A_740, %dma_wait3A_741] : memref<200x16xf32, #tpu.memory_space<vmem>> -> memref<25x16xf32, #tpu.memory_space<vmem>>
        %dma_wait3A_743 = arith.constant 0 : i32
        %dma_wait3A_744 = arith.constant 0 : i32
        %dma_wait3A_745 = tpu.memref_slice %arg7[%dma_wait3A_743, %dma_wait3A_744] : memref<320000x16xf32, #tpu.memory_space<hbm>> -> memref<25x16xf32, #tpu.memory_space<hbm>>
        tpu.wait_dma2 semaphore(%arg17 : memref<!tpu.dma_semaphore, #tpu.memory_space<semaphore_mem>>) src(%dma_wait3A_745 : memref<25x16xf32, #tpu.memory_space<hbm>>) dst(%dma_wait3A_742 : memref<25x16xf32, #tpu.memory_space<vmem>>)
        %dma_wait3A_746 = arith.constant 0 : i32
        %dma_wait3A_747 = arith.constant 0 : i32
        %dma_wait3A_748 = tpu.memref_slice %arg7[%dma_wait3A_746, %dma_wait3A_747] : memref<320000x16xf32, #tpu.memory_space<hbm>> -> memref<200x16xf32, #tpu.memory_space<hbm>>
        %dma_wait3A_749 = arith.constant 0 : i32
        %dma_wait3A_750 = arith.constant 0 : i32
        %dma_wait3A_751 = tpu.memref_slice %arg7[%dma_wait3A_749, %dma_wait3A_750] : memref<320000x16xf32, #tpu.memory_space<hbm>> -> memref<200x16xf32, #tpu.memory_space<hbm>>
        tpu.wait_dma2 semaphore(%arg19 : memref<!tpu.dma_semaphore, #tpu.memory_space<semaphore_mem>>) src(%dma_wait3A_751 : memref<200x16xf32, #tpu.memory_space<hbm>>) dst(%arg13 : memref<200x16xf32, #tpu.memory_space<vmem>>)
      } else {
      }
      %dma_wait3A_327 = arith.constant 0 : i32
      %dma_wait3A_328 = arith.constant 0 : i32
      %dma_wait3A_329 = arith.constant 0 : i32
      %dma_wait3A_330 = tpu.memref_slice %arg11[%dma_wait3A_327, %dma_wait3A_328, %dma_wait3A_329] : memref<2x100x128xf32, #tpu.memory_space<vmem>> -> memref<1x25x128xf32, #tpu.memory_space<vmem>>
      %dma_wait3A_331 = tpu.memref_squeeze %dma_wait3A_330 : memref<1x25x128xf32, #tpu.memory_space<vmem>> -> memref<25x128xf32, #tpu.memory_space<vmem>>
      %dma_wait3A_332 = arith.constant 0 : i32
      %dma_wait3A_333 = arith.constant 0 : i32
      %dma_wait3A_334 = tpu.memref_slice %arg2[%dma_wait3A_332, %dma_wait3A_333] : memref<10000x128xf32, #tpu.memory_space<hbm>> -> memref<25x128xf32, #tpu.memory_space<hbm>>
      %dma_wait3A_335 = arith.constant 0 : i32
      %dma_wait3A_336 = arith.constant 0 : i32
      %dma_wait3A_337 = tpu.memref_slice %arg11[%dma_wait3A_327, %dma_wait3A_335, %dma_wait3A_336] : memref<2x100x128xf32, #tpu.memory_space<vmem>> -> memref<1x25x128xf32, #tpu.memory_space<vmem>>
      %dma_wait3A_338 = tpu.memref_squeeze %dma_wait3A_337 : memref<1x25x128xf32, #tpu.memory_space<vmem>> -> memref<25x128xf32, #tpu.memory_space<vmem>>
      %dma_wait3A_339 = arith.constant 0 : i32
      %dma_wait3A_340 = arith.constant 0 : i32
      %dma_wait3A_341 = tpu.memref_slice %arg2[%dma_wait3A_339, %dma_wait3A_340] : memref<10000x128xf32, #tpu.memory_space<hbm>> -> memref<25x128xf32, #tpu.memory_space<hbm>>
      tpu.wait_dma2 semaphore(%arg15 : memref<!tpu.dma_semaphore, #tpu.memory_space<semaphore_mem>>) src(%dma_wait3A_341 : memref<25x128xf32, #tpu.memory_space<hbm>>) dst(%dma_wait3A_338 : memref<25x128xf32, #tpu.memory_space<vmem>>)
      %dma_wait3A_342 = arith.constant 0 : i32
      %dma_wait3A_343 = arith.constant 0 : i32
      %dma_wait3A_344 = arith.constant 0 : i32
      %dma_wait3A_345 = tpu.memref_slice %arg12[%dma_wait3A_342, %dma_wait3A_343, %dma_wait3A_344] : memref<2x100x128xf32, #tpu.memory_space<vmem>> -> memref<1x25x128xf32, #tpu.memory_space<vmem>>
      %dma_wait3A_346 = tpu.memref_squeeze %dma_wait3A_345 : memref<1x25x128xf32, #tpu.memory_space<vmem>> -> memref<25x128xf32, #tpu.memory_space<vmem>>
      %dma_wait3A_347 = arith.constant 0 : i32
      %dma_wait3A_348 = arith.constant 0 : i32
      %dma_wait3A_349 = tpu.memref_slice %arg2[%dma_wait3A_347, %dma_wait3A_348] : memref<10000x128xf32, #tpu.memory_space<hbm>> -> memref<25x128xf32, #tpu.memory_space<hbm>>
      %dma_wait3A_350 = arith.constant 0 : i32
      %dma_wait3A_351 = arith.constant 0 : i32
      %dma_wait3A_352 = tpu.memref_slice %arg12[%dma_wait3A_342, %dma_wait3A_350, %dma_wait3A_351] : memref<2x100x128xf32, #tpu.memory_space<vmem>> -> memref<1x25x128xf32, #tpu.memory_space<vmem>>
      %dma_wait3A_353 = tpu.memref_squeeze %dma_wait3A_352 : memref<1x25x128xf32, #tpu.memory_space<vmem>> -> memref<25x128xf32, #tpu.memory_space<vmem>>
      %dma_wait3A_354 = arith.constant 0 : i32
      %dma_wait3A_355 = arith.constant 0 : i32
      %dma_wait3A_356 = tpu.memref_slice %arg2[%dma_wait3A_354, %dma_wait3A_355] : memref<10000x128xf32, #tpu.memory_space<hbm>> -> memref<25x128xf32, #tpu.memory_space<hbm>>
      tpu.wait_dma2 semaphore(%arg15 : memref<!tpu.dma_semaphore, #tpu.memory_space<semaphore_mem>>) src(%dma_wait3A_356 : memref<25x128xf32, #tpu.memory_space<hbm>>) dst(%dma_wait3A_353 : memref<25x128xf32, #tpu.memory_space<vmem>>)
      %dma_wait3A_357 = arith.constant 0 : i32
      %dma_wait3A_358 = arith.constant 25 : i32
      %dma_wait3A_359 = arith.constant 0 : i32
      %dma_wait3A_360 = tpu.memref_slice %arg11[%dma_wait3A_357, %dma_wait3A_358, %dma_wait3A_359] : memref<2x100x128xf32, #tpu.memory_space<vmem>> -> memref<1x25x128xf32, #tpu.memory_space<vmem>>
      %dma_wait3A_361 = tpu.memref_squeeze %dma_wait3A_360 : memref<1x25x128xf32, #tpu.memory_space<vmem>> -> memref<25x128xf32, #tpu.memory_space<vmem>>
      %dma_wait3A_362 = arith.constant 0 : i32
      %dma_wait3A_363 = arith.constant 0 : i32
      %dma_wait3A_364 = tpu.memref_slice %arg2[%dma_wait3A_362, %dma_wait3A_363] : memref<10000x128xf32, #tpu.memory_space<hbm>> -> memref<25x128xf32, #tpu.memory_space<hbm>>
      %dma_wait3A_365 = arith.constant 25 : i32
      %dma_wait3A_366 = arith.constant 0 : i32
      %dma_wait3A_367 = tpu.memref_slice %arg11[%dma_wait3A_357, %dma_wait3A_365, %dma_wait3A_366] : memref<2x100x128xf32, #tpu.memory_space<vmem>> -> memref<1x25x128xf32, #tpu.memory_space<vmem>>
      %dma_wait3A_368 = tpu.memref_squeeze %dma_wait3A_367 : memref<1x25x128xf32, #tpu.memory_space<vmem>> -> memref<25x128xf32, #tpu.memory_space<vmem>>
      %dma_wait3A_369 = arith.constant 0 : i32
      %dma_wait3A_370 = arith.constant 0 : i32
      %dma_wait3A_371 = tpu.memref_slice %arg2[%dma_wait3A_369, %dma_wait3A_370] : memref<10000x128xf32, #tpu.memory_space<hbm>> -> memref<25x128xf32, #tpu.memory_space<hbm>>
      tpu.wait_dma2 semaphore(%arg15 : memref<!tpu.dma_semaphore, #tpu.memory_space<semaphore_mem>>) src(%dma_wait3A_371 : memref<25x128xf32, #tpu.memory_space<hbm>>) dst(%dma_wait3A_368 : memref<25x128xf32, #tpu.memory_space<vmem>>)
      %dma_wait3A_372 = arith.constant 0 : i32
      %dma_wait3A_373 = arith.constant 25 : i32
      %dma_wait3A_374 = arith.constant 0 : i32
      %dma_wait3A_375 = tpu.memref_slice %arg12[%dma_wait3A_372, %dma_wait3A_373, %dma_wait3A_374] : memref<2x100x128xf32, #tpu.memory_space<vmem>> -> memref<1x25x128xf32, #tpu.memory_space<vmem>>
      %dma_wait3A_376 = tpu.memref_squeeze %dma_wait3A_375 : memref<1x25x128xf32, #tpu.memory_space<vmem>> -> memref<25x128xf32, #tpu.memory_space<vmem>>
      %dma_wait3A_377 = arith.constant 0 : i32
      %dma_wait3A_378 = arith.constant 0 : i32
      %dma_wait3A_379 = tpu.memref_slice %arg2[%dma_wait3A_377, %dma_wait3A_378] : memref<10000x128xf32, #tpu.memory_space<hbm>> -> memref<25x128xf32, #tpu.memory_space<hbm>>
      %dma_wait3A_380 = arith.constant 25 : i32
      %dma_wait3A_381 = arith.constant 0 : i32
      %dma_wait3A_382 = tpu.memref_slice %arg12[%dma_wait3A_372, %dma_wait3A_380, %dma_wait3A_381] : memref<2x100x128xf32, #tpu.memory_space<vmem>> -> memref<1x25x128xf32, #tpu.memory_space<vmem>>
      %dma_wait3A_383 = tpu.memref_squeeze %dma_wait3A_382 : memref<1x25x128xf32, #tpu.memory_space<vmem>> -> memref<25x128xf32, #tpu.memory_space<vmem>>
      %dma_wait3A_384 = arith.constant 0 : i32
      %dma_wait3A_385 = arith.constant 0 : i32
      %dma_wait3A_386 = tpu.memref_slice %arg2[%dma_wait3A_384, %dma_wait3A_385] : memref<10000x128xf32, #tpu.memory_space<hbm>> -> memref<25x128xf32, #tpu.memory_space<hbm>>
      tpu.wait_dma2 semaphore(%arg15 : memref<!tpu.dma_semaphore, #tpu.memory_space<semaphore_mem>>) src(%dma_wait3A_386 : memref<25x128xf32, #tpu.memory_space<hbm>>) dst(%dma_wait3A_383 : memref<25x128xf32, #tpu.memory_space<vmem>>)
      %dma_wait3A_387 = arith.constant 0 : i32
      %dma_wait3A_388 = arith.constant 50 : i32
      %dma_wait3A_389 = arith.constant 0 : i32
      %dma_wait3A_390 = tpu.memref_slice %arg11[%dma_wait3A_387, %dma_wait3A_388, %dma_wait3A_389] : memref<2x100x128xf32, #tpu.memory_space<vmem>> -> memref<1x25x128xf32, #tpu.memory_space<vmem>>
      %dma_wait3A_391 = tpu.memref_squeeze %dma_wait3A_390 : memref<1x25x128xf32, #tpu.memory_space<vmem>> -> memref<25x128xf32, #tpu.memory_space<vmem>>
      %dma_wait3A_392 = arith.constant 0 : i32
      %dma_wait3A_393 = arith.constant 0 : i32
      %dma_wait3A_394 = tpu.memref_slice %arg2[%dma_wait3A_392, %dma_wait3A_393] : memref<10000x128xf32, #tpu.memory_space<hbm>> -> memref<25x128xf32, #tpu.memory_space<hbm>>
      %dma_wait3A_395 = arith.constant 50 : i32
      %dma_wait3A_396 = arith.constant 0 : i32
      %dma_wait3A_397 = tpu.memref_slice %arg11[%dma_wait3A_387, %dma_wait3A_395, %dma_wait3A_396] : memref<2x100x128xf32, #tpu.memory_space<vmem>> -> memref<1x25x128xf32, #tpu.memory_space<vmem>>
      %dma_wait3A_398 = tpu.memref_squeeze %dma_wait3A_397 : memref<1x25x128xf32, #tpu.memory_space<vmem>> -> memref<25x128xf32, #tpu.memory_space<vmem>>
      %dma_wait3A_399 = arith.constant 0 : i32
      %dma_wait3A_400 = arith.constant 0 : i32
      %dma_wait3A_401 = tpu.memref_slice %arg2[%dma_wait3A_399, %dma_wait3A_400] : memref<10000x128xf32, #tpu.memory_space<hbm>> -> memref<25x128xf32, #tpu.memory_space<hbm>>
      tpu.wait_dma2 semaphore(%arg15 : memref<!tpu.dma_semaphore, #tpu.memory_space<semaphore_mem>>) src(%dma_wait3A_401 : memref<25x128xf32, #tpu.memory_space<hbm>>) dst(%dma_wait3A_398 : memref<25x128xf32, #tpu.memory_space<vmem>>)
      %dma_wait3A_402 = arith.constant 0 : i32
      %dma_wait3A_403 = arith.constant 50 : i32
      %dma_wait3A_404 = arith.constant 0 : i32
      %dma_wait3A_405 = tpu.memref_slice %arg12[%dma_wait3A_402, %dma_wait3A_403, %dma_wait3A_404] : memref<2x100x128xf32, #tpu.memory_space<vmem>> -> memref<1x25x128xf32, #tpu.memory_space<vmem>>
      %dma_wait3A_406 = tpu.memref_squeeze %dma_wait3A_405 : memref<1x25x128xf32, #tpu.memory_space<vmem>> -> memref<25x128xf32, #tpu.memory_space<vmem>>
      %dma_wait3A_407 = arith.constant 0 : i32
      %dma_wait3A_408 = arith.constant 0 : i32
      %dma_wait3A_409 = tpu.memref_slice %arg2[%dma_wait3A_407, %dma_wait3A_408] : memref<10000x128xf32, #tpu.memory_space<hbm>> -> memref<25x128xf32, #tpu.memory_space<hbm>>
      %dma_wait3A_410 = arith.constant 50 : i32
      %dma_wait3A_411 = arith.constant 0 : i32
      %dma_wait3A_412 = tpu.memref_slice %arg12[%dma_wait3A_402, %dma_wait3A_410, %dma_wait3A_411] : memref<2x100x128xf32, #tpu.memory_space<vmem>> -> memref<1x25x128xf32, #tpu.memory_space<vmem>>
      %dma_wait3A_413 = tpu.memref_squeeze %dma_wait3A_412 : memref<1x25x128xf32, #tpu.memory_space<vmem>> -> memref<25x128xf32, #tpu.memory_space<vmem>>
      %dma_wait3A_414 = arith.constant 0 : i32
      %dma_wait3A_415 = arith.constant 0 : i32
      %dma_wait3A_416 = tpu.memref_slice %arg2[%dma_wait3A_414, %dma_wait3A_415] : memref<10000x128xf32, #tpu.memory_space<hbm>> -> memref<25x128xf32, #tpu.memory_space<hbm>>
      tpu.wait_dma2 semaphore(%arg15 : memref<!tpu.dma_semaphore, #tpu.memory_space<semaphore_mem>>) src(%dma_wait3A_416 : memref<25x128xf32, #tpu.memory_space<hbm>>) dst(%dma_wait3A_413 : memref<25x128xf32, #tpu.memory_space<vmem>>)
      %dma_wait3A_417 = arith.constant 0 : i32
      %dma_wait3A_418 = arith.constant 75 : i32
      %dma_wait3A_419 = arith.constant 0 : i32
      %dma_wait3A_420 = tpu.memref_slice %arg11[%dma_wait3A_417, %dma_wait3A_418, %dma_wait3A_419] : memref<2x100x128xf32, #tpu.memory_space<vmem>> -> memref<1x25x128xf32, #tpu.memory_space<vmem>>
      %dma_wait3A_421 = tpu.memref_squeeze %dma_wait3A_420 : memref<1x25x128xf32, #tpu.memory_space<vmem>> -> memref<25x128xf32, #tpu.memory_space<vmem>>
      %dma_wait3A_422 = arith.constant 0 : i32
      %dma_wait3A_423 = arith.constant 0 : i32
      %dma_wait3A_424 = tpu.memref_slice %arg2[%dma_wait3A_422, %dma_wait3A_423] : memref<10000x128xf32, #tpu.memory_space<hbm>> -> memref<25x128xf32, #tpu.memory_space<hbm>>
      %dma_wait3A_425 = arith.constant 75 : i32
      %dma_wait3A_426 = arith.constant 0 : i32
      %dma_wait3A_427 = tpu.memref_slice %arg11[%dma_wait3A_417, %dma_wait3A_425, %dma_wait3A_426] : memref<2x100x128xf32, #tpu.memory_space<vmem>> -> memref<1x25x128xf32, #tpu.memory_space<vmem>>
      %dma_wait3A_428 = tpu.memref_squeeze %dma_wait3A_427 : memref<1x25x128xf32, #tpu.memory_space<vmem>> -> memref<25x128xf32, #tpu.memory_space<vmem>>
      %dma_wait3A_429 = arith.constant 0 : i32
      %dma_wait3A_430 = arith.constant 0 : i32
      %dma_wait3A_431 = tpu.memref_slice %arg2[%dma_wait3A_429, %dma_wait3A_430] : memref<10000x128xf32, #tpu.memory_space<hbm>> -> memref<25x128xf32, #tpu.memory_space<hbm>>
      tpu.wait_dma2 semaphore(%arg15 : memref<!tpu.dma_semaphore, #tpu.memory_space<semaphore_mem>>) src(%dma_wait3A_431 : memref<25x128xf32, #tpu.memory_space<hbm>>) dst(%dma_wait3A_428 : memref<25x128xf32, #tpu.memory_space<vmem>>)
      %dma_wait3A_432 = arith.constant 0 : i32
      %dma_wait3A_433 = arith.constant 75 : i32
      %dma_wait3A_434 = arith.constant 0 : i32
      %dma_wait3A_435 = tpu.memref_slice %arg12[%dma_wait3A_432, %dma_wait3A_433, %dma_wait3A_434] : memref<2x100x128xf32, #tpu.memory_space<vmem>> -> memref<1x25x128xf32, #tpu.memory_space<vmem>>
      %dma_wait3A_436 = tpu.memref_squeeze %dma_wait3A_435 : memref<1x25x128xf32, #tpu.memory_space<vmem>> -> memref<25x128xf32, #tpu.memory_space<vmem>>
      %dma_wait3A_437 = arith.constant 0 : i32
      %dma_wait3A_438 = arith.constant 0 : i32
      %dma_wait3A_439 = tpu.memref_slice %arg2[%dma_wait3A_437, %dma_wait3A_438] : memref<10000x128xf32, #tpu.memory_space<hbm>> -> memref<25x128xf32, #tpu.memory_space<hbm>>
      %dma_wait3A_440 = arith.constant 75 : i32
      %dma_wait3A_441 = arith.constant 0 : i32
      %dma_wait3A_442 = tpu.memref_slice %arg12[%dma_wait3A_432, %dma_wait3A_440, %dma_wait3A_441] : memref<2x100x128xf32, #tpu.memory_space<vmem>> -> memref<1x25x128xf32, #tpu.memory_space<vmem>>
      %dma_wait3A_443 = tpu.memref_squeeze %dma_wait3A_442 : memref<1x25x128xf32, #tpu.memory_space<vmem>> -> memref<25x128xf32, #tpu.memory_space<vmem>>
      %dma_wait3A_444 = arith.constant 0 : i32
      %dma_wait3A_445 = arith.constant 0 : i32
      %dma_wait3A_446 = tpu.memref_slice %arg2[%dma_wait3A_444, %dma_wait3A_445] : memref<10000x128xf32, #tpu.memory_space<hbm>> -> memref<25x128xf32, #tpu.memory_space<hbm>>
      tpu.wait_dma2 semaphore(%arg15 : memref<!tpu.dma_semaphore, #tpu.memory_space<semaphore_mem>>) src(%dma_wait3A_446 : memref<25x128xf32, #tpu.memory_space<hbm>>) dst(%dma_wait3A_443 : memref<25x128xf32, #tpu.memory_space<vmem>>)
      %parallel_loop3A = arith.constant 0 : i32
      %parallel_loop3A_447 = arith.constant 100 : i32
      %parallel_loop3A_448 = arith.constant 1 : i32
      scf.for %parallel_loop3A_698 = %parallel_loop3A to %parallel_loop3A_447 step %parallel_loop3A_448  : i32 {
        %parallel_loop3A_699 = arith.constant 0 : i32
        %parallel_loop3A_700 = arith.index_cast %parallel_loop3A_699 : i32 to index
        %parallel_loop3A_701 = arith.index_cast %parallel_loop3A_698 : i32 to index
        %parallel_loop3A_702 = arith.constant 0 : index
        %parallel_loop3A_703 = tpu.vector_load %arg11[%parallel_loop3A_700, %parallel_loop3A_701, %parallel_loop3A_702] {strides = array<i32>} : memref<2x100x128xf32, #tpu.memory_space<vmem>>, vector<16xf32>,
        %parallel_loop3A_704 = arith.constant 0 : i32
        %parallel_loop3A_705 = arith.index_cast %parallel_loop3A_704 : i32 to index
        %parallel_loop3A_706 = arith.index_cast %parallel_loop3A_698 : i32 to index
        %parallel_loop3A_707 = arith.constant 0 : index
        %parallel_loop3A_708 = tpu.vector_load %arg12[%parallel_loop3A_705, %parallel_loop3A_706, %parallel_loop3A_707] {strides = array<i32>} : memref<2x100x128xf32, #tpu.memory_space<vmem>>, vector<16xf32>,
        %parallel_loop3A_709 = arith.mulf %parallel_loop3A_703, %parallel_loop3A_708 : vector<16xf32>
        %parallel_loop3A_710 = arith.constant 0 : i32
        %parallel_loop3A_711 = arith.index_cast %parallel_loop3A_710 : i32 to index
        %parallel_loop3A_712 = arith.index_cast %parallel_loop3A_698 : i32 to index
        %parallel_loop3A_713 = arith.constant 16 : index
        %parallel_loop3A_714 = tpu.vector_load %arg11[%parallel_loop3A_711, %parallel_loop3A_712, %parallel_loop3A_713] {strides = array<i32>} : memref<2x100x128xf32, #tpu.memory_space<vmem>>, vector<16xf32>,
        %parallel_loop3A_715 = arith.constant 0 : i32
        %parallel_loop3A_716 = arith.index_cast %parallel_loop3A_715 : i32 to index
        %parallel_loop3A_717 = arith.index_cast %parallel_loop3A_698 : i32 to index
        %parallel_loop3A_718 = arith.constant 16 : index
        %parallel_loop3A_719 = tpu.vector_load %arg12[%parallel_loop3A_716, %parallel_loop3A_717, %parallel_loop3A_718] {strides = array<i32>} : memref<2x100x128xf32, #tpu.memory_space<vmem>>, vector<16xf32>,
        %parallel_loop3A_720 = arith.mulf %parallel_loop3A_714, %parallel_loop3A_719 : vector<16xf32>
        %parallel_loop3A_721 = arith.constant 0 : i32
        %parallel_loop3A_722 = arith.index_cast %parallel_loop3A_721 : i32 to index
        %parallel_loop3A_723 = arith.index_cast %parallel_loop3A_698 : i32 to index
        %parallel_loop3A_724 = arith.constant 32 : index
        %parallel_loop3A_725 = tpu.vector_load %arg11[%parallel_loop3A_722, %parallel_loop3A_723, %parallel_loop3A_724] {strides = array<i32>} : memref<2x100x128xf32, #tpu.memory_space<vmem>>, vector<16xf32>,
        %parallel_loop3A_726 = arith.constant 0 : i32
        %parallel_loop3A_727 = arith.index_cast %parallel_loop3A_726 : i32 to index
        %parallel_loop3A_728 = arith.index_cast %parallel_loop3A_698 : i32 to index
        %parallel_loop3A_729 = arith.constant 32 : index
        %parallel_loop3A_730 = tpu.vector_load %arg12[%parallel_loop3A_727, %parallel_loop3A_728, %parallel_loop3A_729] {strides = array<i32>} : memref<2x100x128xf32, #tpu.memory_space<vmem>>, vector<16xf32>,
        %parallel_loop3A_731 = arith.mulf %parallel_loop3A_725, %parallel_loop3A_730 : vector<16xf32>
        %parallel_loop3A_732 = arith.constant 0 : i32
        %parallel_loop3A_733 = arith.index_cast %parallel_loop3A_732 : i32 to index
        %parallel_loop3A_734 = arith.index_cast %parallel_loop3A_698 : i32 to index
        %parallel_loop3A_735 = arith.constant 48 : index
        %parallel_loop3A_736 = tpu.vector_load %arg11[%parallel_loop3A_733, %parallel_loop3A_734, %parallel_loop3A_735] {strides = array<i32>} : memref<2x100x128xf32, #tpu.memory_space<vmem>>, vector<16xf32>,
        %parallel_loop3A_737 = arith.constant 0 : i32
        %parallel_loop3A_738 = arith.index_cast %parallel_loop3A_737 : i32 to index
        %parallel_loop3A_739 = arith.index_cast %parallel_loop3A_698 : i32 to index
        %parallel_loop3A_740 = arith.constant 48 : index
        %parallel_loop3A_741 = tpu.vector_load %arg12[%parallel_loop3A_738, %parallel_loop3A_739, %parallel_loop3A_740] {strides = array<i32>} : memref<2x100x128xf32, #tpu.memory_space<vmem>>, vector<16xf32>,
        %parallel_loop3A_742 = arith.mulf %parallel_loop3A_736, %parallel_loop3A_741 : vector<16xf32>
        %parallel_loop3A_743 = arith.constant 0 : i32
        %parallel_loop3A_744 = arith.index_cast %parallel_loop3A_743 : i32 to index
        %parallel_loop3A_745 = arith.index_cast %parallel_loop3A_698 : i32 to index
        %parallel_loop3A_746 = arith.constant 64 : index
        %parallel_loop3A_747 = tpu.vector_load %arg11[%parallel_loop3A_744, %parallel_loop3A_745, %parallel_loop3A_746] {strides = array<i32>} : memref<2x100x128xf32, #tpu.memory_space<vmem>>, vector<16xf32>,
        %parallel_loop3A_748 = arith.constant 0 : i32
        %parallel_loop3A_749 = arith.index_cast %parallel_loop3A_748 : i32 to index
        %parallel_loop3A_750 = arith.index_cast %parallel_loop3A_698 : i32 to index
        %parallel_loop3A_751 = arith.constant 64 : index
        %parallel_loop3A_752 = tpu.vector_load %arg12[%parallel_loop3A_749, %parallel_loop3A_750, %parallel_loop3A_751] {strides = array<i32>} : memref<2x100x128xf32, #tpu.memory_space<vmem>>, vector<16xf32>,
        %parallel_loop3A_753 = arith.mulf %parallel_loop3A_747, %parallel_loop3A_752 : vector<16xf32>
        %parallel_loop3A_754 = arith.constant 0 : i32
        %parallel_loop3A_755 = arith.index_cast %parallel_loop3A_754 : i32 to index
        %parallel_loop3A_756 = arith.index_cast %parallel_loop3A_698 : i32 to index
        %parallel_loop3A_757 = arith.constant 80 : index
        %parallel_loop3A_758 = tpu.vector_load %arg11[%parallel_loop3A_755, %parallel_loop3A_756, %parallel_loop3A_757] {strides = array<i32>} : memref<2x100x128xf32, #tpu.memory_space<vmem>>, vector<16xf32>,
        %parallel_loop3A_759 = arith.constant 0 : i32
        %parallel_loop3A_760 = arith.index_cast %parallel_loop3A_759 : i32 to index
        %parallel_loop3A_761 = arith.index_cast %parallel_loop3A_698 : i32 to index
        %parallel_loop3A_762 = arith.constant 80 : index
        %parallel_loop3A_763 = tpu.vector_load %arg12[%parallel_loop3A_760, %parallel_loop3A_761, %parallel_loop3A_762] {strides = array<i32>} : memref<2x100x128xf32, #tpu.memory_space<vmem>>, vector<16xf32>,
        %parallel_loop3A_764 = arith.mulf %parallel_loop3A_758, %parallel_loop3A_763 : vector<16xf32>
        %parallel_loop3A_765 = arith.constant 0 : i32
        %parallel_loop3A_766 = arith.index_cast %parallel_loop3A_765 : i32 to index
        %parallel_loop3A_767 = arith.index_cast %parallel_loop3A_698 : i32 to index
        %parallel_loop3A_768 = arith.constant 96 : index
        %parallel_loop3A_769 = tpu.vector_load %arg11[%parallel_loop3A_766, %parallel_loop3A_767, %parallel_loop3A_768] {strides = array<i32>} : memref<2x100x128xf32, #tpu.memory_space<vmem>>, vector<16xf32>,
        %parallel_loop3A_770 = arith.constant 0 : i32
        %parallel_loop3A_771 = arith.index_cast %parallel_loop3A_770 : i32 to index
        %parallel_loop3A_772 = arith.index_cast %parallel_loop3A_698 : i32 to index
        %parallel_loop3A_773 = arith.constant 96 : index
        %parallel_loop3A_774 = tpu.vector_load %arg12[%parallel_loop3A_771, %parallel_loop3A_772, %parallel_loop3A_773] {strides = array<i32>} : memref<2x100x128xf32, #tpu.memory_space<vmem>>, vector<16xf32>,
        %parallel_loop3A_775 = arith.mulf %parallel_loop3A_769, %parallel_loop3A_774 : vector<16xf32>
        %parallel_loop3A_776 = arith.constant 0 : i32
        %parallel_loop3A_777 = arith.index_cast %parallel_loop3A_776 : i32 to index
        %parallel_loop3A_778 = arith.index_cast %parallel_loop3A_698 : i32 to index
        %parallel_loop3A_779 = arith.constant 112 : index
        %parallel_loop3A_780 = tpu.vector_load %arg11[%parallel_loop3A_777, %parallel_loop3A_778, %parallel_loop3A_779] {strides = array<i32>} : memref<2x100x128xf32, #tpu.memory_space<vmem>>, vector<16xf32>,
        %parallel_loop3A_781 = arith.constant 0 : i32
        %parallel_loop3A_782 = arith.index_cast %parallel_loop3A_781 : i32 to index
        %parallel_loop3A_783 = arith.index_cast %parallel_loop3A_698 : i32 to index
        %parallel_loop3A_784 = arith.constant 112 : index
        %parallel_loop3A_785 = tpu.vector_load %arg12[%parallel_loop3A_782, %parallel_loop3A_783, %parallel_loop3A_784] {strides = array<i32>} : memref<2x100x128xf32, #tpu.memory_space<vmem>>, vector<16xf32>,
        %parallel_loop3A_786 = arith.mulf %parallel_loop3A_780, %parallel_loop3A_785 : vector<16xf32>
        %parallel_loop3A_787 = arith.constant 0.000000e+00 : f32
        %parallel_loop3A_788 = vector.broadcast %parallel_loop3A_787 : f32 to vector<16xf32>
        %parallel_loop3A_789 = arith.constant 0 : i32
        %parallel_loop3A_790 = vector.broadcast %parallel_loop3A_789 : i32 to vector<16xi32>
        %parallel_loop3A_791 = arith.cmpi eq, %iota3A, %parallel_loop3A_790 : vector<16xi32>
        %parallel_loop3A_792 = arith.addf %parallel_loop3A_709, %parallel_loop3A_720 : vector<16xf32>
        %parallel_loop3A_793 = arith.constant true
        %parallel_loop3A_794 = vector.broadcast %parallel_loop3A_793 : i1 to vector<16xi1>
        %parallel_loop3A_795 = tpu.scan <sum>, %parallel_loop3A_792 masked %parallel_loop3A_794 : vector<16xf32>, vector<16xi1> -> vector<16xf32>
        %parallel_loop3A_796 = vector.extract %parallel_loop3A_795[15] : f32 from vector<16xf32>
        %parallel_loop3A_797 = vector.broadcast %parallel_loop3A_796 : f32 to vector<16xf32>
        %parallel_loop3A_798 = arith.select %parallel_loop3A_791, %parallel_loop3A_797, %parallel_loop3A_788 : vector<16xi1>, vector<16xf32>
        %parallel_loop3A_799 = arith.constant 1 : i32
        %parallel_loop3A_800 = vector.broadcast %parallel_loop3A_799 : i32 to vector<16xi32>
        %parallel_loop3A_801 = arith.cmpi eq, %iota3A, %parallel_loop3A_800 : vector<16xi32>
        %parallel_loop3A_802 = arith.addf %parallel_loop3A_731, %parallel_loop3A_742 : vector<16xf32>
        %parallel_loop3A_803 = arith.constant true
        %parallel_loop3A_804 = vector.broadcast %parallel_loop3A_803 : i1 to vector<16xi1>
        %parallel_loop3A_805 = tpu.scan <sum>, %parallel_loop3A_802 masked %parallel_loop3A_804 : vector<16xf32>, vector<16xi1> -> vector<16xf32>
        %parallel_loop3A_806 = vector.extract %parallel_loop3A_805[15] : f32 from vector<16xf32>
        %parallel_loop3A_807 = vector.broadcast %parallel_loop3A_806 : f32 to vector<16xf32>
        %parallel_loop3A_808 = arith.select %parallel_loop3A_801, %parallel_loop3A_807, %parallel_loop3A_798 : vector<16xi1>, vector<16xf32>
        %parallel_loop3A_809 = arith.constant 2 : i32
        %parallel_loop3A_810 = vector.broadcast %parallel_loop3A_809 : i32 to vector<16xi32>
        %parallel_loop3A_811 = arith.cmpi eq, %iota3A, %parallel_loop3A_810 : vector<16xi32>
        %parallel_loop3A_812 = arith.addf %parallel_loop3A_753, %parallel_loop3A_764 : vector<16xf32>
        %parallel_loop3A_813 = arith.constant true
        %parallel_loop3A_814 = vector.broadcast %parallel_loop3A_813 : i1 to vector<16xi1>
        %parallel_loop3A_815 = tpu.scan <sum>, %parallel_loop3A_812 masked %parallel_loop3A_814 : vector<16xf32>, vector<16xi1> -> vector<16xf32>
        %parallel_loop3A_816 = vector.extract %parallel_loop3A_815[15] : f32 from vector<16xf32>
        %parallel_loop3A_817 = vector.broadcast %parallel_loop3A_816 : f32 to vector<16xf32>
        %parallel_loop3A_818 = arith.select %parallel_loop3A_811, %parallel_loop3A_817, %parallel_loop3A_808 : vector<16xi1>, vector<16xf32>
        %parallel_loop3A_819 = arith.constant 3 : i32
        %parallel_loop3A_820 = vector.broadcast %parallel_loop3A_819 : i32 to vector<16xi32>
        %parallel_loop3A_821 = arith.cmpi eq, %iota3A, %parallel_loop3A_820 : vector<16xi32>
        %parallel_loop3A_822 = arith.addf %parallel_loop3A_775, %parallel_loop3A_786 : vector<16xf32>
        %parallel_loop3A_823 = arith.constant true
        %parallel_loop3A_824 = vector.broadcast %parallel_loop3A_823 : i1 to vector<16xi1>
        %parallel_loop3A_825 = tpu.scan <sum>, %parallel_loop3A_822 masked %parallel_loop3A_824 : vector<16xf32>, vector<16xi1> -> vector<16xf32>
        %parallel_loop3A_826 = vector.extract %parallel_loop3A_825[15] : f32 from vector<16xf32>
        %parallel_loop3A_827 = vector.broadcast %parallel_loop3A_826 : f32 to vector<16xf32>
        %parallel_loop3A_828 = arith.select %parallel_loop3A_821, %parallel_loop3A_827, %parallel_loop3A_818 : vector<16xi1>, vector<16xf32>
        %parallel_loop3A_829 = arith.constant 4 : i32
        %parallel_loop3A_830 = vector.broadcast %parallel_loop3A_829 : i32 to vector<16xi32>
        %parallel_loop3A_831 = arith.cmpi slt, %iota3A, %parallel_loop3A_830 : vector<16xi32>
        %parallel_loop3A_832 = math.exp %parallel_loop3A_828 : vector<16xf32>
        %parallel_loop3A_833 = arith.constant 0.000000e+00 : f32
        %parallel_loop3A_834 = vector.broadcast %parallel_loop3A_833 : f32 to vector<16xf32>
        %parallel_loop3A_835 = arith.select %parallel_loop3A_831, %parallel_loop3A_832, %parallel_loop3A_834 : vector<16xi1>, vector<16xf32>
        %parallel_loop3A_836 = arith.constant 0 : i32
        %parallel_loop3A_837 = arith.addi %parallel_loop3A_836, %parallel_loop3A_698 : i32
        %parallel_loop3A_838 = arith.index_cast %parallel_loop3A_837 : i32 to index
        %parallel_loop3A_839 = arith.constant 0 : index
        %parallel_loop3A_840 = tpu.vector_load %arg13[%parallel_loop3A_838, %parallel_loop3A_839] {strides = array<i32>} : memref<200x16xf32, #tpu.memory_space<vmem>>, vector<16xf32>,
        tpu.vector_store %arg13[%parallel_loop3A_838, %parallel_loop3A_839], %parallel_loop3A_835 {strides = array<i32>} : memref<200x16xf32, #tpu.memory_space<vmem>>, vector<16xf32>,
      } {sc.loop_unroll_factor = 4 : i64, sc.parallel_access}
      %mul3A_449 = arith.constant 4 : i32
      %mul3A_450 = arith.muli %mul3A_216, %mul3A_449 : i32
      %add3A_451 = arith.constant 0 : i32
      %add3A_452 = arith.addi %mul3A_450, %add3A_451 : i32
      %dma_start3A_453 = arith.constant 0 : i32
      %dma_start3A_454 = arith.constant 0 : i32
      %dma_start3A_455 = tpu.memref_slice %arg13[%dma_start3A_453, %dma_start3A_454] : memref<200x16xf32, #tpu.memory_space<vmem>> -> memref<25x16xf32, #tpu.memory_space<vmem>>
      %dma_start3A_456 = arith.constant 0 : i32
      %dma_start3A_457 = tpu.memref_slice %arg9[%add3A_452, %dma_start3A_456] : memref<400x25xi32, #tpu.memory_space<vmem>> -> memref<1x25xi32, #tpu.memory_space<vmem>>
      %dma_start3A_458 = tpu.memref_squeeze %dma_start3A_457 : memref<1x25xi32, #tpu.memory_space<vmem>> -> memref<25xi32, #tpu.memory_space<vmem>>
      %dma_start3A_459 = arith.constant 0 : i32
      %dma_start3A_460 = arith.constant 0 : i32
      %dma_start3A_461 = tpu.memref_slice %arg14[%dma_start3A_459, %dma_start3A_460] : memref<10000x16xf32, #tpu.memory_space<vmem_shared>> -> memref<10000x16xf32, #tpu.memory_space<vmem_shared>>
      tpu.enqueue_indirect_dma source(%dma_start3A_455 : memref<25x16xf32, #tpu.memory_space<vmem>>) target(%dma_start3A_461 : memref<10000x16xf32, #tpu.memory_space<vmem_shared>>) offsets(%dma_start3A_458 : memref<25xi32, #tpu.memory_space<vmem>>) semaphore(%arg17 : memref<!tpu.dma_semaphore, #tpu.memory_space<semaphore_mem>>) {add = true}
      %mul3A_462 = arith.constant 4 : i32
      %mul3A_463 = arith.muli %mul3A_216, %mul3A_462 : i32
      %add3A_464 = arith.constant 1 : i32
      %add3A_465 = arith.addi %mul3A_463, %add3A_464 : i32
      %dma_start3A_466 = arith.constant 25 : i32
      %dma_start3A_467 = arith.constant 0 : i32
      %dma_start3A_468 = tpu.memref_slice %arg13[%dma_start3A_466, %dma_start3A_467] : memref<200x16xf32, #tpu.memory_space<vmem>> -> memref<25x16xf32, #tpu.memory_space<vmem>>
      %dma_start3A_469 = arith.constant 0 : i32
      %dma_start3A_470 = tpu.memref_slice %arg9[%add3A_465, %dma_start3A_469] : memref<400x25xi32, #tpu.memory_space<vmem>> -> memref<1x25xi32, #tpu.memory_space<vmem>>
      %dma_start3A_471 = tpu.memref_squeeze %dma_start3A_470 : memref<1x25xi32, #tpu.memory_space<vmem>> -> memref<25xi32, #tpu.memory_space<vmem>>
      %dma_start3A_472 = arith.constant 0 : i32
      %dma_start3A_473 = arith.constant 0 : i32
      %dma_start3A_474 = tpu.memref_slice %arg14[%dma_start3A_472, %dma_start3A_473] : memref<10000x16xf32, #tpu.memory_space<vmem_shared>> -> memref<10000x16xf32, #tpu.memory_space<vmem_shared>>
      tpu.enqueue_indirect_dma source(%dma_start3A_468 : memref<25x16xf32, #tpu.memory_space<vmem>>) target(%dma_start3A_474 : memref<10000x16xf32, #tpu.memory_space<vmem_shared>>) offsets(%dma_start3A_471 : memref<25xi32, #tpu.memory_space<vmem>>) semaphore(%arg17 : memref<!tpu.dma_semaphore, #tpu.memory_space<semaphore_mem>>) {add = true}
      %mul3A_475 = arith.constant 4 : i32
      %mul3A_476 = arith.muli %mul3A_216, %mul3A_475 : i32
      %add3A_477 = arith.constant 2 : i32
      %add3A_478 = arith.addi %mul3A_476, %add3A_477 : i32
      %dma_start3A_479 = arith.constant 50 : i32
      %dma_start3A_480 = arith.constant 0 : i32
      %dma_start3A_481 = tpu.memref_slice %arg13[%dma_start3A_479, %dma_start3A_480] : memref<200x16xf32, #tpu.memory_space<vmem>> -> memref<25x16xf32, #tpu.memory_space<vmem>>
      %dma_start3A_482 = arith.constant 0 : i32
      %dma_start3A_483 = tpu.memref_slice %arg9[%add3A_478, %dma_start3A_482] : memref<400x25xi32, #tpu.memory_space<vmem>> -> memref<1x25xi32, #tpu.memory_space<vmem>>
      %dma_start3A_484 = tpu.memref_squeeze %dma_start3A_483 : memref<1x25xi32, #tpu.memory_space<vmem>> -> memref<25xi32, #tpu.memory_space<vmem>>
      %dma_start3A_485 = arith.constant 0 : i32
      %dma_start3A_486 = arith.constant 0 : i32
      %dma_start3A_487 = tpu.memref_slice %arg14[%dma_start3A_485, %dma_start3A_486] : memref<10000x16xf32, #tpu.memory_space<vmem_shared>> -> memref<10000x16xf32, #tpu.memory_space<vmem_shared>>
      tpu.enqueue_indirect_dma source(%dma_start3A_481 : memref<25x16xf32, #tpu.memory_space<vmem>>) target(%dma_start3A_487 : memref<10000x16xf32, #tpu.memory_space<vmem_shared>>) offsets(%dma_start3A_484 : memref<25xi32, #tpu.memory_space<vmem>>) semaphore(%arg17 : memref<!tpu.dma_semaphore, #tpu.memory_space<semaphore_mem>>) {add = true}
      %mul3A_488 = arith.constant 4 : i32
      %mul3A_489 = arith.muli %mul3A_216, %mul3A_488 : i32
      %add3A_490 = arith.constant 3 : i32
      %add3A_491 = arith.addi %mul3A_489, %add3A_490 : i32
      %dma_start3A_492 = arith.constant 75 : i32
      %dma_start3A_493 = arith.constant 0 : i32
      %dma_start3A_494 = tpu.memref_slice %arg13[%dma_start3A_492, %dma_start3A_493] : memref<200x16xf32, #tpu.memory_space<vmem>> -> memref<25x16xf32, #tpu.memory_space<vmem>>
      %dma_start3A_495 = arith.constant 0 : i32
      %dma_start3A_496 = tpu.memref_slice %arg9[%add3A_491, %dma_start3A_495] : memref<400x25xi32, #tpu.memory_space<vmem>> -> memref<1x25xi32, #tpu.memory_space<vmem>>
      %dma_start3A_497 = tpu.memref_squeeze %dma_start3A_496 : memref<1x25xi32, #tpu.memory_space<vmem>> -> memref<25xi32, #tpu.memory_space<vmem>>
      %dma_start3A_498 = arith.constant 0 : i32
      %dma_start3A_499 = arith.constant 0 : i32
      %dma_start3A_500 = tpu.memref_slice %arg14[%dma_start3A_498, %dma_start3A_499] : memref<10000x16xf32, #tpu.memory_space<vmem_shared>> -> memref<10000x16xf32, #tpu.memory_space<vmem_shared>>
      tpu.enqueue_indirect_dma source(%dma_start3A_494 : memref<25x16xf32, #tpu.memory_space<vmem>>) target(%dma_start3A_500 : memref<10000x16xf32, #tpu.memory_space<vmem_shared>>) offsets(%dma_start3A_497 : memref<25xi32, #tpu.memory_space<vmem>>) semaphore(%arg17 : memref<!tpu.dma_semaphore, #tpu.memory_space<semaphore_mem>>) {add = true}
      %le3A = arith.constant 48 : i32
      %le3A_501 = arith.cmpi sle, %scan3A_214, %le3A : i32
      %convert_element_type3A_502 = arith.extui %le3A_501 : i1 to i32
      %cond3A_503 = arith.constant 0 : i32
      %cond3A_504 = arith.cmpi ne, %convert_element_type3A_502, %cond3A_503 : i32
      scf.if %cond3A_504 {
        %add3A_698 = arith.constant 2 : i32
        %add3A_699 = arith.addi %mul3A_216, %add3A_698 : i32
        %mul3A_700 = arith.constant 4 : i32
        %mul3A_701 = arith.muli %add3A_699, %mul3A_700 : i32
        %add3A_702 = arith.constant 0 : i32
        %add3A_703 = arith.addi %mul3A_701, %add3A_702 : i32
        %dma_start3A_704 = arith.constant 0 : i32
        %dma_start3A_705 = arith.constant 0 : i32
        %dma_start3A_706 = arith.constant 0 : i32
        %dma_start3A_707 = tpu.memref_slice %arg11[%dma_start3A_704, %dma_start3A_705, %dma_start3A_706] : memref<2x100x128xf32, #tpu.memory_space<vmem>> -> memref<1x25x128xf32, #tpu.memory_space<vmem>>
        %dma_start3A_708 = tpu.memref_squeeze %dma_start3A_707 : memref<1x25x128xf32, #tpu.memory_space<vmem>> -> memref<25x128xf32, #tpu.memory_space<vmem>>
        %dma_start3A_709 = arith.constant 0 : i32
        %dma_start3A_710 = tpu.memref_slice %arg9[%add3A_703, %dma_start3A_709] : memref<400x25xi32, #tpu.memory_space<vmem>> -> memref<1x25xi32, #tpu.memory_space<vmem>>
        %dma_start3A_711 = tpu.memref_squeeze %dma_start3A_710 : memref<1x25xi32, #tpu.memory_space<vmem>> -> memref<25xi32, #tpu.memory_space<vmem>>
        %dma_start3A_712 = arith.constant 0 : i32
        %dma_start3A_713 = arith.constant 0 : i32
        %dma_start3A_714 = tpu.memref_slice %arg2[%dma_start3A_712, %dma_start3A_713] : memref<10000x128xf32, #tpu.memory_space<hbm>> -> memref<10000x128xf32, #tpu.memory_space<hbm>>
        tpu.enqueue_indirect_dma source(%dma_start3A_714 : memref<10000x128xf32, #tpu.memory_space<hbm>>) target(%dma_start3A_708 : memref<25x128xf32, #tpu.memory_space<vmem>>) offsets(%dma_start3A_711 : memref<25xi32, #tpu.memory_space<vmem>>) semaphore(%arg15 : memref<!tpu.dma_semaphore, #tpu.memory_space<semaphore_mem>>)
        %dma_start3A_715 = arith.constant 0 : i32
        %dma_start3A_716 = arith.constant 0 : i32
        %dma_start3A_717 = arith.constant 0 : i32
        %dma_start3A_718 = tpu.memref_slice %arg12[%dma_start3A_715, %dma_start3A_716, %dma_start3A_717] : memref<2x100x128xf32, #tpu.memory_space<vmem>> -> memref<1x25x128xf32, #tpu.memory_space<vmem>>
        %dma_start3A_719 = tpu.memref_squeeze %dma_start3A_718 : memref<1x25x128xf32, #tpu.memory_space<vmem>> -> memref<25x128xf32, #tpu.memory_space<vmem>>
        %dma_start3A_720 = arith.constant 0 : i32
        %dma_start3A_721 = tpu.memref_slice %arg10[%add3A_703, %dma_start3A_720] : memref<400x25xi32, #tpu.memory_space<vmem>> -> memref<1x25xi32, #tpu.memory_space<vmem>>
        %dma_start3A_722 = tpu.memref_squeeze %dma_start3A_721 : memref<1x25xi32, #tpu.memory_space<vmem>> -> memref<25xi32, #tpu.memory_space<vmem>>
        %dma_start3A_723 = arith.constant 0 : i32
        %dma_start3A_724 = arith.constant 0 : i32
        %dma_start3A_725 = tpu.memref_slice %arg3[%dma_start3A_723, %dma_start3A_724] : memref<10000x128xf32, #tpu.memory_space<hbm>> -> memref<10000x128xf32, #tpu.memory_space<hbm>>
        tpu.enqueue_indirect_dma source(%dma_start3A_725 : memref<10000x128xf32, #tpu.memory_space<hbm>>) target(%dma_start3A_719 : memref<25x128xf32, #tpu.memory_space<vmem>>) offsets(%dma_start3A_722 : memref<25xi32, #tpu.memory_space<vmem>>) semaphore(%arg15 : memref<!tpu.dma_semaphore, #tpu.memory_space<semaphore_mem>>)
        %mul3A_726 = arith.constant 4 : i32
        %mul3A_727 = arith.muli %add3A_699, %mul3A_726 : i32
        %add3A_728 = arith.constant 1 : i32
        %add3A_729 = arith.addi %mul3A_727, %add3A_728 : i32
        %dma_start3A_730 = arith.constant 0 : i32
        %dma_start3A_731 = arith.constant 25 : i32
        %dma_start3A_732 = arith.constant 0 : i32
        %dma_start3A_733 = tpu.memref_slice %arg11[%dma_start3A_730, %dma_start3A_731, %dma_start3A_732] : memref<2x100x128xf32, #tpu.memory_space<vmem>> -> memref<1x25x128xf32, #tpu.memory_space<vmem>>
        %dma_start3A_734 = tpu.memref_squeeze %dma_start3A_733 : memref<1x25x128xf32, #tpu.memory_space<vmem>> -> memref<25x128xf32, #tpu.memory_space<vmem>>
        %dma_start3A_735 = arith.constant 0 : i32
        %dma_start3A_736 = tpu.memref_slice %arg9[%add3A_729, %dma_start3A_735] : memref<400x25xi32, #tpu.memory_space<vmem>> -> memref<1x25xi32, #tpu.memory_space<vmem>>
        %dma_start3A_737 = tpu.memref_squeeze %dma_start3A_736 : memref<1x25xi32, #tpu.memory_space<vmem>> -> memref<25xi32, #tpu.memory_space<vmem>>
        %dma_start3A_738 = arith.constant 0 : i32
        %dma_start3A_739 = arith.constant 0 : i32
        %dma_start3A_740 = tpu.memref_slice %arg2[%dma_start3A_738, %dma_start3A_739] : memref<10000x128xf32, #tpu.memory_space<hbm>> -> memref<10000x128xf32, #tpu.memory_space<hbm>>
        tpu.enqueue_indirect_dma source(%dma_start3A_740 : memref<10000x128xf32, #tpu.memory_space<hbm>>) target(%dma_start3A_734 : memref<25x128xf32, #tpu.memory_space<vmem>>) offsets(%dma_start3A_737 : memref<25xi32, #tpu.memory_space<vmem>>) semaphore(%arg15 : memref<!tpu.dma_semaphore, #tpu.memory_space<semaphore_mem>>)
        %dma_start3A_741 = arith.constant 0 : i32
        %dma_start3A_742 = arith.constant 25 : i32
        %dma_start3A_743 = arith.constant 0 : i32
        %dma_start3A_744 = tpu.memref_slice %arg12[%dma_start3A_741, %dma_start3A_742, %dma_start3A_743] : memref<2x100x128xf32, #tpu.memory_space<vmem>> -> memref<1x25x128xf32, #tpu.memory_space<vmem>>
        %dma_start3A_745 = tpu.memref_squeeze %dma_start3A_744 : memref<1x25x128xf32, #tpu.memory_space<vmem>> -> memref<25x128xf32, #tpu.memory_space<vmem>>
        %dma_start3A_746 = arith.constant 0 : i32
        %dma_start3A_747 = tpu.memref_slice %arg10[%add3A_729, %dma_start3A_746] : memref<400x25xi32, #tpu.memory_space<vmem>> -> memref<1x25xi32, #tpu.memory_space<vmem>>
        %dma_start3A_748 = tpu.memref_squeeze %dma_start3A_747 : memref<1x25xi32, #tpu.memory_space<vmem>> -> memref<25xi32, #tpu.memory_space<vmem>>
        %dma_start3A_749 = arith.constant 0 : i32
        %dma_start3A_750 = arith.constant 0 : i32
        %dma_start3A_751 = tpu.memref_slice %arg3[%dma_start3A_749, %dma_start3A_750] : memref<10000x128xf32, #tpu.memory_space<hbm>> -> memref<10000x128xf32, #tpu.memory_space<hbm>>
        tpu.enqueue_indirect_dma source(%dma_start3A_751 : memref<10000x128xf32, #tpu.memory_space<hbm>>) target(%dma_start3A_745 : memref<25x128xf32, #tpu.memory_space<vmem>>) offsets(%dma_start3A_748 : memref<25xi32, #tpu.memory_space<vmem>>) semaphore(%arg15 : memref<!tpu.dma_semaphore, #tpu.memory_space<semaphore_mem>>)
        %mul3A_752 = arith.constant 4 : i32
        %mul3A_753 = arith.muli %add3A_699, %mul3A_752 : i32
        %add3A_754 = arith.constant 2 : i32
        %add3A_755 = arith.addi %mul3A_753, %add3A_754 : i32
        %dma_start3A_756 = arith.constant 0 : i32
        %dma_start3A_757 = arith.constant 50 : i32
        %dma_start3A_758 = arith.constant 0 : i32
        %dma_start3A_759 = tpu.memref_slice %arg11[%dma_start3A_756, %dma_start3A_757, %dma_start3A_758] : memref<2x100x128xf32, #tpu.memory_space<vmem>> -> memref<1x25x128xf32, #tpu.memory_space<vmem>>
        %dma_start3A_760 = tpu.memref_squeeze %dma_start3A_759 : memref<1x25x128xf32, #tpu.memory_space<vmem>> -> memref<25x128xf32, #tpu.memory_space<vmem>>
        %dma_start3A_761 = arith.constant 0 : i32
        %dma_start3A_762 = tpu.memref_slice %arg9[%add3A_755, %dma_start3A_761] : memref<400x25xi32, #tpu.memory_space<vmem>> -> memref<1x25xi32, #tpu.memory_space<vmem>>
        %dma_start3A_763 = tpu.memref_squeeze %dma_start3A_762 : memref<1x25xi32, #tpu.memory_space<vmem>> -> memref<25xi32, #tpu.memory_space<vmem>>
        %dma_start3A_764 = arith.constant 0 : i32
        %dma_start3A_765 = arith.constant 0 : i32
        %dma_start3A_766 = tpu.memref_slice %arg2[%dma_start3A_764, %dma_start3A_765] : memref<10000x128xf32, #tpu.memory_space<hbm>> -> memref<10000x128xf32, #tpu.memory_space<hbm>>
        tpu.enqueue_indirect_dma source(%dma_start3A_766 : memref<10000x128xf32, #tpu.memory_space<hbm>>) target(%dma_start3A_760 : memref<25x128xf32, #tpu.memory_space<vmem>>) offsets(%dma_start3A_763 : memref<25xi32, #tpu.memory_space<vmem>>) semaphore(%arg15 : memref<!tpu.dma_semaphore, #tpu.memory_space<semaphore_mem>>)
        %dma_start3A_767 = arith.constant 0 : i32
        %dma_start3A_768 = arith.constant 50 : i32
        %dma_start3A_769 = arith.constant 0 : i32
        %dma_start3A_770 = tpu.memref_slice %arg12[%dma_start3A_767, %dma_start3A_768, %dma_start3A_769] : memref<2x100x128xf32, #tpu.memory_space<vmem>> -> memref<1x25x128xf32, #tpu.memory_space<vmem>>
        %dma_start3A_771 = tpu.memref_squeeze %dma_start3A_770 : memref<1x25x128xf32, #tpu.memory_space<vmem>> -> memref<25x128xf32, #tpu.memory_space<vmem>>
        %dma_start3A_772 = arith.constant 0 : i32
        %dma_start3A_773 = tpu.memref_slice %arg10[%add3A_755, %dma_start3A_772] : memref<400x25xi32, #tpu.memory_space<vmem>> -> memref<1x25xi32, #tpu.memory_space<vmem>>
        %dma_start3A_774 = tpu.memref_squeeze %dma_start3A_773 : memref<1x25xi32, #tpu.memory_space<vmem>> -> memref<25xi32, #tpu.memory_space<vmem>>
        %dma_start3A_775 = arith.constant 0 : i32
        %dma_start3A_776 = arith.constant 0 : i32
        %dma_start3A_777 = tpu.memref_slice %arg3[%dma_start3A_775, %dma_start3A_776] : memref<10000x128xf32, #tpu.memory_space<hbm>> -> memref<10000x128xf32, #tpu.memory_space<hbm>>
        tpu.enqueue_indirect_dma source(%dma_start3A_777 : memref<10000x128xf32, #tpu.memory_space<hbm>>) target(%dma_start3A_771 : memref<25x128xf32, #tpu.memory_space<vmem>>) offsets(%dma_start3A_774 : memref<25xi32, #tpu.memory_space<vmem>>) semaphore(%arg15 : memref<!tpu.dma_semaphore, #tpu.memory_space<semaphore_mem>>)
        %mul3A_778 = arith.constant 4 : i32
        %mul3A_779 = arith.muli %add3A_699, %mul3A_778 : i32
        %add3A_780 = arith.constant 3 : i32
        %add3A_781 = arith.addi %mul3A_779, %add3A_780 : i32
        %dma_start3A_782 = arith.constant 0 : i32
        %dma_start3A_783 = arith.constant 75 : i32
        %dma_start3A_784 = arith.constant 0 : i32
        %dma_start3A_785 = tpu.memref_slice %arg11[%dma_start3A_782, %dma_start3A_783, %dma_start3A_784] : memref<2x100x128xf32, #tpu.memory_space<vmem>> -> memref<1x25x128xf32, #tpu.memory_space<vmem>>
        %dma_start3A_786 = tpu.memref_squeeze %dma_start3A_785 : memref<1x25x128xf32, #tpu.memory_space<vmem>> -> memref<25x128xf32, #tpu.memory_space<vmem>>
        %dma_start3A_787 = arith.constant 0 : i32
        %dma_start3A_788 = tpu.memref_slice %arg9[%add3A_781, %dma_start3A_787] : memref<400x25xi32, #tpu.memory_space<vmem>> -> memref<1x25xi32, #tpu.memory_space<vmem>>
        %dma_start3A_789 = tpu.memref_squeeze %dma_start3A_788 : memref<1x25xi32, #tpu.memory_space<vmem>> -> memref<25xi32, #tpu.memory_space<vmem>>
        %dma_start3A_790 = arith.constant 0 : i32
        %dma_start3A_791 = arith.constant 0 : i32
        %dma_start3A_792 = tpu.memref_slice %arg2[%dma_start3A_790, %dma_start3A_791] : memref<10000x128xf32, #tpu.memory_space<hbm>> -> memref<10000x128xf32, #tpu.memory_space<hbm>>
        tpu.enqueue_indirect_dma source(%dma_start3A_792 : memref<10000x128xf32, #tpu.memory_space<hbm>>) target(%dma_start3A_786 : memref<25x128xf32, #tpu.memory_space<vmem>>) offsets(%dma_start3A_789 : memref<25xi32, #tpu.memory_space<vmem>>) semaphore(%arg15 : memref<!tpu.dma_semaphore, #tpu.memory_space<semaphore_mem>>)
        %dma_start3A_793 = arith.constant 0 : i32
        %dma_start3A_794 = arith.constant 75 : i32
        %dma_start3A_795 = arith.constant 0 : i32
        %dma_start3A_796 = tpu.memref_slice %arg12[%dma_start3A_793, %dma_start3A_794, %dma_start3A_795] : memref<2x100x128xf32, #tpu.memory_space<vmem>> -> memref<1x25x128xf32, #tpu.memory_space<vmem>>
        %dma_start3A_797 = tpu.memref_squeeze %dma_start3A_796 : memref<1x25x128xf32, #tpu.memory_space<vmem>> -> memref<25x128xf32, #tpu.memory_space<vmem>>
        %dma_start3A_798 = arith.constant 0 : i32
        %dma_start3A_799 = tpu.memref_slice %arg10[%add3A_781, %dma_start3A_798] : memref<400x25xi32, #tpu.memory_space<vmem>> -> memref<1x25xi32, #tpu.memory_space<vmem>>
        %dma_start3A_800 = tpu.memref_squeeze %dma_start3A_799 : memref<1x25xi32, #tpu.memory_space<vmem>> -> memref<25xi32, #tpu.memory_space<vmem>>
        %dma_start3A_801 = arith.constant 0 : i32
        %dma_start3A_802 = arith.constant 0 : i32
        %dma_start3A_803 = tpu.memref_slice %arg3[%dma_start3A_801, %dma_start3A_802] : memref<10000x128xf32, #tpu.memory_space<hbm>> -> memref<10000x128xf32, #tpu.memory_space<hbm>>
        tpu.enqueue_indirect_dma source(%dma_start3A_803 : memref<10000x128xf32, #tpu.memory_space<hbm>>) target(%dma_start3A_797 : memref<25x128xf32, #tpu.memory_space<vmem>>) offsets(%dma_start3A_800 : memref<25xi32, #tpu.memory_space<vmem>>) semaphore(%arg15 : memref<!tpu.dma_semaphore, #tpu.memory_space<semaphore_mem>>)
      } else {
      }
      %ge3A_505 = arith.constant 1 : i32
      %ge3A_506 = arith.cmpi sge, %scan3A_214, %ge3A_505 : i32
      %convert_element_type3A_507 = arith.extui %ge3A_506 : i1 to i32
      %cond3A_508 = arith.constant 0 : i32
      %cond3A_509 = arith.cmpi ne, %convert_element_type3A_507, %cond3A_508 : i32
      scf.if %cond3A_509 {
        %dma_wait3A_698 = arith.constant 100 : i32
        %dma_wait3A_699 = arith.constant 0 : i32
        %dma_wait3A_700 = tpu.memref_slice %arg13[%dma_wait3A_698, %dma_wait3A_699] : memref<200x16xf32, #tpu.memory_space<vmem>> -> memref<25x16xf32, #tpu.memory_space<vmem>>
        %dma_wait3A_701 = arith.constant 0 : i32
        %dma_wait3A_702 = arith.constant 0 : i32
        %dma_wait3A_703 = tpu.memref_slice %arg7[%dma_wait3A_701, %dma_wait3A_702] : memref<320000x16xf32, #tpu.memory_space<hbm>> -> memref<25x16xf32, #tpu.memory_space<hbm>>
        %dma_wait3A_704 = arith.constant 100 : i32
        %dma_wait3A_705 = arith.constant 0 : i32
        %dma_wait3A_706 = tpu.memref_slice %arg13[%dma_wait3A_704, %dma_wait3A_705] : memref<200x16xf32, #tpu.memory_space<vmem>> -> memref<25x16xf32, #tpu.memory_space<vmem>>
        %dma_wait3A_707 = arith.constant 0 : i32
        %dma_wait3A_708 = arith.constant 0 : i32
        %dma_wait3A_709 = tpu.memref_slice %arg7[%dma_wait3A_707, %dma_wait3A_708] : memref<320000x16xf32, #tpu.memory_space<hbm>> -> memref<25x16xf32, #tpu.memory_space<hbm>>
        tpu.wait_dma2 semaphore(%arg18 : memref<!tpu.dma_semaphore, #tpu.memory_space<semaphore_mem>>) src(%dma_wait3A_709 : memref<25x16xf32, #tpu.memory_space<hbm>>) dst(%dma_wait3A_706 : memref<25x16xf32, #tpu.memory_space<vmem>>)
        %dma_wait3A_710 = arith.constant 125 : i32
        %dma_wait3A_711 = arith.constant 0 : i32
        %dma_wait3A_712 = tpu.memref_slice %arg13[%dma_wait3A_710, %dma_wait3A_711] : memref<200x16xf32, #tpu.memory_space<vmem>> -> memref<25x16xf32, #tpu.memory_space<vmem>>
        %dma_wait3A_713 = arith.constant 0 : i32
        %dma_wait3A_714 = arith.constant 0 : i32
        %dma_wait3A_715 = tpu.memref_slice %arg7[%dma_wait3A_713, %dma_wait3A_714] : memref<320000x16xf32, #tpu.memory_space<hbm>> -> memref<25x16xf32, #tpu.memory_space<hbm>>
        %dma_wait3A_716 = arith.constant 125 : i32
        %dma_wait3A_717 = arith.constant 0 : i32
        %dma_wait3A_718 = tpu.memref_slice %arg13[%dma_wait3A_716, %dma_wait3A_717] : memref<200x16xf32, #tpu.memory_space<vmem>> -> memref<25x16xf32, #tpu.memory_space<vmem>>
        %dma_wait3A_719 = arith.constant 0 : i32
        %dma_wait3A_720 = arith.constant 0 : i32
        %dma_wait3A_721 = tpu.memref_slice %arg7[%dma_wait3A_719, %dma_wait3A_720] : memref<320000x16xf32, #tpu.memory_space<hbm>> -> memref<25x16xf32, #tpu.memory_space<hbm>>
        tpu.wait_dma2 semaphore(%arg18 : memref<!tpu.dma_semaphore, #tpu.memory_space<semaphore_mem>>) src(%dma_wait3A_721 : memref<25x16xf32, #tpu.memory_space<hbm>>) dst(%dma_wait3A_718 : memref<25x16xf32, #tpu.memory_space<vmem>>)
        %dma_wait3A_722 = arith.constant 150 : i32
        %dma_wait3A_723 = arith.constant 0 : i32
        %dma_wait3A_724 = tpu.memref_slice %arg13[%dma_wait3A_722, %dma_wait3A_723] : memref<200x16xf32, #tpu.memory_space<vmem>> -> memref<25x16xf32, #tpu.memory_space<vmem>>
        %dma_wait3A_725 = arith.constant 0 : i32
        %dma_wait3A_726 = arith.constant 0 : i32
        %dma_wait3A_727 = tpu.memref_slice %arg7[%dma_wait3A_725, %dma_wait3A_726] : memref<320000x16xf32, #tpu.memory_space<hbm>> -> memref<25x16xf32, #tpu.memory_space<hbm>>
        %dma_wait3A_728 = arith.constant 150 : i32
        %dma_wait3A_729 = arith.constant 0 : i32
        %dma_wait3A_730 = tpu.memref_slice %arg13[%dma_wait3A_728, %dma_wait3A_729] : memref<200x16xf32, #tpu.memory_space<vmem>> -> memref<25x16xf32, #tpu.memory_space<vmem>>
        %dma_wait3A_731 = arith.constant 0 : i32
        %dma_wait3A_732 = arith.constant 0 : i32
        %dma_wait3A_733 = tpu.memref_slice %arg7[%dma_wait3A_731, %dma_wait3A_732] : memref<320000x16xf32, #tpu.memory_space<hbm>> -> memref<25x16xf32, #tpu.memory_space<hbm>>
        tpu.wait_dma2 semaphore(%arg18 : memref<!tpu.dma_semaphore, #tpu.memory_space<semaphore_mem>>) src(%dma_wait3A_733 : memref<25x16xf32, #tpu.memory_space<hbm>>) dst(%dma_wait3A_730 : memref<25x16xf32, #tpu.memory_space<vmem>>)
        %dma_wait3A_734 = arith.constant 175 : i32
        %dma_wait3A_735 = arith.constant 0 : i32
        %dma_wait3A_736 = tpu.memref_slice %arg13[%dma_wait3A_734, %dma_wait3A_735] : memref<200x16xf32, #tpu.memory_space<vmem>> -> memref<25x16xf32, #tpu.memory_space<vmem>>
        %dma_wait3A_737 = arith.constant 0 : i32
        %dma_wait3A_738 = arith.constant 0 : i32
        %dma_wait3A_739 = tpu.memref_slice %arg7[%dma_wait3A_737, %dma_wait3A_738] : memref<320000x16xf32, #tpu.memory_space<hbm>> -> memref<25x16xf32, #tpu.memory_space<hbm>>
        %dma_wait3A_740 = arith.constant 175 : i32
        %dma_wait3A_741 = arith.constant 0 : i32
        %dma_wait3A_742 = tpu.memref_slice %arg13[%dma_wait3A_740, %dma_wait3A_741] : memref<200x16xf32, #tpu.memory_space<vmem>> -> memref<25x16xf32, #tpu.memory_space<vmem>>
        %dma_wait3A_743 = arith.constant 0 : i32
        %dma_wait3A_744 = arith.constant 0 : i32
        %dma_wait3A_745 = tpu.memref_slice %arg7[%dma_wait3A_743, %dma_wait3A_744] : memref<320000x16xf32, #tpu.memory_space<hbm>> -> memref<25x16xf32, #tpu.memory_space<hbm>>
        tpu.wait_dma2 semaphore(%arg18 : memref<!tpu.dma_semaphore, #tpu.memory_space<semaphore_mem>>) src(%dma_wait3A_745 : memref<25x16xf32, #tpu.memory_space<hbm>>) dst(%dma_wait3A_742 : memref<25x16xf32, #tpu.memory_space<vmem>>)
      } else {
      }
      %dma_wait3A_510 = arith.constant 1 : i32
      %dma_wait3A_511 = arith.constant 0 : i32
      %dma_wait3A_512 = arith.constant 0 : i32
      %dma_wait3A_513 = tpu.memref_slice %arg11[%dma_wait3A_510, %dma_wait3A_511, %dma_wait3A_512] : memref<2x100x128xf32, #tpu.memory_space<vmem>> -> memref<1x25x128xf32, #tpu.memory_space<vmem>>
      %dma_wait3A_514 = tpu.memref_squeeze %dma_wait3A_513 : memref<1x25x128xf32, #tpu.memory_space<vmem>> -> memref<25x128xf32, #tpu.memory_space<vmem>>
      %dma_wait3A_515 = arith.constant 0 : i32
      %dma_wait3A_516 = arith.constant 0 : i32
      %dma_wait3A_517 = tpu.memref_slice %arg2[%dma_wait3A_515, %dma_wait3A_516] : memref<10000x128xf32, #tpu.memory_space<hbm>> -> memref<25x128xf32, #tpu.memory_space<hbm>>
      %dma_wait3A_518 = arith.constant 0 : i32
      %dma_wait3A_519 = arith.constant 0 : i32
      %dma_wait3A_520 = tpu.memref_slice %arg11[%dma_wait3A_510, %dma_wait3A_518, %dma_wait3A_519] : memref<2x100x128xf32, #tpu.memory_space<vmem>> -> memref<1x25x128xf32, #tpu.memory_space<vmem>>
      %dma_wait3A_521 = tpu.memref_squeeze %dma_wait3A_520 : memref<1x25x128xf32, #tpu.memory_space<vmem>> -> memref<25x128xf32, #tpu.memory_space<vmem>>
      %dma_wait3A_522 = arith.constant 0 : i32
      %dma_wait3A_523 = arith.constant 0 : i32
      %dma_wait3A_524 = tpu.memref_slice %arg2[%dma_wait3A_522, %dma_wait3A_523] : memref<10000x128xf32, #tpu.memory_space<hbm>> -> memref<25x128xf32, #tpu.memory_space<hbm>>
      tpu.wait_dma2 semaphore(%arg16 : memref<!tpu.dma_semaphore, #tpu.memory_space<semaphore_mem>>) src(%dma_wait3A_524 : memref<25x128xf32, #tpu.memory_space<hbm>>) dst(%dma_wait3A_521 : memref<25x128xf32, #tpu.memory_space<vmem>>)
      %dma_wait3A_525 = arith.constant 1 : i32
      %dma_wait3A_526 = arith.constant 0 : i32
      %dma_wait3A_527 = arith.constant 0 : i32
      %dma_wait3A_528 = tpu.memref_slice %arg12[%dma_wait3A_525, %dma_wait3A_526, %dma_wait3A_527] : memref<2x100x128xf32, #tpu.memory_space<vmem>> -> memref<1x25x128xf32, #tpu.memory_space<vmem>>
      %dma_wait3A_529 = tpu.memref_squeeze %dma_wait3A_528 : memref<1x25x128xf32, #tpu.memory_space<vmem>> -> memref<25x128xf32, #tpu.memory_space<vmem>>
      %dma_wait3A_530 = arith.constant 0 : i32
      %dma_wait3A_531 = arith.constant 0 : i32
      %dma_wait3A_532 = tpu.memref_slice %arg2[%dma_wait3A_530, %dma_wait3A_531] : memref<10000x128xf32, #tpu.memory_space<hbm>> -> memref<25x128xf32, #tpu.memory_space<hbm>>
      %dma_wait3A_533 = arith.constant 0 : i32
      %dma_wait3A_534 = arith.constant 0 : i32
      %dma_wait3A_535 = tpu.memref_slice %arg12[%dma_wait3A_525, %dma_wait3A_533, %dma_wait3A_534] : memref<2x100x128xf32, #tpu.memory_space<vmem>> -> memref<1x25x128xf32, #tpu.memory_space<vmem>>
      %dma_wait3A_536 = tpu.memref_squeeze %dma_wait3A_535 : memref<1x25x128xf32, #tpu.memory_space<vmem>> -> memref<25x128xf32, #tpu.memory_space<vmem>>
      %dma_wait3A_537 = arith.constant 0 : i32
      %dma_wait3A_538 = arith.constant 0 : i32
      %dma_wait3A_539 = tpu.memref_slice %arg2[%dma_wait3A_537, %dma_wait3A_538] : memref<10000x128xf32, #tpu.memory_space<hbm>> -> memref<25x128xf32, #tpu.memory_space<hbm>>
      tpu.wait_dma2 semaphore(%arg16 : memref<!tpu.dma_semaphore, #tpu.memory_space<semaphore_mem>>) src(%dma_wait3A_539 : memref<25x128xf32, #tpu.memory_space<hbm>>) dst(%dma_wait3A_536 : memref<25x128xf32, #tpu.memory_space<vmem>>)
      %dma_wait3A_540 = arith.constant 1 : i32
      %dma_wait3A_541 = arith.constant 25 : i32
      %dma_wait3A_542 = arith.constant 0 : i32
      %dma_wait3A_543 = tpu.memref_slice %arg11[%dma_wait3A_540, %dma_wait3A_541, %dma_wait3A_542] : memref<2x100x128xf32, #tpu.memory_space<vmem>> -> memref<1x25x128xf32, #tpu.memory_space<vmem>>
      %dma_wait3A_544 = tpu.memref_squeeze %dma_wait3A_543 : memref<1x25x128xf32, #tpu.memory_space<vmem>> -> memref<25x128xf32, #tpu.memory_space<vmem>>
      %dma_wait3A_545 = arith.constant 0 : i32
      %dma_wait3A_546 = arith.constant 0 : i32
      %dma_wait3A_547 = tpu.memref_slice %arg2[%dma_wait3A_545, %dma_wait3A_546] : memref<10000x128xf32, #tpu.memory_space<hbm>> -> memref<25x128xf32, #tpu.memory_space<hbm>>
      %dma_wait3A_548 = arith.constant 25 : i32
      %dma_wait3A_549 = arith.constant 0 : i32
      %dma_wait3A_550 = tpu.memref_slice %arg11[%dma_wait3A_540, %dma_wait3A_548, %dma_wait3A_549] : memref<2x100x128xf32, #tpu.memory_space<vmem>> -> memref<1x25x128xf32, #tpu.memory_space<vmem>>
      %dma_wait3A_551 = tpu.memref_squeeze %dma_wait3A_550 : memref<1x25x128xf32, #tpu.memory_space<vmem>> -> memref<25x128xf32, #tpu.memory_space<vmem>>
      %dma_wait3A_552 = arith.constant 0 : i32
      %dma_wait3A_553 = arith.constant 0 : i32
      %dma_wait3A_554 = tpu.memref_slice %arg2[%dma_wait3A_552, %dma_wait3A_553] : memref<10000x128xf32, #tpu.memory_space<hbm>> -> memref<25x128xf32, #tpu.memory_space<hbm>>
      tpu.wait_dma2 semaphore(%arg16 : memref<!tpu.dma_semaphore, #tpu.memory_space<semaphore_mem>>) src(%dma_wait3A_554 : memref<25x128xf32, #tpu.memory_space<hbm>>) dst(%dma_wait3A_551 : memref<25x128xf32, #tpu.memory_space<vmem>>)
      %dma_wait3A_555 = arith.constant 1 : i32
      %dma_wait3A_556 = arith.constant 25 : i32
      %dma_wait3A_557 = arith.constant 0 : i32
      %dma_wait3A_558 = tpu.memref_slice %arg12[%dma_wait3A_555, %dma_wait3A_556, %dma_wait3A_557] : memref<2x100x128xf32, #tpu.memory_space<vmem>> -> memref<1x25x128xf32, #tpu.memory_space<vmem>>
      %dma_wait3A_559 = tpu.memref_squeeze %dma_wait3A_558 : memref<1x25x128xf32, #tpu.memory_space<vmem>> -> memref<25x128xf32, #tpu.memory_space<vmem>>
      %dma_wait3A_560 = arith.constant 0 : i32
      %dma_wait3A_561 = arith.constant 0 : i32
      %dma_wait3A_562 = tpu.memref_slice %arg2[%dma_wait3A_560, %dma_wait3A_561] : memref<10000x128xf32, #tpu.memory_space<hbm>> -> memref<25x128xf32, #tpu.memory_space<hbm>>
      %dma_wait3A_563 = arith.constant 25 : i32
      %dma_wait3A_564 = arith.constant 0 : i32
      %dma_wait3A_565 = tpu.memref_slice %arg12[%dma_wait3A_555, %dma_wait3A_563, %dma_wait3A_564] : memref<2x100x128xf32, #tpu.memory_space<vmem>> -> memref<1x25x128xf32, #tpu.memory_space<vmem>>
      %dma_wait3A_566 = tpu.memref_squeeze %dma_wait3A_565 : memref<1x25x128xf32, #tpu.memory_space<vmem>> -> memref<25x128xf32, #tpu.memory_space<vmem>>
      %dma_wait3A_567 = arith.constant 0 : i32
      %dma_wait3A_568 = arith.constant 0 : i32
      %dma_wait3A_569 = tpu.memref_slice %arg2[%dma_wait3A_567, %dma_wait3A_568] : memref<10000x128xf32, #tpu.memory_space<hbm>> -> memref<25x128xf32, #tpu.memory_space<hbm>>
      tpu.wait_dma2 semaphore(%arg16 : memref<!tpu.dma_semaphore, #tpu.memory_space<semaphore_mem>>) src(%dma_wait3A_569 : memref<25x128xf32, #tpu.memory_space<hbm>>) dst(%dma_wait3A_566 : memref<25x128xf32, #tpu.memory_space<vmem>>)
      %dma_wait3A_570 = arith.constant 1 : i32
      %dma_wait3A_571 = arith.constant 50 : i32
      %dma_wait3A_572 = arith.constant 0 : i32
      %dma_wait3A_573 = tpu.memref_slice %arg11[%dma_wait3A_570, %dma_wait3A_571, %dma_wait3A_572] : memref<2x100x128xf32, #tpu.memory_space<vmem>> -> memref<1x25x128xf32, #tpu.memory_space<vmem>>
      %dma_wait3A_574 = tpu.memref_squeeze %dma_wait3A_573 : memref<1x25x128xf32, #tpu.memory_space<vmem>> -> memref<25x128xf32, #tpu.memory_space<vmem>>
      %dma_wait3A_575 = arith.constant 0 : i32
      %dma_wait3A_576 = arith.constant 0 : i32
      %dma_wait3A_577 = tpu.memref_slice %arg2[%dma_wait3A_575, %dma_wait3A_576] : memref<10000x128xf32, #tpu.memory_space<hbm>> -> memref<25x128xf32, #tpu.memory_space<hbm>>
      %dma_wait3A_578 = arith.constant 50 : i32
      %dma_wait3A_579 = arith.constant 0 : i32
      %dma_wait3A_580 = tpu.memref_slice %arg11[%dma_wait3A_570, %dma_wait3A_578, %dma_wait3A_579] : memref<2x100x128xf32, #tpu.memory_space<vmem>> -> memref<1x25x128xf32, #tpu.memory_space<vmem>>
      %dma_wait3A_581 = tpu.memref_squeeze %dma_wait3A_580 : memref<1x25x128xf32, #tpu.memory_space<vmem>> -> memref<25x128xf32, #tpu.memory_space<vmem>>
      %dma_wait3A_582 = arith.constant 0 : i32
      %dma_wait3A_583 = arith.constant 0 : i32
      %dma_wait3A_584 = tpu.memref_slice %arg2[%dma_wait3A_582, %dma_wait3A_583] : memref<10000x128xf32, #tpu.memory_space<hbm>> -> memref<25x128xf32, #tpu.memory_space<hbm>>
      tpu.wait_dma2 semaphore(%arg16 : memref<!tpu.dma_semaphore, #tpu.memory_space<semaphore_mem>>) src(%dma_wait3A_584 : memref<25x128xf32, #tpu.memory_space<hbm>>) dst(%dma_wait3A_581 : memref<25x128xf32, #tpu.memory_space<vmem>>)
      %dma_wait3A_585 = arith.constant 1 : i32
      %dma_wait3A_586 = arith.constant 50 : i32
      %dma_wait3A_587 = arith.constant 0 : i32
      %dma_wait3A_588 = tpu.memref_slice %arg12[%dma_wait3A_585, %dma_wait3A_586, %dma_wait3A_587] : memref<2x100x128xf32, #tpu.memory_space<vmem>> -> memref<1x25x128xf32, #tpu.memory_space<vmem>>
      %dma_wait3A_589 = tpu.memref_squeeze %dma_wait3A_588 : memref<1x25x128xf32, #tpu.memory_space<vmem>> -> memref<25x128xf32, #tpu.memory_space<vmem>>
      %dma_wait3A_590 = arith.constant 0 : i32
      %dma_wait3A_591 = arith.constant 0 : i32
      %dma_wait3A_592 = tpu.memref_slice %arg2[%dma_wait3A_590, %dma_wait3A_591] : memref<10000x128xf32, #tpu.memory_space<hbm>> -> memref<25x128xf32, #tpu.memory_space<hbm>>
      %dma_wait3A_593 = arith.constant 50 : i32
      %dma_wait3A_594 = arith.constant 0 : i32
      %dma_wait3A_595 = tpu.memref_slice %arg12[%dma_wait3A_585, %dma_wait3A_593, %dma_wait3A_594] : memref<2x100x128xf32, #tpu.memory_space<vmem>> -> memref<1x25x128xf32, #tpu.memory_space<vmem>>
      %dma_wait3A_596 = tpu.memref_squeeze %dma_wait3A_595 : memref<1x25x128xf32, #tpu.memory_space<vmem>> -> memref<25x128xf32, #tpu.memory_space<vmem>>
      %dma_wait3A_597 = arith.constant 0 : i32
      %dma_wait3A_598 = arith.constant 0 : i32
      %dma_wait3A_599 = tpu.memref_slice %arg2[%dma_wait3A_597, %dma_wait3A_598] : memref<10000x128xf32, #tpu.memory_space<hbm>> -> memref<25x128xf32, #tpu.memory_space<hbm>>
      tpu.wait_dma2 semaphore(%arg16 : memref<!tpu.dma_semaphore, #tpu.memory_space<semaphore_mem>>) src(%dma_wait3A_599 : memref<25x128xf32, #tpu.memory_space<hbm>>) dst(%dma_wait3A_596 : memref<25x128xf32, #tpu.memory_space<vmem>>)
      %dma_wait3A_600 = arith.constant 1 : i32
      %dma_wait3A_601 = arith.constant 75 : i32
      %dma_wait3A_602 = arith.constant 0 : i32
      %dma_wait3A_603 = tpu.memref_slice %arg11[%dma_wait3A_600, %dma_wait3A_601, %dma_wait3A_602] : memref<2x100x128xf32, #tpu.memory_space<vmem>> -> memref<1x25x128xf32, #tpu.memory_space<vmem>>
      %dma_wait3A_604 = tpu.memref_squeeze %dma_wait3A_603 : memref<1x25x128xf32, #tpu.memory_space<vmem>> -> memref<25x128xf32, #tpu.memory_space<vmem>>
      %dma_wait3A_605 = arith.constant 0 : i32
      %dma_wait3A_606 = arith.constant 0 : i32
      %dma_wait3A_607 = tpu.memref_slice %arg2[%dma_wait3A_605, %dma_wait3A_606] : memref<10000x128xf32, #tpu.memory_space<hbm>> -> memref<25x128xf32, #tpu.memory_space<hbm>>
      %dma_wait3A_608 = arith.constant 75 : i32
      %dma_wait3A_609 = arith.constant 0 : i32
      %dma_wait3A_610 = tpu.memref_slice %arg11[%dma_wait3A_600, %dma_wait3A_608, %dma_wait3A_609] : memref<2x100x128xf32, #tpu.memory_space<vmem>> -> memref<1x25x128xf32, #tpu.memory_space<vmem>>
      %dma_wait3A_611 = tpu.memref_squeeze %dma_wait3A_610 : memref<1x25x128xf32, #tpu.memory_space<vmem>> -> memref<25x128xf32, #tpu.memory_space<vmem>>
      %dma_wait3A_612 = arith.constant 0 : i32
      %dma_wait3A_613 = arith.constant 0 : i32
      %dma_wait3A_614 = tpu.memref_slice %arg2[%dma_wait3A_612, %dma_wait3A_613] : memref<10000x128xf32, #tpu.memory_space<hbm>> -> memref<25x128xf32, #tpu.memory_space<hbm>>
      tpu.wait_dma2 semaphore(%arg16 : memref<!tpu.dma_semaphore, #tpu.memory_space<semaphore_mem>>) src(%dma_wait3A_614 : memref<25x128xf32, #tpu.memory_space<hbm>>) dst(%dma_wait3A_611 : memref<25x128xf32, #tpu.memory_space<vmem>>)
      %dma_wait3A_615 = arith.constant 1 : i32
      %dma_wait3A_616 = arith.constant 75 : i32
      %dma_wait3A_617 = arith.constant 0 : i32
      %dma_wait3A_618 = tpu.memref_slice %arg12[%dma_wait3A_615, %dma_wait3A_616, %dma_wait3A_617] : memref<2x100x128xf32, #tpu.memory_space<vmem>> -> memref<1x25x128xf32, #tpu.memory_space<vmem>>
      %dma_wait3A_619 = tpu.memref_squeeze %dma_wait3A_618 : memref<1x25x128xf32, #tpu.memory_space<vmem>> -> memref<25x128xf32, #tpu.memory_space<vmem>>
      %dma_wait3A_620 = arith.constant 0 : i32
      %dma_wait3A_621 = arith.constant 0 : i32
      %dma_wait3A_622 = tpu.memref_slice %arg2[%dma_wait3A_620, %dma_wait3A_621] : memref<10000x128xf32, #tpu.memory_space<hbm>> -> memref<25x128xf32, #tpu.memory_space<hbm>>
      %dma_wait3A_623 = arith.constant 75 : i32
      %dma_wait3A_624 = arith.constant 0 : i32
      %dma_wait3A_625 = tpu.memref_slice %arg12[%dma_wait3A_615, %dma_wait3A_623, %dma_wait3A_624] : memref<2x100x128xf32, #tpu.memory_space<vmem>> -> memref<1x25x128xf32, #tpu.memory_space<vmem>>
      %dma_wait3A_626 = tpu.memref_squeeze %dma_wait3A_625 : memref<1x25x128xf32, #tpu.memory_space<vmem>> -> memref<25x128xf32, #tpu.memory_space<vmem>>
      %dma_wait3A_627 = arith.constant 0 : i32
      %dma_wait3A_628 = arith.constant 0 : i32
      %dma_wait3A_629 = tpu.memref_slice %arg2[%dma_wait3A_627, %dma_wait3A_628] : memref<10000x128xf32, #tpu.memory_space<hbm>> -> memref<25x128xf32, #tpu.memory_space<hbm>>
      tpu.wait_dma2 semaphore(%arg16 : memref<!tpu.dma_semaphore, #tpu.memory_space<semaphore_mem>>) src(%dma_wait3A_629 : memref<25x128xf32, #tpu.memory_space<hbm>>) dst(%dma_wait3A_626 : memref<25x128xf32, #tpu.memory_space<vmem>>)
      %add3A_630 = arith.constant 1 : i32
      %add3A_631 = arith.addi %mul3A_216, %add3A_630 : i32
      %parallel_loop3A_632 = arith.constant 0 : i32
      %parallel_loop3A_633 = arith.constant 100 : i32
      %parallel_loop3A_634 = arith.constant 1 : i32
      scf.for %parallel_loop3A_698 = %parallel_loop3A_632 to %parallel_loop3A_633 step %parallel_loop3A_634  : i32 {
        %parallel_loop3A_699 = arith.constant 1 : i32
        %parallel_loop3A_700 = arith.index_cast %parallel_loop3A_699 : i32 to index
        %parallel_loop3A_701 = arith.index_cast %parallel_loop3A_698 : i32 to index
        %parallel_loop3A_702 = arith.constant 0 : index
        %parallel_loop3A_703 = tpu.vector_load %arg11[%parallel_loop3A_700, %parallel_loop3A_701, %parallel_loop3A_702] {strides = array<i32>} : memref<2x100x128xf32, #tpu.memory_space<vmem>>, vector<16xf32>,
        %parallel_loop3A_704 = arith.constant 1 : i32
        %parallel_loop3A_705 = arith.index_cast %parallel_loop3A_704 : i32 to index
        %parallel_loop3A_706 = arith.index_cast %parallel_loop3A_698 : i32 to index
        %parallel_loop3A_707 = arith.constant 0 : index
        %parallel_loop3A_708 = tpu.vector_load %arg12[%parallel_loop3A_705, %parallel_loop3A_706, %parallel_loop3A_707] {strides = array<i32>} : memref<2x100x128xf32, #tpu.memory_space<vmem>>, vector<16xf32>,
        %parallel_loop3A_709 = arith.mulf %parallel_loop3A_703, %parallel_loop3A_708 : vector<16xf32>
        %parallel_loop3A_710 = arith.constant 1 : i32
        %parallel_loop3A_711 = arith.index_cast %parallel_loop3A_710 : i32 to index
        %parallel_loop3A_712 = arith.index_cast %parallel_loop3A_698 : i32 to index
        %parallel_loop3A_713 = arith.constant 16 : index
        %parallel_loop3A_714 = tpu.vector_load %arg11[%parallel_loop3A_711, %parallel_loop3A_712, %parallel_loop3A_713] {strides = array<i32>} : memref<2x100x128xf32, #tpu.memory_space<vmem>>, vector<16xf32>,
        %parallel_loop3A_715 = arith.constant 1 : i32
        %parallel_loop3A_716 = arith.index_cast %parallel_loop3A_715 : i32 to index
        %parallel_loop3A_717 = arith.index_cast %parallel_loop3A_698 : i32 to index
        %parallel_loop3A_718 = arith.constant 16 : index
        %parallel_loop3A_719 = tpu.vector_load %arg12[%parallel_loop3A_716, %parallel_loop3A_717, %parallel_loop3A_718] {strides = array<i32>} : memref<2x100x128xf32, #tpu.memory_space<vmem>>, vector<16xf32>,
        %parallel_loop3A_720 = arith.mulf %parallel_loop3A_714, %parallel_loop3A_719 : vector<16xf32>
        %parallel_loop3A_721 = arith.constant 1 : i32
        %parallel_loop3A_722 = arith.index_cast %parallel_loop3A_721 : i32 to index
        %parallel_loop3A_723 = arith.index_cast %parallel_loop3A_698 : i32 to index
        %parallel_loop3A_724 = arith.constant 32 : index
        %parallel_loop3A_725 = tpu.vector_load %arg11[%parallel_loop3A_722, %parallel_loop3A_723, %parallel_loop3A_724] {strides = array<i32>} : memref<2x100x128xf32, #tpu.memory_space<vmem>>, vector<16xf32>,
        %parallel_loop3A_726 = arith.constant 1 : i32
        %parallel_loop3A_727 = arith.index_cast %parallel_loop3A_726 : i32 to index
        %parallel_loop3A_728 = arith.index_cast %parallel_loop3A_698 : i32 to index
        %parallel_loop3A_729 = arith.constant 32 : index
        %parallel_loop3A_730 = tpu.vector_load %arg12[%parallel_loop3A_727, %parallel_loop3A_728, %parallel_loop3A_729] {strides = array<i32>} : memref<2x100x128xf32, #tpu.memory_space<vmem>>, vector<16xf32>,
        %parallel_loop3A_731 = arith.mulf %parallel_loop3A_725, %parallel_loop3A_730 : vector<16xf32>
        %parallel_loop3A_732 = arith.constant 1 : i32
        %parallel_loop3A_733 = arith.index_cast %parallel_loop3A_732 : i32 to index
        %parallel_loop3A_734 = arith.index_cast %parallel_loop3A_698 : i32 to index
        %parallel_loop3A_735 = arith.constant 48 : index
        %parallel_loop3A_736 = tpu.vector_load %arg11[%parallel_loop3A_733, %parallel_loop3A_734, %parallel_loop3A_735] {strides = array<i32>} : memref<2x100x128xf32, #tpu.memory_space<vmem>>, vector<16xf32>,
        %parallel_loop3A_737 = arith.constant 1 : i32
        %parallel_loop3A_738 = arith.index_cast %parallel_loop3A_737 : i32 to index
        %parallel_loop3A_739 = arith.index_cast %parallel_loop3A_698 : i32 to index
        %parallel_loop3A_740 = arith.constant 48 : index
        %parallel_loop3A_741 = tpu.vector_load %arg12[%parallel_loop3A_738, %parallel_loop3A_739, %parallel_loop3A_740] {strides = array<i32>} : memref<2x100x128xf32, #tpu.memory_space<vmem>>, vector<16xf32>,
        %parallel_loop3A_742 = arith.mulf %parallel_loop3A_736, %parallel_loop3A_741 : vector<16xf32>
        %parallel_loop3A_743 = arith.constant 1 : i32
        %parallel_loop3A_744 = arith.index_cast %parallel_loop3A_743 : i32 to index
        %parallel_loop3A_745 = arith.index_cast %parallel_loop3A_698 : i32 to index
        %parallel_loop3A_746 = arith.constant 64 : index
        %parallel_loop3A_747 = tpu.vector_load %arg11[%parallel_loop3A_744, %parallel_loop3A_745, %parallel_loop3A_746] {strides = array<i32>} : memref<2x100x128xf32, #tpu.memory_space<vmem>>, vector<16xf32>,
        %parallel_loop3A_748 = arith.constant 1 : i32
        %parallel_loop3A_749 = arith.index_cast %parallel_loop3A_748 : i32 to index
        %parallel_loop3A_750 = arith.index_cast %parallel_loop3A_698 : i32 to index
        %parallel_loop3A_751 = arith.constant 64 : index
        %parallel_loop3A_752 = tpu.vector_load %arg12[%parallel_loop3A_749, %parallel_loop3A_750, %parallel_loop3A_751] {strides = array<i32>} : memref<2x100x128xf32, #tpu.memory_space<vmem>>, vector<16xf32>,
        %parallel_loop3A_753 = arith.mulf %parallel_loop3A_747, %parallel_loop3A_752 : vector<16xf32>
        %parallel_loop3A_754 = arith.constant 1 : i32
        %parallel_loop3A_755 = arith.index_cast %parallel_loop3A_754 : i32 to index
        %parallel_loop3A_756 = arith.index_cast %parallel_loop3A_698 : i32 to index
        %parallel_loop3A_757 = arith.constant 80 : index
        %parallel_loop3A_758 = tpu.vector_load %arg11[%parallel_loop3A_755, %parallel_loop3A_756, %parallel_loop3A_757] {strides = array<i32>} : memref<2x100x128xf32, #tpu.memory_space<vmem>>, vector<16xf32>,
        %parallel_loop3A_759 = arith.constant 1 : i32
        %parallel_loop3A_760 = arith.index_cast %parallel_loop3A_759 : i32 to index
        %parallel_loop3A_761 = arith.index_cast %parallel_loop3A_698 : i32 to index
        %parallel_loop3A_762 = arith.constant 80 : index
        %parallel_loop3A_763 = tpu.vector_load %arg12[%parallel_loop3A_760, %parallel_loop3A_761, %parallel_loop3A_762] {strides = array<i32>} : memref<2x100x128xf32, #tpu.memory_space<vmem>>, vector<16xf32>,
        %parallel_loop3A_764 = arith.mulf %parallel_loop3A_758, %parallel_loop3A_763 : vector<16xf32>
        %parallel_loop3A_765 = arith.constant 1 : i32
        %parallel_loop3A_766 = arith.index_cast %parallel_loop3A_765 : i32 to index
        %parallel_loop3A_767 = arith.index_cast %parallel_loop3A_698 : i32 to index
        %parallel_loop3A_768 = arith.constant 96 : index
        %parallel_loop3A_769 = tpu.vector_load %arg11[%parallel_loop3A_766, %parallel_loop3A_767, %parallel_loop3A_768] {strides = array<i32>} : memref<2x100x128xf32, #tpu.memory_space<vmem>>, vector<16xf32>,
        %parallel_loop3A_770 = arith.constant 1 : i32
        %parallel_loop3A_771 = arith.index_cast %parallel_loop3A_770 : i32 to index
        %parallel_loop3A_772 = arith.index_cast %parallel_loop3A_698 : i32 to index
        %parallel_loop3A_773 = arith.constant 96 : index
        %parallel_loop3A_774 = tpu.vector_load %arg12[%parallel_loop3A_771, %parallel_loop3A_772, %parallel_loop3A_773] {strides = array<i32>} : memref<2x100x128xf32, #tpu.memory_space<vmem>>, vector<16xf32>,
        %parallel_loop3A_775 = arith.mulf %parallel_loop3A_769, %parallel_loop3A_774 : vector<16xf32>
        %parallel_loop3A_776 = arith.constant 1 : i32
        %parallel_loop3A_777 = arith.index_cast %parallel_loop3A_776 : i32 to index
        %parallel_loop3A_778 = arith.index_cast %parallel_loop3A_698 : i32 to index
        %parallel_loop3A_779 = arith.constant 112 : index
        %parallel_loop3A_780 = tpu.vector_load %arg11[%parallel_loop3A_777, %parallel_loop3A_778, %parallel_loop3A_779] {strides = array<i32>} : memref<2x100x128xf32, #tpu.memory_space<vmem>>, vector<16xf32>,
        %parallel_loop3A_781 = arith.constant 1 : i32
        %parallel_loop3A_782 = arith.index_cast %parallel_loop3A_781 : i32 to index
        %parallel_loop3A_783 = arith.index_cast %parallel_loop3A_698 : i32 to index
        %parallel_loop3A_784 = arith.constant 112 : index
        %parallel_loop3A_785 = tpu.vector_load %arg12[%parallel_loop3A_782, %parallel_loop3A_783, %parallel_loop3A_784] {strides = array<i32>} : memref<2x100x128xf32, #tpu.memory_space<vmem>>, vector<16xf32>,
        %parallel_loop3A_786 = arith.mulf %parallel_loop3A_780, %parallel_loop3A_785 : vector<16xf32>
        %parallel_loop3A_787 = arith.constant 0.000000e+00 : f32
        %parallel_loop3A_788 = vector.broadcast %parallel_loop3A_787 : f32 to vector<16xf32>
        %parallel_loop3A_789 = arith.constant 0 : i32
        %parallel_loop3A_790 = vector.broadcast %parallel_loop3A_789 : i32 to vector<16xi32>
        %parallel_loop3A_791 = arith.cmpi eq, %iota3A, %parallel_loop3A_790 : vector<16xi32>
        %parallel_loop3A_792 = arith.addf %parallel_loop3A_709, %parallel_loop3A_720 : vector<16xf32>
        %parallel_loop3A_793 = arith.constant true
        %parallel_loop3A_794 = vector.broadcast %parallel_loop3A_793 : i1 to vector<16xi1>
        %parallel_loop3A_795 = tpu.scan <sum>, %parallel_loop3A_792 masked %parallel_loop3A_794 : vector<16xf32>, vector<16xi1> -> vector<16xf32>
        %parallel_loop3A_796 = vector.extract %parallel_loop3A_795[15] : f32 from vector<16xf32>
        %parallel_loop3A_797 = vector.broadcast %parallel_loop3A_796 : f32 to vector<16xf32>
        %parallel_loop3A_798 = arith.select %parallel_loop3A_791, %parallel_loop3A_797, %parallel_loop3A_788 : vector<16xi1>, vector<16xf32>
        %parallel_loop3A_799 = arith.constant 1 : i32
        %parallel_loop3A_800 = vector.broadcast %parallel_loop3A_799 : i32 to vector<16xi32>
        %parallel_loop3A_801 = arith.cmpi eq, %iota3A, %parallel_loop3A_800 : vector<16xi32>
        %parallel_loop3A_802 = arith.addf %parallel_loop3A_731, %parallel_loop3A_742 : vector<16xf32>
        %parallel_loop3A_803 = arith.constant true
        %parallel_loop3A_804 = vector.broadcast %parallel_loop3A_803 : i1 to vector<16xi1>
        %parallel_loop3A_805 = tpu.scan <sum>, %parallel_loop3A_802 masked %parallel_loop3A_804 : vector<16xf32>, vector<16xi1> -> vector<16xf32>
        %parallel_loop3A_806 = vector.extract %parallel_loop3A_805[15] : f32 from vector<16xf32>
        %parallel_loop3A_807 = vector.broadcast %parallel_loop3A_806 : f32 to vector<16xf32>
        %parallel_loop3A_808 = arith.select %parallel_loop3A_801, %parallel_loop3A_807, %parallel_loop3A_798 : vector<16xi1>, vector<16xf32>
        %parallel_loop3A_809 = arith.constant 2 : i32
        %parallel_loop3A_810 = vector.broadcast %parallel_loop3A_809 : i32 to vector<16xi32>
        %parallel_loop3A_811 = arith.cmpi eq, %iota3A, %parallel_loop3A_810 : vector<16xi32>
        %parallel_loop3A_812 = arith.addf %parallel_loop3A_753, %parallel_loop3A_764 : vector<16xf32>
        %parallel_loop3A_813 = arith.constant true
        %parallel_loop3A_814 = vector.broadcast %parallel_loop3A_813 : i1 to vector<16xi1>
        %parallel_loop3A_815 = tpu.scan <sum>, %parallel_loop3A_812 masked %parallel_loop3A_814 : vector<16xf32>, vector<16xi1> -> vector<16xf32>
        %parallel_loop3A_816 = vector.extract %parallel_loop3A_815[15] : f32 from vector<16xf32>
        %parallel_loop3A_817 = vector.broadcast %parallel_loop3A_816 : f32 to vector<16xf32>
        %parallel_loop3A_818 = arith.select %parallel_loop3A_811, %parallel_loop3A_817, %parallel_loop3A_808 : vector<16xi1>, vector<16xf32>
        %parallel_loop3A_819 = arith.constant 3 : i32
        %parallel_loop3A_820 = vector.broadcast %parallel_loop3A_819 : i32 to vector<16xi32>
        %parallel_loop3A_821 = arith.cmpi eq, %iota3A, %parallel_loop3A_820 : vector<16xi32>
        %parallel_loop3A_822 = arith.addf %parallel_loop3A_775, %parallel_loop3A_786 : vector<16xf32>
        %parallel_loop3A_823 = arith.constant true
        %parallel_loop3A_824 = vector.broadcast %parallel_loop3A_823 : i1 to vector<16xi1>
        %parallel_loop3A_825 = tpu.scan <sum>, %parallel_loop3A_822 masked %parallel_loop3A_824 : vector<16xf32>, vector<16xi1> -> vector<16xf32>
        %parallel_loop3A_826 = vector.extract %parallel_loop3A_825[15] : f32 from vector<16xf32>
        %parallel_loop3A_827 = vector.broadcast %parallel_loop3A_826 : f32 to vector<16xf32>
        %parallel_loop3A_828 = arith.select %parallel_loop3A_821, %parallel_loop3A_827, %parallel_loop3A_818 : vector<16xi1>, vector<16xf32>
        %parallel_loop3A_829 = arith.constant 4 : i32
        %parallel_loop3A_830 = vector.broadcast %parallel_loop3A_829 : i32 to vector<16xi32>
        %parallel_loop3A_831 = arith.cmpi slt, %iota3A, %parallel_loop3A_830 : vector<16xi32>
        %parallel_loop3A_832 = math.exp %parallel_loop3A_828 : vector<16xf32>
        %parallel_loop3A_833 = arith.constant 0.000000e+00 : f32
        %parallel_loop3A_834 = vector.broadcast %parallel_loop3A_833 : f32 to vector<16xf32>
        %parallel_loop3A_835 = arith.select %parallel_loop3A_831, %parallel_loop3A_832, %parallel_loop3A_834 : vector<16xi1>, vector<16xf32>
        %parallel_loop3A_836 = arith.constant 100 : i32
        %parallel_loop3A_837 = arith.addi %parallel_loop3A_836, %parallel_loop3A_698 : i32
        %parallel_loop3A_838 = arith.index_cast %parallel_loop3A_837 : i32 to index
        %parallel_loop3A_839 = arith.constant 0 : index
        %parallel_loop3A_840 = tpu.vector_load %arg13[%parallel_loop3A_838, %parallel_loop3A_839] {strides = array<i32>} : memref<200x16xf32, #tpu.memory_space<vmem>>, vector<16xf32>,
        tpu.vector_store %arg13[%parallel_loop3A_838, %parallel_loop3A_839], %parallel_loop3A_835 {strides = array<i32>} : memref<200x16xf32, #tpu.memory_space<vmem>>, vector<16xf32>,
      } {sc.loop_unroll_factor = 4 : i64, sc.parallel_access}
      %add3A_635 = arith.constant 1 : i32
      %add3A_636 = arith.addi %mul3A_216, %add3A_635 : i32
      %mul3A_637 = arith.constant 4 : i32
      %mul3A_638 = arith.muli %add3A_636, %mul3A_637 : i32
      %add3A_639 = arith.constant 0 : i32
      %add3A_640 = arith.addi %mul3A_638, %add3A_639 : i32
      %dma_start3A_641 = arith.constant 100 : i32
      %dma_start3A_642 = arith.constant 0 : i32
      %dma_start3A_643 = tpu.memref_slice %arg13[%dma_start3A_641, %dma_start3A_642] : memref<200x16xf32, #tpu.memory_space<vmem>> -> memref<25x16xf32, #tpu.memory_space<vmem>>
      %dma_start3A_644 = arith.constant 0 : i32
      %dma_start3A_645 = tpu.memref_slice %arg9[%add3A_640, %dma_start3A_644] : memref<400x25xi32, #tpu.memory_space<vmem>> -> memref<1x25xi32, #tpu.memory_space<vmem>>
      %dma_start3A_646 = tpu.memref_squeeze %dma_start3A_645 : memref<1x25xi32, #tpu.memory_space<vmem>> -> memref<25xi32, #tpu.memory_space<vmem>>
      %dma_start3A_647 = arith.constant 0 : i32
      %dma_start3A_648 = arith.constant 0 : i32
      %dma_start3A_649 = tpu.memref_slice %arg14[%dma_start3A_647, %dma_start3A_648] : memref<10000x16xf32, #tpu.memory_space<vmem_shared>> -> memref<10000x16xf32, #tpu.memory_space<vmem_shared>>
      tpu.enqueue_indirect_dma source(%dma_start3A_643 : memref<25x16xf32, #tpu.memory_space<vmem>>) target(%dma_start3A_649 : memref<10000x16xf32, #tpu.memory_space<vmem_shared>>) offsets(%dma_start3A_646 : memref<25xi32, #tpu.memory_space<vmem>>) semaphore(%arg18 : memref<!tpu.dma_semaphore, #tpu.memory_space<semaphore_mem>>) {add = true}
      %mul3A_650 = arith.constant 4 : i32
      %mul3A_651 = arith.muli %add3A_636, %mul3A_650 : i32
      %add3A_652 = arith.constant 1 : i32
      %add3A_653 = arith.addi %mul3A_651, %add3A_652 : i32
      %dma_start3A_654 = arith.constant 125 : i32
      %dma_start3A_655 = arith.constant 0 : i32
      %dma_start3A_656 = tpu.memref_slice %arg13[%dma_start3A_654, %dma_start3A_655] : memref<200x16xf32, #tpu.memory_space<vmem>> -> memref<25x16xf32, #tpu.memory_space<vmem>>
      %dma_start3A_657 = arith.constant 0 : i32
      %dma_start3A_658 = tpu.memref_slice %arg9[%add3A_653, %dma_start3A_657] : memref<400x25xi32, #tpu.memory_space<vmem>> -> memref<1x25xi32, #tpu.memory_space<vmem>>
      %dma_start3A_659 = tpu.memref_squeeze %dma_start3A_658 : memref<1x25xi32, #tpu.memory_space<vmem>> -> memref<25xi32, #tpu.memory_space<vmem>>
      %dma_start3A_660 = arith.constant 0 : i32
      %dma_start3A_661 = arith.constant 0 : i32
      %dma_start3A_662 = tpu.memref_slice %arg14[%dma_start3A_660, %dma_start3A_661] : memref<10000x16xf32, #tpu.memory_space<vmem_shared>> -> memref<10000x16xf32, #tpu.memory_space<vmem_shared>>
      tpu.enqueue_indirect_dma source(%dma_start3A_656 : memref<25x16xf32, #tpu.memory_space<vmem>>) target(%dma_start3A_662 : memref<10000x16xf32, #tpu.memory_space<vmem_shared>>) offsets(%dma_start3A_659 : memref<25xi32, #tpu.memory_space<vmem>>) semaphore(%arg18 : memref<!tpu.dma_semaphore, #tpu.memory_space<semaphore_mem>>) {add = true}
      %mul3A_663 = arith.constant 4 : i32
      %mul3A_664 = arith.muli %add3A_636, %mul3A_663 : i32
      %add3A_665 = arith.constant 2 : i32
      %add3A_666 = arith.addi %mul3A_664, %add3A_665 : i32
      %dma_start3A_667 = arith.constant 150 : i32
      %dma_start3A_668 = arith.constant 0 : i32
      %dma_start3A_669 = tpu.memref_slice %arg13[%dma_start3A_667, %dma_start3A_668] : memref<200x16xf32, #tpu.memory_space<vmem>> -> memref<25x16xf32, #tpu.memory_space<vmem>>
      %dma_start3A_670 = arith.constant 0 : i32
      %dma_start3A_671 = tpu.memref_slice %arg9[%add3A_666, %dma_start3A_670] : memref<400x25xi32, #tpu.memory_space<vmem>> -> memref<1x25xi32, #tpu.memory_space<vmem>>
      %dma_start3A_672 = tpu.memref_squeeze %dma_start3A_671 : memref<1x25xi32, #tpu.memory_space<vmem>> -> memref<25xi32, #tpu.memory_space<vmem>>
      %dma_start3A_673 = arith.constant 0 : i32
      %dma_start3A_674 = arith.constant 0 : i32
      %dma_start3A_675 = tpu.memref_slice %arg14[%dma_start3A_673, %dma_start3A_674] : memref<10000x16xf32, #tpu.memory_space<vmem_shared>> -> memref<10000x16xf32, #tpu.memory_space<vmem_shared>>
      tpu.enqueue_indirect_dma source(%dma_start3A_669 : memref<25x16xf32, #tpu.memory_space<vmem>>) target(%dma_start3A_675 : memref<10000x16xf32, #tpu.memory_space<vmem_shared>>) offsets(%dma_start3A_672 : memref<25xi32, #tpu.memory_space<vmem>>) semaphore(%arg18 : memref<!tpu.dma_semaphore, #tpu.memory_space<semaphore_mem>>) {add = true}
      %mul3A_676 = arith.constant 4 : i32
      %mul3A_677 = arith.muli %add3A_636, %mul3A_676 : i32
      %add3A_678 = arith.constant 3 : i32
      %add3A_679 = arith.addi %mul3A_677, %add3A_678 : i32
      %dma_start3A_680 = arith.constant 175 : i32
      %dma_start3A_681 = arith.constant 0 : i32
      %dma_start3A_682 = tpu.memref_slice %arg13[%dma_start3A_680, %dma_start3A_681] : memref<200x16xf32, #tpu.memory_space<vmem>> -> memref<25x16xf32, #tpu.memory_space<vmem>>
      %dma_start3A_683 = arith.constant 0 : i32
      %dma_start3A_684 = tpu.memref_slice %arg9[%add3A_679, %dma_start3A_683] : memref<400x25xi32, #tpu.memory_space<vmem>> -> memref<1x25xi32, #tpu.memory_space<vmem>>
      %dma_start3A_685 = tpu.memref_squeeze %dma_start3A_684 : memref<1x25xi32, #tpu.memory_space<vmem>> -> memref<25xi32, #tpu.memory_space<vmem>>
      %dma_start3A_686 = arith.constant 0 : i32
      %dma_start3A_687 = arith.constant 0 : i32
      %dma_start3A_688 = tpu.memref_slice %arg14[%dma_start3A_686, %dma_start3A_687] : memref<10000x16xf32, #tpu.memory_space<vmem_shared>> -> memref<10000x16xf32, #tpu.memory_space<vmem_shared>>
      tpu.enqueue_indirect_dma source(%dma_start3A_682 : memref<25x16xf32, #tpu.memory_space<vmem>>) target(%dma_start3A_688 : memref<10000x16xf32, #tpu.memory_space<vmem_shared>>) offsets(%dma_start3A_685 : memref<25xi32, #tpu.memory_space<vmem>>) semaphore(%arg18 : memref<!tpu.dma_semaphore, #tpu.memory_space<semaphore_mem>>) {add = true}
      %mul3A_689 = arith.constant 10000 : i32
      %mul3A_690 = arith.muli %add3A, %mul3A_689 : i32
      %mul3A_691 = arith.constant 100 : i32
      %mul3A_692 = arith.muli %mul3A_216, %mul3A_691 : i32
      %add3A_693 = arith.addi %mul3A_690, %mul3A_692 : i32
      %dma_start3A_694 = arith.constant 0 : i32
      %dma_start3A_695 = tpu.memref_slice %arg7[%add3A_693, %dma_start3A_694] : memref<320000x16xf32, #tpu.memory_space<hbm>> -> memref<200x16xf32, #tpu.memory_space<hbm>>
      %dma_start3A_696 = arith.constant 0 : i32
      %dma_start3A_697 = tpu.memref_slice %arg7[%add3A_693, %dma_start3A_696] : memref<320000x16xf32, #tpu.memory_space<hbm>> -> memref<200x16xf32, #tpu.memory_space<hbm>>
      tpu.enqueue_dma source(%arg13 : memref<200x16xf32, #tpu.memory_space<vmem>>) target(%dma_start3A_697 : memref<200x16xf32, #tpu.memory_space<hbm>>) target_semaphore(%arg19 : memref<!tpu.dma_semaphore, #tpu.memory_space<semaphore_mem>>)
    }
    %scan3A_106 = arith.constant 50 : i32
    %dma_wait3A = arith.constant 0 : i32
    %dma_wait3A_107 = arith.constant 0 : i32
    %dma_wait3A_108 = tpu.memref_slice %arg13[%dma_wait3A, %dma_wait3A_107] : memref<200x16xf32, #tpu.memory_space<vmem>> -> memref<25x16xf32, #tpu.memory_space<vmem>>
    %dma_wait3A_109 = arith.constant 0 : i32
    %dma_wait3A_110 = arith.constant 0 : i32
    %dma_wait3A_111 = tpu.memref_slice %arg7[%dma_wait3A_109, %dma_wait3A_110] : memref<320000x16xf32, #tpu.memory_space<hbm>> -> memref<25x16xf32, #tpu.memory_space<hbm>>
    %dma_wait3A_112 = arith.constant 0 : i32
    %dma_wait3A_113 = arith.constant 0 : i32
    %dma_wait3A_114 = tpu.memref_slice %arg13[%dma_wait3A_112, %dma_wait3A_113] : memref<200x16xf32, #tpu.memory_space<vmem>> -> memref<25x16xf32, #tpu.memory_space<vmem>>
    %dma_wait3A_115 = arith.constant 0 : i32
    %dma_wait3A_116 = arith.constant 0 : i32
    %dma_wait3A_117 = tpu.memref_slice %arg7[%dma_wait3A_115, %dma_wait3A_116] : memref<320000x16xf32, #tpu.memory_space<hbm>> -> memref<25x16xf32, #tpu.memory_space<hbm>>
    tpu.wait_dma2 semaphore(%arg17 : memref<!tpu.dma_semaphore, #tpu.memory_space<semaphore_mem>>) src(%dma_wait3A_117 : memref<25x16xf32, #tpu.memory_space<hbm>>) dst(%dma_wait3A_114 : memref<25x16xf32, #tpu.memory_space<vmem>>)
    %dma_wait3A_118 = arith.constant 25 : i32
    %dma_wait3A_119 = arith.constant 0 : i32
    %dma_wait3A_120 = tpu.memref_slice %arg13[%dma_wait3A_118, %dma_wait3A_119] : memref<200x16xf32, #tpu.memory_space<vmem>> -> memref<25x16xf32, #tpu.memory_space<vmem>>
    %dma_wait3A_121 = arith.constant 0 : i32
    %dma_wait3A_122 = arith.constant 0 : i32
    %dma_wait3A_123 = tpu.memref_slice %arg7[%dma_wait3A_121, %dma_wait3A_122] : memref<320000x16xf32, #tpu.memory_space<hbm>> -> memref<25x16xf32, #tpu.memory_space<hbm>>
    %dma_wait3A_124 = arith.constant 25 : i32
    %dma_wait3A_125 = arith.constant 0 : i32
    %dma_wait3A_126 = tpu.memref_slice %arg13[%dma_wait3A_124, %dma_wait3A_125] : memref<200x16xf32, #tpu.memory_space<vmem>> -> memref<25x16xf32, #tpu.memory_space<vmem>>
    %dma_wait3A_127 = arith.constant 0 : i32
    %dma_wait3A_128 = arith.constant 0 : i32
    %dma_wait3A_129 = tpu.memref_slice %arg7[%dma_wait3A_127, %dma_wait3A_128] : memref<320000x16xf32, #tpu.memory_space<hbm>> -> memref<25x16xf32, #tpu.memory_space<hbm>>
    tpu.wait_dma2 semaphore(%arg17 : memref<!tpu.dma_semaphore, #tpu.memory_space<semaphore_mem>>) src(%dma_wait3A_129 : memref<25x16xf32, #tpu.memory_space<hbm>>) dst(%dma_wait3A_126 : memref<25x16xf32, #tpu.memory_space<vmem>>)
    %dma_wait3A_130 = arith.constant 50 : i32
    %dma_wait3A_131 = arith.constant 0 : i32
    %dma_wait3A_132 = tpu.memref_slice %arg13[%dma_wait3A_130, %dma_wait3A_131] : memref<200x16xf32, #tpu.memory_space<vmem>> -> memref<25x16xf32, #tpu.memory_space<vmem>>
    %dma_wait3A_133 = arith.constant 0 : i32
    %dma_wait3A_134 = arith.constant 0 : i32
    %dma_wait3A_135 = tpu.memref_slice %arg7[%dma_wait3A_133, %dma_wait3A_134] : memref<320000x16xf32, #tpu.memory_space<hbm>> -> memref<25x16xf32, #tpu.memory_space<hbm>>
    %dma_wait3A_136 = arith.constant 50 : i32
    %dma_wait3A_137 = arith.constant 0 : i32
    %dma_wait3A_138 = tpu.memref_slice %arg13[%dma_wait3A_136, %dma_wait3A_137] : memref<200x16xf32, #tpu.memory_space<vmem>> -> memref<25x16xf32, #tpu.memory_space<vmem>>
    %dma_wait3A_139 = arith.constant 0 : i32
    %dma_wait3A_140 = arith.constant 0 : i32
    %dma_wait3A_141 = tpu.memref_slice %arg7[%dma_wait3A_139, %dma_wait3A_140] : memref<320000x16xf32, #tpu.memory_space<hbm>> -> memref<25x16xf32, #tpu.memory_space<hbm>>
    tpu.wait_dma2 semaphore(%arg17 : memref<!tpu.dma_semaphore, #tpu.memory_space<semaphore_mem>>) src(%dma_wait3A_141 : memref<25x16xf32, #tpu.memory_space<hbm>>) dst(%dma_wait3A_138 : memref<25x16xf32, #tpu.memory_space<vmem>>)
    %dma_wait3A_142 = arith.constant 75 : i32
    %dma_wait3A_143 = arith.constant 0 : i32
    %dma_wait3A_144 = tpu.memref_slice %arg13[%dma_wait3A_142, %dma_wait3A_143] : memref<200x16xf32, #tpu.memory_space<vmem>> -> memref<25x16xf32, #tpu.memory_space<vmem>>
    %dma_wait3A_145 = arith.constant 0 : i32
    %dma_wait3A_146 = arith.constant 0 : i32
    %dma_wait3A_147 = tpu.memref_slice %arg7[%dma_wait3A_145, %dma_wait3A_146] : memref<320000x16xf32, #tpu.memory_space<hbm>> -> memref<25x16xf32, #tpu.memory_space<hbm>>
    %dma_wait3A_148 = arith.constant 75 : i32
    %dma_wait3A_149 = arith.constant 0 : i32
    %dma_wait3A_150 = tpu.memref_slice %arg13[%dma_wait3A_148, %dma_wait3A_149] : memref<200x16xf32, #tpu.memory_space<vmem>> -> memref<25x16xf32, #tpu.memory_space<vmem>>
    %dma_wait3A_151 = arith.constant 0 : i32
    %dma_wait3A_152 = arith.constant 0 : i32
    %dma_wait3A_153 = tpu.memref_slice %arg7[%dma_wait3A_151, %dma_wait3A_152] : memref<320000x16xf32, #tpu.memory_space<hbm>> -> memref<25x16xf32, #tpu.memory_space<hbm>>
    tpu.wait_dma2 semaphore(%arg17 : memref<!tpu.dma_semaphore, #tpu.memory_space<semaphore_mem>>) src(%dma_wait3A_153 : memref<25x16xf32, #tpu.memory_space<hbm>>) dst(%dma_wait3A_150 : memref<25x16xf32, #tpu.memory_space<vmem>>)
    %dma_wait3A_154 = arith.constant 100 : i32
    %dma_wait3A_155 = arith.constant 0 : i32
    %dma_wait3A_156 = tpu.memref_slice %arg13[%dma_wait3A_154, %dma_wait3A_155] : memref<200x16xf32, #tpu.memory_space<vmem>> -> memref<25x16xf32, #tpu.memory_space<vmem>>
    %dma_wait3A_157 = arith.constant 0 : i32
    %dma_wait3A_158 = arith.constant 0 : i32
    %dma_wait3A_159 = tpu.memref_slice %arg7[%dma_wait3A_157, %dma_wait3A_158] : memref<320000x16xf32, #tpu.memory_space<hbm>> -> memref<25x16xf32, #tpu.memory_space<hbm>>
    %dma_wait3A_160 = arith.constant 100 : i32
    %dma_wait3A_161 = arith.constant 0 : i32
    %dma_wait3A_162 = tpu.memref_slice %arg13[%dma_wait3A_160, %dma_wait3A_161] : memref<200x16xf32, #tpu.memory_space<vmem>> -> memref<25x16xf32, #tpu.memory_space<vmem>>
    %dma_wait3A_163 = arith.constant 0 : i32
    %dma_wait3A_164 = arith.constant 0 : i32
    %dma_wait3A_165 = tpu.memref_slice %arg7[%dma_wait3A_163, %dma_wait3A_164] : memref<320000x16xf32, #tpu.memory_space<hbm>> -> memref<25x16xf32, #tpu.memory_space<hbm>>
    tpu.wait_dma2 semaphore(%arg18 : memref<!tpu.dma_semaphore, #tpu.memory_space<semaphore_mem>>) src(%dma_wait3A_165 : memref<25x16xf32, #tpu.memory_space<hbm>>) dst(%dma_wait3A_162 : memref<25x16xf32, #tpu.memory_space<vmem>>)
    %dma_wait3A_166 = arith.constant 125 : i32
    %dma_wait3A_167 = arith.constant 0 : i32
    %dma_wait3A_168 = tpu.memref_slice %arg13[%dma_wait3A_166, %dma_wait3A_167] : memref<200x16xf32, #tpu.memory_space<vmem>> -> memref<25x16xf32, #tpu.memory_space<vmem>>
    %dma_wait3A_169 = arith.constant 0 : i32
    %dma_wait3A_170 = arith.constant 0 : i32
    %dma_wait3A_171 = tpu.memref_slice %arg7[%dma_wait3A_169, %dma_wait3A_170] : memref<320000x16xf32, #tpu.memory_space<hbm>> -> memref<25x16xf32, #tpu.memory_space<hbm>>
    %dma_wait3A_172 = arith.constant 125 : i32
    %dma_wait3A_173 = arith.constant 0 : i32
    %dma_wait3A_174 = tpu.memref_slice %arg13[%dma_wait3A_172, %dma_wait3A_173] : memref<200x16xf32, #tpu.memory_space<vmem>> -> memref<25x16xf32, #tpu.memory_space<vmem>>
    %dma_wait3A_175 = arith.constant 0 : i32
    %dma_wait3A_176 = arith.constant 0 : i32
    %dma_wait3A_177 = tpu.memref_slice %arg7[%dma_wait3A_175, %dma_wait3A_176] : memref<320000x16xf32, #tpu.memory_space<hbm>> -> memref<25x16xf32, #tpu.memory_space<hbm>>
    tpu.wait_dma2 semaphore(%arg18 : memref<!tpu.dma_semaphore, #tpu.memory_space<semaphore_mem>>) src(%dma_wait3A_177 : memref<25x16xf32, #tpu.memory_space<hbm>>) dst(%dma_wait3A_174 : memref<25x16xf32, #tpu.memory_space<vmem>>)
    %dma_wait3A_178 = arith.constant 150 : i32
    %dma_wait3A_179 = arith.constant 0 : i32
    %dma_wait3A_180 = tpu.memref_slice %arg13[%dma_wait3A_178, %dma_wait3A_179] : memref<200x16xf32, #tpu.memory_space<vmem>> -> memref<25x16xf32, #tpu.memory_space<vmem>>
    %dma_wait3A_181 = arith.constant 0 : i32
    %dma_wait3A_182 = arith.constant 0 : i32
    %dma_wait3A_183 = tpu.memref_slice %arg7[%dma_wait3A_181, %dma_wait3A_182] : memref<320000x16xf32, #tpu.memory_space<hbm>> -> memref<25x16xf32, #tpu.memory_space<hbm>>
    %dma_wait3A_184 = arith.constant 150 : i32
    %dma_wait3A_185 = arith.constant 0 : i32
    %dma_wait3A_186 = tpu.memref_slice %arg13[%dma_wait3A_184, %dma_wait3A_185] : memref<200x16xf32, #tpu.memory_space<vmem>> -> memref<25x16xf32, #tpu.memory_space<vmem>>
    %dma_wait3A_187 = arith.constant 0 : i32
    %dma_wait3A_188 = arith.constant 0 : i32
    %dma_wait3A_189 = tpu.memref_slice %arg7[%dma_wait3A_187, %dma_wait3A_188] : memref<320000x16xf32, #tpu.memory_space<hbm>> -> memref<25x16xf32, #tpu.memory_space<hbm>>
    tpu.wait_dma2 semaphore(%arg18 : memref<!tpu.dma_semaphore, #tpu.memory_space<semaphore_mem>>) src(%dma_wait3A_189 : memref<25x16xf32, #tpu.memory_space<hbm>>) dst(%dma_wait3A_186 : memref<25x16xf32, #tpu.memory_space<vmem>>)
    %dma_wait3A_190 = arith.constant 175 : i32
    %dma_wait3A_191 = arith.constant 0 : i32
    %dma_wait3A_192 = tpu.memref_slice %arg13[%dma_wait3A_190, %dma_wait3A_191] : memref<200x16xf32, #tpu.memory_space<vmem>> -> memref<25x16xf32, #tpu.memory_space<vmem>>
    %dma_wait3A_193 = arith.constant 0 : i32
    %dma_wait3A_194 = arith.constant 0 : i32
    %dma_wait3A_195 = tpu.memref_slice %arg7[%dma_wait3A_193, %dma_wait3A_194] : memref<320000x16xf32, #tpu.memory_space<hbm>> -> memref<25x16xf32, #tpu.memory_space<hbm>>
    %dma_wait3A_196 = arith.constant 175 : i32
    %dma_wait3A_197 = arith.constant 0 : i32
    %dma_wait3A_198 = tpu.memref_slice %arg13[%dma_wait3A_196, %dma_wait3A_197] : memref<200x16xf32, #tpu.memory_space<vmem>> -> memref<25x16xf32, #tpu.memory_space<vmem>>
    %dma_wait3A_199 = arith.constant 0 : i32
    %dma_wait3A_200 = arith.constant 0 : i32
    %dma_wait3A_201 = tpu.memref_slice %arg7[%dma_wait3A_199, %dma_wait3A_200] : memref<320000x16xf32, #tpu.memory_space<hbm>> -> memref<25x16xf32, #tpu.memory_space<hbm>>
    tpu.wait_dma2 semaphore(%arg18 : memref<!tpu.dma_semaphore, #tpu.memory_space<semaphore_mem>>) src(%dma_wait3A_201 : memref<25x16xf32, #tpu.memory_space<hbm>>) dst(%dma_wait3A_198 : memref<25x16xf32, #tpu.memory_space<vmem>>)
    %dma_wait3A_202 = arith.constant 0 : i32
    %dma_wait3A_203 = arith.constant 0 : i32
    %dma_wait3A_204 = tpu.memref_slice %arg7[%dma_wait3A_202, %dma_wait3A_203] : memref<320000x16xf32, #tpu.memory_space<hbm>> -> memref<200x16xf32, #tpu.memory_space<hbm>>
    %dma_wait3A_205 = arith.constant 0 : i32
    %dma_wait3A_206 = arith.constant 0 : i32
    %dma_wait3A_207 = tpu.memref_slice %arg7[%dma_wait3A_205, %dma_wait3A_206] : memref<320000x16xf32, #tpu.memory_space<hbm>> -> memref<200x16xf32, #tpu.memory_space<hbm>>
    tpu.wait_dma2 semaphore(%arg19 : memref<!tpu.dma_semaphore, #tpu.memory_space<semaphore_mem>>) src(%dma_wait3A_207 : memref<200x16xf32, #tpu.memory_space<hbm>>) dst(%arg13 : memref<200x16xf32, #tpu.memory_space<vmem>>)
    %barrier3A_208 = arith.constant 0 : index
    tpu.barrier barrier_id(%barrier3A_208)
    %lt3A_209 = arith.constant 10 : i32
    %lt3A_210 = arith.cmpi slt, %arg1, %lt3A_209 : i32
    %convert_element_type3A_211 = arith.extui %lt3A_210 : i1 to i32
    %cond3A_212 = arith.constant 0 : i32
    %cond3A_213 = arith.cmpi ne, %convert_element_type3A_211, %cond3A_212 : i32
    scf.if %cond3A_213 {
      %mul3A_214 = arith.constant 1000 : i32
      %mul3A_215 = arith.muli %arg1, %mul3A_214 : i32
      %mul3A_216 = arith.constant 10000 : i32
      %mul3A_217 = arith.muli %arg0, %mul3A_216 : i32
      %mul3A_218 = arith.constant 1000 : i32
      %mul3A_219 = arith.muli %arg1, %mul3A_218 : i32
      %add3A_220 = arith.addi %mul3A_217, %mul3A_219 : i32
      "tpu.region"() ({
        %run_scoped3A = tpu.sem_alloc : memref<!tpu.dma_semaphore, #tpu.memory_space<semaphore_mem>>
        %dma_start3A_221 = arith.constant 0 : i32
        %dma_start3A_222 = tpu.memref_slice %arg8[%add3A_220, %dma_start3A_221] : memref<20000x16xf32, #tpu.memory_space<hbm>> -> memref<1000x16xf32, #tpu.memory_space<hbm>>
        %dma_start3A_223 = arith.constant 0 : i32
        %dma_start3A_224 = tpu.memref_slice %arg14[%mul3A_215, %dma_start3A_223] : memref<10000x16xf32, #tpu.memory_space<vmem_shared>> -> memref<1000x16xf32, #tpu.memory_space<vmem_shared>>
        tpu.enqueue_dma source(%dma_start3A_224 : memref<1000x16xf32, #tpu.memory_space<vmem_shared>>) target(%dma_start3A_222 : memref<1000x16xf32, #tpu.memory_space<hbm>>) target_semaphore(%run_scoped3A : memref<!tpu.dma_semaphore, #tpu.memory_space<semaphore_mem>>)
        %dma_wait3A_225 = arith.constant 0 : i32
        %dma_wait3A_226 = tpu.memref_slice %arg8[%add3A_220, %dma_wait3A_225] : memref<20000x16xf32, #tpu.memory_space<hbm>> -> memref<1000x16xf32, #tpu.memory_space<hbm>>
        %dma_wait3A_227 = arith.constant 0 : i32
        %dma_wait3A_228 = tpu.memref_slice %arg14[%mul3A_215, %dma_wait3A_227] : memref<10000x16xf32, #tpu.memory_space<vmem_shared>> -> memref<1000x16xf32, #tpu.memory_space<vmem_shared>>
        tpu.wait_dma2 semaphore(%run_scoped3A : memref<!tpu.dma_semaphore, #tpu.memory_space<semaphore_mem>>) src(%dma_wait3A_228 : memref<1000x16xf32, #tpu.memory_space<vmem_shared>>) dst(%dma_wait3A_226 : memref<1000x16xf32, #tpu.memory_space<hbm>>)
        tpu.yield
      }) : () -> ()
    } else {
    }
    return
  }
}

#map = affine_map<(d0, d1) -> (0, 0)>
#map1 = affine_map<(d0, d1) -> (0)>
module attributes {stable_mosaic.version = 14 : i64} {
  func.func @_aggregate(%arg0: i32, %arg1: i32, %arg2: memref<10000x128xf32, #tpu.memory_space<hbm>>, %arg3: memref<12800x25xi32, #tpu.memory_space<hbm>>, %arg4: memref<12800x25xi32, #tpu.memory_space<hbm>>, %arg5: memref<5120000xf32, #tpu.memory_space<hbm>>, %arg6: memref<1000x128xf32, #tpu.memory_space<hbm>>, %arg7: memref<20000x128xf32, #tpu.memory_space<hbm>>, %arg8: memref<400x25xi32, #tpu.memory_space<vmem>>, %arg9: memref<400x25xi32, #tpu.memory_space<vmem>>, %arg10: memref<2x25x128xf32, #tpu.memory_space<vmem>>, %arg11: memref<2x25x128xf32, #tpu.memory_space<vmem>>, %arg12: memref<800xf32, #tpu.memory_space<vmem>>, %arg13: memref<10000x128xf32, #tpu.memory_space<vmem_shared>>, %arg14: memref<!tpu.dma_semaphore, #tpu.memory_space<semaphore_mem>>, %arg15: memref<!tpu.dma_semaphore, #tpu.memory_space<semaphore_mem>>, %arg16: memref<!tpu.dma_semaphore, #tpu.memory_space<semaphore_mem>>, %arg17: memref<!tpu.dma_semaphore, #tpu.memory_space<semaphore_mem>>) attributes {dimension_semantics = [#tpu.dimension_semantics<core_parallel>, #tpu.dimension_semantics<subcore_parallel>], iteration_bounds = array<i64: 2, 16>, scalar_prefetch = 0 : i64, scratch_operands = 10 : i64, tpu.core_type = #tpu.core_type<sc_vector_subcore>, window_params = [{transform_indices = #map}, {transform_indices = #map}, {transform_indices = #map}, {transform_indices = #map1}, {transform_indices = #map}, {transform_indices = #map}]} {
    %mul3A = arith.constant 2 : i32
    %mul3A_0 = arith.muli %arg1, %mul3A : i32
    %add3A = arith.addi %mul3A_0, %arg0 : i32
    %lt3A = arith.constant 10 : i32
    %lt3A_1 = arith.cmpi slt, %arg1, %lt3A : i32
    %convert_element_type3A = arith.extui %lt3A_1 : i1 to i32
    %cond3A = arith.constant 0 : i32
    %cond3A_2 = arith.cmpi ne, %convert_element_type3A, %cond3A : i32
    scf.if %cond3A_2 {
      %mul3A_70 = arith.constant 1000 : i32
      %mul3A_71 = arith.muli %arg1, %mul3A_70 : i32
      "tpu.region"() ({
        %run_scoped3A = tpu.sem_alloc : memref<!tpu.dma_semaphore, #tpu.memory_space<semaphore_mem>>
        %dma_start3A_72 = arith.constant 0 : i32
        %dma_start3A_73 = tpu.memref_slice %arg13[%mul3A_71, %dma_start3A_72] : memref<10000x128xf32, #tpu.memory_space<vmem_shared>> -> memref<1000x128xf32, #tpu.memory_space<vmem_shared>>
        tpu.enqueue_dma source(%arg6 : memref<1000x128xf32, #tpu.memory_space<hbm>>) target(%dma_start3A_73 : memref<1000x128xf32, #tpu.memory_space<vmem_shared>>) target_semaphore(%run_scoped3A : memref<!tpu.dma_semaphore, #tpu.memory_space<semaphore_mem>>)
        %dma_wait3A_74 = arith.constant 0 : i32
        %dma_wait3A_75 = tpu.memref_slice %arg13[%mul3A_71, %dma_wait3A_74] : memref<10000x128xf32, #tpu.memory_space<vmem_shared>> -> memref<1000x128xf32, #tpu.memory_space<vmem_shared>>
        tpu.wait_dma2 semaphore(%run_scoped3A : memref<!tpu.dma_semaphore, #tpu.memory_space<semaphore_mem>>) src(%arg6 : memref<1000x128xf32, #tpu.memory_space<hbm>>) dst(%dma_wait3A_75 : memref<1000x128xf32, #tpu.memory_space<vmem_shared>>)
        tpu.yield
      }) : () -> ()
    } else {
    }
    %mul3A_3 = arith.constant 400 : i32
    %mul3A_4 = arith.muli %add3A, %mul3A_3 : i32
    "tpu.region"() ({
      %run_scoped3A = tpu.sem_alloc : memref<!tpu.dma_semaphore, #tpu.memory_space<semaphore_mem>>
      %dma_start3A_70 = arith.constant 0 : i32
      %dma_start3A_71 = tpu.memref_slice %arg3[%mul3A_4, %dma_start3A_70] : memref<12800x25xi32, #tpu.memory_space<hbm>> -> memref<400x25xi32, #tpu.memory_space<hbm>>
      %dma_start3A_72 = arith.constant 0 : i32
      %dma_start3A_73 = tpu.memref_slice %arg3[%mul3A_4, %dma_start3A_72] : memref<12800x25xi32, #tpu.memory_space<hbm>> -> memref<400x25xi32, #tpu.memory_space<hbm>>
      tpu.enqueue_dma source(%dma_start3A_73 : memref<400x25xi32, #tpu.memory_space<hbm>>) target(%arg8 : memref<400x25xi32, #tpu.memory_space<vmem>>) target_semaphore(%run_scoped3A : memref<!tpu.dma_semaphore, #tpu.memory_space<semaphore_mem>>)
      %dma_wait3A_74 = arith.constant 0 : i32
      %dma_wait3A_75 = tpu.memref_slice %arg3[%mul3A_4, %dma_wait3A_74] : memref<12800x25xi32, #tpu.memory_space<hbm>> -> memref<400x25xi32, #tpu.memory_space<hbm>>
      %dma_wait3A_76 = arith.constant 0 : i32
      %dma_wait3A_77 = tpu.memref_slice %arg3[%mul3A_4, %dma_wait3A_76] : memref<12800x25xi32, #tpu.memory_space<hbm>> -> memref<400x25xi32, #tpu.memory_space<hbm>>
      tpu.wait_dma2 semaphore(%run_scoped3A : memref<!tpu.dma_semaphore, #tpu.memory_space<semaphore_mem>>) src(%dma_wait3A_77 : memref<400x25xi32, #tpu.memory_space<hbm>>) dst(%arg8 : memref<400x25xi32, #tpu.memory_space<vmem>>)
      tpu.yield
    }) : () -> ()
    %mul3A_5 = arith.constant 400 : i32
    %mul3A_6 = arith.muli %add3A, %mul3A_5 : i32
    "tpu.region"() ({
      %run_scoped3A = tpu.sem_alloc : memref<!tpu.dma_semaphore, #tpu.memory_space<semaphore_mem>>
      %dma_start3A_70 = arith.constant 0 : i32
      %dma_start3A_71 = tpu.memref_slice %arg4[%mul3A_6, %dma_start3A_70] : memref<12800x25xi32, #tpu.memory_space<hbm>> -> memref<400x25xi32, #tpu.memory_space<hbm>>
      %dma_start3A_72 = arith.constant 0 : i32
      %dma_start3A_73 = tpu.memref_slice %arg4[%mul3A_6, %dma_start3A_72] : memref<12800x25xi32, #tpu.memory_space<hbm>> -> memref<400x25xi32, #tpu.memory_space<hbm>>
      tpu.enqueue_dma source(%dma_start3A_73 : memref<400x25xi32, #tpu.memory_space<hbm>>) target(%arg9 : memref<400x25xi32, #tpu.memory_space<vmem>>) target_semaphore(%run_scoped3A : memref<!tpu.dma_semaphore, #tpu.memory_space<semaphore_mem>>)
      %dma_wait3A_74 = arith.constant 0 : i32
      %dma_wait3A_75 = tpu.memref_slice %arg4[%mul3A_6, %dma_wait3A_74] : memref<12800x25xi32, #tpu.memory_space<hbm>> -> memref<400x25xi32, #tpu.memory_space<hbm>>
      %dma_wait3A_76 = arith.constant 0 : i32
      %dma_wait3A_77 = tpu.memref_slice %arg4[%mul3A_6, %dma_wait3A_76] : memref<12800x25xi32, #tpu.memory_space<hbm>> -> memref<400x25xi32, #tpu.memory_space<hbm>>
      tpu.wait_dma2 semaphore(%run_scoped3A : memref<!tpu.dma_semaphore, #tpu.memory_space<semaphore_mem>>) src(%dma_wait3A_77 : memref<400x25xi32, #tpu.memory_space<hbm>>) dst(%arg9 : memref<400x25xi32, #tpu.memory_space<vmem>>)
      tpu.yield
    }) : () -> ()
    %barrier3A = arith.constant 0 : index
    tpu.barrier barrier_id(%barrier3A)
    %dma_start3A = arith.constant 0 : i32
    %dma_start3A_7 = arith.constant 0 : i32
    %dma_start3A_8 = arith.constant 0 : i32
    %dma_start3A_9 = arith.constant 0 : i32
    %dma_start3A_10 = tpu.memref_slice %arg10[%dma_start3A_7, %dma_start3A_8, %dma_start3A_9] : memref<2x25x128xf32, #tpu.memory_space<vmem>> -> memref<1x25x128xf32, #tpu.memory_space<vmem>>
    %dma_start3A_11 = tpu.memref_squeeze %dma_start3A_10 : memref<1x25x128xf32, #tpu.memory_space<vmem>> -> memref<25x128xf32, #tpu.memory_space<vmem>>
    %dma_start3A_12 = arith.constant 0 : i32
    %dma_start3A_13 = tpu.memref_slice %arg9[%dma_start3A, %dma_start3A_12] : memref<400x25xi32, #tpu.memory_space<vmem>> -> memref<1x25xi32, #tpu.memory_space<vmem>>
    %dma_start3A_14 = tpu.memref_squeeze %dma_start3A_13 : memref<1x25xi32, #tpu.memory_space<vmem>> -> memref<25xi32, #tpu.memory_space<vmem>>
    %dma_start3A_15 = arith.constant 0 : i32
    %dma_start3A_16 = arith.constant 0 : i32
    %dma_start3A_17 = tpu.memref_slice %arg2[%dma_start3A_15, %dma_start3A_16] : memref<10000x128xf32, #tpu.memory_space<hbm>> -> memref<10000x128xf32, #tpu.memory_space<hbm>>
    tpu.enqueue_indirect_dma source(%dma_start3A_17 : memref<10000x128xf32, #tpu.memory_space<hbm>>) target(%dma_start3A_11 : memref<25x128xf32, #tpu.memory_space<vmem>>) offsets(%dma_start3A_14 : memref<25xi32, #tpu.memory_space<vmem>>) semaphore(%arg14 : memref<!tpu.dma_semaphore, #tpu.memory_space<semaphore_mem>>)
    %mul3A_18 = arith.constant 10000 : i32
    %mul3A_19 = arith.muli %add3A, %mul3A_18 : i32
    %add3A_20 = arith.constant 0 : i32
    %add3A_21 = arith.addi %mul3A_19, %add3A_20 : i32
    %mul3A_22 = arith.constant 16 : i32
    %mul3A_23 = arith.muli %add3A_21, %mul3A_22 : i32
    %dma_start3A_24 = arith.constant 0 : i32
    %dma_start3A_25 = tpu.memref_slice %arg12[%dma_start3A_24] : memref<800xf32, #tpu.memory_space<vmem>> -> memref<400xf32, #tpu.memory_space<vmem>>
    %dma_start3A_26 = tpu.memref_slice %arg5[%mul3A_23] : memref<5120000xf32, #tpu.memory_space<hbm>> -> memref<400xf32, #tpu.memory_space<hbm>>
    %dma_start3A_27 = arith.constant 0 : i32
    %dma_start3A_28 = tpu.memref_slice %arg12[%dma_start3A_27] : memref<800xf32, #tpu.memory_space<vmem>> -> memref<400xf32, #tpu.memory_space<vmem>>
    %dma_start3A_29 = tpu.memref_slice %arg5[%mul3A_23] : memref<5120000xf32, #tpu.memory_space<hbm>> -> memref<400xf32, #tpu.memory_space<hbm>>
    tpu.enqueue_dma source(%dma_start3A_29 : memref<400xf32, #tpu.memory_space<hbm>>) target(%dma_start3A_28 : memref<400xf32, #tpu.memory_space<vmem>>) target_semaphore(%arg14 : memref<!tpu.dma_semaphore, #tpu.memory_space<semaphore_mem>>)
    %scan3A = arith.constant 0 : i32
    %scan3A_30 = arith.constant 0 : i32
    %scan3A_31 = arith.constant 200 : i32
    %scan3A_32 = arith.addi %scan3A_30, %scan3A_31 : i32
    %scan3A_33 = arith.constant 1 : i32
    scf.for %scan3A_70 = %scan3A_30 to %scan3A_32 step %scan3A_33  : i32 {
      %mul3A_71 = arith.constant 2 : i32
      %mul3A_72 = arith.muli %scan3A_70, %mul3A_71 : i32
      %add3A_73 = arith.constant 1 : i32
      %add3A_74 = arith.addi %mul3A_72, %add3A_73 : i32
      %mul3A_75 = arith.constant 1 : i32
      %mul3A_76 = arith.muli %add3A_74, %mul3A_75 : i32
      %add3A_77 = arith.constant 0 : i32
      %add3A_78 = arith.addi %mul3A_76, %add3A_77 : i32
      %dma_start3A_79 = arith.constant 1 : i32
      %dma_start3A_80 = arith.constant 0 : i32
      %dma_start3A_81 = arith.constant 0 : i32
      %dma_start3A_82 = tpu.memref_slice %arg10[%dma_start3A_79, %dma_start3A_80, %dma_start3A_81] : memref<2x25x128xf32, #tpu.memory_space<vmem>> -> memref<1x25x128xf32, #tpu.memory_space<vmem>>
      %dma_start3A_83 = tpu.memref_squeeze %dma_start3A_82 : memref<1x25x128xf32, #tpu.memory_space<vmem>> -> memref<25x128xf32, #tpu.memory_space<vmem>>
      %dma_start3A_84 = arith.constant 0 : i32
      %dma_start3A_85 = tpu.memref_slice %arg9[%add3A_78, %dma_start3A_84] : memref<400x25xi32, #tpu.memory_space<vmem>> -> memref<1x25xi32, #tpu.memory_space<vmem>>
      %dma_start3A_86 = tpu.memref_squeeze %dma_start3A_85 : memref<1x25xi32, #tpu.memory_space<vmem>> -> memref<25xi32, #tpu.memory_space<vmem>>
      %dma_start3A_87 = arith.constant 0 : i32
      %dma_start3A_88 = arith.constant 0 : i32
      %dma_start3A_89 = tpu.memref_slice %arg2[%dma_start3A_87, %dma_start3A_88] : memref<10000x128xf32, #tpu.memory_space<hbm>> -> memref<10000x128xf32, #tpu.memory_space<hbm>>
      tpu.enqueue_indirect_dma source(%dma_start3A_89 : memref<10000x128xf32, #tpu.memory_space<hbm>>) target(%dma_start3A_83 : memref<25x128xf32, #tpu.memory_space<vmem>>) offsets(%dma_start3A_86 : memref<25xi32, #tpu.memory_space<vmem>>) semaphore(%arg15 : memref<!tpu.dma_semaphore, #tpu.memory_space<semaphore_mem>>)
      %mul3A_90 = arith.constant 10000 : i32
      %mul3A_91 = arith.muli %add3A, %mul3A_90 : i32
      %mul3A_92 = arith.constant 25 : i32
      %mul3A_93 = arith.muli %add3A_74, %mul3A_92 : i32
      %add3A_94 = arith.addi %mul3A_91, %mul3A_93 : i32
      %mul3A_95 = arith.constant 16 : i32
      %mul3A_96 = arith.muli %add3A_94, %mul3A_95 : i32
      %dma_start3A_97 = arith.constant 400 : i32
      %dma_start3A_98 = tpu.memref_slice %arg12[%dma_start3A_97] : memref<800xf32, #tpu.memory_space<vmem>> -> memref<400xf32, #tpu.memory_space<vmem>>
      %dma_start3A_99 = tpu.memref_slice %arg5[%mul3A_96] : memref<5120000xf32, #tpu.memory_space<hbm>> -> memref<400xf32, #tpu.memory_space<hbm>>
      %dma_start3A_100 = arith.constant 400 : i32
      %dma_start3A_101 = tpu.memref_slice %arg12[%dma_start3A_100] : memref<800xf32, #tpu.memory_space<vmem>> -> memref<400xf32, #tpu.memory_space<vmem>>
      %dma_start3A_102 = tpu.memref_slice %arg5[%mul3A_96] : memref<5120000xf32, #tpu.memory_space<hbm>> -> memref<400xf32, #tpu.memory_space<hbm>>
      tpu.enqueue_dma source(%dma_start3A_102 : memref<400xf32, #tpu.memory_space<hbm>>) target(%dma_start3A_101 : memref<400xf32, #tpu.memory_space<vmem>>) target_semaphore(%arg15 : memref<!tpu.dma_semaphore, #tpu.memory_space<semaphore_mem>>)
      %ge3A = arith.constant 1 : i32
      %ge3A_103 = arith.cmpi sge, %scan3A_70, %ge3A : i32
      %convert_element_type3A_104 = arith.extui %ge3A_103 : i1 to i32
      %cond3A_105 = arith.constant 0 : i32
      %cond3A_106 = arith.cmpi ne, %convert_element_type3A_104, %cond3A_105 : i32
      scf.if %cond3A_106 {
        %dma_wait3A_201 = arith.constant 0 : i32
        %dma_wait3A_202 = arith.constant 0 : i32
        %dma_wait3A_203 = arith.constant 0 : i32
        %dma_wait3A_204 = tpu.memref_slice %arg11[%dma_wait3A_201, %dma_wait3A_202, %dma_wait3A_203] : memref<2x25x128xf32, #tpu.memory_space<vmem>> -> memref<1x25x128xf32, #tpu.memory_space<vmem>>
        %dma_wait3A_205 = tpu.memref_squeeze %dma_wait3A_204 : memref<1x25x128xf32, #tpu.memory_space<vmem>> -> memref<25x128xf32, #tpu.memory_space<vmem>>
        %dma_wait3A_206 = arith.constant 0 : i32
        %dma_wait3A_207 = arith.constant 0 : i32
        %dma_wait3A_208 = tpu.memref_slice %arg2[%dma_wait3A_206, %dma_wait3A_207] : memref<10000x128xf32, #tpu.memory_space<hbm>> -> memref<25x128xf32, #tpu.memory_space<hbm>>
        %dma_wait3A_209 = arith.constant 0 : i32
        %dma_wait3A_210 = arith.constant 0 : i32
        %dma_wait3A_211 = tpu.memref_slice %arg11[%dma_wait3A_201, %dma_wait3A_209, %dma_wait3A_210] : memref<2x25x128xf32, #tpu.memory_space<vmem>> -> memref<1x25x128xf32, #tpu.memory_space<vmem>>
        %dma_wait3A_212 = tpu.memref_squeeze %dma_wait3A_211 : memref<1x25x128xf32, #tpu.memory_space<vmem>> -> memref<25x128xf32, #tpu.memory_space<vmem>>
        %dma_wait3A_213 = arith.constant 0 : i32
        %dma_wait3A_214 = arith.constant 0 : i32
        %dma_wait3A_215 = tpu.memref_slice %arg2[%dma_wait3A_213, %dma_wait3A_214] : memref<10000x128xf32, #tpu.memory_space<hbm>> -> memref<25x128xf32, #tpu.memory_space<hbm>>
        tpu.wait_dma2 semaphore(%arg16 : memref<!tpu.dma_semaphore, #tpu.memory_space<semaphore_mem>>) src(%dma_wait3A_215 : memref<25x128xf32, #tpu.memory_space<hbm>>) dst(%dma_wait3A_212 : memref<25x128xf32, #tpu.memory_space<vmem>>)
      } else {
      }
      %dma_wait3A_107 = arith.constant 0 : i32
      %dma_wait3A_108 = arith.constant 0 : i32
      %dma_wait3A_109 = arith.constant 0 : i32
      %dma_wait3A_110 = tpu.memref_slice %arg10[%dma_wait3A_107, %dma_wait3A_108, %dma_wait3A_109] : memref<2x25x128xf32, #tpu.memory_space<vmem>> -> memref<1x25x128xf32, #tpu.memory_space<vmem>>
      %dma_wait3A_111 = tpu.memref_squeeze %dma_wait3A_110 : memref<1x25x128xf32, #tpu.memory_space<vmem>> -> memref<25x128xf32, #tpu.memory_space<vmem>>
      %dma_wait3A_112 = arith.constant 0 : i32
      %dma_wait3A_113 = arith.constant 0 : i32
      %dma_wait3A_114 = tpu.memref_slice %arg2[%dma_wait3A_112, %dma_wait3A_113] : memref<10000x128xf32, #tpu.memory_space<hbm>> -> memref<25x128xf32, #tpu.memory_space<hbm>>
      %dma_wait3A_115 = arith.constant 0 : i32
      %dma_wait3A_116 = arith.constant 0 : i32
      %dma_wait3A_117 = tpu.memref_slice %arg10[%dma_wait3A_107, %dma_wait3A_115, %dma_wait3A_116] : memref<2x25x128xf32, #tpu.memory_space<vmem>> -> memref<1x25x128xf32, #tpu.memory_space<vmem>>
      %dma_wait3A_118 = tpu.memref_squeeze %dma_wait3A_117 : memref<1x25x128xf32, #tpu.memory_space<vmem>> -> memref<25x128xf32, #tpu.memory_space<vmem>>
      %dma_wait3A_119 = arith.constant 0 : i32
      %dma_wait3A_120 = arith.constant 0 : i32
      %dma_wait3A_121 = tpu.memref_slice %arg2[%dma_wait3A_119, %dma_wait3A_120] : memref<10000x128xf32, #tpu.memory_space<hbm>> -> memref<25x128xf32, #tpu.memory_space<hbm>>
      tpu.wait_dma2 semaphore(%arg14 : memref<!tpu.dma_semaphore, #tpu.memory_space<semaphore_mem>>) src(%dma_wait3A_121 : memref<25x128xf32, #tpu.memory_space<hbm>>) dst(%dma_wait3A_118 : memref<25x128xf32, #tpu.memory_space<vmem>>)
      %dma_wait3A_122 = arith.constant 0 : i32
      %dma_wait3A_123 = tpu.memref_slice %arg12[%dma_wait3A_122] : memref<800xf32, #tpu.memory_space<vmem>> -> memref<400xf32, #tpu.memory_space<vmem>>
      %dma_wait3A_124 = arith.constant 0 : i32
      %dma_wait3A_125 = tpu.memref_slice %arg5[%dma_wait3A_124] : memref<5120000xf32, #tpu.memory_space<hbm>> -> memref<400xf32, #tpu.memory_space<hbm>>
      %dma_wait3A_126 = arith.constant 0 : i32
      %dma_wait3A_127 = tpu.memref_slice %arg12[%dma_wait3A_126] : memref<800xf32, #tpu.memory_space<vmem>> -> memref<400xf32, #tpu.memory_space<vmem>>
      %dma_wait3A_128 = arith.constant 0 : i32
      %dma_wait3A_129 = tpu.memref_slice %arg5[%dma_wait3A_128] : memref<5120000xf32, #tpu.memory_space<hbm>> -> memref<400xf32, #tpu.memory_space<hbm>>
      tpu.wait_dma2 semaphore(%arg14 : memref<!tpu.dma_semaphore, #tpu.memory_space<semaphore_mem>>) src(%dma_wait3A_129 : memref<400xf32, #tpu.memory_space<hbm>>) dst(%dma_wait3A_127 : memref<400xf32, #tpu.memory_space<vmem>>)
      %parallel_loop3A = arith.constant 0 : i32
      %parallel_loop3A_130 = arith.constant 25 : i32
      %parallel_loop3A_131 = arith.constant 1 : i32
      scf.for %parallel_loop3A_201 = %parallel_loop3A to %parallel_loop3A_130 step %parallel_loop3A_131  : i32 {
        %parallel_loop3A_202 = arith.constant 0 : i32
        %parallel_loop3A_203 = arith.addi %parallel_loop3A_202, %parallel_loop3A_201 : i32
        %parallel_loop3A_204 = arith.constant 16 : i32
        %parallel_loop3A_205 = arith.muli %parallel_loop3A_203, %parallel_loop3A_204 : i32
        %parallel_loop3A_206 = arith.index_cast %parallel_loop3A_205 : i32 to index
        %parallel_loop3A_207 = tpu.vector_load %arg12[%parallel_loop3A_206] {strides = array<i32>} : memref<800xf32, #tpu.memory_space<vmem>>, vector<16xf32>,
        %parallel_loop3A_208 = vector.extract_strided_slice %parallel_loop3A_207 {offsets = [0], sizes = [1], strides = [1]} : vector<16xf32> to vector<1xf32>
        %parallel_loop3A_209 = vector.extract %parallel_loop3A_208[0] : f32 from vector<1xf32>
        %parallel_loop3A_210 = vector.broadcast %parallel_loop3A_209 : f32 to vector<16xf32>
        %parallel_loop3A_211 = arith.constant 0 : i32
        %parallel_loop3A_212 = arith.index_cast %parallel_loop3A_211 : i32 to index
        %parallel_loop3A_213 = arith.index_cast %parallel_loop3A_201 : i32 to index
        %parallel_loop3A_214 = arith.constant 0 : index
        %parallel_loop3A_215 = tpu.vector_load %arg10[%parallel_loop3A_212, %parallel_loop3A_213, %parallel_loop3A_214] {strides = array<i32>} : memref<2x25x128xf32, #tpu.memory_space<vmem>>, vector<16xf32>,
        %parallel_loop3A_216 = arith.mulf %parallel_loop3A_215, %parallel_loop3A_210 : vector<16xf32>
        %parallel_loop3A_217 = arith.constant 0 : i32
        %parallel_loop3A_218 = arith.index_cast %parallel_loop3A_217 : i32 to index
        %parallel_loop3A_219 = arith.index_cast %parallel_loop3A_201 : i32 to index
        %parallel_loop3A_220 = arith.constant 0 : index
        %parallel_loop3A_221 = tpu.vector_load %arg11[%parallel_loop3A_218, %parallel_loop3A_219, %parallel_loop3A_220] {strides = array<i32>} : memref<2x25x128xf32, #tpu.memory_space<vmem>>, vector<16xf32>,
        tpu.vector_store %arg11[%parallel_loop3A_218, %parallel_loop3A_219, %parallel_loop3A_220], %parallel_loop3A_216 {strides = array<i32>} : memref<2x25x128xf32, #tpu.memory_space<vmem>>, vector<16xf32>,
        %parallel_loop3A_222 = arith.constant 0 : i32
        %parallel_loop3A_223 = arith.index_cast %parallel_loop3A_222 : i32 to index
        %parallel_loop3A_224 = arith.index_cast %parallel_loop3A_201 : i32 to index
        %parallel_loop3A_225 = arith.constant 16 : index
        %parallel_loop3A_226 = tpu.vector_load %arg10[%parallel_loop3A_223, %parallel_loop3A_224, %parallel_loop3A_225] {strides = array<i32>} : memref<2x25x128xf32, #tpu.memory_space<vmem>>, vector<16xf32>,
        %parallel_loop3A_227 = arith.mulf %parallel_loop3A_226, %parallel_loop3A_210 : vector<16xf32>
        %parallel_loop3A_228 = arith.constant 0 : i32
        %parallel_loop3A_229 = arith.index_cast %parallel_loop3A_228 : i32 to index
        %parallel_loop3A_230 = arith.index_cast %parallel_loop3A_201 : i32 to index
        %parallel_loop3A_231 = arith.constant 16 : index
        %parallel_loop3A_232 = tpu.vector_load %arg11[%parallel_loop3A_229, %parallel_loop3A_230, %parallel_loop3A_231] {strides = array<i32>} : memref<2x25x128xf32, #tpu.memory_space<vmem>>, vector<16xf32>,
        tpu.vector_store %arg11[%parallel_loop3A_229, %parallel_loop3A_230, %parallel_loop3A_231], %parallel_loop3A_227 {strides = array<i32>} : memref<2x25x128xf32, #tpu.memory_space<vmem>>, vector<16xf32>,
        %parallel_loop3A_233 = vector.extract_strided_slice %parallel_loop3A_207 {offsets = [1], sizes = [1], strides = [1]} : vector<16xf32> to vector<1xf32>
        %parallel_loop3A_234 = vector.extract %parallel_loop3A_233[0] : f32 from vector<1xf32>
        %parallel_loop3A_235 = vector.broadcast %parallel_loop3A_234 : f32 to vector<16xf32>
        %parallel_loop3A_236 = arith.constant 0 : i32
        %parallel_loop3A_237 = arith.index_cast %parallel_loop3A_236 : i32 to index
        %parallel_loop3A_238 = arith.index_cast %parallel_loop3A_201 : i32 to index
        %parallel_loop3A_239 = arith.constant 32 : index
        %parallel_loop3A_240 = tpu.vector_load %arg10[%parallel_loop3A_237, %parallel_loop3A_238, %parallel_loop3A_239] {strides = array<i32>} : memref<2x25x128xf32, #tpu.memory_space<vmem>>, vector<16xf32>,
        %parallel_loop3A_241 = arith.mulf %parallel_loop3A_240, %parallel_loop3A_235 : vector<16xf32>
        %parallel_loop3A_242 = arith.constant 0 : i32
        %parallel_loop3A_243 = arith.index_cast %parallel_loop3A_242 : i32 to index
        %parallel_loop3A_244 = arith.index_cast %parallel_loop3A_201 : i32 to index
        %parallel_loop3A_245 = arith.constant 32 : index
        %parallel_loop3A_246 = tpu.vector_load %arg11[%parallel_loop3A_243, %parallel_loop3A_244, %parallel_loop3A_245] {strides = array<i32>} : memref<2x25x128xf32, #tpu.memory_space<vmem>>, vector<16xf32>,
        tpu.vector_store %arg11[%parallel_loop3A_243, %parallel_loop3A_244, %parallel_loop3A_245], %parallel_loop3A_241 {strides = array<i32>} : memref<2x25x128xf32, #tpu.memory_space<vmem>>, vector<16xf32>,
        %parallel_loop3A_247 = arith.constant 0 : i32
        %parallel_loop3A_248 = arith.index_cast %parallel_loop3A_247 : i32 to index
        %parallel_loop3A_249 = arith.index_cast %parallel_loop3A_201 : i32 to index
        %parallel_loop3A_250 = arith.constant 48 : index
        %parallel_loop3A_251 = tpu.vector_load %arg10[%parallel_loop3A_248, %parallel_loop3A_249, %parallel_loop3A_250] {strides = array<i32>} : memref<2x25x128xf32, #tpu.memory_space<vmem>>, vector<16xf32>,
        %parallel_loop3A_252 = arith.mulf %parallel_loop3A_251, %parallel_loop3A_235 : vector<16xf32>
        %parallel_loop3A_253 = arith.constant 0 : i32
        %parallel_loop3A_254 = arith.index_cast %parallel_loop3A_253 : i32 to index
        %parallel_loop3A_255 = arith.index_cast %parallel_loop3A_201 : i32 to index
        %parallel_loop3A_256 = arith.constant 48 : index
        %parallel_loop3A_257 = tpu.vector_load %arg11[%parallel_loop3A_254, %parallel_loop3A_255, %parallel_loop3A_256] {strides = array<i32>} : memref<2x25x128xf32, #tpu.memory_space<vmem>>, vector<16xf32>,
        tpu.vector_store %arg11[%parallel_loop3A_254, %parallel_loop3A_255, %parallel_loop3A_256], %parallel_loop3A_252 {strides = array<i32>} : memref<2x25x128xf32, #tpu.memory_space<vmem>>, vector<16xf32>,
        %parallel_loop3A_258 = vector.extract_strided_slice %parallel_loop3A_207 {offsets = [2], sizes = [1], strides = [1]} : vector<16xf32> to vector<1xf32>
        %parallel_loop3A_259 = vector.extract %parallel_loop3A_258[0] : f32 from vector<1xf32>
        %parallel_loop3A_260 = vector.broadcast %parallel_loop3A_259 : f32 to vector<16xf32>
        %parallel_loop3A_261 = arith.constant 0 : i32
        %parallel_loop3A_262 = arith.index_cast %parallel_loop3A_261 : i32 to index
        %parallel_loop3A_263 = arith.index_cast %parallel_loop3A_201 : i32 to index
        %parallel_loop3A_264 = arith.constant 64 : index
        %parallel_loop3A_265 = tpu.vector_load %arg10[%parallel_loop3A_262, %parallel_loop3A_263, %parallel_loop3A_264] {strides = array<i32>} : memref<2x25x128xf32, #tpu.memory_space<vmem>>, vector<16xf32>,
        %parallel_loop3A_266 = arith.mulf %parallel_loop3A_265, %parallel_loop3A_260 : vector<16xf32>
        %parallel_loop3A_267 = arith.constant 0 : i32
        %parallel_loop3A_268 = arith.index_cast %parallel_loop3A_267 : i32 to index
        %parallel_loop3A_269 = arith.index_cast %parallel_loop3A_201 : i32 to index
        %parallel_loop3A_270 = arith.constant 64 : index
        %parallel_loop3A_271 = tpu.vector_load %arg11[%parallel_loop3A_268, %parallel_loop3A_269, %parallel_loop3A_270] {strides = array<i32>} : memref<2x25x128xf32, #tpu.memory_space<vmem>>, vector<16xf32>,
        tpu.vector_store %arg11[%parallel_loop3A_268, %parallel_loop3A_269, %parallel_loop3A_270], %parallel_loop3A_266 {strides = array<i32>} : memref<2x25x128xf32, #tpu.memory_space<vmem>>, vector<16xf32>,
        %parallel_loop3A_272 = arith.constant 0 : i32
        %parallel_loop3A_273 = arith.index_cast %parallel_loop3A_272 : i32 to index
        %parallel_loop3A_274 = arith.index_cast %parallel_loop3A_201 : i32 to index
        %parallel_loop3A_275 = arith.constant 80 : index
        %parallel_loop3A_276 = tpu.vector_load %arg10[%parallel_loop3A_273, %parallel_loop3A_274, %parallel_loop3A_275] {strides = array<i32>} : memref<2x25x128xf32, #tpu.memory_space<vmem>>, vector<16xf32>,
        %parallel_loop3A_277 = arith.mulf %parallel_loop3A_276, %parallel_loop3A_260 : vector<16xf32>
        %parallel_loop3A_278 = arith.constant 0 : i32
        %parallel_loop3A_279 = arith.index_cast %parallel_loop3A_278 : i32 to index
        %parallel_loop3A_280 = arith.index_cast %parallel_loop3A_201 : i32 to index
        %parallel_loop3A_281 = arith.constant 80 : index
        %parallel_loop3A_282 = tpu.vector_load %arg11[%parallel_loop3A_279, %parallel_loop3A_280, %parallel_loop3A_281] {strides = array<i32>} : memref<2x25x128xf32, #tpu.memory_space<vmem>>, vector<16xf32>,
        tpu.vector_store %arg11[%parallel_loop3A_279, %parallel_loop3A_280, %parallel_loop3A_281], %parallel_loop3A_277 {strides = array<i32>} : memref<2x25x128xf32, #tpu.memory_space<vmem>>, vector<16xf32>,
        %parallel_loop3A_283 = vector.extract_strided_slice %parallel_loop3A_207 {offsets = [3], sizes = [1], strides = [1]} : vector<16xf32> to vector<1xf32>
        %parallel_loop3A_284 = vector.extract %parallel_loop3A_283[0] : f32 from vector<1xf32>
        %parallel_loop3A_285 = vector.broadcast %parallel_loop3A_284 : f32 to vector<16xf32>
        %parallel_loop3A_286 = arith.constant 0 : i32
        %parallel_loop3A_287 = arith.index_cast %parallel_loop3A_286 : i32 to index
        %parallel_loop3A_288 = arith.index_cast %parallel_loop3A_201 : i32 to index
        %parallel_loop3A_289 = arith.constant 96 : index
        %parallel_loop3A_290 = tpu.vector_load %arg10[%parallel_loop3A_287, %parallel_loop3A_288, %parallel_loop3A_289] {strides = array<i32>} : memref<2x25x128xf32, #tpu.memory_space<vmem>>, vector<16xf32>,
        %parallel_loop3A_291 = arith.mulf %parallel_loop3A_290, %parallel_loop3A_285 : vector<16xf32>
        %parallel_loop3A_292 = arith.constant 0 : i32
        %parallel_loop3A_293 = arith.index_cast %parallel_loop3A_292 : i32 to index
        %parallel_loop3A_294 = arith.index_cast %parallel_loop3A_201 : i32 to index
        %parallel_loop3A_295 = arith.constant 96 : index
        %parallel_loop3A_296 = tpu.vector_load %arg11[%parallel_loop3A_293, %parallel_loop3A_294, %parallel_loop3A_295] {strides = array<i32>} : memref<2x25x128xf32, #tpu.memory_space<vmem>>, vector<16xf32>,
        tpu.vector_store %arg11[%parallel_loop3A_293, %parallel_loop3A_294, %parallel_loop3A_295], %parallel_loop3A_291 {strides = array<i32>} : memref<2x25x128xf32, #tpu.memory_space<vmem>>, vector<16xf32>,
        %parallel_loop3A_297 = arith.constant 0 : i32
        %parallel_loop3A_298 = arith.index_cast %parallel_loop3A_297 : i32 to index
        %parallel_loop3A_299 = arith.index_cast %parallel_loop3A_201 : i32 to index
        %parallel_loop3A_300 = arith.constant 112 : index
        %parallel_loop3A_301 = tpu.vector_load %arg10[%parallel_loop3A_298, %parallel_loop3A_299, %parallel_loop3A_300] {strides = array<i32>} : memref<2x25x128xf32, #tpu.memory_space<vmem>>, vector<16xf32>,
        %parallel_loop3A_302 = arith.mulf %parallel_loop3A_301, %parallel_loop3A_285 : vector<16xf32>
        %parallel_loop3A_303 = arith.constant 0 : i32
        %parallel_loop3A_304 = arith.index_cast %parallel_loop3A_303 : i32 to index
        %parallel_loop3A_305 = arith.index_cast %parallel_loop3A_201 : i32 to index
        %parallel_loop3A_306 = arith.constant 112 : index
        %parallel_loop3A_307 = tpu.vector_load %arg11[%parallel_loop3A_304, %parallel_loop3A_305, %parallel_loop3A_306] {strides = array<i32>} : memref<2x25x128xf32, #tpu.memory_space<vmem>>, vector<16xf32>,
        tpu.vector_store %arg11[%parallel_loop3A_304, %parallel_loop3A_305, %parallel_loop3A_306], %parallel_loop3A_302 {strides = array<i32>} : memref<2x25x128xf32, #tpu.memory_space<vmem>>, vector<16xf32>,
      } {sc.loop_unroll_factor = 4 : i64, sc.parallel_access}
      %mul3A_132 = arith.constant 1 : i32
      %mul3A_133 = arith.muli %mul3A_72, %mul3A_132 : i32
      %add3A_134 = arith.constant 0 : i32
      %add3A_135 = arith.addi %mul3A_133, %add3A_134 : i32
      %dma_start3A_136 = arith.constant 0 : i32
      %dma_start3A_137 = arith.constant 0 : i32
      %dma_start3A_138 = arith.constant 0 : i32
      %dma_start3A_139 = tpu.memref_slice %arg11[%dma_start3A_136, %dma_start3A_137, %dma_start3A_138] : memref<2x25x128xf32, #tpu.memory_space<vmem>> -> memref<1x25x128xf32, #tpu.memory_space<vmem>>
      %dma_start3A_140 = tpu.memref_squeeze %dma_start3A_139 : memref<1x25x128xf32, #tpu.memory_space<vmem>> -> memref<25x128xf32, #tpu.memory_space<vmem>>
      %dma_start3A_141 = arith.constant 0 : i32
      %dma_start3A_142 = tpu.memref_slice %arg8[%add3A_135, %dma_start3A_141] : memref<400x25xi32, #tpu.memory_space<vmem>> -> memref<1x25xi32, #tpu.memory_space<vmem>>
      %dma_start3A_143 = tpu.memref_squeeze %dma_start3A_142 : memref<1x25xi32, #tpu.memory_space<vmem>> -> memref<25xi32, #tpu.memory_space<vmem>>
      %dma_start3A_144 = arith.constant 0 : i32
      %dma_start3A_145 = arith.constant 0 : i32
      %dma_start3A_146 = tpu.memref_slice %arg13[%dma_start3A_144, %dma_start3A_145] : memref<10000x128xf32, #tpu.memory_space<vmem_shared>> -> memref<10000x128xf32, #tpu.memory_space<vmem_shared>>
      tpu.enqueue_indirect_dma source(%dma_start3A_140 : memref<25x128xf32, #tpu.memory_space<vmem>>) target(%dma_start3A_146 : memref<10000x128xf32, #tpu.memory_space<vmem_shared>>) offsets(%dma_start3A_143 : memref<25xi32, #tpu.memory_space<vmem>>) semaphore(%arg16 : memref<!tpu.dma_semaphore, #tpu.memory_space<semaphore_mem>>) {add = true}
      %le3A = arith.constant 198 : i32
      %le3A_147 = arith.cmpi sle, %scan3A_70, %le3A : i32
      %convert_element_type3A_148 = arith.extui %le3A_147 : i1 to i32
      %cond3A_149 = arith.constant 0 : i32
      %cond3A_150 = arith.cmpi ne, %convert_element_type3A_148, %cond3A_149 : i32
      scf.if %cond3A_150 {
        %add3A_201 = arith.constant 2 : i32
        %add3A_202 = arith.addi %mul3A_72, %add3A_201 : i32
        %mul3A_203 = arith.constant 1 : i32
        %mul3A_204 = arith.muli %add3A_202, %mul3A_203 : i32
        %add3A_205 = arith.constant 0 : i32
        %add3A_206 = arith.addi %mul3A_204, %add3A_205 : i32
        %dma_start3A_207 = arith.constant 0 : i32
        %dma_start3A_208 = arith.constant 0 : i32
        %dma_start3A_209 = arith.constant 0 : i32
        %dma_start3A_210 = tpu.memref_slice %arg10[%dma_start3A_207, %dma_start3A_208, %dma_start3A_209] : memref<2x25x128xf32, #tpu.memory_space<vmem>> -> memref<1x25x128xf32, #tpu.memory_space<vmem>>
        %dma_start3A_211 = tpu.memref_squeeze %dma_start3A_210 : memref<1x25x128xf32, #tpu.memory_space<vmem>> -> memref<25x128xf32, #tpu.memory_space<vmem>>
        %dma_start3A_212 = arith.constant 0 : i32
        %dma_start3A_213 = tpu.memref_slice %arg9[%add3A_206, %dma_start3A_212] : memref<400x25xi32, #tpu.memory_space<vmem>> -> memref<1x25xi32, #tpu.memory_space<vmem>>
        %dma_start3A_214 = tpu.memref_squeeze %dma_start3A_213 : memref<1x25xi32, #tpu.memory_space<vmem>> -> memref<25xi32, #tpu.memory_space<vmem>>
        %dma_start3A_215 = arith.constant 0 : i32
        %dma_start3A_216 = arith.constant 0 : i32
        %dma_start3A_217 = tpu.memref_slice %arg2[%dma_start3A_215, %dma_start3A_216] : memref<10000x128xf32, #tpu.memory_space<hbm>> -> memref<10000x128xf32, #tpu.memory_space<hbm>>
        tpu.enqueue_indirect_dma source(%dma_start3A_217 : memref<10000x128xf32, #tpu.memory_space<hbm>>) target(%dma_start3A_211 : memref<25x128xf32, #tpu.memory_space<vmem>>) offsets(%dma_start3A_214 : memref<25xi32, #tpu.memory_space<vmem>>) semaphore(%arg14 : memref<!tpu.dma_semaphore, #tpu.memory_space<semaphore_mem>>)
        %mul3A_218 = arith.constant 10000 : i32
        %mul3A_219 = arith.muli %add3A, %mul3A_218 : i32
        %mul3A_220 = arith.constant 25 : i32
        %mul3A_221 = arith.muli %add3A_202, %mul3A_220 : i32
        %add3A_222 = arith.addi %mul3A_219, %mul3A_221 : i32
        %mul3A_223 = arith.constant 16 : i32
        %mul3A_224 = arith.muli %add3A_222, %mul3A_223 : i32
        %dma_start3A_225 = arith.constant 0 : i32
        %dma_start3A_226 = tpu.memref_slice %arg12[%dma_start3A_225] : memref<800xf32, #tpu.memory_space<vmem>> -> memref<400xf32, #tpu.memory_space<vmem>>
        %dma_start3A_227 = tpu.memref_slice %arg5[%mul3A_224] : memref<5120000xf32, #tpu.memory_space<hbm>> -> memref<400xf32, #tpu.memory_space<hbm>>
        %dma_start3A_228 = arith.constant 0 : i32
        %dma_start3A_229 = tpu.memref_slice %arg12[%dma_start3A_228] : memref<800xf32, #tpu.memory_space<vmem>> -> memref<400xf32, #tpu.memory_space<vmem>>
        %dma_start3A_230 = tpu.memref_slice %arg5[%mul3A_224] : memref<5120000xf32, #tpu.memory_space<hbm>> -> memref<400xf32, #tpu.memory_space<hbm>>
        tpu.enqueue_dma source(%dma_start3A_230 : memref<400xf32, #tpu.memory_space<hbm>>) target(%dma_start3A_229 : memref<400xf32, #tpu.memory_space<vmem>>) target_semaphore(%arg14 : memref<!tpu.dma_semaphore, #tpu.memory_space<semaphore_mem>>)
      } else {
      }
      %ge3A_151 = arith.constant 1 : i32
      %ge3A_152 = arith.cmpi sge, %scan3A_70, %ge3A_151 : i32
      %convert_element_type3A_153 = arith.extui %ge3A_152 : i1 to i32
      %cond3A_154 = arith.constant 0 : i32
      %cond3A_155 = arith.cmpi ne, %convert_element_type3A_153, %cond3A_154 : i32
      scf.if %cond3A_155 {
        %dma_wait3A_201 = arith.constant 1 : i32
        %dma_wait3A_202 = arith.constant 0 : i32
        %dma_wait3A_203 = arith.constant 0 : i32
        %dma_wait3A_204 = tpu.memref_slice %arg11[%dma_wait3A_201, %dma_wait3A_202, %dma_wait3A_203] : memref<2x25x128xf32, #tpu.memory_space<vmem>> -> memref<1x25x128xf32, #tpu.memory_space<vmem>>
        %dma_wait3A_205 = tpu.memref_squeeze %dma_wait3A_204 : memref<1x25x128xf32, #tpu.memory_space<vmem>> -> memref<25x128xf32, #tpu.memory_space<vmem>>
        %dma_wait3A_206 = arith.constant 0 : i32
        %dma_wait3A_207 = arith.constant 0 : i32
        %dma_wait3A_208 = tpu.memref_slice %arg2[%dma_wait3A_206, %dma_wait3A_207] : memref<10000x128xf32, #tpu.memory_space<hbm>> -> memref<25x128xf32, #tpu.memory_space<hbm>>
        %dma_wait3A_209 = arith.constant 0 : i32
        %dma_wait3A_210 = arith.constant 0 : i32
        %dma_wait3A_211 = tpu.memref_slice %arg11[%dma_wait3A_201, %dma_wait3A_209, %dma_wait3A_210] : memref<2x25x128xf32, #tpu.memory_space<vmem>> -> memref<1x25x128xf32, #tpu.memory_space<vmem>>
        %dma_wait3A_212 = tpu.memref_squeeze %dma_wait3A_211 : memref<1x25x128xf32, #tpu.memory_space<vmem>> -> memref<25x128xf32, #tpu.memory_space<vmem>>
        %dma_wait3A_213 = arith.constant 0 : i32
        %dma_wait3A_214 = arith.constant 0 : i32
        %dma_wait3A_215 = tpu.memref_slice %arg2[%dma_wait3A_213, %dma_wait3A_214] : memref<10000x128xf32, #tpu.memory_space<hbm>> -> memref<25x128xf32, #tpu.memory_space<hbm>>
        tpu.wait_dma2 semaphore(%arg17 : memref<!tpu.dma_semaphore, #tpu.memory_space<semaphore_mem>>) src(%dma_wait3A_215 : memref<25x128xf32, #tpu.memory_space<hbm>>) dst(%dma_wait3A_212 : memref<25x128xf32, #tpu.memory_space<vmem>>)
      } else {
      }
      %dma_wait3A_156 = arith.constant 1 : i32
      %dma_wait3A_157 = arith.constant 0 : i32
      %dma_wait3A_158 = arith.constant 0 : i32
      %dma_wait3A_159 = tpu.memref_slice %arg10[%dma_wait3A_156, %dma_wait3A_157, %dma_wait3A_158] : memref<2x25x128xf32, #tpu.memory_space<vmem>> -> memref<1x25x128xf32, #tpu.memory_space<vmem>>
      %dma_wait3A_160 = tpu.memref_squeeze %dma_wait3A_159 : memref<1x25x128xf32, #tpu.memory_space<vmem>> -> memref<25x128xf32, #tpu.memory_space<vmem>>
      %dma_wait3A_161 = arith.constant 0 : i32
      %dma_wait3A_162 = arith.constant 0 : i32
      %dma_wait3A_163 = tpu.memref_slice %arg2[%dma_wait3A_161, %dma_wait3A_162] : memref<10000x128xf32, #tpu.memory_space<hbm>> -> memref<25x128xf32, #tpu.memory_space<hbm>>
      %dma_wait3A_164 = arith.constant 0 : i32
      %dma_wait3A_165 = arith.constant 0 : i32
      %dma_wait3A_166 = tpu.memref_slice %arg10[%dma_wait3A_156, %dma_wait3A_164, %dma_wait3A_165] : memref<2x25x128xf32, #tpu.memory_space<vmem>> -> memref<1x25x128xf32, #tpu.memory_space<vmem>>
      %dma_wait3A_167 = tpu.memref_squeeze %dma_wait3A_166 : memref<1x25x128xf32, #tpu.memory_space<vmem>> -> memref<25x128xf32, #tpu.memory_space<vmem>>
      %dma_wait3A_168 = arith.constant 0 : i32
      %dma_wait3A_169 = arith.constant 0 : i32
      %dma_wait3A_170 = tpu.memref_slice %arg2[%dma_wait3A_168, %dma_wait3A_169] : memref<10000x128xf32, #tpu.memory_space<hbm>> -> memref<25x128xf32, #tpu.memory_space<hbm>>
      tpu.wait_dma2 semaphore(%arg15 : memref<!tpu.dma_semaphore, #tpu.memory_space<semaphore_mem>>) src(%dma_wait3A_170 : memref<25x128xf32, #tpu.memory_space<hbm>>) dst(%dma_wait3A_167 : memref<25x128xf32, #tpu.memory_space<vmem>>)
      %dma_wait3A_171 = arith.constant 400 : i32
      %dma_wait3A_172 = tpu.memref_slice %arg12[%dma_wait3A_171] : memref<800xf32, #tpu.memory_space<vmem>> -> memref<400xf32, #tpu.memory_space<vmem>>
      %dma_wait3A_173 = arith.constant 0 : i32
      %dma_wait3A_174 = tpu.memref_slice %arg5[%dma_wait3A_173] : memref<5120000xf32, #tpu.memory_space<hbm>> -> memref<400xf32, #tpu.memory_space<hbm>>
      %dma_wait3A_175 = arith.constant 400 : i32
      %dma_wait3A_176 = tpu.memref_slice %arg12[%dma_wait3A_175] : memref<800xf32, #tpu.memory_space<vmem>> -> memref<400xf32, #tpu.memory_space<vmem>>
      %dma_wait3A_177 = arith.constant 0 : i32
      %dma_wait3A_178 = tpu.memref_slice %arg5[%dma_wait3A_177] : memref<5120000xf32, #tpu.memory_space<hbm>> -> memref<400xf32, #tpu.memory_space<hbm>>
      tpu.wait_dma2 semaphore(%arg15 : memref<!tpu.dma_semaphore, #tpu.memory_space<semaphore_mem>>) src(%dma_wait3A_178 : memref<400xf32, #tpu.memory_space<hbm>>) dst(%dma_wait3A_176 : memref<400xf32, #tpu.memory_space<vmem>>)
      %add3A_179 = arith.constant 1 : i32
      %add3A_180 = arith.addi %mul3A_72, %add3A_179 : i32
      %parallel_loop3A_181 = arith.constant 0 : i32
      %parallel_loop3A_182 = arith.constant 25 : i32
      %parallel_loop3A_183 = arith.constant 1 : i32
      scf.for %parallel_loop3A_201 = %parallel_loop3A_181 to %parallel_loop3A_182 step %parallel_loop3A_183  : i32 {
        %parallel_loop3A_202 = arith.constant 25 : i32
        %parallel_loop3A_203 = arith.addi %parallel_loop3A_202, %parallel_loop3A_201 : i32
        %parallel_loop3A_204 = arith.constant 16 : i32
        %parallel_loop3A_205 = arith.muli %parallel_loop3A_203, %parallel_loop3A_204 : i32
        %parallel_loop3A_206 = arith.index_cast %parallel_loop3A_205 : i32 to index
        %parallel_loop3A_207 = tpu.vector_load %arg12[%parallel_loop3A_206] {strides = array<i32>} : memref<800xf32, #tpu.memory_space<vmem>>, vector<16xf32>,
        %parallel_loop3A_208 = vector.extract_strided_slice %parallel_loop3A_207 {offsets = [0], sizes = [1], strides = [1]} : vector<16xf32> to vector<1xf32>
        %parallel_loop3A_209 = vector.extract %parallel_loop3A_208[0] : f32 from vector<1xf32>
        %parallel_loop3A_210 = vector.broadcast %parallel_loop3A_209 : f32 to vector<16xf32>
        %parallel_loop3A_211 = arith.constant 1 : i32
        %parallel_loop3A_212 = arith.index_cast %parallel_loop3A_211 : i32 to index
        %parallel_loop3A_213 = arith.index_cast %parallel_loop3A_201 : i32 to index
        %parallel_loop3A_214 = arith.constant 0 : index
        %parallel_loop3A_215 = tpu.vector_load %arg10[%parallel_loop3A_212, %parallel_loop3A_213, %parallel_loop3A_214] {strides = array<i32>} : memref<2x25x128xf32, #tpu.memory_space<vmem>>, vector<16xf32>,
        %parallel_loop3A_216 = arith.mulf %parallel_loop3A_215, %parallel_loop3A_210 : vector<16xf32>
        %parallel_loop3A_217 = arith.constant 1 : i32
        %parallel_loop3A_218 = arith.index_cast %parallel_loop3A_217 : i32 to index
        %parallel_loop3A_219 = arith.index_cast %parallel_loop3A_201 : i32 to index
        %parallel_loop3A_220 = arith.constant 0 : index
        %parallel_loop3A_221 = tpu.vector_load %arg11[%parallel_loop3A_218, %parallel_loop3A_219, %parallel_loop3A_220] {strides = array<i32>} : memref<2x25x128xf32, #tpu.memory_space<vmem>>, vector<16xf32>,
        tpu.vector_store %arg11[%parallel_loop3A_218, %parallel_loop3A_219, %parallel_loop3A_220], %parallel_loop3A_216 {strides = array<i32>} : memref<2x25x128xf32, #tpu.memory_space<vmem>>, vector<16xf32>,
        %parallel_loop3A_222 = arith.constant 1 : i32
        %parallel_loop3A_223 = arith.index_cast %parallel_loop3A_222 : i32 to index
        %parallel_loop3A_224 = arith.index_cast %parallel_loop3A_201 : i32 to index
        %parallel_loop3A_225 = arith.constant 16 : index
        %parallel_loop3A_226 = tpu.vector_load %arg10[%parallel_loop3A_223, %parallel_loop3A_224, %parallel_loop3A_225] {strides = array<i32>} : memref<2x25x128xf32, #tpu.memory_space<vmem>>, vector<16xf32>,
        %parallel_loop3A_227 = arith.mulf %parallel_loop3A_226, %parallel_loop3A_210 : vector<16xf32>
        %parallel_loop3A_228 = arith.constant 1 : i32
        %parallel_loop3A_229 = arith.index_cast %parallel_loop3A_228 : i32 to index
        %parallel_loop3A_230 = arith.index_cast %parallel_loop3A_201 : i32 to index
        %parallel_loop3A_231 = arith.constant 16 : index
        %parallel_loop3A_232 = tpu.vector_load %arg11[%parallel_loop3A_229, %parallel_loop3A_230, %parallel_loop3A_231] {strides = array<i32>} : memref<2x25x128xf32, #tpu.memory_space<vmem>>, vector<16xf32>,
        tpu.vector_store %arg11[%parallel_loop3A_229, %parallel_loop3A_230, %parallel_loop3A_231], %parallel_loop3A_227 {strides = array<i32>} : memref<2x25x128xf32, #tpu.memory_space<vmem>>, vector<16xf32>,
        %parallel_loop3A_233 = vector.extract_strided_slice %parallel_loop3A_207 {offsets = [1], sizes = [1], strides = [1]} : vector<16xf32> to vector<1xf32>
        %parallel_loop3A_234 = vector.extract %parallel_loop3A_233[0] : f32 from vector<1xf32>
        %parallel_loop3A_235 = vector.broadcast %parallel_loop3A_234 : f32 to vector<16xf32>
        %parallel_loop3A_236 = arith.constant 1 : i32
        %parallel_loop3A_237 = arith.index_cast %parallel_loop3A_236 : i32 to index
        %parallel_loop3A_238 = arith.index_cast %parallel_loop3A_201 : i32 to index
        %parallel_loop3A_239 = arith.constant 32 : index
        %parallel_loop3A_240 = tpu.vector_load %arg10[%parallel_loop3A_237, %parallel_loop3A_238, %parallel_loop3A_239] {strides = array<i32>} : memref<2x25x128xf32, #tpu.memory_space<vmem>>, vector<16xf32>,
        %parallel_loop3A_241 = arith.mulf %parallel_loop3A_240, %parallel_loop3A_235 : vector<16xf32>
        %parallel_loop3A_242 = arith.constant 1 : i32
        %parallel_loop3A_243 = arith.index_cast %parallel_loop3A_242 : i32 to index
        %parallel_loop3A_244 = arith.index_cast %parallel_loop3A_201 : i32 to index
        %parallel_loop3A_245 = arith.constant 32 : index
        %parallel_loop3A_246 = tpu.vector_load %arg11[%parallel_loop3A_243, %parallel_loop3A_244, %parallel_loop3A_245] {strides = array<i32>} : memref<2x25x128xf32, #tpu.memory_space<vmem>>, vector<16xf32>,
        tpu.vector_store %arg11[%parallel_loop3A_243, %parallel_loop3A_244, %parallel_loop3A_245], %parallel_loop3A_241 {strides = array<i32>} : memref<2x25x128xf32, #tpu.memory_space<vmem>>, vector<16xf32>,
        %parallel_loop3A_247 = arith.constant 1 : i32
        %parallel_loop3A_248 = arith.index_cast %parallel_loop3A_247 : i32 to index
        %parallel_loop3A_249 = arith.index_cast %parallel_loop3A_201 : i32 to index
        %parallel_loop3A_250 = arith.constant 48 : index
        %parallel_loop3A_251 = tpu.vector_load %arg10[%parallel_loop3A_248, %parallel_loop3A_249, %parallel_loop3A_250] {strides = array<i32>} : memref<2x25x128xf32, #tpu.memory_space<vmem>>, vector<16xf32>,
        %parallel_loop3A_252 = arith.mulf %parallel_loop3A_251, %parallel_loop3A_235 : vector<16xf32>
        %parallel_loop3A_253 = arith.constant 1 : i32
        %parallel_loop3A_254 = arith.index_cast %parallel_loop3A_253 : i32 to index
        %parallel_loop3A_255 = arith.index_cast %parallel_loop3A_201 : i32 to index
        %parallel_loop3A_256 = arith.constant 48 : index
        %parallel_loop3A_257 = tpu.vector_load %arg11[%parallel_loop3A_254, %parallel_loop3A_255, %parallel_loop3A_256] {strides = array<i32>} : memref<2x25x128xf32, #tpu.memory_space<vmem>>, vector<16xf32>,
        tpu.vector_store %arg11[%parallel_loop3A_254, %parallel_loop3A_255, %parallel_loop3A_256], %parallel_loop3A_252 {strides = array<i32>} : memref<2x25x128xf32, #tpu.memory_space<vmem>>, vector<16xf32>,
        %parallel_loop3A_258 = vector.extract_strided_slice %parallel_loop3A_207 {offsets = [2], sizes = [1], strides = [1]} : vector<16xf32> to vector<1xf32>
        %parallel_loop3A_259 = vector.extract %parallel_loop3A_258[0] : f32 from vector<1xf32>
        %parallel_loop3A_260 = vector.broadcast %parallel_loop3A_259 : f32 to vector<16xf32>
        %parallel_loop3A_261 = arith.constant 1 : i32
        %parallel_loop3A_262 = arith.index_cast %parallel_loop3A_261 : i32 to index
        %parallel_loop3A_263 = arith.index_cast %parallel_loop3A_201 : i32 to index
        %parallel_loop3A_264 = arith.constant 64 : index
        %parallel_loop3A_265 = tpu.vector_load %arg10[%parallel_loop3A_262, %parallel_loop3A_263, %parallel_loop3A_264] {strides = array<i32>} : memref<2x25x128xf32, #tpu.memory_space<vmem>>, vector<16xf32>,
        %parallel_loop3A_266 = arith.mulf %parallel_loop3A_265, %parallel_loop3A_260 : vector<16xf32>
        %parallel_loop3A_267 = arith.constant 1 : i32
        %parallel_loop3A_268 = arith.index_cast %parallel_loop3A_267 : i32 to index
        %parallel_loop3A_269 = arith.index_cast %parallel_loop3A_201 : i32 to index
        %parallel_loop3A_270 = arith.constant 64 : index
        %parallel_loop3A_271 = tpu.vector_load %arg11[%parallel_loop3A_268, %parallel_loop3A_269, %parallel_loop3A_270] {strides = array<i32>} : memref<2x25x128xf32, #tpu.memory_space<vmem>>, vector<16xf32>,
        tpu.vector_store %arg11[%parallel_loop3A_268, %parallel_loop3A_269, %parallel_loop3A_270], %parallel_loop3A_266 {strides = array<i32>} : memref<2x25x128xf32, #tpu.memory_space<vmem>>, vector<16xf32>,
        %parallel_loop3A_272 = arith.constant 1 : i32
        %parallel_loop3A_273 = arith.index_cast %parallel_loop3A_272 : i32 to index
        %parallel_loop3A_274 = arith.index_cast %parallel_loop3A_201 : i32 to index
        %parallel_loop3A_275 = arith.constant 80 : index
        %parallel_loop3A_276 = tpu.vector_load %arg10[%parallel_loop3A_273, %parallel_loop3A_274, %parallel_loop3A_275] {strides = array<i32>} : memref<2x25x128xf32, #tpu.memory_space<vmem>>, vector<16xf32>,
        %parallel_loop3A_277 = arith.mulf %parallel_loop3A_276, %parallel_loop3A_260 : vector<16xf32>
        %parallel_loop3A_278 = arith.constant 1 : i32
        %parallel_loop3A_279 = arith.index_cast %parallel_loop3A_278 : i32 to index
        %parallel_loop3A_280 = arith.index_cast %parallel_loop3A_201 : i32 to index
        %parallel_loop3A_281 = arith.constant 80 : index
        %parallel_loop3A_282 = tpu.vector_load %arg11[%parallel_loop3A_279, %parallel_loop3A_280, %parallel_loop3A_281] {strides = array<i32>} : memref<2x25x128xf32, #tpu.memory_space<vmem>>, vector<16xf32>,
        tpu.vector_store %arg11[%parallel_loop3A_279, %parallel_loop3A_280, %parallel_loop3A_281], %parallel_loop3A_277 {strides = array<i32>} : memref<2x25x128xf32, #tpu.memory_space<vmem>>, vector<16xf32>,
        %parallel_loop3A_283 = vector.extract_strided_slice %parallel_loop3A_207 {offsets = [3], sizes = [1], strides = [1]} : vector<16xf32> to vector<1xf32>
        %parallel_loop3A_284 = vector.extract %parallel_loop3A_283[0] : f32 from vector<1xf32>
        %parallel_loop3A_285 = vector.broadcast %parallel_loop3A_284 : f32 to vector<16xf32>
        %parallel_loop3A_286 = arith.constant 1 : i32
        %parallel_loop3A_287 = arith.index_cast %parallel_loop3A_286 : i32 to index
        %parallel_loop3A_288 = arith.index_cast %parallel_loop3A_201 : i32 to index
        %parallel_loop3A_289 = arith.constant 96 : index
        %parallel_loop3A_290 = tpu.vector_load %arg10[%parallel_loop3A_287, %parallel_loop3A_288, %parallel_loop3A_289] {strides = array<i32>} : memref<2x25x128xf32, #tpu.memory_space<vmem>>, vector<16xf32>,
        %parallel_loop3A_291 = arith.mulf %parallel_loop3A_290, %parallel_loop3A_285 : vector<16xf32>
        %parallel_loop3A_292 = arith.constant 1 : i32
        %parallel_loop3A_293 = arith.index_cast %parallel_loop3A_292 : i32 to index
        %parallel_loop3A_294 = arith.index_cast %parallel_loop3A_201 : i32 to index
        %parallel_loop3A_295 = arith.constant 96 : index
        %parallel_loop3A_296 = tpu.vector_load %arg11[%parallel_loop3A_293, %parallel_loop3A_294, %parallel_loop3A_295] {strides = array<i32>} : memref<2x25x128xf32, #tpu.memory_space<vmem>>, vector<16xf32>,
        tpu.vector_store %arg11[%parallel_loop3A_293, %parallel_loop3A_294, %parallel_loop3A_295], %parallel_loop3A_291 {strides = array<i32>} : memref<2x25x128xf32, #tpu.memory_space<vmem>>, vector<16xf32>,
        %parallel_loop3A_297 = arith.constant 1 : i32
        %parallel_loop3A_298 = arith.index_cast %parallel_loop3A_297 : i32 to index
        %parallel_loop3A_299 = arith.index_cast %parallel_loop3A_201 : i32 to index
        %parallel_loop3A_300 = arith.constant 112 : index
        %parallel_loop3A_301 = tpu.vector_load %arg10[%parallel_loop3A_298, %parallel_loop3A_299, %parallel_loop3A_300] {strides = array<i32>} : memref<2x25x128xf32, #tpu.memory_space<vmem>>, vector<16xf32>,
        %parallel_loop3A_302 = arith.mulf %parallel_loop3A_301, %parallel_loop3A_285 : vector<16xf32>
        %parallel_loop3A_303 = arith.constant 1 : i32
        %parallel_loop3A_304 = arith.index_cast %parallel_loop3A_303 : i32 to index
        %parallel_loop3A_305 = arith.index_cast %parallel_loop3A_201 : i32 to index
        %parallel_loop3A_306 = arith.constant 112 : index
        %parallel_loop3A_307 = tpu.vector_load %arg11[%parallel_loop3A_304, %parallel_loop3A_305, %parallel_loop3A_306] {strides = array<i32>} : memref<2x25x128xf32, #tpu.memory_space<vmem>>, vector<16xf32>,
        tpu.vector_store %arg11[%parallel_loop3A_304, %parallel_loop3A_305, %parallel_loop3A_306], %parallel_loop3A_302 {strides = array<i32>} : memref<2x25x128xf32, #tpu.memory_space<vmem>>, vector<16xf32>,
      } {sc.loop_unroll_factor = 4 : i64, sc.parallel_access}
      %add3A_184 = arith.constant 1 : i32
      %add3A_185 = arith.addi %mul3A_72, %add3A_184 : i32
      %mul3A_186 = arith.constant 1 : i32
      %mul3A_187 = arith.muli %add3A_185, %mul3A_186 : i32
      %add3A_188 = arith.constant 0 : i32
      %add3A_189 = arith.addi %mul3A_187, %add3A_188 : i32
      %dma_start3A_190 = arith.constant 1 : i32
      %dma_start3A_191 = arith.constant 0 : i32
      %dma_start3A_192 = arith.constant 0 : i32
      %dma_start3A_193 = tpu.memref_slice %arg11[%dma_start3A_190, %dma_start3A_191, %dma_start3A_192] : memref<2x25x128xf32, #tpu.memory_space<vmem>> -> memref<1x25x128xf32, #tpu.memory_space<vmem>>
      %dma_start3A_194 = tpu.memref_squeeze %dma_start3A_193 : memref<1x25x128xf32, #tpu.memory_space<vmem>> -> memref<25x128xf32, #tpu.memory_space<vmem>>
      %dma_start3A_195 = arith.constant 0 : i32
      %dma_start3A_196 = tpu.memref_slice %arg8[%add3A_189, %dma_start3A_195] : memref<400x25xi32, #tpu.memory_space<vmem>> -> memref<1x25xi32, #tpu.memory_space<vmem>>
      %dma_start3A_197 = tpu.memref_squeeze %dma_start3A_196 : memref<1x25xi32, #tpu.memory_space<vmem>> -> memref<25xi32, #tpu.memory_space<vmem>>
      %dma_start3A_198 = arith.constant 0 : i32
      %dma_start3A_199 = arith.constant 0 : i32
      %dma_start3A_200 = tpu.memref_slice %arg13[%dma_start3A_198, %dma_start3A_199] : memref<10000x128xf32, #tpu.memory_space<vmem_shared>> -> memref<10000x128xf32, #tpu.memory_space<vmem_shared>>
      tpu.enqueue_indirect_dma source(%dma_start3A_194 : memref<25x128xf32, #tpu.memory_space<vmem>>) target(%dma_start3A_200 : memref<10000x128xf32, #tpu.memory_space<vmem_shared>>) offsets(%dma_start3A_197 : memref<25xi32, #tpu.memory_space<vmem>>) semaphore(%arg17 : memref<!tpu.dma_semaphore, #tpu.memory_space<semaphore_mem>>) {add = true}
    }
    %scan3A_34 = arith.constant 200 : i32
    %dma_wait3A = arith.constant 0 : i32
    %dma_wait3A_35 = arith.constant 0 : i32
    %dma_wait3A_36 = arith.constant 0 : i32
    %dma_wait3A_37 = tpu.memref_slice %arg11[%dma_wait3A, %dma_wait3A_35, %dma_wait3A_36] : memref<2x25x128xf32, #tpu.memory_space<vmem>> -> memref<1x25x128xf32, #tpu.memory_space<vmem>>
    %dma_wait3A_38 = tpu.memref_squeeze %dma_wait3A_37 : memref<1x25x128xf32, #tpu.memory_space<vmem>> -> memref<25x128xf32, #tpu.memory_space<vmem>>
    %dma_wait3A_39 = arith.constant 0 : i32
    %dma_wait3A_40 = arith.constant 0 : i32
    %dma_wait3A_41 = tpu.memref_slice %arg2[%dma_wait3A_39, %dma_wait3A_40] : memref<10000x128xf32, #tpu.memory_space<hbm>> -> memref<25x128xf32, #tpu.memory_space<hbm>>
    %dma_wait3A_42 = arith.constant 0 : i32
    %dma_wait3A_43 = arith.constant 0 : i32
    %dma_wait3A_44 = tpu.memref_slice %arg11[%dma_wait3A, %dma_wait3A_42, %dma_wait3A_43] : memref<2x25x128xf32, #tpu.memory_space<vmem>> -> memref<1x25x128xf32, #tpu.memory_space<vmem>>
    %dma_wait3A_45 = tpu.memref_squeeze %dma_wait3A_44 : memref<1x25x128xf32, #tpu.memory_space<vmem>> -> memref<25x128xf32, #tpu.memory_space<vmem>>
    %dma_wait3A_46 = arith.constant 0 : i32
    %dma_wait3A_47 = arith.constant 0 : i32
    %dma_wait3A_48 = tpu.memref_slice %arg2[%dma_wait3A_46, %dma_wait3A_47] : memref<10000x128xf32, #tpu.memory_space<hbm>> -> memref<25x128xf32, #tpu.memory_space<hbm>>
    tpu.wait_dma2 semaphore(%arg16 : memref<!tpu.dma_semaphore, #tpu.memory_space<semaphore_mem>>) src(%dma_wait3A_48 : memref<25x128xf32, #tpu.memory_space<hbm>>) dst(%dma_wait3A_45 : memref<25x128xf32, #tpu.memory_space<vmem>>)
    %dma_wait3A_49 = arith.constant 1 : i32
    %dma_wait3A_50 = arith.constant 0 : i32
    %dma_wait3A_51 = arith.constant 0 : i32
    %dma_wait3A_52 = tpu.memref_slice %arg11[%dma_wait3A_49, %dma_wait3A_50, %dma_wait3A_51] : memref<2x25x128xf32, #tpu.memory_space<vmem>> -> memref<1x25x128xf32, #tpu.memory_space<vmem>>
    %dma_wait3A_53 = tpu.memref_squeeze %dma_wait3A_52 : memref<1x25x128xf32, #tpu.memory_space<vmem>> -> memref<25x128xf32, #tpu.memory_space<vmem>>
    %dma_wait3A_54 = arith.constant 0 : i32
    %dma_wait3A_55 = arith.constant 0 : i32
    %dma_wait3A_56 = tpu.memref_slice %arg2[%dma_wait3A_54, %dma_wait3A_55] : memref<10000x128xf32, #tpu.memory_space<hbm>> -> memref<25x128xf32, #tpu.memory_space<hbm>>
    %dma_wait3A_57 = arith.constant 0 : i32
    %dma_wait3A_58 = arith.constant 0 : i32
    %dma_wait3A_59 = tpu.memref_slice %arg11[%dma_wait3A_49, %dma_wait3A_57, %dma_wait3A_58] : memref<2x25x128xf32, #tpu.memory_space<vmem>> -> memref<1x25x128xf32, #tpu.memory_space<vmem>>
    %dma_wait3A_60 = tpu.memref_squeeze %dma_wait3A_59 : memref<1x25x128xf32, #tpu.memory_space<vmem>> -> memref<25x128xf32, #tpu.memory_space<vmem>>
    %dma_wait3A_61 = arith.constant 0 : i32
    %dma_wait3A_62 = arith.constant 0 : i32
    %dma_wait3A_63 = tpu.memref_slice %arg2[%dma_wait3A_61, %dma_wait3A_62] : memref<10000x128xf32, #tpu.memory_space<hbm>> -> memref<25x128xf32, #tpu.memory_space<hbm>>
    tpu.wait_dma2 semaphore(%arg17 : memref<!tpu.dma_semaphore, #tpu.memory_space<semaphore_mem>>) src(%dma_wait3A_63 : memref<25x128xf32, #tpu.memory_space<hbm>>) dst(%dma_wait3A_60 : memref<25x128xf32, #tpu.memory_space<vmem>>)
    %barrier3A_64 = arith.constant 0 : index
    tpu.barrier barrier_id(%barrier3A_64)
    %lt3A_65 = arith.constant 10 : i32
    %lt3A_66 = arith.cmpi slt, %arg1, %lt3A_65 : i32
    %convert_element_type3A_67 = arith.extui %lt3A_66 : i1 to i32
    %cond3A_68 = arith.constant 0 : i32
    %cond3A_69 = arith.cmpi ne, %convert_element_type3A_67, %cond3A_68 : i32
    scf.if %cond3A_69 {
      %mul3A_70 = arith.constant 1000 : i32
      %mul3A_71 = arith.muli %arg1, %mul3A_70 : i32
      %mul3A_72 = arith.constant 10000 : i32
      %mul3A_73 = arith.muli %arg0, %mul3A_72 : i32
      %mul3A_74 = arith.constant 1000 : i32
      %mul3A_75 = arith.muli %arg1, %mul3A_74 : i32
      %add3A_76 = arith.addi %mul3A_73, %mul3A_75 : i32
      "tpu.region"() ({
        %run_scoped3A = tpu.sem_alloc : memref<!tpu.dma_semaphore, #tpu.memory_space<semaphore_mem>>
        %dma_start3A_77 = arith.constant 0 : i32
        %dma_start3A_78 = tpu.memref_slice %arg7[%add3A_76, %dma_start3A_77] : memref<20000x128xf32, #tpu.memory_space<hbm>> -> memref<1000x128xf32, #tpu.memory_space<hbm>>
        %dma_start3A_79 = arith.constant 0 : i32
        %dma_start3A_80 = tpu.memref_slice %arg13[%mul3A_71, %dma_start3A_79] : memref<10000x128xf32, #tpu.memory_space<vmem_shared>> -> memref<1000x128xf32, #tpu.memory_space<vmem_shared>>
        tpu.enqueue_dma source(%dma_start3A_80 : memref<1000x128xf32, #tpu.memory_space<vmem_shared>>) target(%dma_start3A_78 : memref<1000x128xf32, #tpu.memory_space<hbm>>) target_semaphore(%run_scoped3A : memref<!tpu.dma_semaphore, #tpu.memory_space<semaphore_mem>>)
        %dma_wait3A_81 = arith.constant 0 : i32
        %dma_wait3A_82 = tpu.memref_slice %arg7[%add3A_76, %dma_wait3A_81] : memref<20000x128xf32, #tpu.memory_space<hbm>> -> memref<1000x128xf32, #tpu.memory_space<hbm>>
        %dma_wait3A_83 = arith.constant 0 : i32
        %dma_wait3A_84 = tpu.memref_slice %arg13[%mul3A_71, %dma_wait3A_83] : memref<10000x128xf32, #tpu.memory_space<vmem_shared>> -> memref<1000x128xf32, #tpu.memory_space<vmem_shared>>
        tpu.wait_dma2 semaphore(%run_scoped3A : memref<!tpu.dma_semaphore, #tpu.memory_space<semaphore_mem>>) src(%dma_wait3A_84 : memref<1000x128xf32, #tpu.memory_space<vmem_shared>>) dst(%dma_wait3A_82 : memref<1000x128xf32, #tpu.memory_space<hbm>>)
        tpu.yield
      }) : () -> ()
    } else {
    }
    return
  }
}

module attributes {stable_mosaic.version = 14 : i64} {
  func.func @_qkv_body(%arg0: i32, %arg1: memref<1000x128xf32, #tpu.memory_space<vmem>>, %arg2: memref<128x128xf32, #tpu.memory_space<vmem>>, %arg3: memref<128x128xf32, #tpu.memory_space<vmem>>, %arg4: memref<128x128xf32, #tpu.memory_space<vmem>>, %arg5: memref<1000x128xf32, #tpu.memory_space<vmem>>, %arg6: memref<1000x128xf32, #tpu.memory_space<vmem>>, %arg7: memref<1000x128xf32, #tpu.memory_space<vmem>>) attributes {dimension_semantics = [#tpu.dimension_semantics<arbitrary>], iteration_bounds = array<i64: 10>, scalar_prefetch = 0 : i64, scratch_operands = 0 : i64, tpu.core_type = #tpu.core_type<tc>, window_params = [{transform_indices = @transform_0, window_bounds = array<i64: 1000, 128>}, {pipeline_mode = #tpu.pipeline_mode<synchronous>, transform_indices = @transform_1, window_bounds = array<i64: 128, 128>}, {pipeline_mode = #tpu.pipeline_mode<synchronous>, transform_indices = @transform_2, window_bounds = array<i64: 128, 128>}, {pipeline_mode = #tpu.pipeline_mode<synchronous>, transform_indices = @transform_3, window_bounds = array<i64: 128, 128>}, {transform_indices = @transform_4, window_bounds = array<i64: 1000, 128>}, {transform_indices = @transform_5, window_bounds = array<i64: 1000, 128>}, {transform_indices = @transform_6, window_bounds = array<i64: 1000, 128>}]} {
    %get3A = arith.constant 0 : index
    %get3A_0 = arith.constant 0 : index
    %get3A_1 = vector.load %arg1[%get3A, %get3A_0] : memref<1000x128xf32, #tpu.memory_space<vmem>>, vector<1000x128xf32>
    %get3A_2 = arith.constant 0 : index
    %get3A_3 = arith.constant 0 : index
    %get3A_4 = vector.load %arg2[%get3A_2, %get3A_3] : memref<128x128xf32, #tpu.memory_space<vmem>>, vector<128x128xf32>
    %dot_general3A = arith.constant dense<0.000000e+00> : vector<1000x128xf32>
    %dot_general3A_5 = tpu.matmul %get3A_1, %get3A_4, %dot_general3A {dimension_numbers = #tpu.dot_dimension_numbers<[1], [0], [0], [1], [0, 0, 1, 1], [], []>, transpose_lhs_hint = false} : vector<1000x128xf32>, vector<128x128xf32>, vector<1000x128xf32> -> vector<1000x128xf32>
    %mul3A = arith.constant 0.176776692 : f32
    %mul3A_6 = vector.broadcast %mul3A : f32 to vector<1000x128xf32>
    %mul3A_7 = arith.mulf %dot_general3A_5, %mul3A_6 : vector<1000x128xf32>
    %swap3A = arith.constant 0 : index
    %swap3A_8 = arith.constant 0 : index
    %swap3A_9 = vector.load %arg5[%swap3A, %swap3A_8] : memref<1000x128xf32, #tpu.memory_space<vmem>>, vector<1000x128xf32>
    tpu.vector_store %arg5[%swap3A, %swap3A_8], %mul3A_7 {strides = array<i32>} : memref<1000x128xf32, #tpu.memory_space<vmem>>, vector<1000x128xf32>,
    %get3A_10 = arith.constant 0 : index
    %get3A_11 = arith.constant 0 : index
    %get3A_12 = vector.load %arg3[%get3A_10, %get3A_11] : memref<128x128xf32, #tpu.memory_space<vmem>>, vector<128x128xf32>
    %dot_general3A_13 = arith.constant dense<0.000000e+00> : vector<1000x128xf32>
    %dot_general3A_14 = tpu.matmul %get3A_1, %get3A_12, %dot_general3A_13 {dimension_numbers = #tpu.dot_dimension_numbers<[1], [0], [0], [1], [0, 0, 1, 1], [], []>, transpose_lhs_hint = false} : vector<1000x128xf32>, vector<128x128xf32>, vector<1000x128xf32> -> vector<1000x128xf32>
    %swap3A_15 = arith.constant 0 : index
    %swap3A_16 = arith.constant 0 : index
    %swap3A_17 = vector.load %arg6[%swap3A_15, %swap3A_16] : memref<1000x128xf32, #tpu.memory_space<vmem>>, vector<1000x128xf32>
    tpu.vector_store %arg6[%swap3A_15, %swap3A_16], %dot_general3A_14 {strides = array<i32>} : memref<1000x128xf32, #tpu.memory_space<vmem>>, vector<1000x128xf32>,
    %get3A_18 = arith.constant 0 : index
    %get3A_19 = arith.constant 0 : index
    %get3A_20 = vector.load %arg4[%get3A_18, %get3A_19] : memref<128x128xf32, #tpu.memory_space<vmem>>, vector<128x128xf32>
    %dot_general3A_21 = arith.constant dense<0.000000e+00> : vector<1000x128xf32>
    %dot_general3A_22 = tpu.matmul %get3A_1, %get3A_20, %dot_general3A_21 {dimension_numbers = #tpu.dot_dimension_numbers<[1], [0], [0], [1], [0, 0, 1, 1], [], []>, transpose_lhs_hint = false} : vector<1000x128xf32>, vector<128x128xf32>, vector<1000x128xf32> -> vector<1000x128xf32>
    %swap3A_23 = arith.constant 0 : index
    %swap3A_24 = arith.constant 0 : index
    %swap3A_25 = vector.load %arg7[%swap3A_23, %swap3A_24] : memref<1000x128xf32, #tpu.memory_space<vmem>>, vector<1000x128xf32>
    tpu.vector_store %arg7[%swap3A_23, %swap3A_24], %dot_general3A_22 {strides = array<i32>} : memref<1000x128xf32, #tpu.memory_space<vmem>>, vector<1000x128xf32>,
    return
  }
  func.func @transform_0(%arg0: i32) -> (i32, i32) {
    %c0_i32 = arith.constant 0 : i32
    %c0_i32_0 = arith.constant 0 : i32
    return %arg0, %c0_i32 : i32, i32
  }
  func.func @transform_1(%arg0: i32) -> (i32, i32) {
    %c0_i32 = arith.constant 0 : i32
    %c0_i32_0 = arith.constant 0 : i32
    %c0_i32_1 = arith.constant 0 : i32
    return %c0_i32, %c0_i32_0 : i32, i32
  }
  func.func @transform_2(%arg0: i32) -> (i32, i32) {
    %c0_i32 = arith.constant 0 : i32
    %c0_i32_0 = arith.constant 0 : i32
    %c0_i32_1 = arith.constant 0 : i32
    return %c0_i32, %c0_i32_0 : i32, i32
  }
  func.func @transform_3(%arg0: i32) -> (i32, i32) {
    %c0_i32 = arith.constant 0 : i32
    %c0_i32_0 = arith.constant 0 : i32
    %c0_i32_1 = arith.constant 0 : i32
    return %c0_i32, %c0_i32_0 : i32, i32
  }
  func.func @transform_4(%arg0: i32) -> (i32, i32) {
    %c0_i32 = arith.constant 0 : i32
    %c0_i32_0 = arith.constant 0 : i32
    return %arg0, %c0_i32 : i32, i32
  }
  func.func @transform_5(%arg0: i32) -> (i32, i32) {
    %c0_i32 = arith.constant 0 : i32
    %c0_i32_0 = arith.constant 0 : i32
    return %arg0, %c0_i32 : i32, i32
  }
  func.func @transform_6(%arg0: i32) -> (i32, i32) {
    %c0_i32 = arith.constant 0 : i32
    %c0_i32_0 = arith.constant 0 : i32
    return %arg0, %c0_i32 : i32, i32
  }
}

module attributes {stable_mosaic.version = 14 : i64} {
  func.func @_densum_body(%arg0: memref<2x1250x128xf32, #tpu.memory_space<vmem>>, %arg1: memref<1250x128xf32, #tpu.memory_space<vmem>>) attributes {dimension_semantics = [], scalar_prefetch = 0 : i64, scratch_operands = 0 : i64, tpu.core_type = #tpu.core_type<tc>} {
    %get3A = arith.constant 0 : index
    %get3A_0 = arith.constant 0 : index
    %get3A_1 = arith.constant 0 : index
    %get3A_2 = vector.load %arg0[%get3A, %get3A_0, %get3A_1] : memref<2x1250x128xf32, #tpu.memory_space<vmem>>, vector<1x1250x128xf32>
    %get3A_3 = vector.shape_cast %get3A_2 : vector<1x1250x128xf32> to vector<1250x128xf32>
    %get3A_4 = arith.constant 1 : index
    %get3A_5 = arith.constant 0 : index
    %get3A_6 = arith.constant 0 : index
    %get3A_7 = vector.load %arg0[%get3A_4, %get3A_5, %get3A_6] : memref<2x1250x128xf32, #tpu.memory_space<vmem>>, vector<1x1250x128xf32>
    %get3A_8 = vector.shape_cast %get3A_7 : vector<1x1250x128xf32> to vector<1250x128xf32>
    %add3A = arith.addf %get3A_3, %get3A_8 : vector<1250x128xf32>
    %swap3A = arith.constant 0 : index
    %swap3A_9 = arith.constant 0 : index
    %swap3A_10 = vector.load %arg1[%swap3A, %swap3A_9] : memref<1250x128xf32, #tpu.memory_space<vmem>>, vector<1250x128xf32>
    tpu.vector_store %arg1[%swap3A, %swap3A_9], %add3A {strides = array<i32>} : memref<1250x128xf32, #tpu.memory_space<vmem>>, vector<1250x128xf32>,
    return
  }
}

module attributes {stable_mosaic.version = 14 : i64} {
  func.func @_out_body(%arg0: i32, %arg1: memref<1000x128xf32, #tpu.memory_space<vmem>>, %arg2: memref<1000x128xf32, #tpu.memory_space<vmem>>, %arg3: memref<1000x128xf32, #tpu.memory_space<vmem>>, %arg4: memref<1000x16xf32, #tpu.memory_space<vmem>>, %arg5: memref<128x128xf32, #tpu.memory_space<vmem>>, %arg6: memref<1000x128xf32, #tpu.memory_space<vmem>>) attributes {dimension_semantics = [#tpu.dimension_semantics<arbitrary>], iteration_bounds = array<i64: 10>, scalar_prefetch = 0 : i64, scratch_operands = 0 : i64, tpu.core_type = #tpu.core_type<tc>, window_params = [{transform_indices = @transform_0, window_bounds = array<i64: 1000, 128>}, {transform_indices = @transform_1, window_bounds = array<i64: 1000, 128>}, {transform_indices = @transform_2, window_bounds = array<i64: 1000, 128>}, {transform_indices = @transform_3, window_bounds = array<i64: 1000, 16>}, {pipeline_mode = #tpu.pipeline_mode<synchronous>, transform_indices = @transform_4, window_bounds = array<i64: 128, 128>}, {transform_indices = @transform_5, window_bounds = array<i64: 1000, 128>}]} {
    %iota3A = tpu.iota {dimensions = array<i32: 0>} : vector<16x128xi32>
    %iota3A_0 = tpu.iota {dimensions = array<i32: 1>} : vector<16x128xi32>
    %jit3A = arith.constant 32 : i32
    %div3A = vector.broadcast %jit3A : i32 to vector<16x128xi32>
    %div3A_1 = arith.divsi %iota3A_0, %div3A : vector<16x128xi32>
    %sign3A = arith.constant 0 : i32
    %sign3A_2 = vector.broadcast %sign3A : i32 to vector<16x128xi32>
    %sign3A_3 = arith.cmpi sgt, %iota3A_0, %sign3A_2 : vector<16x128xi32>
    %sign3A_4 = arith.extui %sign3A_3 : vector<16x128xi1> to vector<16x128xi32>
    %sign3A_5 = arith.constant 0 : i32
    %sign3A_6 = vector.broadcast %sign3A_5 : i32 to vector<16x128xi32>
    %sign3A_7 = arith.cmpi slt, %iota3A_0, %sign3A_6 : vector<16x128xi32>
    %sign3A_8 = arith.extui %sign3A_7 : vector<16x128xi1> to vector<16x128xi32>
    %sign3A_9 = arith.subi %sign3A_4, %sign3A_8 : vector<16x128xi32>
    %sign3A_10 = arith.constant 0 : i32
    %sign3A_11 = arith.cmpi sgt, %jit3A, %sign3A_10 : i32
    %sign3A_12 = arith.extui %sign3A_11 : i1 to i32
    %sign3A_13 = arith.constant 0 : i32
    %sign3A_14 = arith.cmpi slt, %jit3A, %sign3A_13 : i32
    %sign3A_15 = arith.extui %sign3A_14 : i1 to i32
    %sign3A_16 = arith.subi %sign3A_12, %sign3A_15 : i32
    %ne3A = vector.broadcast %sign3A_16 : i32 to vector<16x128xi32>
    %ne3A_17 = arith.cmpi ne, %sign3A_9, %ne3A : vector<16x128xi32>
    %rem3A = vector.broadcast %jit3A : i32 to vector<16x128xi32>
    %rem3A_18 = arith.remsi %iota3A_0, %rem3A : vector<16x128xi32>
    %ne3A_19 = arith.constant 0 : i32
    %ne3A_20 = vector.broadcast %ne3A_19 : i32 to vector<16x128xi32>
    %ne3A_21 = arith.cmpi ne, %rem3A_18, %ne3A_20 : vector<16x128xi32>
    %and3A = arith.andi %ne3A_17, %ne3A_21 : vector<16x128xi1>
    %sub3A = arith.constant 1 : i32
    %sub3A_22 = vector.broadcast %sub3A : i32 to vector<16x128xi32>
    %sub3A_23 = arith.subi %div3A_1, %sub3A_22 : vector<16x128xi32>
    %select_n3A = arith.select %and3A, %sub3A_23, %div3A_1 : vector<16x128xi1>, vector<16x128xi32>
    %eq3A = arith.cmpi eq, %iota3A, %select_n3A : vector<16x128xi32>
    %jit3A_24 = arith.constant 1.000000e+00 : f32
    %jit3A_25 = arith.constant 0.000000e+00 : f32
    %broadcast_in_dim3A = vector.broadcast %jit3A_24 : f32 to vector<16x128xf32>
    %broadcast_in_dim3A_26 = vector.broadcast %jit3A_25 : f32 to vector<16x128xf32>
    %select_n3A_27 = arith.select %eq3A, %broadcast_in_dim3A, %broadcast_in_dim3A_26 : vector<16x128xi1>, vector<16x128xf32>
    %get3A = arith.constant 0 : index
    %get3A_28 = arith.constant 0 : index
    %get3A_29 = vector.load %arg4[%get3A, %get3A_28] : memref<1000x16xf32, #tpu.memory_space<vmem>>, vector<1000x16xf32>
    %add3A = arith.constant 9.99999971E-10 : f32
    %add3A_30 = vector.broadcast %add3A : f32 to vector<1000x16xf32>
    %add3A_31 = arith.addf %get3A_29, %add3A_30 : vector<1000x16xf32>
    %div3A_32 = arith.constant 1.000000e+00 : f32
    %div3A_33 = vector.broadcast %div3A_32 : f32 to vector<1000x16xf32>
    %div3A_34 = arith.divf %div3A_33, %add3A_31 : vector<1000x16xf32>
    %dot_general3A = arith.constant dense<0.000000e+00> : vector<1000x128xf32>
    %dot_general3A_35 = tpu.matmul %div3A_34, %select_n3A_27, %dot_general3A {dimension_numbers = #tpu.dot_dimension_numbers<[1], [0], [0], [1], [0, 0, 1, 1], [], []>, transpose_lhs_hint = false} : vector<1000x16xf32>, vector<16x128xf32>, vector<1000x128xf32> -> vector<1000x128xf32>
    %get3A_36 = arith.constant 0 : index
    %get3A_37 = arith.constant 0 : index
    %get3A_38 = vector.load %arg2[%get3A_36, %get3A_37] : memref<1000x128xf32, #tpu.memory_space<vmem>>, vector<1000x128xf32>
    %get3A_39 = arith.constant 0 : index
    %get3A_40 = arith.constant 0 : index
    %get3A_41 = vector.load %arg3[%get3A_39, %get3A_40] : memref<1000x128xf32, #tpu.memory_space<vmem>>, vector<1000x128xf32>
    %add3A_42 = arith.addf %get3A_38, %get3A_41 : vector<1000x128xf32>
    %mul3A = arith.mulf %add3A_42, %dot_general3A_35 : vector<1000x128xf32>
    %get3A_43 = arith.constant 0 : index
    %get3A_44 = arith.constant 0 : index
    %get3A_45 = vector.load %arg1[%get3A_43, %get3A_44] : memref<1000x128xf32, #tpu.memory_space<vmem>>, vector<1000x128xf32>
    %get3A_46 = arith.constant 0 : index
    %get3A_47 = arith.constant 0 : index
    %get3A_48 = vector.load %arg5[%get3A_46, %get3A_47] : memref<128x128xf32, #tpu.memory_space<vmem>>, vector<128x128xf32>
    %dot_general3A_49 = arith.constant dense<0.000000e+00> : vector<1000x128xf32>
    %dot_general3A_50 = tpu.matmul %mul3A, %get3A_48, %dot_general3A_49 {dimension_numbers = #tpu.dot_dimension_numbers<[1], [0], [0], [1], [0, 0, 1, 1], [], []>, transpose_lhs_hint = false} : vector<1000x128xf32>, vector<128x128xf32>, vector<1000x128xf32> -> vector<1000x128xf32>
    %add3A_51 = arith.addf %get3A_45, %dot_general3A_50 : vector<1000x128xf32>
    %swap3A = arith.constant 0 : index
    %swap3A_52 = arith.constant 0 : index
    %swap3A_53 = vector.load %arg6[%swap3A, %swap3A_52] : memref<1000x128xf32, #tpu.memory_space<vmem>>, vector<1000x128xf32>
    tpu.vector_store %arg6[%swap3A, %swap3A_52], %add3A_51 {strides = array<i32>} : memref<1000x128xf32, #tpu.memory_space<vmem>>, vector<1000x128xf32>,
    return
  }
  func.func @transform_0(%arg0: i32) -> (i32, i32) {
    %c0_i32 = arith.constant 0 : i32
    %c0_i32_0 = arith.constant 0 : i32
    return %arg0, %c0_i32 : i32, i32
  }
  func.func @transform_1(%arg0: i32) -> (i32, i32) {
    %c0_i32 = arith.constant 0 : i32
    %c0_i32_0 = arith.constant 0 : i32
    return %arg0, %c0_i32 : i32, i32
  }
  func.func @transform_2(%arg0: i32) -> (i32, i32) {
    %add3A = arith.constant 10 : i32
    %add3A_0 = arith.addi %arg0, %add3A : i32
    %c0_i32 = arith.constant 0 : i32
    %c0_i32_1 = arith.constant 0 : i32
    return %add3A_0, %c0_i32 : i32, i32
  }
  func.func @transform_3(%arg0: i32) -> (i32, i32) {
    %c0_i32 = arith.constant 0 : i32
    %c0_i32_0 = arith.constant 0 : i32
    return %arg0, %c0_i32 : i32, i32
  }
  func.func @transform_4(%arg0: i32) -> (i32, i32) {
    %c0_i32 = arith.constant 0 : i32
    %c0_i32_0 = arith.constant 0 : i32
    %c0_i32_1 = arith.constant 0 : i32
    return %c0_i32, %c0_i32_0 : i32, i32
  }
  func.func @transform_5(%arg0: i32) -> (i32, i32) {
    %c0_i32 = arith.constant 0 : i32
    %c0_i32_0 = arith.constant 0 : i32
    return %arg0, %c0_i32 : i32, i32
  }
}

</mosaic_0001>

<sc_bundles>
// kernel: kernel.10.cloned.1.call-start
scs
__scs_entry_jumppad:
0x0: {  	(pc) =	sbr.rel $0x88, $3  }
0x1: {  	(tag) =	ssettag $0x0;
	lr =	simm.s32 $0x1  }
0x2: {  	[smem:$0x3F9B] =	sst lr;
	_ =	strace $0xD0000000  }
0x3: {  	_ = 	snop  }
0x4: {  	_ = 	snop  }
0x5: {  	_ = 	snop  }
0x6: {  	_ = 	snop  }
0x7: {  	_ = 	snop  }
__scs_overlays_trampoline_lowered:
0x8: {  	[smem:$0x3FAA] =	sst s0  }
0x9: {  	[smem:$0x3FAB] =	sst s1  }
0xa: {  	[smem:$0x3FAC] =	sst s2  }
0xb: {  	[smem:$0x3FAD] =	sst s3  }
0xc: {  	[smem:$0x3FAE] =	sst s4  }
0xd: {  	[smem:$0x3FAF] =	sst s5  }
0xe: {  	[smem:$0x3FB0] =	sst s6  }
0xf: {  	[smem:$0x3FB1] =	sst s7  }
0x10: {  	[smem:$0x3FB2] =	sst s8  }
0x11: {  	[smem:$0x3FB3] =	sst s9;
	s0 =	simm.s32 @!p0 $0x0  }
0x12: {  	s1 =	sld [smem:$0x3F99];
	s0 =	simm.s32 @p0 $0x1  }
0x13: {  	[smem:$0x3FB4] =	sst s0;
	s0 =	simm.s32 @!p1 $0x0  }
0x14: {  	s2 =	sld [smem:$0x3F98];
	s0 =	simm.s32 @p1 $0x1  }
0x15: {  	[smem:$0x3FB5] =	sst s0;
	s0 =	simm.s32 @!p2 $0x0  }
0x16: {  	s3 =	sld [smem:$0x3FDB];
	s0 =	simm.s32 @p2 $0x1  }
0x17: {  	s4 =	simm.s32 $0x1BF5;
	[smem:$0x3FB7] =	sst s0  }
0x18: {  	s0 =	sld [smem:$0x3F9A];
	_ =	swait.ge [sflag:s4], $0x0  }
0x19: {  	s7 =	sld [smem:$0x3F9B]  }
0x1a: {  	s8 =	sadd.s32 $0xFFFFE003, lr  }
0x1b: {  	s9 =	sadd.s32 $0xFFFFFEF7, lr;
	s5 =	simm.s32 $0xFFFFFFFF;
	p2 =	slt.u32 s8, $0xFFFFF086  }
0x1c: {  	p1 =	slt.u32 s9, $0xF7A;
	s5 =	simm.s32 @!p2 $0x0  }
0x1d: {  	s5 =	simm.s32 @p1 $0x1;
	p0 =	seq.s32 s7, s2  }
0x1e: {  	s7 =	smul.u32 @!p0 $0xF7A, s2;
	p2 =	seq.s32 @!p0 s5, $0x0  }
0x1f: {  	s9 =	smul.u32 $0xF7A, s1;
	s8 =	simm.s32 @!p0 $0x1BF5;
	p2 =	por !p2, p0  }
0x20: {  	[sflag:s8] =	ssyncset.s32 @!p0 $0xFFFFF086;
	s6 =	sadd.s32 @!p0 s3, s7;
	s7 =	simm.s32 @!p0 $0x108  }
0x21: {  	s3 =	sadd.s32 s3, s9;
	s6 =	sadd.s32 @!p0 $0x88, s6;
	s7 =	simm.s32 @p2 $0x1082  }
0x22: {  	[simem:s7], [sflag:s8] =	dma.local @!p0 [hbm:s6], $0xF7A  }
0x23: {  	s9 =	sor.u32 $0xD0000000, s2;
	s6 =	simm.s32 $0x108;
	_ =	swait.ge @!p0 [sflag:s8], $0x0  }
0x24: {  	s3 =	sadd.s32 $0x88, s3;
	s6 =	simm.s32 @!p1 $0x1082;
	[sflag:s4] =	ssyncset.s32 $0xFFFFF086  }
0x25: {  	[simem:s6], [sflag:s4] =	dma.local [hbm:s3], $0xF7A  }
0x26: {  	[smem:$0x3F9B] =	sst s1;
	(tag) =	ssettag s2;
	_ =	strace s9  }
0x27: {  	s1 =	sld [smem:$0x3FAB]  }
0x28: {  	s2 =	sld [smem:$0x3FAC]  }
0x29: {  	s4 =	sld [smem:$0x3FAE]  }
0x2a: {  	p0 =	seq.s32 s5, $0x0;
	s5 =	sld [smem:$0x3FAF]  }
0x2b: {  	s6 =	sld [smem:$0x3FB0]  }
0x2c: {  	s7 =	sld [smem:$0x3FB1]  }
0x2d: {  	s3 =	simm.s32 $0x108;
	s8 =	sld [smem:$0x3FB2]  }
0x2e: {  	s3 =	simm.s32 @!p0 $0x1082;
	s9 =	sld [smem:$0x3FB3]  }
0x2f: {  	lr =	sadd.s32 s0, s3;
	s0 =	sld [smem:$0x3FAA]  }
0x30: {  	s3 =	sld [smem:$0x3FAD]  }
0x31: {  	[smem:$0x3FB6] =	sst s10  }
0x32: {  	s10 =	sld [smem:$0x3FB4];
	_ =	sdelay $0x3  }
0x33: {  	p0 =	seq.s32 s10, $0x1;
	s10 =	sld [smem:$0x3FB6];
	_ =	sdelay $0x3  }
0x34: {  	[smem:$0x3FB6] =	sst s10  }
0x35: {  	s10 =	sld [smem:$0x3FB5];
	_ =	sdelay $0x3  }
0x36: {  	p1 =	seq.s32 s10, $0x1;
	s10 =	sld [smem:$0x3FB6];
	_ =	sdelay $0x3  }
0x37: {  	[smem:$0x3FB6] =	sst s10  }
0x38: {  	s10 =	sld [smem:$0x3FB7]  }
0x39: {  	_ = 	snop;
	(pc) =	sbr.ind lr, $3  }
0x3a: {  	_ = 	snop  }
0x3b: {  	_ = 	snop  }
0x3c: {  	p2 =	seq.s32 s10, $0x1;
	s10 =	sld [smem:$0x3FB6]  }
0x3d: {  	_ =	shalt  }
0x3e: {  	_ =	shalt  }
0x3f: {  	_ =	shalt  }
0x40: {  	_ =	shalt  }
0x41: {  	_ =	shalt  }
0x42: {  	_ =	shalt  }
0x43: {  	_ =	shalt  }
0x44: {  	_ =	shalt  }
0x45: {  	_ =	shalt  }
0x46: {  	_ =	shalt  }
0x47: {  	_ =	shalt  }
0x48: {  	_ =	shalt  }
0x49: {  	_ =	shalt  }
0x4a: {  	_ =	shalt  }
0x4b: {  	_ =	shalt  }
0x4c: {  	_ =	shalt  }
0x4d: {  	_ =	shalt  }
0x4e: {  	_ =	shalt  }
0x4f: {  	_ =	shalt  }
0x50: {  	_ =	shalt  }
0x51: {  	_ =	shalt  }
0x52: {  	_ =	shalt  }
0x53: {  	_ =	shalt  }
0x54: {  	_ =	shalt  }
0x55: {  	_ =	shalt  }
0x56: {  	_ =	shalt  }
0x57: {  	_ =	shalt  }
0x58: {  	_ =	shalt  }
0x59: {  	_ =	shalt  }
0x5a: {  	_ =	shalt  }
0x5b: {  	_ =	shalt  }
0x5c: {  	_ =	shalt  }
0x5d: {  	_ =	shalt  }
0x5e: {  	_ =	shalt  }
0x5f: {  	_ =	shalt  }
0x60: {  	_ =	shalt  }
0x61: {  	_ =	shalt  }
0x62: {  	_ =	shalt  }
0x63: {  	_ =	shalt  }
0x64: {  	_ =	shalt  }
0x65: {  	_ =	shalt  }
0x66: {  	_ =	shalt  }
0x67: {  	_ =	shalt  }
0x68: {  	_ =	shalt  }
0x69: {  	_ =	shalt  }
0x6a: {  	_ =	shalt  }
0x6b: {  	_ =	shalt  }
0x6c: {  	_ =	shalt  }
0x6d: {  	_ =	shalt  }
0x6e: {  	_ =	shalt  }
0x6f: {  	_ =	shalt  }
0x70: {  	_ =	shalt  }
0x71: {  	_ =	shalt  }
0x72: {  	_ =	shalt  }
0x73: {  	_ =	shalt  }
0x74: {  	_ =	shalt  }
0x75: {  	_ =	shalt  }
0x76: {  	_ =	shalt  }
0x77: {  	_ =	shalt  }
0x78: {  	_ =	shalt  }
0x79: {  	_ =	shalt  }
0x7a: {  	_ =	shalt  }
0x7b: {  	_ =	shalt  }
0x7c: {  	_ =	shalt  }
0x7d: {  	_ =	shalt  }
0x7e: {  	_ =	shalt  }
0x7f: {  	_ =	shalt  }
0x80: {  	_ =	shalt  }
0x81: {  	_ =	shalt  }
0x82: {  	_ =	shalt  }
0x83: {  	_ =	shalt  }
0x84: {  	_ =	shalt  }
0x85: {  	_ =	shalt  }
0x86: {  	_ =	shalt  }
0x87: {  	_ =	shalt  }
.Lfunc_end0:
.L_simem_size_0:
called_computation.1_lowered:
.L_overlay_start_0:
0x88: {  	s2 =	sld [smem:$0x3FD9]  }
0x89: {  	s3 =	sld [smem:$0x3FFE];
	_ =	sdelay $0x1  }
0x8a: {  	s1 =	srdreg.scid  }
0x8b: {  	s0 =	sand.u32 $0x1, s1  }
0x8c: {  	s17 =	sshll.u32 s0, $0xA;
	s2 =	sadd.s32 s3, s2  }
0x8d: {  	s2 =	sadd.s32 s2, s17  }
0x8e: {  	[smem:$0x3FC2] =	sst s2  }
0x8f: {  	_ = 	snop  }
0x90: {  	s2 =	sld [smem:$0x3FD0];
	(tm) =	ssettm $0x1  }
0x91: {  	s18 =	sld [smem:$0x3FFB];
	_ =	sdelay $0x3  }
0x92: {  	_ =	strace s18  }
0x93: {  	s3 =	sld [smem:$0x3FFC];
	_ =	sdelay $0x3  }
0x94: {  	_ =	strace s3  }
0x95: {  	s3 =	sld [smem:$0x3FFD];
	_ =	sdelay $0x3  }
0x96: {  	_ =	strace s3  }
0x97: {  	_ =	strace $0x8FFFFFFF  }
0x98: {  	s19 =	sld [smem:$0x3FDB];
	_ =	sdelay $0x1  }
0x99: {  	s4 =	simm.s32 $_scs_section_size  }
0x9a: {  	s5 =	simm.s32 $_size__tile_overlayer_lowered;
	s6 =	simm.s32 $_tile_overlayer_lowered  }
0x9b: {  	s22 =	simm.s32 $0x1BFF;
	s21 =	sshll.u32 s6, $0x1;
	s3 =	sadd.s32 s4, s19  }
0x9c: {  	s7 =	simm.s32 $0x0;
	s20 =	sshll.u32 s5, $0x1;
	s5 =	sadd.s32 s21, s3  }
0x9d: {  	[timem:s7], [sflag:s22] =	dma.local [hbm:s5], s20  }
0x9e: {  	_ =	swait.ge [sflag:s22], s20  }
0x9f: {  	s4 =	ssub.s32 $0x0, s20;
	[sflag:s22] =	ssyncset.done $0x0  }
0xa0: {  	[sflag:s22] =	ssyncadd.s32 s4;
	_ =	sdelay $0x1  }
0xa1: {  	s23 =	simm.s32 $0x1B8B  }
0xa2: {  	_ =	swait.ge [sflag:s23], $0x1  }
0xa3: {  	[sflag:s23] =	ssyncset.done $0x0  }
0xa4: {  	s25 =	simm.s32 $0x1B8E;
	s24 =	sld [smem:$0x3FFE];
	[sflag:s23] =	ssyncadd.s32 $0xFFFFFFFF  }
0xa5: {  	s26 =	simm.s32 $execute0_lowered;
	[smem:$0x3FD2] =	sst s25  }
0xa6: {  	s5 =	sshll.u32 s26, $0x1;
	_ =	strace $0x80000049;
	[dreg:$0x1] =	wrdreg $0xFFFFFFFF  }
0xa7: {  	s28 =	simm.s32 $_size_execute0_lowered;
	s3 =	sadd.s32 s3, s5;
	[dreg:$0x0] =	wrdreg $0x0  }
0xa8: {  	s5 =	sshll.u32 s28, $0x1;
	[dreg:$0x2] =	wrdreg s3  }
0xa9: {  	[dreg:$0x3] =	wrdreg s5  }
0xaa: {  	[dreg:$0x4] =	wrdreg $0xC0  }
0xab: {  	_ =	task [dreg:s7], $0x5FFFF  }
0xac: {  	[dreg:$0x1] =	wrdreg $0xFFFFFFFF  }
0xad: {  	[dreg:$0x0] =	wrdreg $0x60  }
0xae: {  	[dreg:$0x2] =	wrdreg s2  }
0xaf: {  	[dreg:$0x3] =	wrdreg s24  }
0xb0: {  	[dreg:$0x4] =	wrdreg $0x99200  }
0xb1: {  	[dreg:$0x5] =	wrdreg $0x9  }
0xb2: {  	_ =	task.clear_ibuf [dreg:s7], $0x6FFFF;
	_ =	strace $0x90000049  }
0xb3: {  	s29 =	simm.s32 $0x9;
	_ =	strace $0x8000004B  }
0xb4: {  	_ =	swait.ge [sflag:s29], $0x1  }
0xb5: {  	[sflag:s29] =	ssyncadd.s32 $0xFFFFFFFF  }
0xb6: {  	_ =	strace $0x9000004B  }
0xb7: {  	_ =	sfence  }
0xb8: {  	s30 =	sld [smem:$0x0];
	_ =	sdelay $0x2  }
0xb9: {  	s31 =	sshll.u32 s1, $0xD;
	s1 =	sshrl.u32 s1, $0x2  }
0xba: {  	s3 =	sand.u32 $0x4000, s31;
	s1 =	sadd.s32 s1, s30  }
0xbb: {  	s0 =	sor.u32 s3, s0;
	s1 =	sshll.u32 s1, $0x11  }
0xbc: {  	s0 =	sor.u32 s1, s0  }
0xbd: {  	s0 =	sadd.s32 $0x8F2B, s0  }
0xbe: {  	[sflag:s0] =	ssyncadd.remote.s32 $0x1  }
0xbf: {  	_ =	sfence.sel $0xFFFF  }
0xc0: {  	[dreg:$0x0] =	wrdreg $0xFFFFFFFF;
	(pc) =	sbr.abs _section_cstart, $3  }
0xc1: {  	[dreg:$0x1] =	wrdreg $0xFFFFFFFF  }
0xc2: {  	_ =	task.clear_ibuf [dreg:s7], $0x2FFFF;
	_ =	strace $0x9FFFFFFF  }
0xc3: {  	(tm) =	ssettm $0x7FFFFFFF  }
tec
execute0_lowered:
.L_overlay_start_1:
0x0: {  	(tag) =	ssettag $0x1  }
0x1: {  	s1 =	rddreg [dreg:$0x0]  }
0x2: {  	s0 =	srdreg.scid;
	s2 =	rddreg [dreg:$0x1]  }
0x3: {  	s11 =	stileid.u32;
	s3 =	rddreg [dreg:$0x2];
	s15 =	simm.s32 $0x5  }
0x4: {  	s17 =	simm.s32 $0x19;
	s20 =	simm.s32 $0x7080;
	s21 =	simm.s32 $0x9790  }
0x5: {  	s22 =	simm.s32 $0x1;
	s23 =	simm.s32 $0x7D00;
	s24 =	simm.s32 $0x2  }
0x6: {  	s28 =	simm.s32 $0x4;
	s29 =	simm.s32 $0x0;
	s8 =	smul.u32 $0x3E80, s11  }
0x7: {  	s0 =	sand.u32 $0x1, s0;
	s4 =	sshll.u32 s11, $0x1;
	s10 =	smul.u32 $0x7D000, s11  }
0x8: {  	s12 =	sadd.s32 $0x1B000, s2;
	s6 =	sor.u32 s0, s4;
	s7 =	smul.u32 $0x27100, s0  }
0x9: {  	p0 =	sgt.u32 s11, $0x9;
	s4 =	simm.s32 $0x0;
	s5 =	smul.u32 $0x640, s6  }
0xa: {  	s0 =	ssub.s32 $0x2, s0;
	[smem:$0x7FF] =	sst s4;
	s30 =	smul.u32 $0x4E20, s6  }
0xb: {  	s25 =	sshrl.u32 s0, $0x1;
	s26 =	sshrl.u32 s10, $0x2;
	s10 =	smul.u32 $0x2710, s6  }
0xc: {  	s6 =	sshll.u32 @!p0 s11, $0x6;
	_ =	strace $0x8000004A;
	[dreg:$0x4] =	wrdreg s12  }
0xd: {  	s7 =	sadd.s32 s8, s7;
	s0 =	ssub.s32 s0, s25;
	s13 =	sor.u32 @!p0 $0x1C05, s6  }
0xe: {  	s25 =	simm.s32 $0x8980;
	s9 =	sadd.s32 s5, s2;
	s5 =	sadd.s32 $0x73A00, s2  }
0xf: {  	s2 =	sadd.s32 s7, s2;
	s7 =	sadd.s32 s26, s3;
	s31 =	sadd.s32 $0xE800, s9  }
0x10: {  	s12 =	smax.u32 s0, $0x1;
	s9 =	sadd.s32 $0x2000, s9;
	[dreg:$0x5] =	wrdreg s31  }
0x11: {  	s26 =	simm.s32 $0x3;
	s8 =	sadd.s32 s5, s30;
	[dreg:$0x6] =	wrdreg s9  }
0x12: {  	s11 =	sadd.s32 $0x10FE00, s2;
	s14 =	sshrl.u32 @!p0 s7, $0x3;
	[dreg:$0x7] =	wrdreg s8  }
.LBB2_1:
0x13: {  	s0 =	rddreg [dreg:$0x4]  }
0x14: {  	[spmem:s14], [sflag:s13] =	dma.local @!p0 [hbm:s0], $0x3E80  }
0x15: {  	s0 =	simm.s32 @!p0 $0x5  }
0x16: {  	_ =	swait.ge @!p0 [sflag:s0], $0x3E80  }
0x17: {  	[sflag:s0] =	ssyncset.done @!p0 $0x0  }
0x18: {  	s9 =	rddreg [dreg:$0x5];
	[sflag:s0] =	ssyncadd.s32 @!p0 $0xFFFFC180  }
0x19: {  	[tilespmem:s4], [sflag:$0x5] =	stream.linear.gather [hbm4b:s9+s4], $0x3200, $0x38;
	[tilespmem:$0x1D1A0] =	vst v63  }
0x1a: {  	_ =	swait.ge [sflag:s15], $0x3200  }
0x1b: {  	[sflag:s15] =	ssyncset.done $0x0  }
0x1c: {  	s2 =	simm.s32 $0x3200;
	s16 =	rddreg [dreg:$0x6];
	[sflag:s15] =	ssyncadd.s32 $0xFFFFCE00  }
0x1d: {  	[tilespmem:s2], [sflag:$0x5] =	stream.linear.gather [hbm4b:s16+s4], $0x3200, $0x38;
	[tilespmem:$0x1D1A0] =	vst v63  }
0x1e: {  	_ =	swait.ge [sflag:s15], $0x3200  }
0x1f: {  	[sflag:s15] =	ssyncset.done $0x0  }
0x20: {  	[sflag:s15] =	ssyncadd.s32 $0xFFFFCE00  }
0x21: {  	s18 =	simm.s32 $0x6400;
	[bflag:$0x0] =	sbarrier.arrive $0xFFFF  }
0x22: {  	[tilespmem:s18], [sflag:$0x1] =	stream.indirect.gather [hbm4b:s1+s17], $0x80, s2, s17, $0xb8;
	[tilespmem:$0x1D1A0] =	vst v63  }
0x23: {  	s31 =	simm.s32 $0x9600;
	s30 =	simm.s32 $0x0;
	s19 =	rddreg [dreg:$0x7]  }
0x24: {  	[tilespmem:s31], [sflag:$0x1] =	stream.linear.gather [hbm4b:s19+s4], $0x190, $0x38;
	[tilespmem:$0x1D1A0] =	vst v63  }
.LBB2_2:
0x25: {  	s0 =	sshllo.u32 s30, $0x1  }
0x26: {  	s31 =	sshll.u32 s0, $0x5  }
0x27: {  	s0 =	smul.u32 $0x19, s0;
	s2 =	sadd.s32 $0x3200, s31  }
0x28: {  	[tilespmem:s20], [sflag:$0x2] =	stream.indirect.gather [hbm4b:s1+s17], $0x80, s2, s17, $0xb8;
	[tilespmem:$0x1D1A0] =	vst v63  }
0x29: {  	s0 =	sadd.s32 s10, s0  }
0x2a: {  	s0 =	sshll.u32 s0, $0x1  }
0x2b: {  	s0 =	sand.u32 $0x1FFFFFFE, s0  }
0x2c: {  	p1 =	seq.s32 s30, $0x0;
	s0 =	sadd.s32 s5, s0  }
0x2d: {  	[tilespmem:s21], [sflag:$0x2] =	stream.linear.gather [hbm4b:s0+s4], $0x190, $0x38;
	[tilespmem:$0x1D1A0] =	vst v63  }
0x2e: {  	s0 =	simm.s32 @!p1 $0x3  }
0x2f: {  	_ =	swait.ge @!p1 [sflag:s0], $0xC80  }
0x30: {  	[sflag:s0] =	ssyncset.done @!p1 $0x0  }
0x31: {  	[sflag:s0] =	ssyncadd.s32 @!p1 $0xFFFFF380  }
0x32: {  	_ =	swait.ge [sflag:s22], $0xC80  }
0x33: {  	[sflag:s22] =	ssyncset.done $0x0  }
0x34: {  	[sflag:s22] =	ssyncadd.s32 $0xFFFFF380  }
0x35: {  	_ =	swait.ge [sflag:s22], $0x190  }
0x36: {  	[sflag:s22] =	ssyncset.done $0x0  }
0x37: {  	s18 =	simm.s32 $0x9620;
	[sflag:s22] =	ssyncadd.s32 $0xFFFFFE70  }
0x38: {  	v7 =	vld [tilespmem:s18+$0x10]  }
0x39: {  	s16 =	simm.s32 $0x6500  }
0x3a: {  	v1 =	vld [tilespmem:s16+$0x80]  }
0x3b: {  	v5 =	vld [tilespmem:s18+$0xFFFFFFF0]  }
0x3c: {  	v0 =	vld [tilespmem:s18+$0xFFFFFFE0]  }
0x3d: {  	v6 =	vld [tilespmem:s18+$0x0];
	v3 =	vbroadcast v7, $0x0  }
0x3e: {  	v2 =	vld [tilespmem:s16+$0xFFFFFF00]  }
0x3f: {  	v4 =	vld [tilespmem:s16+$0xFFFFFF80];
	v1 =	vmul.f32 v3, v1  }
0x40: {  	s2 =	simm.s32 $0x7E00  }
0x41: {  	v8 =	vld [tilespmem:s16+$0x0];
	v9 =	vbroadcast v0, $0x0;
	[tilespmem:s2+$0x80] =	vst v1  }
0x42: {  	v10 =	vbroadcast v5, $0x0;
	v1 =	vld [tilespmem:s16+$0x90]  }
0x43: {  	v2 =	vmul.f32 v9, v2  }
0x44: {  	v11 =	vbroadcast v6, $0x0;
	v4 =	vmul.f32 v10, v4  }
0x45: {  	[tilespmem:s2+$0xFFFFFF00] =	vst v2  }
0x46: {  	v2 =	vmul.f32 v11, v8;
	[tilespmem:s2+$0xFFFFFF80] =	vst v4;
	v8 =	vld [tilespmem:s16+$0xFFFFFF10]  }
0x47: {  	v4 =	vld [tilespmem:s16+$0xFFFFFF90];
	v1 =	vmul.f32 v1, v3  }
0x48: {  	[tilespmem:s2+$0x0] =	vst v2  }
0x49: {  	v2 =	vld [tilespmem:s16+$0x10];
	[tilespmem:s2+$0x90] =	vst v1  }
0x4a: {  	v1 =	vld [tilespmem:s16+$0xA0]  }
0x4b: {  	v3 =	vmul.f32 v8, v9  }
0x4c: {  	v4 =	vmul.f32 v4, v10  }
0x4d: {  	[tilespmem:s2+$0xFFFFFF10] =	vst v3;
	v3 =	vbroadcast v7, $0x1  }
0x4e: {  	v2 =	vmul.f32 v2, v11;
	[tilespmem:s2+$0xFFFFFF90] =	vst v4;
	v8 =	vld [tilespmem:s16+$0xFFFFFF20]  }
0x4f: {  	v4 =	vld [tilespmem:s16+$0xFFFFFFA0];
	v1 =	vmul.f32 v1, v3  }
0x50: {  	[tilespmem:s2+$0x10] =	vst v2  }
0x51: {  	v9 =	vbroadcast v0, $0x1;
	v2 =	vld [tilespmem:s16+$0x20];
	[tilespmem:s2+$0xA0] =	vst v1  }
0x52: {  	v10 =	vbroadcast v5, $0x1;
	v1 =	vld [tilespmem:s16+$0xB0]  }
0x53: {  	s18 =	simm.s32 $0x6700;
	v8 =	vmul.f32 v8, v9  }
0x54: {  	v14 =	vld [tilespmem:s18+$0x80];
	v11 =	vbroadcast v6, $0x1;
	v4 =	vmul.f32 v4, v10  }
0x55: {  	s19 =	simm.s32 $0x9660;
	v18 =	vld [tilespmem:s18+$0xFFFFFF00];
	[tilespmem:s2+$0xFFFFFF20] =	vst v8  }
0x56: {  	v2 =	vmul.f32 v2, v11;
	[tilespmem:s2+$0xFFFFFFA0] =	vst v4;
	v4 =	vld [tilespmem:s19+$0x10]  }
0x57: {  	v8 =	vld [tilespmem:s16+$0xFFFFFF30];
	v1 =	vmul.f32 v1, v3  }
0x58: {  	v12 =	vld [tilespmem:s16+$0xFFFFFFB0];
	[tilespmem:s2+$0x20] =	vst v2  }
0x59: {  	v13 =	vld [tilespmem:s16+$0x30];
	[tilespmem:s2+$0xB0] =	vst v1  }
0x5a: {  	v15 =	vld [tilespmem:s16+$0xC0]  }
0x5b: {  	v16 =	vbroadcast v4, $0x0;
	v3 =	vld [tilespmem:s19+$0xFFFFFFE0]  }
0x5c: {  	v1 =	vld [tilespmem:s19+$0xFFFFFFF0]  }
0x5d: {  	v17 =	vbroadcast v7, $0x2;
	v2 =	vld [tilespmem:s19+$0x0];
	v14 =	vmul.f32 v16, v14  }
0x5e: {  	s0 =	simm.s32 $0x8000;
	v8 =	vmul.f32 v8, v9;
	v9 =	vld [tilespmem:s18+$0xFFFFFF80]  }
0x5f: {  	v19 =	vld [tilespmem:s18+$0x0];
	[tilespmem:s0+$0x80] =	vst v14;
	v15 =	vmul.f32 v15, v17  }
0x60: {  	v10 =	vmul.f32 v12, v10;
	[tilespmem:s2+$0xFFFFFF30] =	vst v8;
	v12 =	vld [tilespmem:s18+$0x90];
	v8 =	vbroadcast v3, $0x0  }
0x61: {  	v11 =	vmul.f32 v13, v11;
	v14 =	vld [tilespmem:s16+$0xFFFFFF40];
	v13 =	vbroadcast v1, $0x0;
	[tilespmem:s2+$0xC0] =	vst v15  }
0x62: {  	[tilespmem:s2+$0xFFFFFFB0] =	vst v10;
	v18 =	vmul.f32 v8, v18;
	v15 =	vbroadcast v2, $0x0;
	v10 =	vld [tilespmem:s16+$0xD0]  }
0x63: {  	[tilespmem:s2+$0x30] =	vst v11;
	v11 =	vld [tilespmem:s16+$0xFFFFFFC0];
	v9 =	vmul.f32 v13, v9  }
0x64: {  	v20 =	vbroadcast v0, $0x2;
	v21 =	vld [tilespmem:s16+$0x40];
	[tilespmem:s0+$0xFFFFFF00] =	vst v18;
	v19 =	vmul.f32 v15, v19  }
0x65: {  	v18 =	vld [tilespmem:s18+$0xFFFFFF10];
	[tilespmem:s0+$0xFFFFFF80] =	vst v9;
	v9 =	vmul.f32 v12, v16  }
0x66: {  	v14 =	vmul.f32 v14, v20;
	v12 =	vbroadcast v5, $0x2;
	v16 =	vld [tilespmem:s18+$0xFFFFFF90];
	[tilespmem:s0+$0x0] =	vst v19  }
0x67: {  	[tilespmem:s0+$0x90] =	vst v9;
	v19 =	vbroadcast v6, $0x2;
	v10 =	vmul.f32 v10, v17;
	v17 =	vld [tilespmem:s18+$0x10]  }
0x68: {  	[tilespmem:s2+$0xFFFFFF40] =	vst v14;
	v9 =	vmul.f32 v11, v12;
	v11 =	vld [tilespmem:s18+$0xA0]  }
0x69: {  	v14 =	vld [tilespmem:s16+$0xFFFFFF50];
	[tilespmem:s2+$0xD0] =	vst v10;
	v10 =	vmul.f32 v21, v19  }
0x6a: {  	[tilespmem:s2+$0xFFFFFFC0] =	vst v9;
	v8 =	vmul.f32 v18, v8;
	v21 =	vld [tilespmem:s16+$0xE0]  }
0x6b: {  	v9 =	vld [tilespmem:s16+$0xFFFFFFD0];
	[tilespmem:s2+$0x40] =	vst v10;
	v10 =	vmul.f32 v16, v13;
	v13 =	vbroadcast v4, $0x1  }
0x6c: {  	[tilespmem:s0+$0xFFFFFF10] =	vst v8;
	v16 =	vld [tilespmem:s16+$0x50];
	v8 =	vmul.f32 v17, v15  }
0x6d: {  	v7 =	vbroadcast v7, $0x3;
	v15 =	vld [tilespmem:s18+$0xFFFFFF20];
	[tilespmem:s0+$0xFFFFFF90] =	vst v10;
	v10 =	vmul.f32 v11, v13  }
0x6e: {  	v11 =	vld [tilespmem:s18+$0xFFFFFFA0];
	[tilespmem:s0+$0x10] =	vst v8;
	v8 =	vmul.f32 v14, v20  }
0x6f: {  	v14 =	vmul.f32 v21, v7;
	v17 =	vld [tilespmem:s18+$0x20];
	[tilespmem:s0+$0xA0] =	vst v10  }
0x70: {  	s7 =	simm.s32 $0x96A0;
	v9 =	vmul.f32 v9, v12;
	v10 =	vbroadcast v3, $0x1;
	v12 =	vld [tilespmem:s18+$0xB0];
	[tilespmem:s2+$0xFFFFFF50] =	vst v8  }
0x71: {  	v21 =	vld [tilespmem:s7+$0xFFFFFFF0];
	v8 =	vbroadcast v1, $0x1;
	[tilespmem:s2+$0xE0] =	vst v14;
	v14 =	vmul.f32 v16, v19  }
0x72: {  	[tilespmem:s2+$0xFFFFFFD0] =	vst v9;
	v16 =	vld [tilespmem:s16+$0xFFFFFF60];
	v9 =	vmul.f32 v15, v10  }
0x73: {  	v15 =	vld [tilespmem:s16+$0xFFFFFFE0];
	[tilespmem:s2+$0x50] =	vst v14;
	v11 =	vmul.f32 v11, v8  }
0x74: {  	v18 =	vbroadcast v2, $0x1;
	v19 =	vld [tilespmem:s16+$0xF0];
	[tilespmem:s0+$0xFFFFFF20] =	vst v9  }
0x75: {  	v20 =	vld [tilespmem:s16+$0x60];
	[tilespmem:s0+$0xFFFFFFA0] =	vst v11;
	v11 =	vmul.f32 v12, v13  }
0x76: {  	v14 =	vbroadcast v0, $0x3;
	v0 =	vmul.f32 v17, v18;
	v9 =	vld [tilespmem:s18+$0xFFFFFF30]  }
0x77: {  	v12 =	vld [tilespmem:s18+$0xFFFFFFB0];
	[tilespmem:s0+$0xB0] =	vst v11  }
0x78: {  	[tilespmem:s0+$0x20] =	vst v0;
	v0 =	vmul.f32 v16, v14;
	v11 =	vld [tilespmem:s18+$0xC0]  }
0x79: {  	v13 =	vld [tilespmem:s18+$0x30]  }
0x7a: {  	s6 =	simm.s32 $0x6900;
	v22 =	vbroadcast v5, $0x3;
	v5 =	vmul.f32 v19, v7;
	[tilespmem:s2+$0xFFFFFF60] =	vst v0;
	v0 =	vld [tilespmem:s7+$0x10]  }
0x7b: {  	v17 =	vbroadcast v4, $0x2;
	v7 =	vld [tilespmem:s6+$0x80]  }
0x7c: {  	v19 =	vld [tilespmem:s7+$0x0];
	[tilespmem:s2+$0xF0] =	vst v5;
	v5 =	vmul.f32 v15, v22  }
0x7d: {  	v23 =	vbroadcast v6, $0x3;
	v16 =	vld [tilespmem:s16+$0xFFFFFF70];
	v6 =	vmul.f32 v11, v17  }
0x7e: {  	v15 =	vld [tilespmem:s7+$0xFFFFFFE0];
	[tilespmem:s2+$0xFFFFFFE0] =	vst v5  }
0x7f: {  	v5 =	vmul.f32 v9, v10;
	v9 =	vld [tilespmem:s6+$0xFFFFFF80];
	v24 =	vbroadcast v0, $0x0;
	[tilespmem:s0+$0xC0] =	vst v6  }
0x80: {  	v8 =	vmul.f32 v12, v8;
	v6 =	vld [tilespmem:s18+$0xD0]  }
0x81: {  	v11 =	vmul.f32 v20, v23;
	v20 =	vld [tilespmem:s6+$0xFFFFFF00];
	[tilespmem:s0+$0xFFFFFF30] =	vst v5;
	v7 =	vmul.f32 v24, v7  }
0x82: {  	s19 =	simm.s32 $0x8200;
	v25 =	vld [tilespmem:s16+$0xFFFFFFF0];
	[tilespmem:s0+$0xFFFFFFB0] =	vst v8  }
0x83: {  	v10 =	vmul.f32 v13, v18;
	v5 =	vld [tilespmem:s6+$0x0];
	[tilespmem:s19+$0x80] =	vst v7  }
0x84: {  	v8 =	vmul.f32 v16, v14;
	[tilespmem:s2+$0x60] =	vst v11;
	v11 =	vbroadcast v15, $0x0;
	v12 =	vld [tilespmem:s6+$0x90]  }
0x85: {  	[tilespmem:s0+$0x30] =	vst v10;
	v10 =	vbroadcast v21, $0x0;
	v7 =	vld [tilespmem:s18+$0xFFFFFF40];
	v6 =	vmul.f32 v6, v17  }
0x86: {  	v13 =	vld [tilespmem:s18+$0xFFFFFFC0];
	[tilespmem:s2+$0xFFFFFF70] =	vst v8;
	v8 =	vbroadcast v19, $0x0;
	v14 =	vmul.f32 v11, v20  }
0x87: {  	v16 =	vld [tilespmem:s18+$0x40];
	v9 =	vmul.f32 v10, v9;
	[tilespmem:s0+$0xD0] =	vst v6  }
0x88: {  	v5 =	vmul.f32 v8, v5;
	[tilespmem:s19+$0xFFFFFF00] =	vst v14;
	v6 =	vbroadcast v3, $0x2;
	v14 =	vld [tilespmem:s18+$0xE0]  }
0x89: {  	[tilespmem:s19+$0xFFFFFF80] =	vst v9;
	v17 =	vbroadcast v1, $0x2;
	v18 =	vld [tilespmem:s6+$0xFFFFFF10];
	v9 =	vmul.f32 v12, v24  }
0x8a: {  	v20 =	vbroadcast v2, $0x2;
	[tilespmem:s19+$0x0] =	vst v5;
	v12 =	vld [tilespmem:s6+$0xFFFFFF90];
	v7 =	vmul.f32 v7, v6  }
0x8b: {  	v4 =	vbroadcast v4, $0x3;
	v5 =	vmul.f32 v13, v17;
	v13 =	vld [tilespmem:s6+$0x10];
	[tilespmem:s19+$0x90] =	vst v9  }
0x8c: {  	v9 =	vmul.f32 v16, v20;
	v16 =	vld [tilespmem:s6+$0xA0];
	[tilespmem:s0+$0xFFFFFF40] =	vst v7  }
0x8d: {  	[tilespmem:s0+$0xFFFFFFC0] =	vst v5;
	v7 =	vld [tilespmem:s18+$0xFFFFFF50];
	v5 =	vmul.f32 v14, v4  }
0x8e: {  	v11 =	vmul.f32 v18, v11;
	[tilespmem:s0+$0x40] =	vst v9;
	v14 =	vld [tilespmem:s18+$0xFFFFFFD0]  }
0x8f: {  	v18 =	vbroadcast v0, $0x1;
	v9 =	vmul.f32 v12, v10;
	v10 =	vld [tilespmem:s18+$0x50];
	[tilespmem:s0+$0xE0] =	vst v5  }
0x90: {  	[tilespmem:s19+$0xFFFFFF10] =	vst v11;
	v5 =	vmul.f32 v13, v8;
	v8 =	vld [tilespmem:s18+$0xF0]  }
0x91: {  	v2 =	vbroadcast v2, $0x3;
	[tilespmem:s19+$0xFFFFFF90] =	vst v9;
	v13 =	vld [tilespmem:s6+$0xFFFFFF20];
	v9 =	vmul.f32 v16, v18  }
0x92: {  	v1 =	vbroadcast v1, $0x3;
	v16 =	vld [tilespmem:s6+$0xFFFFFFA0];
	[tilespmem:s19+$0x10] =	vst v5;
	v5 =	vmul.f32 v7, v6  }
0x93: {  	v3 =	vbroadcast v3, $0x3;
	[tilespmem:s19+$0xA0] =	vst v9;
	v62 =	vld [tilespmem:s6+$0x20];
	v6 =	vmul.f32 v14, v17  }
0x94: {  	v12 =	vbroadcast v15, $0x1;
	v9 =	vld [tilespmem:s6+$0xB0];
	[tilespmem:s0+$0xFFFFFF50] =	vst v5;
	v5 =	vmul.f32 v10, v20  }
0x95: {  	v10 =	vbroadcast v21, $0x1;
	v14 =	vld [tilespmem:s18+$0xFFFFFF60];
	[tilespmem:s0+$0xFFFFFFD0] =	vst v6;
	v4 =	vmul.f32 v8, v4  }
0x96: {  	v11 =	vbroadcast v19, $0x1;
	v8 =	vmul.f32 v13, v12;
	v13 =	vld [tilespmem:s18+$0xFFFFFFE0];
	[tilespmem:s0+$0x50] =	vst v5  }
0x97: {  	v7 =	vbroadcast v15, $0x2;
	v5 =	vmul.f32 v16, v10;
	v16 =	vld [tilespmem:s18+$0x60];
	[tilespmem:s0+$0xF0] =	vst v4  }
0x98: {  	v63 =	vld [tilespmem:s16+$0x70];
	v6 =	vbroadcast v21, $0x2;
	[tilespmem:s19+$0xFFFFFF20] =	vst v8;
	v4 =	vmul.f32 v62, v11  }
0x99: {  	v8 =	vbroadcast v19, $0x2;
	[tilespmem:s19+$0xFFFFFFA0] =	vst v5;
	v5 =	vmul.f32 v9, v18;
	v17 =	vld [tilespmem:s6+$0xFFFFFF30]  }
0x9a: {  	v9 =	vbroadcast v15, $0x3;
	v20 =	vld [tilespmem:s6+$0xFFFFFFB0];
	[tilespmem:s19+$0x20] =	vst v4;
	v14 =	vmul.f32 v14, v3  }
0x9b: {  	v4 =	vbroadcast v21, $0x3;
	[tilespmem:s19+$0xB0] =	vst v5;
	v18 =	vld [tilespmem:s6+$0x30];
	v21 =	vmul.f32 v13, v1  }
0x9c: {  	s8 =	simm.s32 $0x8;
	v5 =	vbroadcast v19, $0x3;
	v19 =	vld [tilespmem:s6+$0xC0];
	[tilespmem:s0+$0xFFFFFF60] =	vst v14;
	v16 =	vmul.f32 v16, v2  }
0x9d: {  	s9 =	simm.s32 $0x96E0;
	s7 =	simm.s32 $0x6900;
	s16 =	sshll.u32 s30, $0x1;
	v13 =	vmul.f32 v25, v22;
	v14 =	vmul.f32 v63, v23;
	v15 =	vld [tilespmem:s18+$0xFFFFFF70];
	[tilespmem:s0+$0xFFFFFFE0] =	vst v21  }
.LBB2_3:
0x9e: {  	v21 =	vld [tilespmem:s9+$0x10];
	s8 =	sadd.s32 $0x4, s8;
	v12 =	vmul.f32 v17, v12;
	[tilespmem:s0+$0x60] =	vst v16  }
0x9f: {  	v17 =	vbroadcast v0, $0x2;
	s6 =	sadd.s32 $0x200, s6;
	v16 =	vld [tilespmem:s9+$0xFFFFFFF0];
	p1 =	slt.u32 s8, $0x14;
	v10 =	vmul.f32 v20, v10;
	[tilespmem:s2+$0xFFFFFFF0] =	vst v13  }
0xa0: {  	v13 =	vld [tilespmem:s6+$0x80];
	[tilespmem:s19+$0xFFFFFF30] =	vst v12;
	v11 =	vmul.f32 v18, v11  }
0xa1: {  	v18 =	vld [tilespmem:s9+$0x0];
	[tilespmem:s19+$0xFFFFFFB0] =	vst v10;
	v10 =	vmul.f32 v19, v17  }
0xa2: {  	v19 =	vld [tilespmem:s9+$0xFFFFFFE0];
	[tilespmem:s19+$0x30] =	vst v11;
	v11 =	vmul.f32 v15, v3;
	v3 =	vmov v9  }
0xa3: {  	v9 =	vld [tilespmem:s6+$0xFFFFFF00];
	v15 =	vbroadcast v21, $0x0;
	[tilespmem:s19+$0xC0] =	vst v10  }
0xa4: {  	v20 =	vbroadcast v16, $0x0;
	v10 =	vbroadcast v16, $0x1;
	v22 =	vld [tilespmem:s7+$0xD0];
	[tilespmem:s0+$0xFFFFFF70] =	vst v11  }
0xa5: {  	v24 =	vbroadcast v16, $0x2;
	v23 =	vld [tilespmem:s6+$0xFFFFFF80];
	v13 =	vmul.f32 v15, v13;
	[tilespmem:s2+$0x70] =	vst v14;
	s2 =	smov.u32 s0;
	s0 =	smov.u32 s19  }
0xa6: {  	s19 =	sadd.s32 $0x200, s19;
	v14 =	vbroadcast v18, $0x0;
	v25 =	vld [tilespmem:s6+$0x0];
	v11 =	vbroadcast v18, $0x1  }
0xa7: {  	v26 =	vbroadcast v19, $0x0;
	v12 =	vbroadcast v19, $0x1;
	[tilespmem:s19+$0x80] =	vst v13;
	v13 =	vld [tilespmem:s7+$0xFFFFFF40]  }
0xa8: {  	v28 =	vbroadcast v18, $0x2;
	v27 =	vbroadcast v19, $0x2;
	v29 =	vld [tilespmem:s6+$0x90]  }
0xa9: {  	v30 =	vmul.f32 v26, v9;
	v31 =	vld [tilespmem:s7+$0xFFFFFFC0];
	v17 =	vmul.f32 v22, v17  }
0xaa: {  	v9 =	vbroadcast v19, $0x3;
	v19 =	vmul.f32 v20, v23;
	v22 =	vld [tilespmem:s7+$0x40]  }
0xab: {  	v16 =	vbroadcast v16, $0x3;
	v23 =	vmul.f32 v14, v25;
	[tilespmem:s0+$0xD0] =	vst v17;
	v17 =	vld [tilespmem:s18+$0xFFFFFFF0]  }
0xac: {  	v25 =	vbroadcast v18, $0x3;
	[tilespmem:s19+$0xFFFFFF00] =	vst v30;
	v13 =	vmul.f32 v13, v7;
	v18 =	vld [tilespmem:s7+$0xE0]  }
0xad: {  	v30 =	vld [tilespmem:s6+$0xFFFFFF10];
	[tilespmem:s19+$0xFFFFFF80] =	vst v19;
	v15 =	vmul.f32 v29, v15  }
0xae: {  	v19 =	vld [tilespmem:s6+$0xFFFFFF90];
	[tilespmem:s19+$0x0] =	vst v23;
	v23 =	vmul.f32 v31, v6  }
0xaf: {  	v29 =	vld [tilespmem:s6+$0x10];
	[tilespmem:s19+$0x90] =	vst v15;
	v15 =	vmul.f32 v22, v8;
	v22 =	vbroadcast v0, $0x3;
	v0 =	vmov v21  }
0xb0: {  	v21 =	vld [tilespmem:s6+$0xA0];
	[tilespmem:s0+$0xFFFFFF40] =	vst v13;
	v13 =	vmul.f32 v17, v1;
	v1 =	vmov v4;
	v4 =	vmov v16  }
0xb1: {  	v16 =	vld [tilespmem:s7+$0xFFFFFF50];
	[tilespmem:s0+$0xFFFFFFC0] =	vst v23;
	v17 =	vmul.f32 v18, v22  }
0xb2: {  	v18 =	vmul.f32 v30, v26;
	v23 =	vld [tilespmem:s7+$0xFFFFFFD0];
	[tilespmem:s0+$0x40] =	vst v15  }
0xb3: {  	v15 =	vmul.f32 v19, v20;
	v19 =	vbroadcast v0, $0x1;
	v20 =	vld [tilespmem:s7+$0x50];
	[tilespmem:s0+$0xE0] =	vst v17  }
0xb4: {  	[tilespmem:s19+$0xFFFFFF10] =	vst v18;
	v14 =	vmul.f32 v29, v14;
	v17 =	vld [tilespmem:s7+$0xF0]  }
0xb5: {  	v18 =	vld [tilespmem:s6+$0xFFFFFF20];
	[tilespmem:s19+$0xFFFFFF90] =	vst v15;
	v15 =	vmul.f32 v21, v19  }
0xb6: {  	v21 =	vld [tilespmem:s6+$0xFFFFFFA0];
	[tilespmem:s19+$0x10] =	vst v14;
	v14 =	vmul.f32 v16, v7;
	v7 =	vmov v27  }
0xb7: {  	v16 =	vld [tilespmem:s6+$0x20];
	[tilespmem:s19+$0xA0] =	vst v15;
	v15 =	vmul.f32 v23, v6;
	v6 =	vmov v24  }
0xb8: {  	v23 =	vld [tilespmem:s6+$0xB0];
	[tilespmem:s0+$0xFFFFFF50] =	vst v14;
	v14 =	vmul.f32 v20, v8;
	v8 =	vmov v28  }
0xb9: {  	v24 =	vld [tilespmem:s7+$0xFFFFFF60];
	[tilespmem:s0+$0xFFFFFFD0] =	vst v15;
	v15 =	vmul.f32 v17, v22  }
0xba: {  	v17 =	vmul.f32 v18, v12;
	v22 =	vld [tilespmem:s7+$0xFFFFFFE0];
	[tilespmem:s0+$0x50] =	vst v14  }
0xbb: {  	v14 =	vmul.f32 v21, v10;
	v21 =	vld [tilespmem:s7+$0x60];
	[tilespmem:s0+$0xF0] =	vst v15  }
0xbc: {  	[tilespmem:s19+$0xFFFFFF20] =	vst v17;
	v15 =	vmul.f32 v16, v11;
	v26 =	vld [tilespmem:s18+$0x70];
	s18 =	smov.u32 s7;
	s7 =	smov.u32 s6  }
.Ltmp0:
0xbd: {  	v17 =	vld [tilespmem:s6+$0xFFFFFF30];
	[tilespmem:s19+$0xFFFFFFA0] =	vst v14;
	v14 =	vmul.f32 v23, v19;
	(pc) =	sbr.rel @p1 .LBB2_3-.Ltmp0, $4  }
0xbe: {  	v20 =	vld [tilespmem:s6+$0xFFFFFFB0];
	[tilespmem:s19+$0x20] =	vst v15;
	v15 =	vmul.f32 v24, v3  }
0xbf: {  	v18 =	vld [tilespmem:s6+$0x30];
	[tilespmem:s19+$0xB0] =	vst v14;
	v14 =	vmul.f32 v22, v1  }
0xc0: {  	v19 =	vld [tilespmem:s6+$0xC0];
	[tilespmem:s0+$0xFFFFFF60] =	vst v15;
	v16 =	vmul.f32 v21, v5  }
0xc1: {  	s9 =	sadd.s32 $0x40, s9;
	v15 =	vld [tilespmem:s18+$0xFFFFFF70];
	[tilespmem:s0+$0xFFFFFFE0] =	vst v14;
	v14 =	vmul.f32 v26, v2;
	v2 =	vmov v5;
	v5 =	vmov v25  }
0xc2: {  	v12 =	vmul.f32 v17, v12;
	_ =	sdelay $0x1  }
0xc3: {  	v10 =	vmul.f32 v20, v10;
	[tilespmem:s19+$0xFFFFFF30] =	vst v12  }
0xc4: {  	v11 =	vmul.f32 v18, v11;
	v12 =	vld [tilespmem:s7+$0xFFFFFF40]  }
0xc5: {  	v17 =	vbroadcast v0, $0x2;
	[tilespmem:s19+$0xFFFFFFB0] =	vst v10  }
0xc6: {  	[tilespmem:s19+$0x30] =	vst v11;
	v10 =	vld [tilespmem:s7+$0xFFFFFFC0]  }
0xc7: {  	v11 =	vmul.f32 v19, v17;
	v18 =	vld [tilespmem:s7+$0x40];
	_ =	sdelay $0x1  }
0xc8: {  	[tilespmem:s19+$0xC0] =	vst v11;
	v11 =	vmul.f32 v12, v7  }
0xc9: {  	v12 =	vld [tilespmem:s7+$0xD0]  }
0xca: {  	v10 =	vmul.f32 v10, v6;
	[tilespmem:s19+$0xFFFFFF40] =	vst v11  }
0xcb: {  	v11 =	vmul.f32 v18, v8;
	v18 =	vld [tilespmem:s7+$0xFFFFFF50]  }
0xcc: {  	[tilespmem:s19+$0xFFFFFFC0] =	vst v10  }
0xcd: {  	v10 =	vld [tilespmem:s7+$0xFFFFFFD0];
	[tilespmem:s19+$0x40] =	vst v11  }
0xce: {  	v11 =	vmul.f32 v12, v17;
	v12 =	vld [tilespmem:s7+$0x50];
	_ =	sdelay $0x1  }
0xcf: {  	[tilespmem:s19+$0xD0] =	vst v11;
	v7 =	vmul.f32 v18, v7  }
0xd0: {  	v11 =	vld [tilespmem:s7+$0xE0]  }
0xd1: {  	v6 =	vmul.f32 v10, v6;
	[tilespmem:s19+$0xFFFFFF50] =	vst v7  }
0xd2: {  	v7 =	vmul.f32 v12, v8;
	v8 =	vld [tilespmem:s7+$0xFFFFFF60]  }
0xd3: {  	v0 =	vbroadcast v0, $0x3;
	[tilespmem:s19+$0xFFFFFFD0] =	vst v6  }
0xd4: {  	v6 =	vld [tilespmem:s7+$0xFFFFFFE0];
	[tilespmem:s19+$0x50] =	vst v7  }
0xd5: {  	v7 =	vmul.f32 v11, v0;
	v10 =	vld [tilespmem:s7+$0x60];
	_ =	sdelay $0x1  }
0xd6: {  	[tilespmem:s19+$0xE0] =	vst v7;
	v7 =	vmul.f32 v8, v9  }
0xd7: {  	[tilespmem:s0+$0x60] =	vst v16;
	v8 =	vld [tilespmem:s7+$0xF0]  }
0xd8: {  	v12 =	vld [tilespmem:s18+$0x70];
	v6 =	vmul.f32 v6, v4;
	[tilespmem:s19+$0xFFFFFF60] =	vst v7  }
0xd9: {  	[tilespmem:s2+$0xFFFFFFF0] =	vst v13;
	v7 =	vmul.f32 v10, v5;
	v10 =	vld [tilespmem:s7+$0xFFFFFF70]  }
0xda: {  	v3 =	vmul.f32 v15, v3;
	v11 =	vld [tilespmem:s18+$0xFFFFFFF0];
	[tilespmem:s19+$0xFFFFFFE0] =	vst v6  }
0xdb: {  	[tilespmem:s19+$0x60] =	vst v7;
	v6 =	vld [tilespmem:s7+$0xFFFFFFF0]  }
0xdc: {  	[tilespmem:s0+$0xFFFFFF70] =	vst v3;
	v0 =	vmul.f32 v8, v0;
	v3 =	vld [tilespmem:s7+$0x70]  }
0xdd: {  	[tilespmem:s2+$0x70] =	vst v14;
	v2 =	vmul.f32 v12, v2  }
0xde: {  	[tilespmem:s19+$0xF0] =	vst v0;
	v0 =	vmul.f32 v10, v9  }
0xdf: {  	[tilespmem:s0+$0x70] =	vst v2;
	v1 =	vmul.f32 v11, v1  }
0xe0: {  	[tilespmem:s19+$0xFFFFFF70] =	vst v0;
	v0 =	vmul.f32 v6, v4  }
0xe1: {  	[tilespmem:s0+$0xFFFFFFF0] =	vst v1;
	v1 =	vmul.f32 v3, v5  }
0xe2: {  	[tilespmem:s19+$0xFFFFFFF0] =	vst v0  }
0xe3: {  	[tilespmem:s19+$0x70] =	vst v1  }
0xe4: {  	v0 =	vld [tilespmem:$0x9780];
	_ =	sdelay $0x1  }
0xe5: {  	v1 =	vld [tilespmem:$0x7000]  }
0xe6: {  	v2 =	vld [tilespmem:$0x7010]  }
0xe7: {  	v3 =	vld [tilespmem:$0x7020]  }
0xe8: {  	v5 =	vld [tilespmem:$0x7030];
	v4 =	vbroadcast v0, $0x0  }
0xe9: {  	v6 =	vld [tilespmem:$0x7040]  }
0xea: {  	v8 =	vld [tilespmem:$0x7050];
	v7 =	vbroadcast v0, $0x1;
	v1 =	vmul.f32 v4, v1  }
0xeb: {  	v2 =	vmul.f32 v2, v4;
	v4 =	vld [tilespmem:$0x7060]  }
0xec: {  	v9 =	vld [tilespmem:$0x7070];
	[tilespmem:$0x8900] =	vst v1;
	v1 =	vmul.f32 v3, v7;
	v3 =	vbroadcast v0, $0x2  }
0xed: {  	[tilespmem:$0x8910] =	vst v2;
	v2 =	vmul.f32 v5, v7  }
0xee: {  	v0 =	vbroadcast v0, $0x3;
	[tilespmem:$0x8920] =	vst v1;
	v1 =	vmul.f32 v6, v3  }
0xef: {  	[tilespmem:$0x8930] =	vst v2;
	v2 =	vmul.f32 v8, v3  }
0xf0: {  	[tilespmem:$0x8940] =	vst v1;
	v1 =	vmul.f32 v4, v0  }
0xf1: {  	[tilespmem:$0x8950] =	vst v2;
	v0 =	vmul.f32 v9, v0  }
0xf2: {  	s6 =	sshll.u32 s30, $0x6;
	[tilespmem:$0x8960] =	vst v1  }
0xf3: {  	p1 =	seq.s32 s30, $0xC7;
	s0 =	sand.u32 $0x3FFFFFC0, s6;
	[tilespmem:$0x8970] =	vst v0  }
0xf4: {  	[spmem:s3] =	stream.indirect.scatter.add.f32 [tilespmem:s23], [sflag:$0x3], $0x80, s0, s17, $0xb8;
	[tilespmem:$0x1D1A0] =	vst v63  }
0xf5: {  	s0 =	sadd.s32 @!p1 $0x2, s16  }
0xf6: {  	s2 =	sshll.u32 @!p1 s0, $0x5;
	s0 =	smul.u32 @!p1 $0x19, s0  }
0xf7: {  	s6 =	simm.s32 @!p1 $0x19;
	s2 =	sand.u32 @!p1 $0x3FFFFFE0, s2  }
0xf8: {  	s7 =	simm.s32 @!p1 $0x6400;
	s2 =	sadd.s32 @!p1 $0x3200, s2;
	s0 =	sadd.s32 @!p1 s10, s0  }
0xf9: {  	[tilespmem:s7], [sflag:$0x1] =	stream.indirect.gather @!p1 [hbm4b:s1+s6], $0x80, s2, s6, $0xb8;
	[tilespmem:$0x1D1A0] =	vst v63  }
0xfa: {  	s0 =	sshll.u32 @!p1 s0, $0x1  }
0xfb: {  	p2 =	seq.s32 @!p1 s30, $0x0;
	s0 =	sand.u32 @!p1 $0x1FFFFFFC, s0  }
0xfc: {  	s2 =	simm.s32 @!p1 $0x0;
	s6 =	simm.s32 @!p1 $0x9600;
	s0 =	sadd.s32 @!p1 s5, s0  }
0xfd: {  	[tilespmem:s6], [sflag:$0x1] =	stream.linear.gather @!p1 [hbm4b:s0+s2], $0x190, $0x38;
	[tilespmem:$0x1D1A0] =	vst v63  }
0xfe: {  	p1 =	por p1, !p2  }
0xff: {  	_ =	swait.ge @p1 [sflag:s28], $0xC80  }
0x100: {  	[sflag:s28] =	ssyncset.done @p1 $0x0  }
0x101: {  	[sflag:s28] =	ssyncadd.s32 @p1 $0xFFFFF380  }
0x102: {  	_ =	swait.ge [sflag:s24], $0xC80  }
0x103: {  	[sflag:s24] =	ssyncset.done $0x0  }
0x104: {  	[sflag:s24] =	ssyncadd.s32 $0xFFFFF380  }
0x105: {  	_ =	swait.ge [sflag:s24], $0x190  }
0x106: {  	[sflag:s24] =	ssyncset.done $0x0  }
0x107: {  	s7 =	simm.s32 $0x97C0;
	[sflag:s24] =	ssyncadd.s32 $0xFFFFFE70  }
0x108: {  	v7 =	vld [tilespmem:s7+$0x0]  }
0x109: {  	s8 =	simm.s32 $0x7270;
	v5 =	vld [tilespmem:s7+$0xFFFFFFE0]  }
0x10a: {  	v1 =	vld [tilespmem:s8+$0xFFFFFF90]  }
0x10b: {  	v0 =	vld [tilespmem:s7+$0xFFFFFFD0]  }
0x10c: {  	v6 =	vld [tilespmem:s7+$0xFFFFFFF0]  }
0x10d: {  	v4 =	vld [tilespmem:s8+$0xFFFFFE90];
	v3 =	vbroadcast v7, $0x0  }
0x10e: {  	v2 =	vld [tilespmem:s8+$0xFFFFFE10]  }
0x10f: {  	v1 =	vmul.f32 v3, v1  }
0x110: {  	s2 =	simm.s32 $0x8B70;
	v8 =	vld [tilespmem:s8+$0xFFFFFF10];
	v10 =	vbroadcast v5, $0x0  }
0x111: {  	v9 =	vbroadcast v0, $0x0;
	[tilespmem:s2+$0xFFFFFF90] =	vst v1  }
0x112: {  	v4 =	vmul.f32 v10, v4;
	v1 =	vld [tilespmem:s8+$0xFFFFFFA0]  }
0x113: {  	v11 =	vbroadcast v6, $0x0;
	v2 =	vmul.f32 v9, v2  }
0x114: {  	[tilespmem:s2+$0xFFFFFE90] =	vst v4  }
0x115: {  	[tilespmem:s2+$0xFFFFFE10] =	vst v2;
	v2 =	vmul.f32 v11, v8;
	v4 =	vld [tilespmem:s8+$0xFFFFFEA0]  }
0x116: {  	v8 =	vld [tilespmem:s8+$0xFFFFFE20]  }
0x117: {  	[tilespmem:s2+$0xFFFFFF10] =	vst v2;
	v1 =	vmul.f32 v1, v3  }
0x118: {  	v2 =	vld [tilespmem:s8+$0xFFFFFF20]  }
0x119: {  	[tilespmem:s2+$0xFFFFFFA0] =	vst v1  }
0x11a: {  	v4 =	vmul.f32 v4, v10;
	v1 =	vld [tilespmem:s8+$0xFFFFFFB0]  }
0x11b: {  	v3 =	vmul.f32 v8, v9  }
0x11c: {  	[tilespmem:s2+$0xFFFFFEA0] =	vst v4  }
0x11d: {  	[tilespmem:s2+$0xFFFFFE20] =	vst v3;
	v3 =	vbroadcast v7, $0x1;
	v2 =	vmul.f32 v2, v11;
	v4 =	vld [tilespmem:s8+$0xFFFFFEB0]  }
0x11e: {  	v8 =	vld [tilespmem:s8+$0xFFFFFE30]  }
0x11f: {  	[tilespmem:s2+$0xFFFFFF20] =	vst v2;
	v1 =	vmul.f32 v1, v3  }
0x120: {  	v10 =	vbroadcast v5, $0x1;
	v2 =	vld [tilespmem:s8+$0xFFFFFF30]  }
0x121: {  	v9 =	vbroadcast v0, $0x1;
	[tilespmem:s2+$0xFFFFFFB0] =	vst v1  }
0x122: {  	s18 =	simm.s32 $0x7470;
	v4 =	vmul.f32 v4, v10;
	v1 =	vld [tilespmem:s8+$0xFFFFFFC0]  }
0x123: {  	s9 =	simm.s32 $0x9800;
	v14 =	vld [tilespmem:s18+$0xFFFFFF90];
	v11 =	vbroadcast v6, $0x1;
	v8 =	vmul.f32 v8, v9  }
0x124: {  	[tilespmem:s2+$0xFFFFFEB0] =	vst v4;
	v4 =	vld [tilespmem:s9+$0x0]  }
0x125: {  	v18 =	vld [tilespmem:s18+$0xFFFFFE10];
	[tilespmem:s2+$0xFFFFFE30] =	vst v8;
	v2 =	vmul.f32 v2, v11  }
0x126: {  	v8 =	vld [tilespmem:s8+$0xFFFFFE40]  }
0x127: {  	v12 =	vld [tilespmem:s8+$0xFFFFFEC0];
	[tilespmem:s2+$0xFFFFFF30] =	vst v2;
	v1 =	vmul.f32 v1, v3  }
0x128: {  	v13 =	vld [tilespmem:s8+$0xFFFFFF40]  }
0x129: {  	v16 =	vbroadcast v4, $0x0;
	[tilespmem:s2+$0xFFFFFFC0] =	vst v1;
	v1 =	vld [tilespmem:s9+$0xFFFFFFE0]  }
0x12a: {  	v15 =	vld [tilespmem:s8+$0xFFFFFFD0]  }
0x12b: {  	v3 =	vld [tilespmem:s9+$0xFFFFFFD0];
	v14 =	vmul.f32 v16, v14  }
0x12c: {  	s0 =	simm.s32 $0x8D70;
	v8 =	vmul.f32 v8, v9;
	v9 =	vld [tilespmem:s18+$0xFFFFFE90]  }
0x12d: {  	v17 =	vbroadcast v7, $0x2;
	v2 =	vld [tilespmem:s9+$0xFFFFFFF0];
	v10 =	vmul.f32 v12, v10;
	[tilespmem:s0+$0xFFFFFF90] =	vst v14  }
0x12e: {  	[tilespmem:s2+$0xFFFFFE40] =	vst v8;
	v11 =	vmul.f32 v13, v11;
	v12 =	vld [tilespmem:s18+$0xFFFFFFA0]  }
0x12f: {  	v19 =	vld [tilespmem:s18+$0xFFFFFF10];
	[tilespmem:s2+$0xFFFFFEC0] =	vst v10;
	v13 =	vbroadcast v1, $0x0;
	v15 =	vmul.f32 v15, v17  }
0x130: {  	v14 =	vld [tilespmem:s8+$0xFFFFFE50];
	[tilespmem:s2+$0xFFFFFF40] =	vst v11;
	v8 =	vbroadcast v3, $0x0  }
0x131: {  	v11 =	vld [tilespmem:s8+$0xFFFFFED0];
	v9 =	vmul.f32 v13, v9;
	[tilespmem:s2+$0xFFFFFFD0] =	vst v15  }
0x132: {  	v18 =	vmul.f32 v8, v18;
	v15 =	vbroadcast v2, $0x0;
	v10 =	vld [tilespmem:s8+$0xFFFFFFE0]  }
0x133: {  	v20 =	vbroadcast v0, $0x2;
	[tilespmem:s0+$0xFFFFFE90] =	vst v9;
	v9 =	vmul.f32 v12, v16  }
0x134: {  	v21 =	vld [tilespmem:s8+$0xFFFFFF50];
	[tilespmem:s0+$0xFFFFFE10] =	vst v18;
	v12 =	vbroadcast v5, $0x2;
	v19 =	vmul.f32 v15, v19  }
0x135: {  	v14 =	vmul.f32 v14, v20;
	v18 =	vld [tilespmem:s18+$0xFFFFFE20];
	[tilespmem:s0+$0xFFFFFFA0] =	vst v9  }
0x136: {  	v16 =	vld [tilespmem:s18+$0xFFFFFEA0];
	v9 =	vmul.f32 v11, v12;
	[tilespmem:s0+$0xFFFFFF10] =	vst v19  }
0x137: {  	[tilespmem:s2+$0xFFFFFE50] =	vst v14;
	v19 =	vbroadcast v6, $0x2;
	v10 =	vmul.f32 v10, v17;
	v17 =	vld [tilespmem:s18+$0xFFFFFF20]  }
0x138: {  	v11 =	vld [tilespmem:s18+$0xFFFFFFB0];
	[tilespmem:s2+$0xFFFFFED0] =	vst v9  }
0x139: {  	v14 =	vld [tilespmem:s8+$0xFFFFFE60];
	[tilespmem:s2+$0xFFFFFFE0] =	vst v10;
	v10 =	vmul.f32 v21, v19  }
0x13a: {  	v8 =	vmul.f32 v18, v8;
	v9 =	vld [tilespmem:s8+$0xFFFFFEE0]  }
0x13b: {  	s19 =	simm.s32 $0x9840;
	v21 =	vld [tilespmem:s8+$0xFFFFFFF0];
	[tilespmem:s2+$0xFFFFFF50] =	vst v10;
	v10 =	vmul.f32 v16, v13;
	v13 =	vbroadcast v4, $0x1  }
0x13c: {  	v24 =	vld [tilespmem:s19+$0xFFFFFFF0];
	[tilespmem:s0+$0xFFFFFE20] =	vst v8;
	v8 =	vmul.f32 v17, v15  }
0x13d: {  	v16 =	vld [tilespmem:s8+$0xFFFFFF60];
	[tilespmem:s0+$0xFFFFFEA0] =	vst v10;
	v10 =	vmul.f32 v11, v13  }
0x13e: {  	v7 =	vbroadcast v7, $0x3;
	v11 =	vld [tilespmem:s18+$0xFFFFFEB0];
	[tilespmem:s0+$0xFFFFFF20] =	vst v8  }
0x13f: {  	v15 =	vld [tilespmem:s18+$0xFFFFFE30];
	v8 =	vmul.f32 v14, v20;
	[tilespmem:s0+$0xFFFFFFB0] =	vst v10  }
0x140: {  	v9 =	vmul.f32 v9, v12;
	v14 =	vmul.f32 v21, v7;
	v12 =	vld [tilespmem:s18+$0xFFFFFFC0]  }
0x141: {  	v17 =	vld [tilespmem:s18+$0xFFFFFF30];
	[tilespmem:s2+$0xFFFFFE60] =	vst v8;
	v8 =	vbroadcast v1, $0x1  }
0x142: {  	v10 =	vbroadcast v3, $0x1;
	v21 =	vld [tilespmem:s19+$0xFFFFFFE0];
	[tilespmem:s2+$0xFFFFFFF0] =	vst v14;
	v14 =	vmul.f32 v16, v19  }
0x143: {  	[tilespmem:s2+$0xFFFFFEE0] =	vst v9;
	v16 =	vld [tilespmem:s8+$0xFFFFFE70];
	v11 =	vmul.f32 v11, v8  }
0x144: {  	v18 =	vbroadcast v2, $0x1;
	v9 =	vmul.f32 v15, v10;
	v15 =	vld [tilespmem:s8+$0xFFFFFEF0];
	[tilespmem:s2+$0xFFFFFF60] =	vst v14  }
0x145: {  	v19 =	vld [tilespmem:s8+$0x0];
	[tilespmem:s0+$0xFFFFFEB0] =	vst v11;
	v11 =	vmul.f32 v12, v13  }
0x146: {  	v14 =	vbroadcast v0, $0x3;
	[tilespmem:s0+$0xFFFFFE30] =	vst v9;
	v20 =	vld [tilespmem:s8+$0xFFFFFF70];
	v0 =	vmul.f32 v17, v18  }
0x147: {  	v9 =	vld [tilespmem:s18+$0xFFFFFE40];
	[tilespmem:s0+$0xFFFFFFC0] =	vst v11  }
0x148: {  	[tilespmem:s0+$0xFFFFFF30] =	vst v0;
	v0 =	vmul.f32 v16, v14;
	v11 =	vld [tilespmem:s18+$0xFFFFFFD0]  }
0x149: {  	v12 =	vld [tilespmem:s18+$0xFFFFFEC0]  }
0x14a: {  	v22 =	vbroadcast v5, $0x3;
	v5 =	vmul.f32 v19, v7;
	[tilespmem:s2+$0xFFFFFE70] =	vst v0;
	v0 =	vld [tilespmem:s19+$0x0]  }
0x14b: {  	s6 =	simm.s32 $0x7670;
	v17 =	vbroadcast v4, $0x2;
	v13 =	vld [tilespmem:s18+$0xFFFFFF40]  }
0x14c: {  	v7 =	vld [tilespmem:s6+$0xFFFFFF90];
	[tilespmem:s2+$0x0] =	vst v5;
	v5 =	vmul.f32 v15, v22  }
0x14d: {  	v23 =	vbroadcast v6, $0x3;
	v19 =	vld [tilespmem:s6+$0xFFFFFE10];
	v6 =	vmul.f32 v11, v17  }
0x14e: {  	v16 =	vld [tilespmem:s8+$0xFFFFFE80];
	[tilespmem:s2+$0xFFFFFEF0] =	vst v5;
	v5 =	vmul.f32 v9, v10  }
0x14f: {  	v15 =	vld [tilespmem:s19+$0xFFFFFFD0];
	v11 =	vmul.f32 v20, v23;
	v20 =	vbroadcast v0, $0x0;
	[tilespmem:s0+$0xFFFFFFD0] =	vst v6  }
0x150: {  	v8 =	vmul.f32 v12, v8;
	v6 =	vld [tilespmem:s18+$0xFFFFFFE0]  }
0x151: {  	v9 =	vld [tilespmem:s6+$0xFFFFFE90];
	[tilespmem:s0+$0xFFFFFE40] =	vst v5;
	v7 =	vmul.f32 v20, v7  }
0x152: {  	s19 =	simm.s32 $0x8F70;
	v10 =	vmul.f32 v13, v18;
	v18 =	vld [tilespmem:s8+$0xFFFFFF00];
	[tilespmem:s0+$0xFFFFFEC0] =	vst v8  }
0x153: {  	v5 =	vld [tilespmem:s6+$0xFFFFFF10];
	[tilespmem:s19+$0xFFFFFF90] =	vst v7  }
0x154: {  	v8 =	vmul.f32 v16, v14;
	[tilespmem:s2+$0xFFFFFF70] =	vst v11;
	v11 =	vbroadcast v15, $0x0;
	v12 =	vld [tilespmem:s6+$0xFFFFFFA0]  }
0x155: {  	[tilespmem:s0+$0xFFFFFF40] =	vst v10;
	v10 =	vbroadcast v21, $0x0;
	v7 =	vld [tilespmem:s18+$0xFFFFFE50];
	v6 =	vmul.f32 v6, v17  }
0x156: {  	v13 =	vld [tilespmem:s18+$0xFFFFFED0];
	[tilespmem:s2+$0xFFFFFE80] =	vst v8;
	v8 =	vbroadcast v24, $0x0;
	v14 =	vmul.f32 v11, v19  }
0x157: {  	v16 =	vld [tilespmem:s18+$0xFFFFFF50];
	v9 =	vmul.f32 v10, v9;
	[tilespmem:s0+$0xFFFFFFE0] =	vst v6  }
0x158: {  	v5 =	vmul.f32 v8, v5;
	[tilespmem:s19+$0xFFFFFE10] =	vst v14;
	v6 =	vbroadcast v3, $0x2;
	v14 =	vld [tilespmem:s18+$0xFFFFFFF0]  }
0x159: {  	[tilespmem:s19+$0xFFFFFE90] =	vst v9;
	v19 =	vld [tilespmem:s6+$0xFFFFFE20];
	v17 =	vbroadcast v1, $0x2;
	v9 =	vmul.f32 v12, v20  }
0x15a: {  	[tilespmem:s19+$0xFFFFFF10] =	vst v5;
	v20 =	vbroadcast v2, $0x2;
	v12 =	vld [tilespmem:s6+$0xFFFFFEA0];
	v7 =	vmul.f32 v7, v6  }
0x15b: {  	v4 =	vbroadcast v4, $0x3;
	v5 =	vmul.f32 v13, v17;
	v13 =	vld [tilespmem:s6+$0xFFFFFF20];
	[tilespmem:s19+$0xFFFFFFA0] =	vst v9  }
0x15c: {  	v9 =	vmul.f32 v16, v20;
	v16 =	vld [tilespmem:s6+$0xFFFFFFB0];
	[tilespmem:s0+$0xFFFFFE50] =	vst v7  }
0x15d: {  	[tilespmem:s0+$0xFFFFFED0] =	vst v5;
	v7 =	vld [tilespmem:s18+$0xFFFFFE60];
	v5 =	vmul.f32 v14, v4  }
0x15e: {  	v11 =	vmul.f32 v19, v11;
	[tilespmem:s0+$0xFFFFFF50] =	vst v9;
	v14 =	vld [tilespmem:s18+$0xFFFFFEE0]  }
0x15f: {  	v19 =	vbroadcast v0, $0x1;
	v9 =	vmul.f32 v12, v10;
	v10 =	vld [tilespmem:s18+$0xFFFFFF60];
	[tilespmem:s0+$0xFFFFFFF0] =	vst v5  }
0x160: {  	[tilespmem:s19+$0xFFFFFE20] =	vst v11;
	v5 =	vmul.f32 v13, v8;
	v8 =	vld [tilespmem:s18+$0x0]  }
0x161: {  	v1 =	vbroadcast v1, $0x3;
	[tilespmem:s19+$0xFFFFFEA0] =	vst v9;
	v13 =	vld [tilespmem:s6+$0xFFFFFE30];
	v9 =	vmul.f32 v16, v19  }
0x162: {  	v3 =	vbroadcast v3, $0x3;
	v16 =	vld [tilespmem:s6+$0xFFFFFEB0];
	[tilespmem:s19+$0xFFFFFF20] =	vst v5;
	v5 =	vmul.f32 v7, v6  }
0x163: {  	v2 =	vbroadcast v2, $0x3;
	[tilespmem:s19+$0xFFFFFFB0] =	vst v9;
	v25 =	vld [tilespmem:s6+$0xFFFFFF30];
	v6 =	vmul.f32 v14, v17  }
0x164: {  	v12 =	vbroadcast v15, $0x1;
	v9 =	vld [tilespmem:s6+$0xFFFFFFC0];
	[tilespmem:s0+$0xFFFFFE60] =	vst v5;
	v5 =	vmul.f32 v10, v20  }
0x165: {  	v10 =	vbroadcast v21, $0x1;
	v14 =	vld [tilespmem:s18+$0xFFFFFE70];
	[tilespmem:s0+$0xFFFFFEE0] =	vst v6;
	v4 =	vmul.f32 v8, v4  }
0x166: {  	v11 =	vbroadcast v24, $0x1;
	v8 =	vmul.f32 v13, v12;
	v13 =	vld [tilespmem:s18+$0xFFFFFEF0];
	[tilespmem:s0+$0xFFFFFF60] =	vst v5  }
0x167: {  	v7 =	vbroadcast v15, $0x2;
	v5 =	vmul.f32 v16, v10;
	v16 =	vld [tilespmem:s18+$0xFFFFFF70];
	[tilespmem:s0+$0x0] =	vst v4  }
0x168: {  	v63 =	vld [tilespmem:s8+$0xFFFFFF80];
	v6 =	vbroadcast v21, $0x2;
	[tilespmem:s19+$0xFFFFFE30] =	vst v8;
	v4 =	vmul.f32 v25, v11  }
0x169: {  	v8 =	vbroadcast v24, $0x2;
	[tilespmem:s19+$0xFFFFFEB0] =	vst v5;
	v5 =	vmul.f32 v9, v19;
	v17 =	vld [tilespmem:s6+$0xFFFFFE40]  }
0x16a: {  	v9 =	vbroadcast v15, $0x3;
	v20 =	vld [tilespmem:s6+$0xFFFFFEC0];
	[tilespmem:s19+$0xFFFFFF30] =	vst v4;
	v14 =	vmul.f32 v14, v3  }
0x16b: {  	v4 =	vbroadcast v21, $0x3;
	[tilespmem:s19+$0xFFFFFFC0] =	vst v5;
	v19 =	vld [tilespmem:s6+$0xFFFFFF40];
	v21 =	vmul.f32 v13, v1  }
0x16c: {  	v13 =	vmul.f32 v18, v22;
	v18 =	vld [tilespmem:s6+$0xFFFFFFD0];
	[tilespmem:s0+$0xFFFFFE70] =	vst v14;
	v16 =	vmul.f32 v16, v2  }
0x16d: {  	s7 =	simm.s32 $0x7670;
	s9 =	simm.s32 $0x9880;
	s8 =	simm.s32 $0x8;
	v5 =	vbroadcast v24, $0x3;
	v14 =	vmul.f32 v63, v23;
	v15 =	vld [tilespmem:s18+$0xFFFFFE80];
	[tilespmem:s0+$0xFFFFFEF0] =	vst v21  }
.LBB2_5:
0x16e: {  	v21 =	vld [tilespmem:s9+$0x0];
	s8 =	sadd.s32 $0x4, s8;
	v12 =	vmul.f32 v17, v12;
	[tilespmem:s0+$0xFFFFFF70] =	vst v16  }
0x16f: {  	v17 =	vbroadcast v0, $0x2;
	s6 =	sadd.s32 $0x200, s6;
	v16 =	vld [tilespmem:s9+$0xFFFFFFE0];
	p1 =	slt.u32 s8, $0x14;
	v10 =	vmul.f32 v20, v10;
	[tilespmem:s2+$0xFFFFFF00] =	vst v13  }
0x170: {  	v13 =	vld [tilespmem:s6+$0xFFFFFF90];
	[tilespmem:s19+$0xFFFFFE40] =	vst v12;
	v11 =	vmul.f32 v19, v11  }
0x171: {  	v19 =	vld [tilespmem:s9+$0xFFFFFFF0];
	[tilespmem:s19+$0xFFFFFEC0] =	vst v10;
	v10 =	vmul.f32 v18, v17  }
0x172: {  	v18 =	vld [tilespmem:s9+$0xFFFFFFD0];
	[tilespmem:s19+$0xFFFFFF40] =	vst v11;
	v11 =	vmul.f32 v15, v3;
	v3 =	vmov v9  }
0x173: {  	v9 =	vld [tilespmem:s6+$0xFFFFFE10];
	v15 =	vbroadcast v21, $0x0;
	[tilespmem:s19+$0xFFFFFFD0] =	vst v10  }
0x174: {  	v20 =	vbroadcast v16, $0x0;
	v10 =	vbroadcast v16, $0x1;
	v22 =	vld [tilespmem:s7+$0xFFFFFFE0];
	[tilespmem:s0+$0xFFFFFE80] =	vst v11  }
0x175: {  	v24 =	vbroadcast v16, $0x2;
	v23 =	vld [tilespmem:s6+$0xFFFFFE90];
	v13 =	vmul.f32 v15, v13;
	[tilespmem:s2+$0xFFFFFF80] =	vst v14;
	s2 =	smov.u32 s0;
	s0 =	smov.u32 s19  }
0x176: {  	s19 =	sadd.s32 $0x200, s19;
	v14 =	vbroadcast v19, $0x0;
	v25 =	vld [tilespmem:s6+$0xFFFFFF10];
	v11 =	vbroadcast v19, $0x1  }
0x177: {  	v26 =	vbroadcast v18, $0x0;
	v12 =	vbroadcast v18, $0x1;
	[tilespmem:s19+$0xFFFFFF90] =	vst v13;
	v13 =	vld [tilespmem:s7+$0xFFFFFE50]  }
0x178: {  	v28 =	vbroadcast v19, $0x2;
	v27 =	vbroadcast v18, $0x2;
	v29 =	vld [tilespmem:s6+$0xFFFFFFA0]  }
0x179: {  	v30 =	vmul.f32 v26, v9;
	v31 =	vld [tilespmem:s7+$0xFFFFFED0];
	v17 =	vmul.f32 v22, v17  }
0x17a: {  	v9 =	vbroadcast v18, $0x3;
	v18 =	vmul.f32 v20, v23;
	v22 =	vld [tilespmem:s7+$0xFFFFFF50]  }
0x17b: {  	v16 =	vbroadcast v16, $0x3;
	v23 =	vmul.f32 v14, v25;
	[tilespmem:s0+$0xFFFFFFE0] =	vst v17;
	v17 =	vld [tilespmem:s18+$0xFFFFFF00]  }
0x17c: {  	v25 =	vbroadcast v19, $0x3;
	[tilespmem:s19+$0xFFFFFE10] =	vst v30;
	v13 =	vmul.f32 v13, v7;
	v19 =	vld [tilespmem:s7+$0xFFFFFFF0]  }
0x17d: {  	v30 =	vld [tilespmem:s6+$0xFFFFFE20];
	[tilespmem:s19+$0xFFFFFE90] =	vst v18;
	v15 =	vmul.f32 v29, v15  }
0x17e: {  	v18 =	vld [tilespmem:s6+$0xFFFFFEA0];
	[tilespmem:s19+$0xFFFFFF10] =	vst v23;
	v23 =	vmul.f32 v31, v6  }
0x17f: {  	v29 =	vld [tilespmem:s6+$0xFFFFFF20];
	[tilespmem:s19+$0xFFFFFFA0] =	vst v15;
	v15 =	vmul.f32 v22, v8;
	v22 =	vbroadcast v0, $0x3;
	v0 =	vmov v21  }
0x180: {  	v21 =	vld [tilespmem:s6+$0xFFFFFFB0];
	[tilespmem:s0+$0xFFFFFE50] =	vst v13;
	v13 =	vmul.f32 v17, v1;
	v1 =	vmov v4;
	v4 =	vmov v16  }
0x181: {  	v16 =	vld [tilespmem:s7+$0xFFFFFE60];
	[tilespmem:s0+$0xFFFFFED0] =	vst v23;
	v17 =	vmul.f32 v19, v22  }
0x182: {  	v19 =	vmul.f32 v30, v26;
	v23 =	vld [tilespmem:s7+$0xFFFFFEE0];
	[tilespmem:s0+$0xFFFFFF50] =	vst v15  }
0x183: {  	v15 =	vmul.f32 v18, v20;
	v18 =	vbroadcast v0, $0x1;
	v20 =	vld [tilespmem:s7+$0xFFFFFF60];
	[tilespmem:s0+$0xFFFFFFF0] =	vst v17  }
0x184: {  	[tilespmem:s19+$0xFFFFFE20] =	vst v19;
	v14 =	vmul.f32 v29, v14;
	v17 =	vld [tilespmem:s7+$0x0]  }
0x185: {  	v19 =	vld [tilespmem:s6+$0xFFFFFE30];
	[tilespmem:s19+$0xFFFFFEA0] =	vst v15;
	v15 =	vmul.f32 v21, v18  }
0x186: {  	v21 =	vld [tilespmem:s6+$0xFFFFFEB0];
	[tilespmem:s19+$0xFFFFFF20] =	vst v14;
	v14 =	vmul.f32 v16, v7;
	v7 =	vmov v27  }
0x187: {  	v16 =	vld [tilespmem:s6+$0xFFFFFF30];
	[tilespmem:s19+$0xFFFFFFB0] =	vst v15;
	v15 =	vmul.f32 v23, v6;
	v6 =	vmov v24  }
0x188: {  	v23 =	vld [tilespmem:s6+$0xFFFFFFC0];
	[tilespmem:s0+$0xFFFFFE60] =	vst v14;
	v14 =	vmul.f32 v20, v8;
	v8 =	vmov v28  }
0x189: {  	v24 =	vld [tilespmem:s7+$0xFFFFFE70];
	[tilespmem:s0+$0xFFFFFEE0] =	vst v15;
	v15 =	vmul.f32 v17, v22  }
0x18a: {  	v17 =	vmul.f32 v19, v12;
	v22 =	vld [tilespmem:s7+$0xFFFFFEF0];
	[tilespmem:s0+$0xFFFFFF60] =	vst v14  }
0x18b: {  	v14 =	vmul.f32 v21, v10;
	v21 =	vld [tilespmem:s7+$0xFFFFFF70];
	[tilespmem:s0+$0x0] =	vst v15  }
0x18c: {  	[tilespmem:s19+$0xFFFFFE30] =	vst v17;
	v15 =	vmul.f32 v16, v11;
	v26 =	vld [tilespmem:s18+$0xFFFFFF80];
	s18 =	smov.u32 s7;
	s7 =	smov.u32 s6  }
.Ltmp1:
0x18d: {  	v17 =	vld [tilespmem:s6+$0xFFFFFE40];
	[tilespmem:s19+$0xFFFFFEB0] =	vst v14;
	v14 =	vmul.f32 v23, v18;
	(pc) =	sbr.rel @p1 .LBB2_5-.Ltmp1, $4  }
0x18e: {  	v20 =	vld [tilespmem:s6+$0xFFFFFEC0];
	[tilespmem:s19+$0xFFFFFF30] =	vst v15;
	v15 =	vmul.f32 v24, v3  }
0x18f: {  	v19 =	vld [tilespmem:s6+$0xFFFFFF40];
	[tilespmem:s19+$0xFFFFFFC0] =	vst v14;
	v14 =	vmul.f32 v22, v1  }
0x190: {  	v18 =	vld [tilespmem:s6+$0xFFFFFFD0];
	[tilespmem:s0+$0xFFFFFE70] =	vst v15;
	v16 =	vmul.f32 v21, v5  }
0x191: {  	s9 =	sadd.s32 $0x40, s9;
	v15 =	vld [tilespmem:s18+$0xFFFFFE80];
	[tilespmem:s0+$0xFFFFFEF0] =	vst v14;
	v14 =	vmul.f32 v26, v2;
	v2 =	vmov v5;
	v5 =	vmov v25  }
0x192: {  	v12 =	vmul.f32 v17, v12  }
0x193: {  	v10 =	vmul.f32 v20, v10  }
0x194: {  	[tilespmem:s19+$0xFFFFFE40] =	vst v12;
	v11 =	vmul.f32 v19, v11  }
0x195: {  	v12 =	vld [tilespmem:s7+$0xFFFFFE50];
	[tilespmem:s19+$0xFFFFFEC0] =	vst v10  }
0x196: {  	[tilespmem:s19+$0xFFFFFF40] =	vst v11;
	v10 =	vld [tilespmem:s7+$0xFFFFFED0]  }
0x197: {  	v24 =	vbroadcast v0, $0x2;
	v26 =	vld [tilespmem:s7+$0xFFFFFF50];
	_ =	sdelay $0x1  }
0x198: {  	v25 =	vmul.f32 v18, v24  }
0x199: {  	v27 =	vmul.f32 v12, v7  }
0x19a: {  	[tilespmem:s19+$0xFFFFFFD0] =	vst v25;
	v10 =	vmul.f32 v10, v6  }
0x19b: {  	v28 =	vld [tilespmem:s7+$0xFFFFFFE0];
	[tilespmem:s19+$0xFFFFFE50] =	vst v27;
	v29 =	vmul.f32 v26, v8  }
0x19c: {  	v30 =	vld [tilespmem:s7+$0xFFFFFE60];
	[tilespmem:s19+$0xFFFFFED0] =	vst v10  }
0x19d: {  	v10 =	vld [tilespmem:s7+$0xFFFFFEE0];
	[tilespmem:s19+$0xFFFFFF50] =	vst v29  }
0x19e: {  	v32 =	vld [tilespmem:s7+$0xFFFFFF60];
	_ =	sdelay $0x1  }
0x19f: {  	v31 =	vmul.f32 v28, v24  }
0x1a0: {  	v33 =	vmul.f32 v30, v7  }
0x1a1: {  	[tilespmem:s19+$0xFFFFFFE0] =	vst v31;
	v34 =	vmul.f32 v10, v6  }
0x1a2: {  	v11 =	vld [tilespmem:s7+$0xFFFFFFF0];
	[tilespmem:s19+$0xFFFFFE60] =	vst v33;
	v35 =	vmul.f32 v32, v8  }
0x1a3: {  	v36 =	vld [tilespmem:s7+$0xFFFFFE70];
	[tilespmem:s19+$0xFFFFFEE0] =	vst v34  }
0x1a4: {  	v6 =	vld [tilespmem:s7+$0xFFFFFEF0];
	[tilespmem:s19+$0xFFFFFF60] =	vst v35  }
0x1a5: {  	v37 =	vbroadcast v0, $0x3;
	v39 =	vld [tilespmem:s7+$0xFFFFFF70];
	_ =	sdelay $0x1  }
0x1a6: {  	[tilespmem:s0+$0xFFFFFF70] =	vst v16;
	v38 =	vmul.f32 v11, v37  }
0x1a7: {  	v42 =	vld [tilespmem:s18+$0xFFFFFF00];
	[tilespmem:s2+$0xFFFFFF00] =	vst v13;
	v40 =	vmul.f32 v36, v9  }
0x1a8: {  	v45 =	vld [tilespmem:s18+$0xFFFFFF80];
	[tilespmem:s19+$0xFFFFFFF0] =	vst v38;
	v6 =	vmul.f32 v6, v4  }
0x1a9: {  	v41 =	vld [tilespmem:s7+$0x0];
	[tilespmem:s19+$0xFFFFFE70] =	vst v40;
	v43 =	vmul.f32 v39, v5  }
0x1aa: {  	v44 =	vld [tilespmem:s7+$0xFFFFFE80];
	[tilespmem:s19+$0xFFFFFEF0] =	vst v6  }
0x1ab: {  	v3 =	vmul.f32 v15, v3;
	[tilespmem:s19+$0xFFFFFF70] =	vst v43;
	v6 =	vld [tilespmem:s7+$0xFFFFFF00]  }
0x1ac: {  	[tilespmem:s2+$0xFFFFFF80] =	vst v14;
	v1 =	vmul.f32 v42, v1;
	v46 =	vld [tilespmem:s7+$0xFFFFFF80]  }
0x1ad: {  	[tilespmem:s0+$0xFFFFFE80] =	vst v3;
	v2 =	vmul.f32 v45, v2  }
0x1ae: {  	[tilespmem:s0+$0xFFFFFF00] =	vst v1;
	v0 =	vmul.f32 v41, v37  }
0x1af: {  	[tilespmem:s0+$0xFFFFFF80] =	vst v2;
	v47 =	vmul.f32 v44, v9  }
0x1b0: {  	[tilespmem:s19+$0x0] =	vst v0;
	v48 =	vmul.f32 v6, v4  }
0x1b1: {  	[tilespmem:s19+$0xFFFFFE80] =	vst v47;
	v49 =	vmul.f32 v46, v5  }
0x1b2: {  	[tilespmem:s19+$0xFFFFFF00] =	vst v48  }
0x1b3: {  	[tilespmem:s19+$0xFFFFFF80] =	vst v49  }
0x1b4: {  	v0 =	vld [tilespmem:$0x9910];
	_ =	sdelay $0x1  }
0x1b5: {  	v1 =	vld [tilespmem:$0x7C80]  }
0x1b6: {  	v2 =	vld [tilespmem:$0x7C90]  }
0x1b7: {  	v50 =	vld [tilespmem:$0x7CA0]  }
0x1b8: {  	v52 =	vld [tilespmem:$0x7CB0];
	v51 =	vbroadcast v0, $0x0  }
0x1b9: {  	v53 =	vld [tilespmem:$0x7CC0]  }
0x1ba: {  	v55 =	vld [tilespmem:$0x7CD0];
	v54 =	vbroadcast v0, $0x1;
	v1 =	vmul.f32 v51, v1  }
0x1bb: {  	v56 =	vld [tilespmem:$0x7CE0];
	v2 =	vmul.f32 v2, v51  }
0x1bc: {  	v59 =	vld [tilespmem:$0x7CF0];
	v58 =	vbroadcast v0, $0x2;
	v57 =	vmul.f32 v50, v54;
	[tilespmem:$0x9580] =	vst v1  }
0x1bd: {  	v60 =	vmul.f32 v52, v54;
	[tilespmem:$0x9590] =	vst v2  }
0x1be: {  	s30 =	sadd.s32 $0x1, s30;
	v0 =	vbroadcast v0, $0x3;
	v61 =	vmul.f32 v53, v58;
	[tilespmem:$0x95A0] =	vst v57  }
0x1bf: {  	p1 =	sne.s32 s30, $0xC8;
	v62 =	vmul.f32 v55, v58;
	[tilespmem:$0x95B0] =	vst v60  }
.Ltmp2:
0x1c0: {  	v63 =	vmul.f32 v56, v0;
	[tilespmem:$0x95C0] =	vst v61;
	(pc) =	sbr.rel @p1 .LBB2_2-.Ltmp2, $4  }
0x1c1: {  	v0 =	vmul.f32 v59, v0;
	[tilespmem:$0x95D0] =	vst v62  }
0x1c2: {  	[tilespmem:$0x95E0] =	vst v63  }
0x1c3: {  	[tilespmem:$0x95F0] =	vst v0  }
0x1c4: {  	[spmem:s3] =	stream.indirect.scatter.add.f32 [tilespmem:s25], [sflag:$0x4], $0x80, s31, s17, $0xb8;
	[tilespmem:$0x1D1A0] =	vst v63  }
0x1c5: {  	_ =	swait.ge [sflag:s26], $0xC80  }
0x1c6: {  	[sflag:s26] =	ssyncset.done $0x0  }
0x1c7: {  	[sflag:s26] =	ssyncadd.s32 $0xFFFFF380  }
0x1c8: {  	_ =	swait.ge [sflag:s28], $0xC80  }
0x1c9: {  	s29 =	sadd.s32 $0x1, s29;
	[sflag:s28] =	ssyncset.done $0x0  }
0x1ca: {  	p1 =	sne.s32 s29, s12;
	[sflag:s28] =	ssyncadd.s32 $0xFFFFF380  }
.Ltmp3:
0x1cb: {  	s0 =	simm.s32 @!p0 $0x5;
	[bflag:$0x0] =	sbarrier.arrive $0xFFFF;
	(pc) =	sbr.rel @p1 .LBB2_1-.Ltmp3, $4  }
0x1cc: {  	[hbm:s11], [sflag:s13] =	dma.local @!p0 [spmem:s14], $0x3E80  }
0x1cd: {  	_ =	swait.ge @!p0 [sflag:s0], $0x3E80  }
0x1ce: {  	[sflag:s0] =	ssyncset.done @!p0 $0x0  }
0x1cf: {  	[sflag:s0] =	ssyncadd.s32 @!p0 $0xFFFFC180  }
0x1d0: {  	_ =	sfence.sel $0x180000  }
0x1d1: {  	[bflag:$0x0] =	sbarrier.arrive $0xFFFF  }
0x1d2: {  	_ =	strace $0x9000004A  }
0x1d3: {  	s0 =	stileid.u32;
	[bflag:$0x2] =	sbarrier.arrive $0xFFFF  }
0x1d4: {  	p0 =	sne.s32 s0, $0x0;
	s0 =	rddreg [dreg:$0x3]  }
0x1d5: {  	s0 =	sadd.s32 @!p0 $0x100000, s0  }
0x1d6: {  	[sflag:s0] =	ssyncadd.tile.s32 @!p0 $0x1;
	_ =	shalt  }
.Lfunc_end2:
_tile_overlayer_lowered:
.L_overlay_start_2:
0x1d7: {  	(tag) =	ssettag $0x2  }
0x1d8: {  	s0 =	rddreg [dreg:$0x0];
	s2 =	stileid.u32  }
0x1d9: {  	s1 =	rddreg [dreg:$0x1];
	p0 =	sne.s32 s2, $0x0  }
0x1da: {  	s3 =	rddreg [dreg:$0x2];
	[bflag:$0x3] =	sbarrier.arrive $0xFFFF;
	s2 =	simm.s32 @!p0 $0x1C05  }
0x1db: {  	[timem:s3], [sflag:s2] =	dma.local @!p0 [hbm:s0], s1  }
0x1dc: {  	s0 =	simm.s32 @!p0 $0x5  }
0x1dd: {  	_ =	swait.ge @!p0 [sflag:s0], s1  }
0x1de: {  	s1 =	ssub.s32 @!p0 $0x0, s1;
	[sflag:s0] =	ssyncset.done @!p0 $0x0  }
0x1df: {  	[sflag:s0] =	ssyncadd.s32 @!p0 s1  }
0x1e0: {  	[bflag:$0x3] =	sbarrier.arrive $0xFFFF  }
0x1e1: {  	_ =	shalt  }

// kernel: kernel.7.cloned.1.call-start
scs
__scs_entry_jumppad:
0x0: {  	(pc) =	sbr.rel $0x88, $3  }
0x1: {  	(tag) =	ssettag $0x0;
	lr =	simm.s32 $0x1  }
0x2: {  	[smem:$0x3F9B] =	sst lr;
	_ =	strace $0xD0000000  }
0x3: {  	_ = 	snop  }
0x4: {  	_ = 	snop  }
0x5: {  	_ = 	snop  }
0x6: {  	_ = 	snop  }
0x7: {  	_ = 	snop  }
__scs_overlays_trampoline_lowered:
0x8: {  	[smem:$0x3FAA] =	sst s0  }
0x9: {  	[smem:$0x3FAB] =	sst s1  }
0xa: {  	[smem:$0x3FAC] =	sst s2  }
0xb: {  	[smem:$0x3FAD] =	sst s3  }
0xc: {  	[smem:$0x3FAE] =	sst s4  }
0xd: {  	[smem:$0x3FAF] =	sst s5  }
0xe: {  	[smem:$0x3FB0] =	sst s6  }
0xf: {  	[smem:$0x3FB1] =	sst s7  }
0x10: {  	[smem:$0x3FB2] =	sst s8  }
0x11: {  	[smem:$0x3FB3] =	sst s9;
	s0 =	simm.s32 @!p0 $0x0  }
0x12: {  	s1 =	sld [smem:$0x3F99];
	s0 =	simm.s32 @p0 $0x1  }
0x13: {  	[smem:$0x3FB4] =	sst s0;
	s0 =	simm.s32 @!p1 $0x0  }
0x14: {  	s2 =	sld [smem:$0x3F98];
	s0 =	simm.s32 @p1 $0x1  }
0x15: {  	[smem:$0x3FB5] =	sst s0;
	s0 =	simm.s32 @!p2 $0x0  }
0x16: {  	s3 =	sld [smem:$0x3FDB];
	s0 =	simm.s32 @p2 $0x1  }
0x17: {  	s4 =	simm.s32 $0x1BF5;
	[smem:$0x3FB7] =	sst s0  }
0x18: {  	s0 =	sld [smem:$0x3F9A];
	_ =	swait.ge [sflag:s4], $0x0  }
0x19: {  	s7 =	sld [smem:$0x3F9B]  }
0x1a: {  	s8 =	sadd.s32 $0xFFFFE003, lr  }
0x1b: {  	s9 =	sadd.s32 $0xFFFFFEF7, lr;
	s5 =	simm.s32 $0xFFFFFFFF;
	p2 =	slt.u32 s8, $0xFFFFF086  }
0x1c: {  	p1 =	slt.u32 s9, $0xF7A;
	s5 =	simm.s32 @!p2 $0x0  }
0x1d: {  	s5 =	simm.s32 @p1 $0x1;
	p0 =	seq.s32 s7, s2  }
0x1e: {  	s7 =	smul.u32 @!p0 $0xF7A, s2;
	p2 =	seq.s32 @!p0 s5, $0x0  }
0x1f: {  	s9 =	smul.u32 $0xF7A, s1;
	s8 =	simm.s32 @!p0 $0x1BF5;
	p2 =	por !p2, p0  }
0x20: {  	[sflag:s8] =	ssyncset.s32 @!p0 $0xFFFFF086;
	s6 =	sadd.s32 @!p0 s3, s7;
	s7 =	simm.s32 @!p0 $0x108  }
0x21: {  	s3 =	sadd.s32 s3, s9;
	s6 =	sadd.s32 @!p0 $0x88, s6;
	s7 =	simm.s32 @p2 $0x1082  }
0x22: {  	[simem:s7], [sflag:s8] =	dma.local @!p0 [hbm:s6], $0xF7A  }
0x23: {  	s9 =	sor.u32 $0xD0000000, s2;
	s6 =	simm.s32 $0x108;
	_ =	swait.ge @!p0 [sflag:s8], $0x0  }
0x24: {  	s3 =	sadd.s32 $0x88, s3;
	s6 =	simm.s32 @!p1 $0x1082;
	[sflag:s4] =	ssyncset.s32 $0xFFFFF086  }
0x25: {  	[simem:s6], [sflag:s4] =	dma.local [hbm:s3], $0xF7A  }
0x26: {  	[smem:$0x3F9B] =	sst s1;
	(tag) =	ssettag s2;
	_ =	strace s9  }
0x27: {  	s1 =	sld [smem:$0x3FAB]  }
0x28: {  	s2 =	sld [smem:$0x3FAC]  }
0x29: {  	s4 =	sld [smem:$0x3FAE]  }
0x2a: {  	p0 =	seq.s32 s5, $0x0;
	s5 =	sld [smem:$0x3FAF]  }
0x2b: {  	s6 =	sld [smem:$0x3FB0]  }
0x2c: {  	s7 =	sld [smem:$0x3FB1]  }
0x2d: {  	s3 =	simm.s32 $0x108;
	s8 =	sld [smem:$0x3FB2]  }
0x2e: {  	s3 =	simm.s32 @!p0 $0x1082;
	s9 =	sld [smem:$0x3FB3]  }
0x2f: {  	lr =	sadd.s32 s0, s3;
	s0 =	sld [smem:$0x3FAA]  }
0x30: {  	s3 =	sld [smem:$0x3FAD]  }
0x31: {  	[smem:$0x3FB6] =	sst s10  }
0x32: {  	s10 =	sld [smem:$0x3FB4];
	_ =	sdelay $0x3  }
0x33: {  	p0 =	seq.s32 s10, $0x1;
	s10 =	sld [smem:$0x3FB6];
	_ =	sdelay $0x3  }
0x34: {  	[smem:$0x3FB6] =	sst s10  }
0x35: {  	s10 =	sld [smem:$0x3FB5];
	_ =	sdelay $0x3  }
0x36: {  	p1 =	seq.s32 s10, $0x1;
	s10 =	sld [smem:$0x3FB6];
	_ =	sdelay $0x3  }
0x37: {  	[smem:$0x3FB6] =	sst s10  }
0x38: {  	s10 =	sld [smem:$0x3FB7]  }
0x39: {  	_ = 	snop;
	(pc) =	sbr.ind lr, $3  }
0x3a: {  	_ = 	snop  }
0x3b: {  	_ = 	snop  }
0x3c: {  	p2 =	seq.s32 s10, $0x1;
	s10 =	sld [smem:$0x3FB6]  }
0x3d: {  	_ =	shalt  }
0x3e: {  	_ =	shalt  }
0x3f: {  	_ =	shalt  }
0x40: {  	_ =	shalt  }
0x41: {  	_ =	shalt  }
0x42: {  	_ =	shalt  }
0x43: {  	_ =	shalt  }
0x44: {  	_ =	shalt  }
0x45: {  	_ =	shalt  }
0x46: {  	_ =	shalt  }
0x47: {  	_ =	shalt  }
0x48: {  	_ =	shalt  }
0x49: {  	_ =	shalt  }
0x4a: {  	_ =	shalt  }
0x4b: {  	_ =	shalt  }
0x4c: {  	_ =	shalt  }
0x4d: {  	_ =	shalt  }
0x4e: {  	_ =	shalt  }
0x4f: {  	_ =	shalt  }
0x50: {  	_ =	shalt  }
0x51: {  	_ =	shalt  }
0x52: {  	_ =	shalt  }
0x53: {  	_ =	shalt  }
0x54: {  	_ =	shalt  }
0x55: {  	_ =	shalt  }
0x56: {  	_ =	shalt  }
0x57: {  	_ =	shalt  }
0x58: {  	_ =	shalt  }
0x59: {  	_ =	shalt  }
0x5a: {  	_ =	shalt  }
0x5b: {  	_ =	shalt  }
0x5c: {  	_ =	shalt  }
0x5d: {  	_ =	shalt  }
0x5e: {  	_ =	shalt  }
0x5f: {  	_ =	shalt  }
0x60: {  	_ =	shalt  }
0x61: {  	_ =	shalt  }
0x62: {  	_ =	shalt  }
0x63: {  	_ =	shalt  }
0x64: {  	_ =	shalt  }
0x65: {  	_ =	shalt  }
0x66: {  	_ =	shalt  }
0x67: {  	_ =	shalt  }
0x68: {  	_ =	shalt  }
0x69: {  	_ =	shalt  }
0x6a: {  	_ =	shalt  }
0x6b: {  	_ =	shalt  }
0x6c: {  	_ =	shalt  }
0x6d: {  	_ =	shalt  }
0x6e: {  	_ =	shalt  }
0x6f: {  	_ =	shalt  }
0x70: {  	_ =	shalt  }
0x71: {  	_ =	shalt  }
0x72: {  	_ =	shalt  }
0x73: {  	_ =	shalt  }
0x74: {  	_ =	shalt  }
0x75: {  	_ =	shalt  }
0x76: {  	_ =	shalt  }
0x77: {  	_ =	shalt  }
0x78: {  	_ =	shalt  }
0x79: {  	_ =	shalt  }
0x7a: {  	_ =	shalt  }
0x7b: {  	_ =	shalt  }
0x7c: {  	_ =	shalt  }
0x7d: {  	_ =	shalt  }
0x7e: {  	_ =	shalt  }
0x7f: {  	_ =	shalt  }
0x80: {  	_ =	shalt  }
0x81: {  	_ =	shalt  }
0x82: {  	_ =	shalt  }
0x83: {  	_ =	shalt  }
0x84: {  	_ =	shalt  }
0x85: {  	_ =	shalt  }
0x86: {  	_ =	shalt  }
0x87: {  	_ =	shalt  }
.Lfunc_end0:
.L_simem_size_0:
called_computation_lowered:
.L_overlay_start_0:
0x88: {  	s2 =	sld [smem:$0x3FD9]  }
0x89: {  	s3 =	sld [smem:$0x3FFE];
	_ =	sdelay $0x1  }
0x8a: {  	s1 =	srdreg.scid  }
0x8b: {  	s0 =	sand.u32 $0x1, s1  }
0x8c: {  	s16 =	sshll.u32 s0, $0xA;
	s2 =	sadd.s32 s3, s2  }
0x8d: {  	s2 =	sadd.s32 s2, s16  }
0x8e: {  	[smem:$0x3FC2] =	sst s2  }
0x8f: {  	_ = 	snop  }
0x90: {  	(tm) =	ssettm $0x1  }
0x91: {  	s17 =	sld [smem:$0x3FFB];
	_ =	sdelay $0x3  }
0x92: {  	_ =	strace s17  }
0x93: {  	s2 =	sld [smem:$0x3FFC];
	_ =	sdelay $0x3  }
0x94: {  	_ =	strace s2  }
0x95: {  	s2 =	sld [smem:$0x3FFD];
	_ =	sdelay $0x3  }
0x96: {  	_ =	strace s2  }
0x97: {  	_ =	strace $0x8FFFFFFF  }
0x98: {  	s18 =	sld [smem:$0x3FDB];
	_ =	sdelay $0x1  }
0x99: {  	s19 =	simm.s32 $_scs_section_size  }
0x9a: {  	s4 =	simm.s32 $_size__tile_overlayer_lowered;
	s5 =	simm.s32 $_tile_overlayer_lowered  }
0x9b: {  	s22 =	simm.s32 $0x1BFF;
	s21 =	sshll.u32 s5, $0x1;
	s2 =	sadd.s32 s19, s18  }
0x9c: {  	s6 =	simm.s32 $0x0;
	s20 =	sshll.u32 s4, $0x1;
	s4 =	sadd.s32 s21, s2  }
0x9d: {  	[timem:s6], [sflag:s22] =	dma.local [hbm:s4], s20  }
0x9e: {  	_ =	swait.ge [sflag:s22], s20  }
0x9f: {  	s3 =	ssub.s32 $0x0, s20;
	[sflag:s22] =	ssyncset.done $0x0  }
0xa0: {  	[sflag:s22] =	ssyncadd.s32 s3;
	_ =	sdelay $0x1  }
0xa1: {  	s23 =	simm.s32 $0x1B8B  }
0xa2: {  	_ =	swait.ge [sflag:s23], $0x1  }
0xa3: {  	[sflag:s23] =	ssyncset.done $0x0  }
0xa4: {  	s25 =	simm.s32 $0x1B8E;
	s24 =	sld [smem:$0x3FFE];
	[sflag:s23] =	ssyncadd.s32 $0xFFFFFFFF  }
0xa5: {  	s26 =	simm.s32 $execute0_lowered;
	[smem:$0x3FD2] =	sst s25  }
0xa6: {  	s4 =	sshll.u32 s26, $0x1;
	_ =	strace $0x80000046;
	[dreg:$0x1] =	wrdreg $0xFFFFFFFF  }
0xa7: {  	s28 =	simm.s32 $_size_execute0_lowered;
	s2 =	sadd.s32 s2, s4;
	[dreg:$0x0] =	wrdreg $0x0  }
0xa8: {  	s4 =	sshll.u32 s28, $0x1;
	[dreg:$0x2] =	wrdreg s2  }
0xa9: {  	[dreg:$0x3] =	wrdreg s4  }
0xaa: {  	[dreg:$0x4] =	wrdreg $0xC0  }
0xab: {  	_ =	task [dreg:s6], $0x5FFFF  }
0xac: {  	[dreg:$0x1] =	wrdreg $0xFFFFFFFF  }
0xad: {  	[dreg:$0x0] =	wrdreg $0x60  }
0xae: {  	[dreg:$0x2] =	wrdreg s24  }
0xaf: {  	[dreg:$0x3] =	wrdreg $0x138800  }
0xb0: {  	[dreg:$0x4] =	wrdreg $0x9  }
0xb1: {  	_ =	task.clear_ibuf [dreg:s6], $0x5FFFF;
	_ =	strace $0x90000046  }
0xb2: {  	s29 =	simm.s32 $0x9;
	_ =	strace $0x80000048  }
0xb3: {  	_ =	swait.ge [sflag:s29], $0x1  }
0xb4: {  	[sflag:s29] =	ssyncadd.s32 $0xFFFFFFFF  }
0xb5: {  	_ =	strace $0x90000048  }
0xb6: {  	_ =	sfence  }
0xb7: {  	s30 =	sld [smem:$0x0];
	_ =	sdelay $0x2  }
0xb8: {  	s31 =	sshll.u32 s1, $0xD;
	s1 =	sshrl.u32 s1, $0x2  }
0xb9: {  	s3 =	sand.u32 $0x4000, s31;
	s1 =	sadd.s32 s1, s30  }
0xba: {  	s0 =	sor.u32 s3, s0;
	s1 =	sshll.u32 s1, $0x11  }
0xbb: {  	s0 =	sor.u32 s1, s0  }
0xbc: {  	s0 =	sadd.s32 $0x8F2B, s0  }
0xbd: {  	[sflag:s0] =	ssyncadd.remote.s32 $0x1  }
0xbe: {  	_ =	sfence.sel $0xFFFF  }
0xbf: {  	[dreg:$0x0] =	wrdreg $0xFFFFFFFF;
	(pc) =	sbr.abs _section_cstart, $3  }
0xc0: {  	[dreg:$0x1] =	wrdreg $0xFFFFFFFF  }
0xc1: {  	_ =	task.clear_ibuf [dreg:s6], $0x2FFFF;
	_ =	strace $0x9FFFFFFF  }
0xc2: {  	(tm) =	ssettm $0x7FFFFFFF  }
0xc3: {  	_ =	shalt  }
tec
execute0_lowered:
.L_overlay_start_1:
0x0: {  	(tag) =	ssettag $0x1  }
0x1: {  	s0 =	srdreg.scid;
	s1 =	rddreg [dreg:$0x0]  }
0x2: {  	s12 =	stileid.u32;
	s2 =	rddreg [dreg:$0x1]  }
0x3: {  	s17 =	simm.s32 $0x19;
	s22 =	simm.s32 $0x11300;
	s28 =	simm.s32 $0x12D90  }
0x4: {  	s29 =	simm.s32 $0x12F20;
	s30 =	simm.s32 $0x130B0;
	s31 =	simm.s32 $0x2  }
0x5: {  	s16 =	simm.s32 $0x13560;
	s14 =	simm.s32 $0x0;
	s0 =	sand.u32 $0x1, s0  }
0x6: {  	s3 =	sshll.u32 s12, $0x1;
	s4 =	sadd.s32 $0x1B000, s1;
	s9 =	smul.u32 $0x7D0, s12  }
0x7: {  	s5 =	sadd.s32 $0x42200, s1;
	s11 =	smul.u32 $0xFA00, s12;
	s23 =	sadd.s32 $0x69400, s1  }
0x8: {  	p0 =	sgt.u32 s12, $0x9;
	s6 =	sor.u32 s0, s3;
	s8 =	smul.u32 $0x4E20, s0  }
0x9: {  	s3 =	simm.s32 $0x0;
	s0 =	ssub.s32 $0x2, s0;
	s7 =	smul.u32 $0x640, s6  }
0xa: {  	[smem:$0x7FF] =	sst s3;
	s24 =	sshrl.u32 s0, $0x1;
	s11 =	sshrl.u32 s11, $0x2  }
0xb: {  	_ =	strace $0x80000047;
	[dreg:$0x3] =	wrdreg s23;
	s8 =	sadd.s32 s9, s8  }
0xc: {  	s0 =	ssub.s32 s0, s24;
	s23 =	simm.s32 $0xBB80;
	s24 =	simm.s32 $0x11F80  }
0xd: {  	s10 =	sadd.s32 s7, s1;
	s7 =	sadd.s32 $0x73A00, s1;
	s1 =	sadd.s32 s8, s1  }
0xe: {  	s8 =	sadd.s32 s11, s2;
	s0 =	smax.u32 s0, $0x1;
	s11 =	simm.s32 $0x4  }
0xf: {  	s25 =	sadd.s32 $0xE800, s10;
	s26 =	sadd.s32 $0x2000, s10;
	[dreg:$0x7] =	wrdreg s0  }
0x10: {  	s10 =	smul.u32 $0x2710, s6;
	s1 =	sadd.s32 $0x69C00, s1;
	[dreg:$0x4] =	wrdreg s25  }
0x11: {  	s13 =	sshrl.u32 @!p0 s8, $0x3;
	s6 =	simm.s32 $0x133D0;
	[dreg:$0x5] =	wrdreg s26  }
0x12: {  	s8 =	simm.s32 $0x136F0;
	[dreg:$0x6] =	wrdreg s1;
	s1 =	sshll.u32 @!p0 s12, $0x6  }
0x13: {  	vm0 =	vmmov $0x1;
	vm1 =	vcmask $0x310;
	s25 =	simm.s32 $0x1;
	[dreg:$0x9] =	wrdreg s13;
	s12 =	sor.u32 @!p0 $0x1C06, s1  }
0x14: {  	vm2 =	vcmask $0x710;
	vm3 =	vcmask $0xB10;
	vm4 =	vmmov $0xf;
	s26 =	simm.s32 $0x12C00;
	s1 =	simm.s32 $0x13240;
	[dreg:$0x8] =	wrdreg s12  }
.LBB2_1:
0x15: {  	[dreg:$0xa] =	wrdreg s14  }
0x16: {  	s0 =	rddreg [dreg:$0x3]  }
0x17: {  	[spmem:s13], [sflag:s12] =	dma.local @!p0 [hbm:s0], $0x7D0  }
0x18: {  	s0 =	simm.s32 @!p0 $0x6  }
0x19: {  	_ =	swait.ge @!p0 [sflag:s0], $0x7D0  }
0x1a: {  	[sflag:s0] =	ssyncset.done @!p0 $0x0  }
0x1b: {  	s9 =	rddreg [dreg:$0x4];
	[sflag:s0] =	ssyncadd.s32 @!p0 $0xFFFFF830  }
0x1c: {  	[tilespmem:s3], [sflag:$0x6] =	stream.linear.gather [hbm4b:s9+s3], $0x3200, $0x38;
	[tilespmem:$0x15F90] =	vst v63  }
0x1d: {  	s9 =	simm.s32 $0x6  }
0x1e: {  	_ =	swait.ge [sflag:s9], $0x3200  }
0x1f: {  	[sflag:s9] =	ssyncset.done $0x0  }
0x20: {  	s13 =	simm.s32 $0x3200;
	s12 =	rddreg [dreg:$0x5];
	[sflag:s9] =	ssyncadd.s32 $0xFFFFCE00  }
0x21: {  	[tilespmem:s13], [sflag:$0x6] =	stream.linear.gather [hbm4b:s12+s3], $0x3200, $0x38;
	[tilespmem:$0x15F90] =	vst v63  }
0x22: {  	_ =	swait.ge [sflag:s9], $0x3200  }
0x23: {  	[sflag:s9] =	ssyncset.done $0x0  }
0x24: {  	[sflag:s9] =	ssyncadd.s32 $0xFFFFCE00  }
0x25: {  	s14 =	simm.s32 $0x6400;
	[bflag:$0x0] =	sbarrier.arrive $0xFFFF  }
0x26: {  	[tilespmem:s14], [sflag:$0x1] =	stream.indirect.gather [hbm4b:s4+s17], $0x80, s3, s17, $0xb8;
	[tilespmem:$0x15F90] =	vst v63  }
0x27: {  	s15 =	simm.s32 $0xC800  }
0x28: {  	[tilespmem:s15], [sflag:$0x1] =	stream.indirect.gather [hbm4b:s5+s17], $0x80, s13, s17, $0xb8;
	[tilespmem:$0x15F90] =	vst v63  }
0x29: {  	s18 =	simm.s32 $0x20;
	s19 =	simm.s32 $0x7080  }
0x2a: {  	[tilespmem:s19], [sflag:$0x1] =	stream.indirect.gather [hbm4b:s4+s17], $0x80, s18, s17, $0xb8;
	[tilespmem:$0x15F90] =	vst v63  }
0x2b: {  	s20 =	simm.s32 $0x3220;
	s21 =	simm.s32 $0xD480  }
0x2c: {  	[tilespmem:s21], [sflag:$0x1] =	stream.indirect.gather [hbm4b:s5+s17], $0x80, s20, s17, $0xb8;
	[tilespmem:$0x15F90] =	vst v63  }
0x2d: {  	s12 =	simm.s32 $0x40;
	s13 =	simm.s32 $0x7D00  }
0x2e: {  	[tilespmem:s13], [sflag:$0x1] =	stream.indirect.gather [hbm4b:s4+s17], $0x80, s12, s17, $0xb8;
	[tilespmem:$0x15F90] =	vst v63  }
0x2f: {  	s14 =	simm.s32 $0x3240;
	s15 =	simm.s32 $0xE100  }
0x30: {  	[tilespmem:s15], [sflag:$0x1] =	stream.indirect.gather [hbm4b:s5+s17], $0x80, s14, s17, $0xb8;
	[tilespmem:$0x15F90] =	vst v63  }
0x31: {  	s18 =	simm.s32 $0x60;
	s19 =	simm.s32 $0x8980  }
0x32: {  	[tilespmem:s19], [sflag:$0x1] =	stream.indirect.gather [hbm4b:s4+s17], $0x80, s18, s17, $0xb8;
	[tilespmem:$0x15F90] =	vst v63  }
0x33: {  	s20 =	simm.s32 $0x3260;
	s21 =	simm.s32 $0xED80;
	s13 =	simm.s32 $0x0  }
0x34: {  	[tilespmem:s21], [sflag:$0x1] =	stream.indirect.gather [hbm4b:s5+s17], $0x80, s20, s17, $0xb8;
	[tilespmem:$0x15F90] =	vst v63  }
.LBB2_2:
0x35: {  	s0 =	sshll.u32 s13, $0x8  }
0x36: {  	s9 =	simm.s32 $0x9600;
	s14 =	sor.u32 $0x80, s0  }
0x37: {  	[tilespmem:s9], [sflag:$0x2] =	stream.indirect.gather [hbm4b:s4+s17], $0x80, s14, s17, $0xb8;
	[tilespmem:$0x15F90] =	vst v63  }
0x38: {  	s12 =	simm.s32 $0xFA00;
	s21 =	sadd.s32 $0x3280, s0  }
0x39: {  	[tilespmem:s12], [sflag:$0x2] =	stream.indirect.gather [hbm4b:s5+s17], $0x80, s21, s17, $0xb8;
	[tilespmem:$0x15F90] =	vst v63  }
0x3a: {  	s15 =	sor.u32 $0xA0, s0;
	s12 =	simm.s32 $0xA280  }
0x3b: {  	[tilespmem:s12], [sflag:$0x2] =	stream.indirect.gather [hbm4b:s4+s17], $0x80, s15, s17, $0xb8;
	[tilespmem:$0x15F90] =	vst v63  }
0x3c: {  	s19 =	simm.s32 $0x10680;
	s18 =	sadd.s32 $0x32A0, s0  }
0x3d: {  	[tilespmem:s19], [sflag:$0x2] =	stream.indirect.gather [hbm4b:s5+s17], $0x80, s18, s17, $0xb8;
	[tilespmem:$0x15F90] =	vst v63  }
0x3e: {  	s20 =	simm.s32 $0xAF00;
	s9 =	sor.u32 $0xC0, s0  }
0x3f: {  	[tilespmem:s20], [sflag:$0x2] =	stream.indirect.gather [hbm4b:s4+s17], $0x80, s9, s17, $0xb8;
	[tilespmem:$0x15F90] =	vst v63  }
0x40: {  	s21 =	sadd.s32 $0x32C0, s0  }
0x41: {  	[tilespmem:s22], [sflag:$0x2] =	stream.indirect.gather [hbm4b:s5+s17], $0x80, s21, s17, $0xb8;
	[tilespmem:$0x15F90] =	vst v63  }
0x42: {  	s12 =	sor.u32 $0xE0, s0  }
0x43: {  	[tilespmem:s23], [sflag:$0x2] =	stream.indirect.gather [hbm4b:s4+s17], $0x80, s12, s17, $0xb8;
	[tilespmem:$0x15F90] =	vst v63  }
0x44: {  	p1 =	seq.s32 s13, $0x0;
	s18 =	sadd.s32 $0x32E0, s0  }
0x45: {  	[tilespmem:s24], [sflag:$0x2] =	stream.indirect.gather [hbm4b:s5+s17], $0x80, s18, s17, $0xb8;
	[tilespmem:$0x15F90] =	vst v63  }
0x46: {  	s18 =	simm.s32 @!p1 $0x3  }
0x47: {  	_ =	swait.ge @!p1 [sflag:s18], $0x190  }
0x48: {  	[sflag:s18] =	ssyncset.done @!p1 $0x0  }
0x49: {  	[sflag:s18] =	ssyncadd.s32 @!p1 $0xFFFFFE70  }
0x4a: {  	_ =	swait.ge @!p1 [sflag:s18], $0x190  }
0x4b: {  	[sflag:s18] =	ssyncset.done @!p1 $0x0  }
0x4c: {  	[sflag:s18] =	ssyncadd.s32 @!p1 $0xFFFFFE70  }
0x4d: {  	_ =	swait.ge @!p1 [sflag:s18], $0x190  }
0x4e: {  	[sflag:s18] =	ssyncset.done @!p1 $0x0  }
0x4f: {  	[sflag:s18] =	ssyncadd.s32 @!p1 $0xFFFFFE70  }
0x50: {  	_ =	swait.ge @!p1 [sflag:s18], $0x190  }
0x51: {  	[sflag:s18] =	ssyncset.done @!p1 $0x0  }
0x52: {  	[sflag:s18] =	ssyncadd.s32 @!p1 $0xFFFFFE70;
	s18 =	simm.s32 @!p1 $0x5  }
0x53: {  	_ =	swait.ge @!p1 [sflag:s18], $0xC80  }
0x54: {  	[sflag:s18] =	ssyncset.done @!p1 $0x0  }
0x55: {  	[sflag:s18] =	ssyncadd.s32 @!p1 $0xFFFFF380  }
0x56: {  	_ =	swait.ge [sflag:s25], $0xC80  }
0x57: {  	[sflag:s25] =	ssyncset.done $0x0  }
0x58: {  	[sflag:s25] =	ssyncadd.s32 $0xFFFFF380  }
0x59: {  	_ =	swait.ge [sflag:s25], $0xC80  }
0x5a: {  	[sflag:s25] =	ssyncset.done $0x0  }
0x5b: {  	[sflag:s25] =	ssyncadd.s32 $0xFFFFF380  }
0x5c: {  	_ =	swait.ge [sflag:s25], $0xC80  }
0x5d: {  	[sflag:s25] =	ssyncset.done $0x0  }
0x5e: {  	[sflag:s25] =	ssyncadd.s32 $0xFFFFF380  }
0x5f: {  	_ =	swait.ge [sflag:s25], $0xC80  }
0x60: {  	[sflag:s25] =	ssyncset.done $0x0  }
0x61: {  	[sflag:s25] =	ssyncadd.s32 $0xFFFFF380  }
0x62: {  	_ =	swait.ge [sflag:s25], $0xC80  }
0x63: {  	[sflag:s25] =	ssyncset.done $0x0  }
0x64: {  	[sflag:s25] =	ssyncadd.s32 $0xFFFFF380  }
0x65: {  	_ =	swait.ge [sflag:s25], $0xC80  }
0x66: {  	[sflag:s25] =	ssyncset.done $0x0  }
0x67: {  	[sflag:s25] =	ssyncadd.s32 $0xFFFFF380  }
0x68: {  	_ =	swait.ge [sflag:s25], $0xC80  }
0x69: {  	[sflag:s25] =	ssyncset.done $0x0  }
0x6a: {  	[sflag:s25] =	ssyncadd.s32 $0xFFFFF380  }
0x6b: {  	_ =	swait.ge [sflag:s25], $0xC80  }
0x6c: {  	[sflag:s25] =	ssyncset.done $0x0  }
0x6d: {  	s20 =	simm.s32 $0x6500;
	[sflag:s25] =	ssyncadd.s32 $0xFFFFF380  }
0x6e: {  	v0 =	vld [tilespmem:s20+$0xE0]  }
0x6f: {  	s18 =	simm.s32 $0xC900;
	v1 =	vld [tilespmem:s20+$0xC0]  }
0x70: {  	v2 =	vld [tilespmem:s18+$0xC0]  }
0x71: {  	v3 =	vld [tilespmem:s20+$0xD0]  }
0x72: {  	v4 =	vld [tilespmem:s18+$0xD0]  }
0x73: {  	v5 =	vld [tilespmem:s20+$0xA0]  }
0x74: {  	v6 =	vld [tilespmem:s18+$0xA0]  }
0x75: {  	v7 =	vld [tilespmem:s20+$0xB0]  }
0x76: {  	v8 =	vld [tilespmem:s18+$0xB0]  }
0x77: {  	v9 =	vld [tilespmem:s20+$0x80]  }
0x78: {  	v10 =	vld [tilespmem:s18+$0x80]  }
0x79: {  	v11 =	vld [tilespmem:s20+$0x90]  }
0x7a: {  	v12 =	vld [tilespmem:s18+$0x90]  }
0x7b: {  	v13 =	vld [tilespmem:s18+$0xE0]  }
0x7c: {  	v14 =	vld [tilespmem:s20+$0xF0]  }
0x7d: {  	v15 =	vld [tilespmem:s18+$0xF0]  }
0x7e: {  	v16 =	vld [tilespmem:s18+$0xFFFFFF00]  }
0x7f: {  	v17 =	vld [tilespmem:s20+$0xFFFFFF10]  }
0x80: {  	v18 =	vld [tilespmem:s18+$0xFFFFFF10]  }
0x81: {  	v19 =	vld [tilespmem:s20+$0xFFFFFF80]  }
0x82: {  	v20 =	vld [tilespmem:s18+$0xFFFFFF80]  }
0x83: {  	v21 =	vld [tilespmem:s20+$0xFFFFFF90]  }
0x84: {  	v46 =	vld [tilespmem:s20+$0xFFFFFFB0]  }
0x85: {  	v47 =	vld [tilespmem:s18+$0xFFFFFFB0]  }
0x86: {  	v49 =	vld [tilespmem:s20+$0x20];
	v1 =	vmul.f32 v2, v1;
	v2 =	vmul.f32 v4, v3  }
0x87: {  	v52 =	vld [tilespmem:s18+$0x20];
	v4 =	vmul.f32 v6, v5;
	v5 =	vmul.f32 v8, v7  }
0x88: {  	v3 =	vld [tilespmem:s18+$0xFFFFFF90];
	v7 =	vmul.f32 v12, v11;
	v1 =	vadd.f32 v2, v1;
	v2 =	vmul.f32 v10, v9  }
0x89: {  	v6 =	vld [tilespmem:s20+$0x0];
	v4 =	vadd.f32 v5, v4  }
0x8a: {  	v8 =	vld [tilespmem:s18+$0x0];
	(xrf2) =	vadd.scan.msk.f32 $0xffff, v1;
	v1 =	vadd.f32 v7, v2  }
0x8b: {  	v0 =	vmul.f32 v13, v0;
	v11 =	vld [tilespmem:s18+$0xFFFFFFA0];
	v7 =	vmul.f32 v15, v14;
	(xrf2) =	vadd.scan.msk.f32 $0xffff, v4  }
0x8c: {  	v5 =	vld [tilespmem:s20+$0x10];
	(xrf2) =	vadd.scan.msk.f32 $0xffff, v1  }
0x8d: {  	v9 =	vld [tilespmem:s18+$0xFFFFFF20];
	v0 =	vadd.f32 v7, v0  }
0x8e: {  	v10 =	vld [tilespmem:s18+$0xFFFFFF30]  }
0x8f: {  	v2 =	vld [tilespmem:s18+$0x10];
	(xrf2) =	vadd.scan.msk.f32 $0xffff, v0  }
0x90: {  	v4 =	vld [tilespmem:s20+$0xFFFFFF00]  }
0x91: {  	v1 =	vld [tilespmem:s20+$0xFFFFFF20]  }
0x92: {  	v7 =	vld [tilespmem:s20+$0xFFFFFF30]  }
0x93: {  	v17 =	vmul.f32 v18, v17;
	v0 =	vld [tilespmem:s20+$0xFFFFFFA0]  }
0x94: {  	v53 =	vld [tilespmem:s20+$0x30];
	v50 =	vmul.f32 v20, v19;
	v3 =	vmul.f32 v3, v21;
	v48, _, _ =	vpop (xrf2)  }
0x95: {  	v55 =	vld [tilespmem:s20+$0xFFFFFF40];
	v6 =	vmul.f32 v8, v6;
	v4 =	vmul.f32 v16, v4;
	v51, _, _ =	vpop (xrf2)  }
0x96: {  	v56 =	vld [tilespmem:s18+$0xFFFFFF40];
	v3 =	vadd.f32 v3, v50;
	v2 =	vmul.f32 v2, v5;
	v1 =	vmul.f32 v9, v1;
	v8, _, _ =	vpop (xrf2)  }
0x97: {  	v7 =	vmul.f32 v10, v7;
	v10 =	vld [tilespmem:s20+$0xFFFFFF50];
	v4 =	vadd.f32 v17, v4;
	v5 =	vbroadcast v8, $0xF  }
0x98: {  	v2 =	vadd.f32 v2, v6;
	v6 =	vld [tilespmem:s18+$0xFFFFFF50];
	v0 =	vmul.f32 v11, v0;
	(xrf2) =	vadd.scan.msk.f32 $0xffff, v3;
	v54 =	vbroadcast v51, $0xF  }
0x99: {  	v9 =	vbroadcast v48, $0xF;
	(xrf2) =	vadd.scan.msk.f32 $0xffff, v4;
	v4 =	vmul.f32 v47, v46;
	v8 =	vld [tilespmem:s18+$0x30];
	v57, _, _ =	vpop (xrf2);
	v5 =	vnsel vm0, $0x0, v5  }
0x9a: {  	v1 =	vadd.f32 v7, v1;
	v3 =	vbroadcast v57, $0xF;
	v5 =	vsel vm1, v5, v54  }
0x9b: {  	(xrf2) =	vadd.scan.msk.f32 $0xffff, v2;
	v0 =	vadd.f32 v4, v0;
	v5 =	vsel vm2, v5, v9  }
0x9c: {  	v7 =	vld [tilespmem:s20+$0xFFFFFFC0];
	v4 =	vmul.f32 v52, v49;
	(xrf2) =	vadd.scan.msk.f32 $0xffff, v1;
	v3 =	vsel vm3, v5, v3  }
0x9d: {  	v2 =	vld [tilespmem:s18+$0xFFFFFFC0];
	(xrf2) =	vadd.scan.msk.f32 $0xffff, v0;
	v0 =	vmul.f32 v6, v10;
	v3 =	vmul.f32 $1.442695020e+00, v3  }
0x9e: {  	v9 =	vmul.f32 v56, v55;
	v1 =	vmul.f32 v8, v53;
	v5 =	vld [tilespmem:s20+$0xFFFFFFD0]  }
0x9f: {  	v8 =	vld [tilespmem:s18+$0xFFFFFFD0];
	(erf) = vpow2.f32 v3  }
0xa0: {  	v6 =	vld [tilespmem:s18+$0x40];
	v0 =	vadd.f32 v0, v9;
	v1 =	vadd.f32 v1, v4  }
0xa1: {  	v9 =	vld [tilespmem:s18+$0x50]  }
0xa2: {  	v4 =	vld [tilespmem:s20+$0x40];
	(xrf2) =	vadd.scan.msk.f32 $0xffff, v1  }
0xa3: {  	v1 =	vld [tilespmem:s20+$0x50]  }
0xa4: {  	v58 =	vld [tilespmem:s20+$0xFFFFFF70];
	v2 =	vmul.f32 v2, v7;
	(xrf2) =	vadd.scan.msk.f32 $0xffff, v0;
	v0, _, _ =	vpop (xrf2);
	v5 =	vmul.f32 v8, v5  }
0xa5: {  	v60 =	vld [tilespmem:s18+$0xFFFFFF70];
	v3, _, _ =	vpop (xrf2)  }
0xa6: {  	v11 =	vld [tilespmem:s18+$0xFFFFFF60];
	v59, _, _ =	vpop (xrf2);
	v2 =	vadd.f32 v5, v2  }
0xa7: {  	v10 =	vld [tilespmem:s20+$0xFFFFFF60];
	v3 =	vbroadcast v3, $0xF;
	v7, _, _ =	vpop (xrf2)  }
0xa8: {  	v61 =	vld [tilespmem:s20+$0xFFFFFFE0];
	v6 =	vmul.f32 v6, v4;
	v1 =	vmul.f32 v9, v1;
	(xrf2) =	vadd.scan.msk.f32 $0xffff, v2;
	v5 =	vpop (erf)  }
0xa9: {  	s19 =	simm.s32 $0x12C20;
	v62 =	vld [tilespmem:s18+$0xFFFFFFE0];
	v7 =	vbroadcast v7, $0xF;
	v9 =	vnsel vm4, $0x0, v5  }
0xaa: {  	v8 =	vbroadcast v0, $0xF;
	v0 =	vnsel vm0, $0x0, v3;
	v4, _, _ =	vpop (xrf2);
	v3 =	vld [tilespmem:s20+$0xFFFFFFF0];
	[tilespmem:s19+$0x10] =	vst v9;
	v9 =	vadd.f32 v1, v6  }
0xab: {  	v12 =	vmul.f32 v60, v58;
	v0 =	vsel vm1, v0, v7;
	v7 =	vbroadcast v4, $0xF;
	v4 =	vld [tilespmem:s18+$0xFFFFFFF0]  }
0xac: {  	v10 =	vmul.f32 v11, v10;
	v13 =	vbroadcast v59, $0xF;
	v5 =	vld [tilespmem:s20+$0x60];
	v11, _, _ =	vpop (xrf2);
	(xrf2) =	vadd.scan.msk.f32 $0xffff, v9  }
0xad: {  	v8 =	vnsel vm0, $0x0, v8;
	v6 =	vld [tilespmem:s18+$0x60];
	v11 =	vbroadcast v11, $0xF  }
0xae: {  	v2 =	vnsel vm0, $0x0, v13;
	v1 =	vsel vm1, v8, v7;
	v8 =	vadd.f32 v12, v10;
	v7 =	vld [tilespmem:s20+$0x70];
	v63, _, _ =	vpop (xrf2)  }
0xaf: {  	s21 =	simm.s32 $0x6700;
	s20 =	simm.s32 $0x0;
	v10 =	vmul.f32 v62, v61;
	v9 =	vbroadcast v63, $0xF;
	v2 =	vsel vm1, v2, v11;
	v11 =	vld [tilespmem:s18+$0x70]  }
.LBB2_3:
0xb0: {  	v12 =	vld [tilespmem:s21+$0xE0];
	v3 =	vmul.f32 v4, v3;
	(xrf2) =	vadd.scan.msk.f32 $0xffff, v8  }
0xb1: {  	s18 =	sadd.s32 $0x200, s18;
	v4 =	vld [tilespmem:s21+$0xC0];
	v0 =	vsel vm2, v0, v9  }
0xb2: {  	v8 =	vld [tilespmem:s18+$0xC0];
	v3 =	vadd.f32 v3, v10;
	v5 =	vmul.f32 v6, v5;
	v6, _, _ =	vpop (xrf2)  }
0xb3: {  	v9 =	vld [tilespmem:s21+$0xD0];
	v6 =	vbroadcast v6, $0xF  }
0xb4: {  	v10 =	vld [tilespmem:s18+$0xD0];
	v11 =	vmul.f32 v11, v7;
	(xrf2) =	vadd.scan.msk.f32 $0xffff, v3  }
0xb5: {  	v3 =	vld [tilespmem:s21+$0xA0];
	v1 =	vsel vm2, v1, v6  }
0xb6: {  	v6 =	vld [tilespmem:s18+$0xA0];
	v5 =	vadd.f32 v11, v5;
	v7, _, _ =	vpop (xrf2)  }
0xb7: {  	v11 =	vld [tilespmem:s21+$0xB0];
	v7 =	vbroadcast v7, $0xF  }
0xb8: {  	v13 =	vld [tilespmem:s18+$0xB0];
	(xrf2) =	vadd.scan.msk.f32 $0xffff, v5  }
0xb9: {  	v5 =	vld [tilespmem:s21+$0x80];
	v2 =	vsel vm2, v2, v7  }
0xba: {  	v7 =	vld [tilespmem:s18+$0x80];
	v14, _, _ =	vpop (xrf2)  }
0xbb: {  	v4 =	vmul.f32 v8, v4;
	v8 =	vmul.f32 v10, v9;
	v15 =	vld [tilespmem:s21+$0x90]  }
0xbc: {  	s20 =	sadd.s32 $0x4, s20;
	v16 =	vbroadcast v14, $0xF;
	v9 =	vld [tilespmem:s18+$0x90]  }
0xbd: {  	p1 =	slt.u32 s20, $0x60;
	v4 =	vadd.f32 v8, v4;
	v14 =	vld [tilespmem:s18+$0xE0]  }
0xbe: {  	v3 =	vmul.f32 v6, v3;
	v6 =	vmul.f32 v13, v11;
	v0 =	vsel vm3, v0, v16;
	v8 =	vld [tilespmem:s21+$0xF0];
	v10, _, _ =	vpop (xrf2)  }
0xbf: {  	v13 =	vmul.f32 $1.442695020e+00, v0;
	v11 =	vld [tilespmem:s18+$0xF0];
	(xrf2) =	vadd.scan.msk.f32 $0xffff, v4;
	v4 =	vbroadcast v10, $0xF  }
0xc0: {  	v3 =	vadd.f32 v6, v3;
	v10 =	vld [tilespmem:s18+$0xFFFFFF00]  }
0xc1: {  	v5 =	vmul.f32 v7, v5;
	v6 =	vld [tilespmem:s21+$0xFFFFFF10];
	v7 =	vmul.f32 v9, v15;
	v1 =	vsel vm3, v1, v4  }
0xc2: {  	v4 =	vld [tilespmem:s18+$0xFFFFFF10];
	(xrf2) =	vadd.scan.msk.f32 $0xffff, v3;
	v1 =	vmul.f32 $1.442695020e+00, v1;
	(erf) = vpow2.f32 v13;
	v0, _, _ =	vpop (xrf2)  }
0xc3: {  	v3 =	vld [tilespmem:s21+$0xFFFFFF80];
	v5 =	vadd.f32 v7, v5;
	v0 =	vbroadcast v0, $0xF  }
0xc4: {  	v9 =	vmul.f32 v14, v12;
	v7 =	vld [tilespmem:s18+$0xFFFFFF80];
	v8 =	vmul.f32 v11, v8  }
0xc5: {  	v11 =	vld [tilespmem:s21+$0xFFFFFF90];
	(xrf2) =	vadd.scan.msk.f32 $0xffff, v5;
	v0 =	vsel vm3, v2, v0;
	(erf) = vpow2.f32 v1  }
0xc6: {  	v1 =	vld [tilespmem:s18+$0xFFFFFF90];
	v2 =	vadd.f32 v8, v9;
	v0 =	vmul.f32 $1.442695020e+00, v0  }
0xc7: {  	v4 =	vmul.f32 v4, v6;
	v5 =	vld [tilespmem:s21+$0x0]  }
0xc8: {  	v6 =	vld [tilespmem:s18+$0x0];
	(xrf2) =	vadd.scan.msk.f32 $0xffff, v2;
	(erf) = vpow2.f32 v0  }
0xc9: {  	v0 =	vmul.f32 v7, v3;
	v2 =	vld [tilespmem:s21+$0x10];
	v3, _, _ =	vpop (xrf2)  }
0xca: {  	v7 =	vld [tilespmem:s18+$0x10]  }
0xcb: {  	v8 =	vld [tilespmem:s21+$0xFFFFFF00];
	v1 =	vmul.f32 v1, v11;
	v9 =	vpop (erf)  }
0xcc: {  	v11 =	vld [tilespmem:s21+$0xFFFFFF20];
	v12, _, _ =	vpop (xrf2);
	v9 =	vnsel vm4, $0x0, v9  }
0xcd: {  	v13 =	vld [tilespmem:s18+$0xFFFFFF20];
	v14 =	vadd.f32 v1, v0;
	v1 =	vmul.f32 v6, v5;
	[tilespmem:s19+$0xFFFFFFE0] =	vst v9  }
0xce: {  	v5 =	vld [tilespmem:s21+$0xFFFFFF30];
	v6 =	vpop (erf)  }
0xcf: {  	v9 =	vld [tilespmem:s18+$0xFFFFFF30];
	v2 =	vmul.f32 v7, v2;
	(xrf2) =	vadd.scan.msk.f32 $0xffff, v14;
	v0, _, _ =	vpop (xrf2);
	v6 =	vnsel vm4, $0x0, v6  }
0xd0: {  	v7 =	vmul.f32 v10, v8;
	v8 =	vld [tilespmem:s21+$0xFFFFFFA0];
	v0 =	vbroadcast v0, $0xF;
	[tilespmem:s19+$0xFFFFFFF0] =	vst v6  }
0xd1: {  	v6 =	vld [tilespmem:s18+$0xFFFFFFA0];
	v1 =	vadd.f32 v2, v1;
	v2 =	vbroadcast v12, $0xF;
	v10 =	vpop (erf)  }
0xd2: {  	v3 =	vbroadcast v3, $0xF;
	v11 =	vmul.f32 v13, v11;
	v12 =	vld [tilespmem:s21+$0xFFFFFFB0];
	v0 =	vnsel vm0, $0x0, v0;
	v13, _, _ =	vpop (xrf2)  }
0xd3: {  	v4 =	vadd.f32 v4, v7;
	v7 =	vld [tilespmem:s18+$0xFFFFFFB0];
	v0 =	vsel vm1, v0, v2;
	v2 =	vbroadcast v13, $0xF  }
0xd4: {  	v5 =	vmul.f32 v9, v5;
	v9 =	vld [tilespmem:s21+$0x20];
	v0 =	vsel vm2, v0, v3;
	v3 =	vnsel vm4, $0x0, v10  }
0xd5: {  	v10 =	vld [tilespmem:s18+$0x20];
	v0 =	vsel vm3, v0, v2;
	(xrf2) =	vadd.scan.msk.f32 $0xffff, v4;
	[tilespmem:s19+$0x0] =	vst v3  }
0xd6: {  	v2 =	vadd.f32 v5, v11;
	v3 =	vmul.f32 v6, v8;
	v4 =	vld [tilespmem:s21+$0x30];
	v0 =	vmul.f32 $1.442695020e+00, v0  }
0xd7: {  	v5 =	vld [tilespmem:s18+$0x30]  }
0xd8: {  	v6 =	vld [tilespmem:s21+$0xFFFFFF40];
	v7 =	vmul.f32 v7, v12;
	(xrf2) =	vadd.scan.msk.f32 $0xffff, v1;
	(erf) = vpow2.f32 v0  }
0xd9: {  	v0 =	vld [tilespmem:s18+$0xFFFFFF40];
	v1, _, _ =	vpop (xrf2)  }
0xda: {  	v8 =	vld [tilespmem:s21+$0xFFFFFF50];
	v1 =	vbroadcast v1, $0xF;
	v3 =	vadd.f32 v7, v3;
	v7 =	vmul.f32 v10, v9  }
0xdb: {  	v9 =	vld [tilespmem:s18+$0xFFFFFF50];
	(xrf2) =	vadd.scan.msk.f32 $0xffff, v2  }
0xdc: {  	v2 =	vld [tilespmem:s21+$0xFFFFFFC0];
	v1 =	vnsel vm0, $0x0, v1;
	v4 =	vmul.f32 v5, v4  }
0xdd: {  	v5 =	vld [tilespmem:s18+$0xFFFFFFC0]  }
0xde: {  	v0 =	vmul.f32 v0, v6;
	v6 =	vld [tilespmem:s21+$0xFFFFFFD0];
	v11 =	vadd.f32 v4, v7;
	(xrf2) =	vadd.scan.msk.f32 $0xffff, v3  }
0xdf: {  	v3 =	vld [tilespmem:s18+$0xFFFFFFD0];
	v7, _, _ =	vpop (xrf2)  }
0xe0: {  	v12 =	vmul.f32 v9, v8;
	v7 =	vbroadcast v7, $0xF;
	v9 =	vld [tilespmem:s21+$0x40]  }
0xe1: {  	v10 =	vld [tilespmem:s18+$0x40];
	(xrf2) =	vadd.scan.msk.f32 $0xffff, v11;
	v4 =	vpop (erf)  }
0xe2: {  	s19 =	sadd.s32 $0x40, s19;
	v13 =	vadd.f32 v12, v0;
	v2 =	vmul.f32 v5, v2;
	v5 =	vld [tilespmem:s21+$0x50];
	v4 =	vnsel vm4, $0x0, v4;
	v8, _, _ =	vpop (xrf2)  }
0xe3: {  	v7 =	vnsel vm0, $0x0, v7;
	v11 =	vld [tilespmem:s18+$0x50];
	v8 =	vbroadcast v8, $0xF;
	[tilespmem:s19+$0x10] =	vst v4  }
0xe4: {  	v4 =	vld [tilespmem:s21+$0xFFFFFF60];
	v3 =	vmul.f32 v3, v6;
	(xrf2) =	vadd.scan.msk.f32 $0xffff, v13  }
0xe5: {  	v6 =	vld [tilespmem:s18+$0xFFFFFF60];
	v12 =	vnsel vm0, $0x0, v8;
	v0, _, _ =	vpop (xrf2)  }
0xe6: {  	v8 =	vld [tilespmem:s21+$0xFFFFFF70];
	v0 =	vbroadcast v0, $0xF;
	v2 =	vadd.f32 v3, v2;
	v9 =	vmul.f32 v10, v9  }
0xe7: {  	v10 =	vld [tilespmem:s18+$0xFFFFFF70]  }
0xe8: {  	v0 =	vsel vm1, v7, v0;
	v7 =	vld [tilespmem:s21+$0xFFFFFFE0];
	v5 =	vmul.f32 v11, v5;
	v3, _, _ =	vpop (xrf2);
	(xrf2) =	vadd.scan.msk.f32 $0xffff, v2  }
0xe9: {  	v2 =	vld [tilespmem:s18+$0xFFFFFFE0];
	v11 =	vbroadcast v3, $0xF  }
0xea: {  	v13 =	vmul.f32 v6, v4;
	v3 =	vld [tilespmem:s21+$0xFFFFFFF0];
	v6 =	vadd.f32 v5, v9  }
.Ltmp0:
0xeb: {  	v4 =	vld [tilespmem:s18+$0xFFFFFFF0];
	v1 =	vsel vm1, v1, v11;
	v9, _, _ =	vpop (xrf2);
	(pc) =	sbr.rel @p1 .LBB2_3-.Ltmp0, $4  }
0xec: {  	v8 =	vmul.f32 v10, v8;
	v5 =	vld [tilespmem:s21+$0x60];
	v11 =	vbroadcast v9, $0xF;
	(xrf2) =	vadd.scan.msk.f32 $0xffff, v6  }
0xed: {  	v6 =	vld [tilespmem:s18+$0x60]  }
0xee: {  	v8 =	vadd.f32 v8, v13;
	v10 =	vmul.f32 v2, v7;
	v7 =	vld [tilespmem:s21+$0x70];
	v2 =	vsel vm1, v12, v11;
	v9, _, _ =	vpop (xrf2)  }
0xef: {  	s21 =	sadd.s32 $0x200, s21;
	v9 =	vbroadcast v9, $0xF;
	v11 =	vld [tilespmem:s18+$0x70]  }
0xf0: {  	_ =	sdelay $0x2  }
0xf1: {  	v3 =	vmul.f32 v4, v3  }
0xf2: {  	v4 =	vmul.f32 v6, v5;
	v5 =	vmul.f32 v11, v7  }
0xf3: {  	v3 =	vadd.f32 v3, v10  }
0xf4: {  	(xrf2) =	vadd.scan.msk.f32 $0xffff, v8;
	v4 =	vadd.f32 v5, v4  }
0xf5: {  	(xrf2) =	vadd.scan.msk.f32 $0xffff, v3  }
0xf6: {  	(xrf2) =	vadd.scan.msk.f32 $0xffff, v4;
	_ =	sdelay $0x5  }
0xf7: {  	v3, _, _ =	vpop (xrf2)  }
0xf8: {  	v4, _, _ =	vpop (xrf2)  }
0xf9: {  	v5, _, _ =	vpop (xrf2)  }
0xfa: {  	v3 =	vbroadcast v3, $0xF;
	v5 =	vbroadcast v5, $0xF;
	v6, _, _ =	vpop (xrf2)  }
0xfb: {  	v0 =	vsel vm2, v0, v9;
	v4 =	vbroadcast v4, $0xF;
	v6 =	vbroadcast v6, $0xF;
	v7, _, _ =	vpop (xrf2)  }
0xfc: {  	v1 =	vsel vm2, v1, v3;
	v0 =	vsel vm3, v0, v5;
	v3 =	vbroadcast v7, $0xF  }
0xfd: {  	v2 =	vsel vm2, v2, v4;
	v0 =	vmul.f32 $1.442695020e+00, v0;
	v1 =	vsel vm3, v1, v6  }
0xfe: {  	v1 =	vmul.f32 $1.442695020e+00, v1;
	v2 =	vsel vm3, v2, v3  }
0xff: {  	(erf) = vpow2.f32 v0;
	v0 =	vmul.f32 $1.442695020e+00, v2  }
0x100: {  	(erf) = vpow2.f32 v1  }
0x101: {  	(erf) = vpow2.f32 v0;
	_ =	sdelay $0x6  }
0x102: {  	v0 =	vpop (erf)  }
0x103: {  	v0 =	vnsel vm4, $0x0, v0;
	v1 =	vpop (erf)  }
0x104: {  	[tilespmem:s19+$0xFFFFFFE0] =	vst v0;
	v0 =	vnsel vm4, $0x0, v1;
	v1 =	vpop (erf)  }
0x105: {  	[tilespmem:s19+$0xFFFFFFF0] =	vst v0;
	v0 =	vnsel vm4, $0x0, v1  }
0x106: {  	s18 =	sand.u32 $0x3FFFFF00, s0;
	[tilespmem:s19+$0x0] =	vst v0  }
0x107: {  	[spmem:s2] =	stream.indirect.scatter.add.f32 [tilespmem:s26], [sflag:$0x3], $0x10, s18, s17, $0xb8;
	[tilespmem:$0x15F90] =	vst v63  }
0x108: {  	s21 =	sor.u32 $0x20, s18  }
0x109: {  	[spmem:s2] =	stream.indirect.scatter.add.f32 [tilespmem:s28], [sflag:$0x3], $0x10, s21, s17, $0xb8;
	[tilespmem:$0x15F90] =	vst v63  }
0x10a: {  	s20 =	sor.u32 $0x40, s18  }
0x10b: {  	[spmem:s2] =	stream.indirect.scatter.add.f32 [tilespmem:s29], [sflag:$0x3], $0x10, s20, s17, $0xb8;
	[tilespmem:$0x15F90] =	vst v63  }
0x10c: {  	p1 =	seq.s32 s13, $0x31;
	s18 =	sor.u32 $0x60, s18  }
0x10d: {  	[spmem:s2] =	stream.indirect.scatter.add.f32 [tilespmem:s30], [sflag:$0x3], $0x10, s18, s17, $0xb8;
	[tilespmem:$0x15F90] =	vst v63  }
0x10e: {  	s19 =	simm.s32 @!p1 $0x19;
	s20 =	simm.s32 @!p1 $0x6400;
	s18 =	sadd.s32 @!p1 $0x100, s0  }
0x10f: {  	[tilespmem:s20], [sflag:$0x1] =	stream.indirect.gather @!p1 [hbm4b:s4+s19], $0x80, s18, s19, $0xb8;
	[tilespmem:$0x15F90] =	vst v63  }
0x110: {  	s18 =	sadd.s32 @!p1 $0x3300, s0;
	s20 =	simm.s32 @!p1 $0xC800  }
0x111: {  	[tilespmem:s20], [sflag:$0x1] =	stream.indirect.gather @!p1 [hbm4b:s5+s19], $0x80, s18, s19, $0xb8;
	[tilespmem:$0x15F90] =	vst v63  }
0x112: {  	s18 =	sadd.s32 @!p1 $0x120, s0;
	s20 =	simm.s32 @!p1 $0x7080  }
0x113: {  	[tilespmem:s20], [sflag:$0x1] =	stream.indirect.gather @!p1 [hbm4b:s4+s19], $0x80, s18, s19, $0xb8;
	[tilespmem:$0x15F90] =	vst v63  }
0x114: {  	s18 =	sadd.s32 @!p1 $0x3320, s0;
	s20 =	simm.s32 @!p1 $0xD480  }
0x115: {  	[tilespmem:s20], [sflag:$0x1] =	stream.indirect.gather @!p1 [hbm4b:s5+s19], $0x80, s18, s19, $0xb8;
	[tilespmem:$0x15F90] =	vst v63  }
0x116: {  	s18 =	sadd.s32 @!p1 $0x140, s0;
	s20 =	simm.s32 @!p1 $0x7D00  }
0x117: {  	[tilespmem:s20], [sflag:$0x1] =	stream.indirect.gather @!p1 [hbm4b:s4+s19], $0x80, s18, s19, $0xb8;
	[tilespmem:$0x15F90] =	vst v63  }
0x118: {  	s18 =	sadd.s32 @!p1 $0x3340, s0;
	s20 =	simm.s32 @!p1 $0xE100  }
0x119: {  	[tilespmem:s20], [sflag:$0x1] =	stream.indirect.gather @!p1 [hbm4b:s5+s19], $0x80, s18, s19, $0xb8;
	[tilespmem:$0x15F90] =	vst v63  }
0x11a: {  	s18 =	sadd.s32 @!p1 $0x160, s0;
	s20 =	simm.s32 @!p1 $0x8980  }
0x11b: {  	[tilespmem:s20], [sflag:$0x1] =	stream.indirect.gather @!p1 [hbm4b:s4+s19], $0x80, s18, s19, $0xb8;
	[tilespmem:$0x15F90] =	vst v63  }
0x11c: {  	p2 =	seq.s32 @!p1 s13, $0x0;
	s0 =	sadd.s32 @!p1 $0x3360, s0;
	s18 =	simm.s32 @!p1 $0xED80  }
0x11d: {  	[tilespmem:s18], [sflag:$0x1] =	stream.indirect.gather @!p1 [hbm4b:s5+s19], $0x80, s0, s19, $0xb8;
	[tilespmem:$0x15F90] =	vst v63  }
0x11e: {  	p1 =	por p1, !p2  }
0x11f: {  	_ =	swait.ge @p1 [sflag:s11], $0x190  }
0x120: {  	[sflag:s11] =	ssyncset.done @p1 $0x0  }
0x121: {  	[sflag:s11] =	ssyncadd.s32 @p1 $0xFFFFFE70  }
0x122: {  	_ =	swait.ge @p1 [sflag:s11], $0x190  }
0x123: {  	[sflag:s11] =	ssyncset.done @p1 $0x0  }
0x124: {  	[sflag:s11] =	ssyncadd.s32 @p1 $0xFFFFFE70  }
0x125: {  	_ =	swait.ge @p1 [sflag:s11], $0x190  }
0x126: {  	[sflag:s11] =	ssyncset.done @p1 $0x0  }
0x127: {  	[sflag:s11] =	ssyncadd.s32 @p1 $0xFFFFFE70  }
0x128: {  	_ =	swait.ge @p1 [sflag:s11], $0x190  }
0x129: {  	[sflag:s11] =	ssyncset.done @p1 $0x0  }
0x12a: {  	[sflag:s11] =	ssyncadd.s32 @p1 $0xFFFFFE70  }
0x12b: {  	_ =	swait.ge [sflag:s31], $0xC80  }
0x12c: {  	[sflag:s31] =	ssyncset.done $0x0  }
0x12d: {  	[sflag:s31] =	ssyncadd.s32 $0xFFFFF380  }
0x12e: {  	_ =	swait.ge [sflag:s31], $0xC80  }
0x12f: {  	[sflag:s31] =	ssyncset.done $0x0  }
0x130: {  	[sflag:s31] =	ssyncadd.s32 $0xFFFFF380  }
0x131: {  	_ =	swait.ge [sflag:s31], $0xC80  }
0x132: {  	[sflag:s31] =	ssyncset.done $0x0  }
0x133: {  	[sflag:s31] =	ssyncadd.s32 $0xFFFFF380  }
0x134: {  	_ =	swait.ge [sflag:s31], $0xC80  }
0x135: {  	[sflag:s31] =	ssyncset.done $0x0  }
0x136: {  	[sflag:s31] =	ssyncadd.s32 $0xFFFFF380  }
0x137: {  	_ =	swait.ge [sflag:s31], $0xC80  }
0x138: {  	[sflag:s31] =	ssyncset.done $0x0  }
0x139: {  	[sflag:s31] =	ssyncadd.s32 $0xFFFFF380  }
0x13a: {  	_ =	swait.ge [sflag:s31], $0xC80  }
0x13b: {  	[sflag:s31] =	ssyncset.done $0x0  }
0x13c: {  	[sflag:s31] =	ssyncadd.s32 $0xFFFFF380  }
0x13d: {  	_ =	swait.ge [sflag:s31], $0xC80  }
0x13e: {  	[sflag:s31] =	ssyncset.done $0x0  }
0x13f: {  	[sflag:s31] =	ssyncadd.s32 $0xFFFFF380  }
0x140: {  	_ =	swait.ge [sflag:s31], $0xC80  }
0x141: {  	[sflag:s31] =	ssyncset.done $0x0  }
0x142: {  	s21 =	simm.s32 $0x97F0;
	[sflag:s31] =	ssyncadd.s32 $0xFFFFF380  }
0x143: {  	v0 =	vld [tilespmem:s21+$0xFFFFFFF0]  }
0x144: {  	s0 =	simm.s32 $0xFBF0;
	v1 =	vld [tilespmem:s21+$0xFFFFFFD0]  }
0x145: {  	v2 =	vld [tilespmem:s0+$0xFFFFFFD0]  }
0x146: {  	v3 =	vld [tilespmem:s21+$0xFFFFFFE0]  }
0x147: {  	v4 =	vld [tilespmem:s0+$0xFFFFFFE0]  }
0x148: {  	v5 =	vld [tilespmem:s21+$0xFFFFFFB0]  }
0x149: {  	v6 =	vld [tilespmem:s0+$0xFFFFFFB0]  }
0x14a: {  	v7 =	vld [tilespmem:s21+$0xFFFFFFC0]  }
0x14b: {  	v8 =	vld [tilespmem:s0+$0xFFFFFFC0]  }
0x14c: {  	v9 =	vld [tilespmem:s21+$0xFFFFFF90]  }
0x14d: {  	v10 =	vld [tilespmem:s0+$0xFFFFFF90]  }
0x14e: {  	v11 =	vld [tilespmem:s21+$0xFFFFFFA0]  }
0x14f: {  	v12 =	vld [tilespmem:s0+$0xFFFFFFA0]  }
0x150: {  	v13 =	vld [tilespmem:s0+$0xFFFFFFF0]  }
0x151: {  	v14 =	vld [tilespmem:s21+$0x0]  }
0x152: {  	v15 =	vld [tilespmem:s0+$0x0]  }
0x153: {  	v16 =	vld [tilespmem:s0+$0xFFFFFE10]  }
0x154: {  	v17 =	vld [tilespmem:s21+$0xFFFFFE20]  }
0x155: {  	v18 =	vld [tilespmem:s0+$0xFFFFFE20]  }
0x156: {  	v19 =	vld [tilespmem:s21+$0xFFFFFE90]  }
0x157: {  	v20 =	vld [tilespmem:s0+$0xFFFFFE90]  }
0x158: {  	v21 =	vld [tilespmem:s21+$0xFFFFFEA0]  }
0x159: {  	v46 =	vld [tilespmem:s21+$0xFFFFFEC0]  }
0x15a: {  	v47 =	vld [tilespmem:s0+$0xFFFFFEC0]  }
0x15b: {  	v49 =	vld [tilespmem:s21+$0xFFFFFF30];
	v1 =	vmul.f32 v2, v1;
	v2 =	vmul.f32 v4, v3  }
0x15c: {  	v52 =	vld [tilespmem:s0+$0xFFFFFF30];
	v4 =	vmul.f32 v6, v5;
	v5 =	vmul.f32 v8, v7  }
0x15d: {  	v3 =	vld [tilespmem:s0+$0xFFFFFEA0];
	v7 =	vmul.f32 v12, v11;
	v1 =	vadd.f32 v2, v1;
	v2 =	vmul.f32 v10, v9  }
0x15e: {  	v6 =	vld [tilespmem:s21+$0xFFFFFF10];
	v4 =	vadd.f32 v5, v4  }
0x15f: {  	v8 =	vld [tilespmem:s0+$0xFFFFFF10];
	(xrf2) =	vadd.scan.msk.f32 $0xffff, v1;
	v1 =	vadd.f32 v7, v2  }
0x160: {  	v0 =	vmul.f32 v13, v0;
	v11 =	vld [tilespmem:s0+$0xFFFFFEB0];
	v7 =	vmul.f32 v15, v14;
	(xrf2) =	vadd.scan.msk.f32 $0xffff, v4  }
0x161: {  	v5 =	vld [tilespmem:s21+$0xFFFFFF20];
	(xrf2) =	vadd.scan.msk.f32 $0xffff, v1  }
0x162: {  	v9 =	vld [tilespmem:s0+$0xFFFFFE30];
	v0 =	vadd.f32 v7, v0  }
0x163: {  	v10 =	vld [tilespmem:s0+$0xFFFFFE40]  }
0x164: {  	v2 =	vld [tilespmem:s0+$0xFFFFFF20];
	(xrf2) =	vadd.scan.msk.f32 $0xffff, v0  }
0x165: {  	v4 =	vld [tilespmem:s21+$0xFFFFFE10]  }
0x166: {  	v1 =	vld [tilespmem:s21+$0xFFFFFE30]  }
0x167: {  	v7 =	vld [tilespmem:s21+$0xFFFFFE40]  }
0x168: {  	v17 =	vmul.f32 v18, v17;
	v0 =	vld [tilespmem:s21+$0xFFFFFEB0]  }
0x169: {  	v53 =	vld [tilespmem:s21+$0xFFFFFF40];
	v50 =	vmul.f32 v20, v19;
	v3 =	vmul.f32 v3, v21;
	v48, _, _ =	vpop (xrf2)  }
0x16a: {  	v55 =	vld [tilespmem:s21+$0xFFFFFE50];
	v6 =	vmul.f32 v8, v6;
	v4 =	vmul.f32 v16, v4;
	v51, _, _ =	vpop (xrf2)  }
0x16b: {  	v56 =	vld [tilespmem:s0+$0xFFFFFE50];
	v3 =	vadd.f32 v3, v50;
	v2 =	vmul.f32 v2, v5;
	v1 =	vmul.f32 v9, v1;
	v8, _, _ =	vpop (xrf2)  }
0x16c: {  	v7 =	vmul.f32 v10, v7;
	v10 =	vld [tilespmem:s21+$0xFFFFFE60];
	v4 =	vadd.f32 v17, v4;
	v5 =	vbroadcast v8, $0xF  }
0x16d: {  	(xrf2) =	vadd.scan.msk.f32 $0xffff, v3;
	v2 =	vadd.f32 v2, v6;
	v6 =	vld [tilespmem:s0+$0xFFFFFE60];
	v0 =	vmul.f32 v11, v0;
	v54 =	vbroadcast v51, $0xF  }
0x16e: {  	(xrf2) =	vadd.scan.msk.f32 $0xffff, v4;
	v4 =	vmul.f32 v47, v46;
	v9 =	vbroadcast v48, $0xF;
	v8 =	vld [tilespmem:s0+$0xFFFFFF40];
	v57, _, _ =	vpop (xrf2);
	v5 =	vnsel vm0, $0x0, v5  }
0x16f: {  	v1 =	vadd.f32 v7, v1;
	v3 =	vbroadcast v57, $0xF;
	v5 =	vsel vm1, v5, v54  }
0x170: {  	(xrf2) =	vadd.scan.msk.f32 $0xffff, v2;
	v0 =	vadd.f32 v4, v0;
	v5 =	vsel vm2, v5, v9  }
0x171: {  	v7 =	vld [tilespmem:s21+$0xFFFFFED0];
	v4 =	vmul.f32 v52, v49;
	(xrf2) =	vadd.scan.msk.f32 $0xffff, v1;
	v3 =	vsel vm3, v5, v3  }
0x172: {  	v2 =	vld [tilespmem:s0+$0xFFFFFED0];
	(xrf2) =	vadd.scan.msk.f32 $0xffff, v0;
	v0 =	vmul.f32 v6, v10;
	v3 =	vmul.f32 $1.442695020e+00, v3  }
0x173: {  	v9 =	vmul.f32 v56, v55;
	v1 =	vmul.f32 v8, v53;
	v5 =	vld [tilespmem:s21+$0xFFFFFEE0]  }
0x174: {  	v8 =	vld [tilespmem:s0+$0xFFFFFEE0];
	(erf) = vpow2.f32 v3  }
0x175: {  	v6 =	vld [tilespmem:s0+$0xFFFFFF50];
	v0 =	vadd.f32 v0, v9;
	v1 =	vadd.f32 v1, v4  }
0x176: {  	v9 =	vld [tilespmem:s0+$0xFFFFFF60]  }
0x177: {  	v4 =	vld [tilespmem:s21+$0xFFFFFF50];
	(xrf2) =	vadd.scan.msk.f32 $0xffff, v1  }
0x178: {  	v1 =	vld [tilespmem:s21+$0xFFFFFF60]  }
0x179: {  	v58 =	vld [tilespmem:s21+$0xFFFFFE80];
	v2 =	vmul.f32 v2, v7;
	(xrf2) =	vadd.scan.msk.f32 $0xffff, v0;
	v0, _, _ =	vpop (xrf2);
	v5 =	vmul.f32 v8, v5  }
0x17a: {  	v60 =	vld [tilespmem:s0+$0xFFFFFE80];
	v3, _, _ =	vpop (xrf2)  }
0x17b: {  	v11 =	vld [tilespmem:s0+$0xFFFFFE70];
	v59, _, _ =	vpop (xrf2);
	v2 =	vadd.f32 v5, v2  }
0x17c: {  	v10 =	vld [tilespmem:s21+$0xFFFFFE70];
	v3 =	vbroadcast v3, $0xF;
	v7, _, _ =	vpop (xrf2)  }
0x17d: {  	v61 =	vld [tilespmem:s21+$0xFFFFFEF0];
	v6 =	vmul.f32 v6, v4;
	v1 =	vmul.f32 v9, v1;
	(xrf2) =	vadd.scan.msk.f32 $0xffff, v2;
	v5 =	vpop (erf)  }
0x17e: {  	s18 =	simm.s32 $0x13270;
	v62 =	vld [tilespmem:s0+$0xFFFFFEF0];
	v7 =	vbroadcast v7, $0xF;
	v9 =	vnsel vm4, $0x0, v5  }
0x17f: {  	v8 =	vbroadcast v0, $0xF;
	v0 =	vnsel vm0, $0x0, v3;
	v4, _, _ =	vpop (xrf2);
	v3 =	vld [tilespmem:s21+$0xFFFFFF00];
	[tilespmem:s18+$0x0] =	vst v9;
	v9 =	vadd.f32 v1, v6  }
0x180: {  	v12 =	vmul.f32 v60, v58;
	v0 =	vsel vm1, v0, v7;
	v7 =	vbroadcast v4, $0xF;
	v4 =	vld [tilespmem:s0+$0xFFFFFF00]  }
0x181: {  	v10 =	vmul.f32 v11, v10;
	v13 =	vbroadcast v59, $0xF;
	v5 =	vld [tilespmem:s21+$0xFFFFFF70];
	v11, _, _ =	vpop (xrf2);
	(xrf2) =	vadd.scan.msk.f32 $0xffff, v9  }
0x182: {  	v8 =	vnsel vm0, $0x0, v8;
	v6 =	vld [tilespmem:s0+$0xFFFFFF70];
	v11 =	vbroadcast v11, $0xF  }
0x183: {  	v2 =	vnsel vm0, $0x0, v13;
	v1 =	vsel vm1, v8, v7;
	v8 =	vadd.f32 v12, v10;
	v7 =	vld [tilespmem:s21+$0xFFFFFF80];
	v63, _, _ =	vpop (xrf2)  }
0x184: {  	s20 =	simm.s32 $0x99F0;
	s19 =	simm.s32 $0x0;
	v10 =	vmul.f32 v62, v61;
	v9 =	vbroadcast v63, $0xF;
	v2 =	vsel vm1, v2, v11;
	v11 =	vld [tilespmem:s0+$0xFFFFFF80]  }
.LBB2_5:
0x185: {  	v12 =	vld [tilespmem:s20+$0xFFFFFFF0];
	v3 =	vmul.f32 v4, v3;
	(xrf2) =	vadd.scan.msk.f32 $0xffff, v8  }
0x186: {  	s0 =	sadd.s32 $0x200, s0;
	v4 =	vld [tilespmem:s20+$0xFFFFFFD0];
	v0 =	vsel vm2, v0, v9  }
0x187: {  	v8 =	vld [tilespmem:s0+$0xFFFFFFD0];
	v3 =	vadd.f32 v3, v10;
	v5 =	vmul.f32 v6, v5;
	v6, _, _ =	vpop (xrf2)  }
0x188: {  	v9 =	vld [tilespmem:s20+$0xFFFFFFE0];
	v6 =	vbroadcast v6, $0xF  }
0x189: {  	v10 =	vld [tilespmem:s0+$0xFFFFFFE0];
	v11 =	vmul.f32 v11, v7;
	(xrf2) =	vadd.scan.msk.f32 $0xffff, v3  }
0x18a: {  	v3 =	vld [tilespmem:s20+$0xFFFFFFB0];
	v1 =	vsel vm2, v1, v6  }
0x18b: {  	v6 =	vld [tilespmem:s0+$0xFFFFFFB0];
	v5 =	vadd.f32 v11, v5;
	v7, _, _ =	vpop (xrf2)  }
0x18c: {  	v11 =	vld [tilespmem:s20+$0xFFFFFFC0];
	v7 =	vbroadcast v7, $0xF  }
0x18d: {  	v13 =	vld [tilespmem:s0+$0xFFFFFFC0];
	(xrf2) =	vadd.scan.msk.f32 $0xffff, v5  }
0x18e: {  	v5 =	vld [tilespmem:s20+$0xFFFFFF90];
	v2 =	vsel vm2, v2, v7  }
0x18f: {  	v7 =	vld [tilespmem:s0+$0xFFFFFF90];
	v14, _, _ =	vpop (xrf2)  }
0x190: {  	v4 =	vmul.f32 v8, v4;
	v8 =	vmul.f32 v10, v9;
	v15 =	vld [tilespmem:s20+$0xFFFFFFA0]  }
0x191: {  	s19 =	sadd.s32 $0x4, s19;
	v16 =	vbroadcast v14, $0xF;
	v9 =	vld [tilespmem:s0+$0xFFFFFFA0]  }
0x192: {  	p1 =	slt.u32 s19, $0x60;
	v4 =	vadd.f32 v8, v4;
	v14 =	vld [tilespmem:s0+$0xFFFFFFF0]  }
0x193: {  	v3 =	vmul.f32 v6, v3;
	v6 =	vmul.f32 v13, v11;
	v0 =	vsel vm3, v0, v16;
	v8 =	vld [tilespmem:s20+$0x0];
	v10, _, _ =	vpop (xrf2)  }
0x194: {  	v13 =	vmul.f32 $1.442695020e+00, v0;
	v11 =	vld [tilespmem:s0+$0x0];
	(xrf2) =	vadd.scan.msk.f32 $0xffff, v4;
	v4 =	vbroadcast v10, $0xF  }
0x195: {  	v3 =	vadd.f32 v6, v3;
	v10 =	vld [tilespmem:s0+$0xFFFFFE10]  }
0x196: {  	v5 =	vmul.f32 v7, v5;
	v6 =	vld [tilespmem:s20+$0xFFFFFE20];
	v7 =	vmul.f32 v9, v15;
	v1 =	vsel vm3, v1, v4  }
0x197: {  	v4 =	vld [tilespmem:s0+$0xFFFFFE20];
	(xrf2) =	vadd.scan.msk.f32 $0xffff, v3;
	v1 =	vmul.f32 $1.442695020e+00, v1;
	(erf) = vpow2.f32 v13;
	v0, _, _ =	vpop (xrf2)  }
0x198: {  	v3 =	vld [tilespmem:s20+$0xFFFFFE90];
	v5 =	vadd.f32 v7, v5;
	v0 =	vbroadcast v0, $0xF  }
0x199: {  	v9 =	vmul.f32 v14, v12;
	v7 =	vld [tilespmem:s0+$0xFFFFFE90];
	v8 =	vmul.f32 v11, v8  }
0x19a: {  	v11 =	vld [tilespmem:s20+$0xFFFFFEA0];
	(xrf2) =	vadd.scan.msk.f32 $0xffff, v5;
	v0 =	vsel vm3, v2, v0;
	(erf) = vpow2.f32 v1  }
0x19b: {  	v1 =	vld [tilespmem:s0+$0xFFFFFEA0];
	v2 =	vadd.f32 v8, v9;
	v0 =	vmul.f32 $1.442695020e+00, v0  }
0x19c: {  	v4 =	vmul.f32 v4, v6;
	v5 =	vld [tilespmem:s20+$0xFFFFFF10]  }
0x19d: {  	v6 =	vld [tilespmem:s0+$0xFFFFFF10];
	(xrf2) =	vadd.scan.msk.f32 $0xffff, v2;
	(erf) = vpow2.f32 v0  }
0x19e: {  	v0 =	vmul.f32 v7, v3;
	v2 =	vld [tilespmem:s20+$0xFFFFFF20];
	v3, _, _ =	vpop (xrf2)  }
0x19f: {  	v7 =	vld [tilespmem:s0+$0xFFFFFF20]  }
0x1a0: {  	v8 =	vld [tilespmem:s20+$0xFFFFFE10];
	v1 =	vmul.f32 v1, v11;
	v9 =	vpop (erf)  }
0x1a1: {  	v11 =	vld [tilespmem:s20+$0xFFFFFE30];
	v12, _, _ =	vpop (xrf2);
	v9 =	vnsel vm4, $0x0, v9  }
0x1a2: {  	v13 =	vld [tilespmem:s0+$0xFFFFFE30];
	v14 =	vadd.f32 v1, v0;
	v1 =	vmul.f32 v6, v5;
	[tilespmem:s18+$0xFFFFFFD0] =	vst v9  }
0x1a3: {  	v5 =	vld [tilespmem:s20+$0xFFFFFE40];
	v6 =	vpop (erf)  }
0x1a4: {  	v9 =	vld [tilespmem:s0+$0xFFFFFE40];
	v2 =	vmul.f32 v7, v2;
	(xrf2) =	vadd.scan.msk.f32 $0xffff, v14;
	v0, _, _ =	vpop (xrf2);
	v6 =	vnsel vm4, $0x0, v6  }
0x1a5: {  	v7 =	vmul.f32 v10, v8;
	v8 =	vld [tilespmem:s20+$0xFFFFFEB0];
	v0 =	vbroadcast v0, $0xF;
	[tilespmem:s18+$0xFFFFFFE0] =	vst v6  }
0x1a6: {  	v6 =	vld [tilespmem:s0+$0xFFFFFEB0];
	v1 =	vadd.f32 v2, v1;
	v2 =	vbroadcast v12, $0xF;
	v10 =	vpop (erf)  }
0x1a7: {  	v3 =	vbroadcast v3, $0xF;
	v11 =	vmul.f32 v13, v11;
	v12 =	vld [tilespmem:s20+$0xFFFFFEC0];
	v0 =	vnsel vm0, $0x0, v0;
	v13, _, _ =	vpop (xrf2)  }
0x1a8: {  	v4 =	vadd.f32 v4, v7;
	v7 =	vld [tilespmem:s0+$0xFFFFFEC0];
	v0 =	vsel vm1, v0, v2;
	v2 =	vbroadcast v13, $0xF  }
0x1a9: {  	v5 =	vmul.f32 v9, v5;
	v9 =	vld [tilespmem:s20+$0xFFFFFF30];
	v0 =	vsel vm2, v0, v3;
	v3 =	vnsel vm4, $0x0, v10  }
0x1aa: {  	v10 =	vld [tilespmem:s0+$0xFFFFFF30];
	v0 =	vsel vm3, v0, v2;
	(xrf2) =	vadd.scan.msk.f32 $0xffff, v4;
	[tilespmem:s18+$0xFFFFFFF0] =	vst v3  }
0x1ab: {  	v2 =	vadd.f32 v5, v11;
	v3 =	vmul.f32 v6, v8;
	v4 =	vld [tilespmem:s20+$0xFFFFFF40];
	v0 =	vmul.f32 $1.442695020e+00, v0  }
0x1ac: {  	v5 =	vld [tilespmem:s0+$0xFFFFFF40]  }
0x1ad: {  	v6 =	vld [tilespmem:s20+$0xFFFFFE50];
	v7 =	vmul.f32 v7, v12;
	(xrf2) =	vadd.scan.msk.f32 $0xffff, v1;
	(erf) = vpow2.f32 v0  }
0x1ae: {  	v0 =	vld [tilespmem:s0+$0xFFFFFE50];
	v1, _, _ =	vpop (xrf2)  }
0x1af: {  	v8 =	vld [tilespmem:s20+$0xFFFFFE60];
	v1 =	vbroadcast v1, $0xF;
	v3 =	vadd.f32 v7, v3;
	v7 =	vmul.f32 v10, v9  }
0x1b0: {  	v9 =	vld [tilespmem:s0+$0xFFFFFE60];
	(xrf2) =	vadd.scan.msk.f32 $0xffff, v2  }
0x1b1: {  	v2 =	vld [tilespmem:s20+$0xFFFFFED0];
	v1 =	vnsel vm0, $0x0, v1;
	v4 =	vmul.f32 v5, v4  }
0x1b2: {  	v5 =	vld [tilespmem:s0+$0xFFFFFED0]  }
0x1b3: {  	v0 =	vmul.f32 v0, v6;
	v6 =	vld [tilespmem:s20+$0xFFFFFEE0];
	v11 =	vadd.f32 v4, v7;
	(xrf2) =	vadd.scan.msk.f32 $0xffff, v3  }
0x1b4: {  	v3 =	vld [tilespmem:s0+$0xFFFFFEE0];
	v7, _, _ =	vpop (xrf2)  }
0x1b5: {  	v12 =	vmul.f32 v9, v8;
	v7 =	vbroadcast v7, $0xF;
	v9 =	vld [tilespmem:s20+$0xFFFFFF50]  }
0x1b6: {  	v10 =	vld [tilespmem:s0+$0xFFFFFF50];
	(xrf2) =	vadd.scan.msk.f32 $0xffff, v11;
	v4 =	vpop (erf)  }
0x1b7: {  	s18 =	sadd.s32 $0x40, s18;
	v13 =	vadd.f32 v12, v0;
	v2 =	vmul.f32 v5, v2;
	v5 =	vld [tilespmem:s20+$0xFFFFFF60];
	v4 =	vnsel vm4, $0x0, v4;
	v8, _, _ =	vpop (xrf2)  }
0x1b8: {  	v7 =	vnsel vm0, $0x0, v7;
	v11 =	vld [tilespmem:s0+$0xFFFFFF60];
	v8 =	vbroadcast v8, $0xF;
	[tilespmem:s18+$0x0] =	vst v4  }
0x1b9: {  	v4 =	vld [tilespmem:s20+$0xFFFFFE70];
	v3 =	vmul.f32 v3, v6;
	(xrf2) =	vadd.scan.msk.f32 $0xffff, v13  }
0x1ba: {  	v6 =	vld [tilespmem:s0+$0xFFFFFE70];
	v12 =	vnsel vm0, $0x0, v8;
	v0, _, _ =	vpop (xrf2)  }
0x1bb: {  	v8 =	vld [tilespmem:s20+$0xFFFFFE80];
	v0 =	vbroadcast v0, $0xF;
	v2 =	vadd.f32 v3, v2;
	v9 =	vmul.f32 v10, v9  }
0x1bc: {  	v10 =	vld [tilespmem:s0+$0xFFFFFE80]  }
0x1bd: {  	v0 =	vsel vm1, v7, v0;
	v7 =	vld [tilespmem:s20+$0xFFFFFEF0];
	v5 =	vmul.f32 v11, v5;
	v3, _, _ =	vpop (xrf2);
	(xrf2) =	vadd.scan.msk.f32 $0xffff, v2  }
0x1be: {  	v2 =	vld [tilespmem:s0+$0xFFFFFEF0];
	v11 =	vbroadcast v3, $0xF  }
0x1bf: {  	v13 =	vmul.f32 v6, v4;
	v3 =	vld [tilespmem:s20+$0xFFFFFF00];
	v6 =	vadd.f32 v5, v9  }
.Ltmp1:
0x1c0: {  	v4 =	vld [tilespmem:s0+$0xFFFFFF00];
	v1 =	vsel vm1, v1, v11;
	v9, _, _ =	vpop (xrf2);
	(pc) =	sbr.rel @p1 .LBB2_5-.Ltmp1, $4  }
0x1c1: {  	v8 =	vmul.f32 v10, v8;
	v5 =	vld [tilespmem:s20+$0xFFFFFF70];
	v11 =	vbroadcast v9, $0xF;
	(xrf2) =	vadd.scan.msk.f32 $0xffff, v6  }
0x1c2: {  	v6 =	vld [tilespmem:s0+$0xFFFFFF70]  }
0x1c3: {  	v8 =	vadd.f32 v8, v13;
	v10 =	vmul.f32 v2, v7;
	v7 =	vld [tilespmem:s20+$0xFFFFFF80];
	v2 =	vsel vm1, v12, v11;
	v9, _, _ =	vpop (xrf2)  }
0x1c4: {  	s20 =	sadd.s32 $0x200, s20;
	v9 =	vbroadcast v9, $0xF;
	v11 =	vld [tilespmem:s0+$0xFFFFFF80]  }
0x1c5: {  	_ =	sdelay $0x2  }
0x1c6: {  	v3 =	vmul.f32 v4, v3  }
0x1c7: {  	v51 =	vmul.f32 v6, v5;
	v52 =	vmul.f32 v11, v7  }
0x1c8: {  	v3 =	vadd.f32 v3, v10  }
0x1c9: {  	(xrf2) =	vadd.scan.msk.f32 $0xffff, v8;
	v4 =	vadd.f32 v52, v51  }
0x1ca: {  	(xrf2) =	vadd.scan.msk.f32 $0xffff, v3  }
0x1cb: {  	(xrf2) =	vadd.scan.msk.f32 $0xffff, v4;
	_ =	sdelay $0x5  }
0x1cc: {  	v53, _, _ =	vpop (xrf2)  }
0x1cd: {  	v54, _, _ =	vpop (xrf2)  }
0x1ce: {  	v55, _, _ =	vpop (xrf2)  }
0x1cf: {  	v3 =	vbroadcast v53, $0xF;
	v5 =	vbroadcast v55, $0xF;
	v56, _, _ =	vpop (xrf2)  }
0x1d0: {  	v0 =	vsel vm2, v0, v9;
	v4 =	vbroadcast v54, $0xF;
	v6 =	vbroadcast v56, $0xF;
	v57, _, _ =	vpop (xrf2)  }
0x1d1: {  	v1 =	vsel vm2, v1, v3;
	v0 =	vsel vm3, v0, v5;
	v58 =	vbroadcast v57, $0xF  }
0x1d2: {  	v2 =	vsel vm2, v2, v4;
	v0 =	vmul.f32 $1.442695020e+00, v0;
	v1 =	vsel vm3, v1, v6  }
0x1d3: {  	v1 =	vmul.f32 $1.442695020e+00, v1;
	v2 =	vsel vm3, v2, v58  }
0x1d4: {  	(erf) = vpow2.f32 v0;
	v59 =	vmul.f32 $1.442695020e+00, v2  }
0x1d5: {  	(erf) = vpow2.f32 v1  }
0x1d6: {  	(erf) = vpow2.f32 v59;
	_ =	sdelay $0x6  }
0x1d7: {  	v60 =	vpop (erf)  }
0x1d8: {  	v0 =	vnsel vm4, $0x0, v60;
	v1 =	vpop (erf)  }
0x1d9: {  	[tilespmem:s18+$0xFFFFFFD0] =	vst v0;
	v61 =	vnsel vm4, $0x0, v1;
	v62 =	vpop (erf)  }
0x1da: {  	[tilespmem:s18+$0xFFFFFFE0] =	vst v61;
	v63 =	vnsel vm4, $0x0, v62  }
0x1db: {  	[tilespmem:s18+$0xFFFFFFF0] =	vst v63  }
0x1dc: {  	[spmem:s2] =	stream.indirect.scatter.add.f32 [tilespmem:s1], [sflag:$0x4], $0x10, s14, s17, $0xb8;
	[tilespmem:$0x15F90] =	vst v63  }
0x1dd: {  	s0 =	smul.u32 $0xC8, s13;
	s13 =	sadd.s32 $0x1, s13  }
0x1de: {  	[spmem:s2] =	stream.indirect.scatter.add.f32 [tilespmem:s6], [sflag:$0x4], $0x10, s15, s17, $0xb8;
	[tilespmem:$0x15F90] =	vst v63  }
0x1df: {  	p1 =	sne.s32 s13, $0x32  }
0x1e0: {  	[spmem:s2] =	stream.indirect.scatter.add.f32 [tilespmem:s16], [sflag:$0x4], $0x10, s9, s17, $0xb8;
	[tilespmem:$0x15F90] =	vst v63  }
.Ltmp2:
0x1e1: {  	s0 =	sadd.s32 s10, s0;
	(pc) =	sbr.rel @p1 .LBB2_2-.Ltmp2, $4  }
0x1e2: {  	s0 =	sshll.u32 s0, $0x1  }
0x1e3: {  	[spmem:s2] =	stream.indirect.scatter.add.f32 [tilespmem:s8], [sflag:$0x4], $0x10, s12, s17, $0xb8;
	[tilespmem:$0x15F90] =	vst v63  }
0x1e4: {  	s0 =	sadd.s32 s7, s0  }
0x1e5: {  	[hbm4b:s0+s3] =	stream.linear.scatter [tilespmem:s26], [sflag:$0x5], $0xC80, $0x38;
	[tilespmem:$0x15F90] =	vst v63  }
0x1e6: {  	s0 =	simm.s32 $0x3  }
0x1e7: {  	_ =	swait.ge [sflag:s0], $0x190  }
0x1e8: {  	[sflag:s0] =	ssyncset.done $0x0  }
0x1e9: {  	[sflag:s0] =	ssyncadd.s32 $0xFFFFFE70  }
0x1ea: {  	_ =	swait.ge [sflag:s0], $0x190  }
0x1eb: {  	[sflag:s0] =	ssyncset.done $0x0  }
0x1ec: {  	[sflag:s0] =	ssyncadd.s32 $0xFFFFFE70  }
0x1ed: {  	_ =	swait.ge [sflag:s0], $0x190  }
0x1ee: {  	[sflag:s0] =	ssyncset.done $0x0  }
0x1ef: {  	[sflag:s0] =	ssyncadd.s32 $0xFFFFFE70  }
0x1f0: {  	_ =	swait.ge [sflag:s0], $0x190  }
0x1f1: {  	[sflag:s0] =	ssyncset.done $0x0  }
0x1f2: {  	[sflag:s0] =	ssyncadd.s32 $0xFFFFFE70  }
0x1f3: {  	_ =	swait.ge [sflag:s11], $0x190  }
0x1f4: {  	[sflag:s11] =	ssyncset.done $0x0  }
0x1f5: {  	[sflag:s11] =	ssyncadd.s32 $0xFFFFFE70  }
0x1f6: {  	_ =	swait.ge [sflag:s11], $0x190  }
0x1f7: {  	[sflag:s11] =	ssyncset.done $0x0  }
0x1f8: {  	[sflag:s11] =	ssyncadd.s32 $0xFFFFFE70  }
0x1f9: {  	_ =	swait.ge [sflag:s11], $0x190  }
0x1fa: {  	[sflag:s11] =	ssyncset.done $0x0  }
0x1fb: {  	[sflag:s11] =	ssyncadd.s32 $0xFFFFFE70  }
0x1fc: {  	_ =	swait.ge [sflag:s11], $0x190  }
0x1fd: {  	[sflag:s11] =	ssyncset.done $0x0  }
0x1fe: {  	s21 =	simm.s32 $0x5;
	[sflag:s11] =	ssyncadd.s32 $0xFFFFFE70  }
0x1ff: {  	_ =	swait.ge [sflag:s21], $0xC80  }
0x200: {  	[sflag:s21] =	ssyncset.done $0x0  }
0x201: {  	[sflag:s21] =	ssyncadd.s32 $0xFFFFF380  }
0x202: {  	[bflag:$0x0] =	sbarrier.arrive $0xFFFF  }
0x203: {  	s0 =	rddreg [dreg:$0x6]  }
0x204: {  	s12 =	rddreg [dreg:$0x8]  }
0x205: {  	s13 =	rddreg [dreg:$0x9]  }
0x206: {  	[hbm:s0], [sflag:s12] =	dma.local @!p0 [spmem:s13], $0x7D0  }
0x207: {  	s0 =	simm.s32 @!p0 $0x6  }
0x208: {  	_ =	swait.ge @!p0 [sflag:s0], $0x7D0  }
0x209: {  	s14 =	rddreg [dreg:$0xa]  }
0x20a: {  	s9 =	rddreg [dreg:$0x7];
	s14 =	sadd.s32 $0x1, s14  }
0x20b: {  	p1 =	sne.s32 s14, s9  }
.Ltmp3:
0x20c: {  	_ = 	snop;
	(pc) =	sbr.rel @p1 .LBB2_1-.Ltmp3, $3  }
0x20d: {  	_ =	sdelay $0x1  }
0x20e: {  	[sflag:s0] =	ssyncset.done @!p0 $0x0  }
0x20f: {  	[sflag:s0] =	ssyncadd.s32 @!p0 $0xFFFFF830  }
0x210: {  	_ =	sfence.sel $0x180000  }
0x211: {  	[bflag:$0x0] =	sbarrier.arrive $0xFFFF  }
0x212: {  	_ =	strace $0x90000047  }
0x213: {  	s0 =	stileid.u32;
	[bflag:$0x2] =	sbarrier.arrive $0xFFFF  }
0x214: {  	p0 =	sne.s32 s0, $0x0;
	s0 =	rddreg [dreg:$0x2]  }
0x215: {  	s0 =	sadd.s32 @!p0 $0x100000, s0  }
0x216: {  	[sflag:s0] =	ssyncadd.tile.s32 @!p0 $0x1;
	_ =	shalt  }
.Lfunc_end2:
_tile_overlayer_lowered:
.L_overlay_start_2:
0x217: {  	(tag) =	ssettag $0x2  }
0x218: {  	s0 =	rddreg [dreg:$0x0];
	s2 =	stileid.u32  }
0x219: {  	s1 =	rddreg [dreg:$0x1];
	p0 =	sne.s32 s2, $0x0  }
0x21a: {  	s3 =	rddreg [dreg:$0x2];
	[bflag:$0x3] =	sbarrier.arrive $0xFFFF;
	s2 =	simm.s32 @!p0 $0x1C06  }
0x21b: {  	[timem:s3], [sflag:s2] =	dma.local @!p0 [hbm:s0], s1  }
0x21c: {  	s0 =	simm.s32 @!p0 $0x6  }
0x21d: {  	_ =	swait.ge @!p0 [sflag:s0], s1  }
0x21e: {  	s1 =	ssub.s32 @!p0 $0x0, s1;
	[sflag:s0] =	ssyncset.done @!p0 $0x0  }
0x21f: {  	[sflag:s0] =	ssyncadd.s32 @!p0 s1  }
0x220: {  	[bflag:$0x3] =	sbarrier.arrive $0xFFFF  }
0x221: {  	_ =	shalt  }

</sc_bundles>
